<compile_context>
chip_gen: v7x
topology: tpu7x:2x2x1
jax: 0.10.2.dev20260603
libtpu: 0.0.44.dev20260713+nightly
codegen_flags: <defaults>
</compile_context>

<pallas_src>
import functools

import jax
import jax.numpy as jnp
from jax import lax
from jax.experimental import pallas as pl
from jax.experimental.pallas import tpu as pltpu
from jax.experimental.pallas import tpu_sc as plsc

T, N, E = 8, 10000, 320000
D_IN, D_EDGE, H, C, NC = 128, 16, 2, 32, 10
HID = H * C

N_TILES = 16
EPT = 20480
EPAD = EPT * N_TILES
CHUNK = 128
N_CHUNKS = EPT // CHUNK
NPAD = 10240
ROWS_PT = NPAD // N_TILES
DUMMY = 10008
ACC_W = 48




def _tables_body(x_ref, wl_ref, wr_ref, xl_ref, xr_ref):
    xb = x_ref[0]
    yl = jnp.dot(xb, wl_ref[...], preferred_element_type=jnp.float32)
    yr = jnp.dot(xb, wr_ref[...], preferred_element_type=jnp.float32)
    xl_ref[0, 0] = yl[:, :C]
    xl_ref[1, 0] = yl[:, C:]
    xr_ref[0, 0] = yr[:, :C]
    xr_ref[1, 0] = yr[:, C:]


def _node_tables(x, wl, wr, nb):
    t, n, d = x.shape
    grid = (t, n // nb)
    out = jax.ShapeDtypeStruct((H, t, n, C), jnp.float32)
    return pl.pallas_call(
        _tables_body,
        grid=grid,
        in_specs=[
            pl.BlockSpec((1, nb, d), lambda i, j: (i, j, 0)),
            pl.BlockSpec((d, HID), lambda i, j: (0, 0)),
            pl.BlockSpec((d, HID), lambda i, j: (0, 0)),
        ],
        out_specs=[
            pl.BlockSpec((H, 1, nb, C), lambda i, j: (0, i, j, 0)),
            pl.BlockSpec((H, 1, nb, C), lambda i, j: (0, i, j, 0)),
        ],
        out_shape=[out, out],
    )(x, wl, wr)


def _ep_body(ea_ref, w1_ref, w2_ref, ep1_ref, ep2_ref):
    eb = ea_ref[0]
    y1 = jnp.dot(eb, w1_ref[...], preferred_element_type=jnp.float32)
    y2 = jnp.dot(eb, w2_ref[...], preferred_element_type=jnp.float32)
    ep1_ref[0, 0] = y1[:, :128]
    ep1_ref[1, 0] = y1[:, 128:]
    ep2_ref[0, 0] = y2[:, :128]
    ep2_ref[1, 0] = y2[:, 128:]


def _edge_tables(ea4, w41, w42, eb4):
    t, e4, d4 = ea4.shape
    grid = (t, e4 // eb4)
    out = jax.ShapeDtypeStruct((H, t, e4, 128), jnp.float32)
    return pl.pallas_call(
        _ep_body,
        grid=grid,
        in_specs=[
            pl.BlockSpec((1, eb4, d4), lambda i, j: (i, j, 0)),
            pl.BlockSpec((d4, 2 * 128), lambda i, j: (0, 0)),
            pl.BlockSpec((d4, 2 * 128), lambda i, j: (0, 0)),
        ],
        out_specs=[
            pl.BlockSpec((H, 1, eb4, 128), lambda i, j: (0, i, j, 0)),
            pl.BlockSpec((H, 1, eb4, 128), lambda i, j: (0, i, j, 0)),
        ],
        out_shape=[out, out],
    )(ea4, w41, w42)


def _elu(v):
    return jnp.where(v > 0, v, jnp.exp(jnp.minimum(v, 0.0)) - 1.0)


def _mid_body(acc_ref, b_ref, wl_ref, wr_ref, xl_ref, xr_ref):
    a0 = acc_ref[0, 0]
    a1 = acc_ref[1, 0]
    h0 = a0[:, :C] / (a0[:, C:C + 1] + 1e-16)
    h1 = a1[:, :C] / (a1[:, C:C + 1] + 1e-16)
    hcat = jnp.concatenate([h0, h1], axis=-1) + b_ref[...]
    hcat = _elu(hcat)
    yl = jnp.dot(hcat, wl_ref[...], preferred_element_type=jnp.float32)
    yr = jnp.dot(hcat, wr_ref[...], preferred_element_type=jnp.float32)
    xl_ref[0, 0] = yl[:, :C]
    xl_ref[1, 0] = yl[:, C:]
    xr_ref[0, 0] = yr[:, :C]
    xr_ref[1, 0] = yr[:, C:]


def _mid_tables(acc, b, wl, wr, nb):
    grid = (T, NPAD // nb)
    out = jax.ShapeDtypeStruct((H, T, NPAD, C), jnp.float32)
    return pl.pallas_call(
        _mid_body,
        grid=grid,
        in_specs=[
            pl.BlockSpec((H, 1, nb, ACC_W), lambda i, j: (0, i, j, 0)),
            pl.BlockSpec((1, HID), lambda i, j: (0, 0)),
            pl.BlockSpec((HID, HID), lambda i, j: (0, 0)),
            pl.BlockSpec((HID, HID), lambda i, j: (0, 0)),
        ],
        out_specs=[
            pl.BlockSpec((H, 1, nb, C), lambda i, j: (0, i, j, 0)),
            pl.BlockSpec((H, 1, nb, C), lambda i, j: (0, i, j, 0)),
        ],
        out_shape=[out, out],
    )(acc, b, wl, wr)


def _embed_body(acc_ref, b_ref, out_ref):
    j = pl.program_id(1)
    a0 = acc_ref[0, 0]
    a1 = acc_ref[1, 0]
    h0 = a0[:, :C] / (a0[:, C:C + 1] + 1e-16)
    h1 = a1[:, :C] / (a1[:, C:C + 1] + 1e-16)
    hcat = _elu(jnp.concatenate([h0, h1], axis=-1) + b_ref[...])
    part = jnp.sum(hcat, axis=0, keepdims=True)[None] * (1.0 / N)

    @pl.when(j == 0)
    def _():
        out_ref[...] = part

    @pl.when(j > 0)
    def _():
        out_ref[...] = out_ref[...] + part


def _embed(acc, b, nb):
    grid = (T, N // nb)
    return pl.pallas_call(
        _embed_body,
        grid=grid,
        in_specs=[
            pl.BlockSpec((H, 1, nb, ACC_W), lambda i, j: (0, i, j, 0)),
            pl.BlockSpec((1, HID), lambda i, j: (0, 0)),
        ],
        out_specs=pl.BlockSpec((1, 1, HID), lambda i, j: (i, 0, 0)),
        out_shape=jax.ShapeDtypeStruct((T, 1, HID), jnp.float32),
    )(acc, b)


def _lstm_body(emb_ref, wih_ref, whh_ref, b_ref, wlin_ref, blin_ref, out_ref):
    zero = jnp.zeros((1, 64), jnp.float32)

    def step(t, carry):
        hh, cc = carry
        xt = emb_ref[pl.ds(t, 1), :]
        g = (jnp.dot(xt, wih_ref[...], preferred_element_type=jnp.float32)
             + jnp.dot(hh, whh_ref[...], preferred_element_type=jnp.float32)
             + b_ref[...])
        i = jax.nn.sigmoid(g[:, 0:64])
        f = jax.nn.sigmoid(g[:, 64:128])
        gg = jnp.tanh(g[:, 128:192])
        o = jax.nn.sigmoid(g[:, 192:256])
        cc = f * cc + i * gg
        hh = o * jnp.tanh(cc)
        return (hh, cc)

    hh, _ = lax.fori_loop(0, T, step, (zero, zero))
    out_ref[...] = jnp.dot(hh, wlin_ref[...],
                           preferred_element_type=jnp.float32) + blin_ref[...]


def _lstm_head(emb, wih_t, whh_t, b, wlin_t, blin):
    return pl.pallas_call(
        _lstm_body,
        out_shape=jax.ShapeDtypeStruct((1, NC), jnp.float32),
    )(emb, wih_t, whh_t, b, wlin_t, blin)




def _sc_edge_pass(xl, xr, ep, src, dst, att):
    mesh = plsc.VectorSubcoreMesh(core_axis_name="c", subcore_axis_name="s")

    @functools.partial(
        pl.kernel,
        out_type=jax.ShapeDtypeStruct((H, T, NPAD, ACC_W), jnp.float32),
        mesh=mesh,
        compiler_params=pltpu.CompilerParams(
            needs_layout_passes=False, use_tc_tiling_on_sc=False),
        scratch_types=[
            pltpu.VMEM_SHARED((NPAD, ACC_W), jnp.float32),
            pltpu.VMEM((N_CHUNKS, CHUNK), jnp.int32),
            pltpu.VMEM((N_CHUNKS, CHUNK), jnp.int32),
            pltpu.VMEM((2, CHUNK // 4, 128), jnp.float32),
            pltpu.VMEM((2, CHUNK, C), jnp.float32),
            pltpu.VMEM((2, CHUNK, C), jnp.float32),
            pltpu.VMEM((2, CHUNK, ACC_W), jnp.float32),
            pltpu.VMEM((1, C), jnp.float32),
            pltpu.VMEM((128, ACC_W), jnp.float32),
            pltpu.SemaphoreType.DMA((2,)),
            pltpu.SemaphoreType.DMA((2,)),
            pltpu.SemaphoreType.DMA((2,)),
            pltpu.SemaphoreType.DMA((2,)),
        ],
    )
    def body(xl_h, xr_h, ep_h, src_h, dst_h, att_h, out_h,
             acc_s, src_v, dst_v, ep_v, xj_v, xi_v, out_v,
             att_v, zrow_v, sem_e, sem_j, sem_i, sem_s):
        h = lax.axis_index("c")
        s = lax.axis_index("s")
        row0 = pl.multiple_of(s * ROWS_PT, ROWS_PT)
        iota16 = lax.iota(jnp.int32, 16)
        zeros16 = jnp.zeros((16,), jnp.float32)
        zeros16i = jnp.zeros((16,), jnp.int32)

        pltpu.sync_copy(att_h.at[pl.ds(pl.multiple_of(h * 8, 8), 1)], att_v)
        crow0 = pl.multiple_of(s * N_CHUNKS, N_CHUNKS)
        pltpu.sync_copy(src_h.at[pl.ds(crow0, N_CHUNKS)], src_v)
        pltpu.sync_copy(dst_h.at[pl.ds(crow0, N_CHUNKS)], dst_v)

        def zrow_body(r, _):
            zrow_v[r, pl.ds(0, 16)] = zeros16
            zrow_v[r, pl.ds(16, 16)] = zeros16
            zrow_v[r, pl.ds(32, 16)] = zeros16
            return 0

        lax.fori_loop(0, 128, zrow_body, 0)

        def ovpad_body(r, _):
            out_v[0, r, pl.ds(32, 16)] = zeros16
            out_v[1, r, pl.ds(32, 16)] = zeros16
            return 0

        lax.fori_loop(0, CHUNK, ovpad_body, 0)

        def start_fetch(t, ch, b):
            base = pl.multiple_of(s * EPT, EPT) + ch * CHUNK
            base4 = pl.multiple_of(jnp.minimum(base, E - CHUNK) >> 2, 8)
            pltpu.async_copy(ep_h.at[h, t, pl.ds(base4, CHUNK // 4)],
                             ep_v.at[b], sem_e.at[b])
            pltpu.async_copy(xl_h.at[h, t].at[src_v.at[ch]], xj_v.at[b],
                             sem_j.at[b])
            pltpu.async_copy(xr_h.at[h, t].at[dst_v.at[ch]], xi_v.at[b],
                             sem_i.at[b])

        def wait_fetch(t, b):
            pltpu.make_async_copy(ep_h.at[h, t, pl.ds(0, CHUNK // 4)],
                                  ep_v.at[b], sem_e.at[b]).wait()
            pltpu.make_async_copy(xl_h.at[h, t].at[src_v.at[0]],
                                  xj_v.at[b], sem_j.at[b]).wait()
            pltpu.make_async_copy(xr_h.at[h, t].at[dst_v.at[0]],
                                  xi_v.at[b], sem_i.at[b]).wait()

        def compute_chunk(b):
            xj_b = xj_v.at[b]
            xi_b = xi_v.at[b]
            ep_b = ep_v.at[b]
            out_b = out_v.at[b]
            def grp_body(g, _):
                rows = g * 16 + iota16

                rowsC = rows * C

                def ch4_body(c4, logit):
                    c0 = c4 * 4
                    for u in range(4):
                        cd = (c0 + u + iota16) & (C - 1)
                        flat = rowsC + cd
                        xjv = plsc.load_gather(xj_b, [rows, cd])
                        xiv = plsc.load_gather(xi_b, [rows, cd])
                        epv = plsc.load_gather(ep_b,
                                               [flat >> 7, flat & 127])
                        av = plsc.load_gather(att_v, [zeros16i, cd])
                        sv = xjv + xiv + epv
                        lr = jnp.maximum(sv, 0.2 * sv)
                        logit = logit + lr * av
                    return logit

                logit = lax.fori_loop(0, C // 4, ch4_body,
                                      jnp.zeros((16,), jnp.float32))
                ex = jnp.exp(logit)

                def sc4_body(c4, _):
                    c0 = c4 * 4
                    for u in range(4):
                        cd = (c0 + u + iota16) & (C - 1)
                        xjv = plsc.load_gather(xj_b, [rows, cd])
                        plsc.store_scatter(out_b, [rows, cd], ex * xjv)
                    return 0

                lax.fori_loop(0, C // 4, sc4_body, 0)
                plsc.store_scatter(out_b,
                                   [rows, jnp.full((16,), C, jnp.int32)],
                                   ex)
                return 0

            lax.fori_loop(0, CHUNK // 16, grp_body, 0)

        def t_body(t, _):
            for z in range(ROWS_PT // 128):
                pltpu.sync_copy(zrow_v, acc_s.at[pl.ds(row0 + 128 * z, 128)])
            plsc.subcore_barrier()

            start_fetch(t, 0, 0)
            start_fetch(t, 1, 1)
            last = N_CHUNKS - 1

            def pair_body(k2, _):
                a = 2 * k2
                for b in range(2):
                    ch = a + b
                    wait_fetch(t, b)

                    @pl.when(k2 > 0)
                    def _():
                        pltpu.make_async_copy(
                            out_v.at[b], acc_s.at[dst_v.at[0]],
                            sem_s.at[b]).wait()

                    compute_chunk(b)
                    pltpu.async_copy(out_v.at[b], acc_s.at[dst_v.at[ch]],
                                     sem_s.at[b], add=True)
                    nxt = jnp.minimum(ch + 2, last)
                    start_fetch(t, nxt, b)
                return 0

            lax.fori_loop(0, N_CHUNKS // 2, pair_body, 0)
            for b in range(2):
                pltpu.make_async_copy(out_v.at[b], acc_s.at[dst_v.at[0]],
                                      sem_s.at[b]).wait()
                wait_fetch(t, b)
            plsc.subcore_barrier()
            pltpu.sync_copy(acc_s.at[pl.ds(row0, ROWS_PT)],
                            out_h.at[h, t, pl.ds(row0, ROWS_PT)])
            return 0

        lax.fori_loop(0, T, t_body, 0)

    return body(xl, xr, ep, src, dst, att)




def kernel(x, edge_index, edge_attr, Wl1, Wr1, We1, att1, b1,
           Wl2, Wr2, We2, att2, b2, Wih, Whh, bih, bhh, Wlin, blin):
    src = jnp.pad(edge_index[0], (0, EPAD - E)).reshape(
        N_TILES * N_CHUNKS, CHUNK)
    dst = jnp.pad(edge_index[1], (0, EPAD - E),
                  constant_values=DUMMY).reshape(N_TILES * N_CHUNKS, CHUNK)
    ea4 = edge_attr.reshape(T, E // 4, 4 * D_EDGE)
    eye4 = jnp.eye(4, dtype=jnp.float32)
    w41 = jnp.concatenate(
        [jnp.kron(eye4, We1[:, :C]), jnp.kron(eye4, We1[:, C:])], axis=1)
    w42 = jnp.concatenate(
        [jnp.kron(eye4, We2[:, :C]), jnp.kron(eye4, We2[:, C:])], axis=1)
    xp = jnp.pad(x, ((0, 0), (0, NPAD - N), (0, 0)))
    att1p = jnp.zeros((16, C), jnp.float32).at[0].set(att1[0]).at[8].set(att1[1])
    att2p = jnp.zeros((16, C), jnp.float32).at[0].set(att2[0]).at[8].set(att2[1])

    xl1, xr1 = _node_tables(xp, Wl1, Wr1, nb=2048)
    ep1, ep2 = _edge_tables(ea4, w41, w42, eb4=4000)

    acc1 = _sc_edge_pass(xl1, xr1, ep1, src, dst, att1p)
    xl2, xr2 = _mid_tables(acc1, b1.reshape(1, HID), Wl2, Wr2, nb=2048)
    acc2 = _sc_edge_pass(xl2, xr2, ep2, src, dst, att2p)

    emb = _embed(acc2, b2.reshape(1, HID), nb=2000).reshape(T, HID)
    out = _lstm_head(emb, Wih.T, Whh.T, (bih + bhh).reshape(1, 4 * 64),
                     Wlin.T, blin.reshape(1, NC))
    return out.reshape(NC)

# --- scband reference (transcript-rebuilt; emitter-appended) ---
"""Pipeline reference for scband-spatio-temporal-gat-4183298146433 (READ-ONLY COPY).

The authoritative reference and input builder live on the scoring server;
editing this copy changes nothing except your own understanding.
"""

import jax, jax.numpy as jnp
import numpy as np

T, N, E = 8, 10000, 320000
D_IN, D_EDGE, H, C, NC = 128, 16, 2, 32, 10
HID = H * C


def setup_inputs(seed: int = 0) -> dict:
    key = jax.random.key(seed)
    ks = jax.random.split(key, 20)
    s = 0.1
    inp = {}
    inp['x'] = jax.random.normal(ks[0], (T, N, D_IN), dtype=jnp.float32)
    inp['edge_index'] = jax.random.randint(ks[1], (2, E), 0, N, dtype=jnp.int32)
    inp['edge_attr'] = jax.random.normal(ks[2], (T, E, D_EDGE), dtype=jnp.float32)
    inp['Wl1'] = jax.random.normal(ks[3], (D_IN, HID), dtype=jnp.float32) * s
    inp['Wr1'] = jax.random.normal(ks[4], (D_IN, HID), dtype=jnp.float32) * s
    inp['We1'] = jax.random.normal(ks[5], (D_EDGE, HID), dtype=jnp.float32) * s
    inp['att1'] = jax.random.normal(ks[6], (H, C), dtype=jnp.float32) * s
    inp['b1'] = jnp.zeros((HID,), dtype=jnp.float32)
    inp['Wl2'] = jax.random.normal(ks[7], (HID, HID), dtype=jnp.float32) * s
    inp['Wr2'] = jax.random.normal(ks[8], (HID, HID), dtype=jnp.float32) * s
    inp['We2'] = jax.random.normal(ks[9], (D_EDGE, HID), dtype=jnp.float32) * s
    inp['att2'] = jax.random.normal(ks[10], (H, C), dtype=jnp.float32) * s
    inp['b2'] = jnp.zeros((HID,), dtype=jnp.float32)
    inp['Wih'] = jax.random.normal(ks[11], (4 * 64, HID), dtype=jnp.float32) * s
    inp['Whh'] = jax.random.normal(ks[12], (4 * 64, 64), dtype=jnp.float32) * s
    inp['bih'] = jnp.zeros((4 * 64,), dtype=jnp.float32)
    inp['bhh'] = jnp.zeros((4 * 64,), dtype=jnp.float32)
    inp['Wlin'] = jax.random.normal(ks[13], (NC, 64), dtype=jnp.float32) * s
    inp['blin'] = jnp.zeros((NC,), dtype=jnp.float32)
    return inp


def _gatv2(x, src, dst, ea, Wl, Wr, We, att, b):
    n = x.shape[0]
    xl = (x @ Wl).reshape(n, H, C)
    xr = (x @ Wr).reshape(n, H, C)
    ep = (ea @ We).reshape(-1, H, C)
    xj = xl[src]
    xi = xr[dst]
    e = jax.nn.leaky_relu(xi + xj + ep, 0.2)
    logits = (e * att[None, :, :]).sum(-1)
    m = jax.ops.segment_max(logits, dst, num_segments=n)
    m = jnp.where(jnp.isfinite(m), m, 0.0)
    ex = jnp.exp(logits - m[dst])
    ssum = jax.ops.segment_sum(ex, dst, num_segments=n)
    alpha = ex / (ssum[dst] + 1e-16)
    out = jax.ops.segment_sum(xj * alpha[:, :, None], dst, num_segments=n)
    return out.reshape(n, HID) + b


def reference(x, edge_index, edge_attr, Wl1, Wr1, We1, att1, b1, Wl2, Wr2, We2, att2, b2, Wih, Whh, bih, bhh, Wlin, blin):
    src = edge_index[0]
    dst = edge_index[1]

    def step(xt, eat):
        h = _gatv2(xt, src, dst, eat, Wl1, Wr1, We1, att1, b1)
        h = jax.nn.elu(h)
        h = _gatv2(h, src, dst, eat, Wl2, Wr2, We2, att2, b2)
        h = jax.nn.elu(h)
        return h.mean(axis=0)

    emb = jax.vmap(step)(x, edge_attr)  # [T, HID]

    def cell(carry, xt):
        hh, cc = carry
        g = xt @ Wih.T + bih + hh @ Whh.T + bhh
        i, f, gg, o = jnp.split(g, 4)
        i = jax.nn.sigmoid(i)
        f = jax.nn.sigmoid(f)
        gg = jnp.tanh(gg)
        o = jax.nn.sigmoid(o)
        cc = f * cc + i * gg
        hh = o * jnp.tanh(cc)
        return (hh, cc), hh

    h0 = jnp.zeros((64,), dtype=jnp.float32)
    (_, _), hs = jax.lax.scan(cell, (h0, h0), emb)
    final = hs[-1]
    # dropout in eval mode -> identity
    return final @ Wlin.T + blin

if __name__ == "__main__":
    import jax
    _d = setup_inputs()
    print(jax.jit(kernel)(*tuple(_d.values())))

</pallas_src>

<mosaic_0001>
#map = affine_map<(d0, d1) -> (0, 0, 0, 0)>
#map1 = affine_map<(d0, d1) -> (0, 0)>
module attributes {stable_mosaic.version = 14 : i64} {
  func.func @body(%arg0: i32, %arg1: i32, %arg2: memref<2x8x10240x32xf32, #tpu.memory_space<hbm>>, %arg3: memref<2x8x10240x32xf32, #tpu.memory_space<hbm>>, %arg4: memref<2x8x80000x128xf32, #tpu.memory_space<hbm>>, %arg5: memref<2560x128xi32, #tpu.memory_space<hbm>>, %arg6: memref<2560x128xi32, #tpu.memory_space<hbm>>, %arg7: memref<16x32xf32, #tpu.memory_space<hbm>>, %arg8: memref<2x8x10240x48xf32, #tpu.memory_space<hbm>>, %arg9: memref<10240x48xf32, #tpu.memory_space<vmem_shared>>, %arg10: memref<160x128xi32, #tpu.memory_space<vmem>>, %arg11: memref<160x128xi32, #tpu.memory_space<vmem>>, %arg12: memref<2x32x128xf32, #tpu.memory_space<vmem>>, %arg13: memref<2x128x32xf32, #tpu.memory_space<vmem>>, %arg14: memref<2x128x32xf32, #tpu.memory_space<vmem>>, %arg15: memref<2x128x48xf32, #tpu.memory_space<vmem>>, %arg16: memref<1x32xf32, #tpu.memory_space<vmem>>, %arg17: memref<128x48xf32, #tpu.memory_space<vmem>>, %arg18: memref<2x!tpu.dma_semaphore, #tpu.memory_space<semaphore_mem>>, %arg19: memref<2x!tpu.dma_semaphore, #tpu.memory_space<semaphore_mem>>, %arg20: memref<2x!tpu.dma_semaphore, #tpu.memory_space<semaphore_mem>>, %arg21: memref<2x!tpu.dma_semaphore, #tpu.memory_space<semaphore_mem>>) attributes {dimension_semantics = [#tpu.dimension_semantics<core_parallel>, #tpu.dimension_semantics<subcore_parallel>], iteration_bounds = array<i64: 2, 16>, scalar_prefetch = 0 : i64, scratch_operands = 13 : i64, tpu.core_type = #tpu.core_type<sc_vector_subcore>, window_params = [{transform_indices = #map}, {transform_indices = #map}, {transform_indices = #map}, {transform_indices = #map1}, {transform_indices = #map1}, {transform_indices = #map1}, {transform_indices = #map}]} {
    %mul3A = arith.constant 640 : i32
    %mul3A_0 = arith.muli %arg1, %mul3A : i32
    %multiple_of3A = tpu.assume_multiple %mul3A_0, 640 : i32
    %iota3A = tpu.iota {dimensions = array<i32: 0>} : vector<16xi32>
    %broadcast_in_dim3A = arith.constant 0.000000e+00 : f32
    %broadcast_in_dim3A_1 = vector.broadcast %broadcast_in_dim3A : f32 to vector<16xf32>
    %broadcast_in_dim3A_2 = arith.constant 0 : i32
    %broadcast_in_dim3A_3 = vector.broadcast %broadcast_in_dim3A_2 : i32 to vector<16xi32>
    %mul3A_4 = arith.constant 8 : i32
    %mul3A_5 = arith.muli %arg0, %mul3A_4 : i32
    %multiple_of3A_6 = tpu.assume_multiple %mul3A_5, 8 : i32
    "tpu.region"() ({
      %run_scoped3A = tpu.sem_alloc : memref<!tpu.dma_semaphore, #tpu.memory_space<semaphore_mem>>
      %dma_start3A = arith.constant 0 : i32
      %dma_start3A_30 = tpu.memref_slice %arg7[%multiple_of3A_6, %dma_start3A] : memref<16x32xf32, #tpu.memory_space<hbm>> -> memref<1x32xf32, #tpu.memory_space<hbm>>
      %dma_start3A_31 = arith.constant 0 : i32
      %dma_start3A_32 = tpu.memref_slice %arg7[%multiple_of3A_6, %dma_start3A_31] : memref<16x32xf32, #tpu.memory_space<hbm>> -> memref<1x32xf32, #tpu.memory_space<hbm>>
      tpu.enqueue_dma source(%dma_start3A_32 : memref<1x32xf32, #tpu.memory_space<hbm>>) target(%arg16 : memref<1x32xf32, #tpu.memory_space<vmem>>) target_semaphore(%run_scoped3A : memref<!tpu.dma_semaphore, #tpu.memory_space<semaphore_mem>>)
      %dma_wait3A = arith.constant 0 : i32
      %dma_wait3A_33 = tpu.memref_slice %arg7[%multiple_of3A_6, %dma_wait3A] : memref<16x32xf32, #tpu.memory_space<hbm>> -> memref<1x32xf32, #tpu.memory_space<hbm>>
      %dma_wait3A_34 = arith.constant 0 : i32
      %dma_wait3A_35 = tpu.memref_slice %arg7[%multiple_of3A_6, %dma_wait3A_34] : memref<16x32xf32, #tpu.memory_space<hbm>> -> memref<1x32xf32, #tpu.memory_space<hbm>>
      tpu.wait_dma2 semaphore(%run_scoped3A : memref<!tpu.dma_semaphore, #tpu.memory_space<semaphore_mem>>) src(%dma_wait3A_35 : memref<1x32xf32, #tpu.memory_space<hbm>>) dst(%arg16 : memref<1x32xf32, #tpu.memory_space<vmem>>)
      tpu.yield
    }) : () -> ()
    %mul3A_7 = arith.constant 160 : i32
    %mul3A_8 = arith.muli %arg1, %mul3A_7 : i32
    %multiple_of3A_9 = tpu.assume_multiple %mul3A_8, 160 : i32
    "tpu.region"() ({
      %run_scoped3A = tpu.sem_alloc : memref<!tpu.dma_semaphore, #tpu.memory_space<semaphore_mem>>
      %dma_start3A = arith.constant 0 : i32
      %dma_start3A_30 = tpu.memref_slice %arg5[%multiple_of3A_9, %dma_start3A] : memref<2560x128xi32, #tpu.memory_space<hbm>> -> memref<160x128xi32, #tpu.memory_space<hbm>>
      %dma_start3A_31 = arith.constant 0 : i32
      %dma_start3A_32 = tpu.memref_slice %arg5[%multiple_of3A_9, %dma_start3A_31] : memref<2560x128xi32, #tpu.memory_space<hbm>> -> memref<160x128xi32, #tpu.memory_space<hbm>>
      tpu.enqueue_dma source(%dma_start3A_32 : memref<160x128xi32, #tpu.memory_space<hbm>>) target(%arg10 : memref<160x128xi32, #tpu.memory_space<vmem>>) target_semaphore(%run_scoped3A : memref<!tpu.dma_semaphore, #tpu.memory_space<semaphore_mem>>)
      %dma_wait3A = arith.constant 0 : i32
      %dma_wait3A_33 = tpu.memref_slice %arg5[%multiple_of3A_9, %dma_wait3A] : memref<2560x128xi32, #tpu.memory_space<hbm>> -> memref<160x128xi32, #tpu.memory_space<hbm>>
      %dma_wait3A_34 = arith.constant 0 : i32
      %dma_wait3A_35 = tpu.memref_slice %arg5[%multiple_of3A_9, %dma_wait3A_34] : memref<2560x128xi32, #tpu.memory_space<hbm>> -> memref<160x128xi32, #tpu.memory_space<hbm>>
      tpu.wait_dma2 semaphore(%run_scoped3A : memref<!tpu.dma_semaphore, #tpu.memory_space<semaphore_mem>>) src(%dma_wait3A_35 : memref<160x128xi32, #tpu.memory_space<hbm>>) dst(%arg10 : memref<160x128xi32, #tpu.memory_space<vmem>>)
      tpu.yield
    }) : () -> ()
    "tpu.region"() ({
      %run_scoped3A = tpu.sem_alloc : memref<!tpu.dma_semaphore, #tpu.memory_space<semaphore_mem>>
      %dma_start3A = arith.constant 0 : i32
      %dma_start3A_30 = tpu.memref_slice %arg6[%multiple_of3A_9, %dma_start3A] : memref<2560x128xi32, #tpu.memory_space<hbm>> -> memref<160x128xi32, #tpu.memory_space<hbm>>
      %dma_start3A_31 = arith.constant 0 : i32
      %dma_start3A_32 = tpu.memref_slice %arg6[%multiple_of3A_9, %dma_start3A_31] : memref<2560x128xi32, #tpu.memory_space<hbm>> -> memref<160x128xi32, #tpu.memory_space<hbm>>
      tpu.enqueue_dma source(%dma_start3A_32 : memref<160x128xi32, #tpu.memory_space<hbm>>) target(%arg11 : memref<160x128xi32, #tpu.memory_space<vmem>>) target_semaphore(%run_scoped3A : memref<!tpu.dma_semaphore, #tpu.memory_space<semaphore_mem>>)
      %dma_wait3A = arith.constant 0 : i32
      %dma_wait3A_33 = tpu.memref_slice %arg6[%multiple_of3A_9, %dma_wait3A] : memref<2560x128xi32, #tpu.memory_space<hbm>> -> memref<160x128xi32, #tpu.memory_space<hbm>>
      %dma_wait3A_34 = arith.constant 0 : i32
      %dma_wait3A_35 = tpu.memref_slice %arg6[%multiple_of3A_9, %dma_wait3A_34] : memref<2560x128xi32, #tpu.memory_space<hbm>> -> memref<160x128xi32, #tpu.memory_space<hbm>>
      tpu.wait_dma2 semaphore(%run_scoped3A : memref<!tpu.dma_semaphore, #tpu.memory_space<semaphore_mem>>) src(%dma_wait3A_35 : memref<160x128xi32, #tpu.memory_space<hbm>>) dst(%arg11 : memref<160x128xi32, #tpu.memory_space<vmem>>)
      tpu.yield
    }) : () -> ()
    %scan3A = arith.constant 0 : i32
    %scan3A_10 = arith.constant 0 : i32
    %scan3A_11 = arith.constant 128 : i32
    %scan3A_12 = arith.addi %scan3A_10, %scan3A_11 : i32
    %scan3A_13 = arith.constant 1 : i32
    %scan3A_14 = scf.for %scan3A_30 = %scan3A_10 to %scan3A_12 step %scan3A_13 iter_args(%scan3A_31 = %scan3A) -> (i32)  : i32 {
      %swap3A = arith.index_cast %scan3A_30 : i32 to index
      %swap3A_32 = arith.constant 0 : index
      %swap3A_33 = tpu.vector_load %arg17[%swap3A, %swap3A_32] {strides = array<i32>} : memref<128x48xf32, #tpu.memory_space<vmem>>, vector<16xf32>,
      tpu.vector_store %arg17[%swap3A, %swap3A_32], %broadcast_in_dim3A_1 {strides = array<i32>} : memref<128x48xf32, #tpu.memory_space<vmem>>, vector<16xf32>,
      %swap3A_34 = arith.index_cast %scan3A_30 : i32 to index
      %swap3A_35 = arith.constant 16 : index
      %swap3A_36 = tpu.vector_load %arg17[%swap3A_34, %swap3A_35] {strides = array<i32>} : memref<128x48xf32, #tpu.memory_space<vmem>>, vector<16xf32>,
      tpu.vector_store %arg17[%swap3A_34, %swap3A_35], %broadcast_in_dim3A_1 {strides = array<i32>} : memref<128x48xf32, #tpu.memory_space<vmem>>, vector<16xf32>,
      %swap3A_37 = arith.index_cast %scan3A_30 : i32 to index
      %swap3A_38 = arith.constant 32 : index
      %swap3A_39 = tpu.vector_load %arg17[%swap3A_37, %swap3A_38] {strides = array<i32>} : memref<128x48xf32, #tpu.memory_space<vmem>>, vector<16xf32>,
      tpu.vector_store %arg17[%swap3A_37, %swap3A_38], %broadcast_in_dim3A_1 {strides = array<i32>} : memref<128x48xf32, #tpu.memory_space<vmem>>, vector<16xf32>,
      %scan3A_40 = arith.constant 0 : i32
      scf.yield %scan3A_40 : i32
    }
    %scan3A_15 = arith.constant 128 : i32
    %scan3A_16 = arith.constant 0 : i32
    %scan3A_17 = arith.constant 0 : i32
    %scan3A_18 = arith.constant 128 : i32
    %scan3A_19 = arith.addi %scan3A_17, %scan3A_18 : i32
    %scan3A_20 = arith.constant 1 : i32
    %scan3A_21 = scf.for %scan3A_30 = %scan3A_17 to %scan3A_19 step %scan3A_20 iter_args(%scan3A_31 = %scan3A_16) -> (i32)  : i32 {
      %swap3A = arith.constant 0 : i32
      %swap3A_32 = arith.index_cast %swap3A : i32 to index
      %swap3A_33 = arith.index_cast %scan3A_30 : i32 to index
      %swap3A_34 = arith.constant 32 : index
      %swap3A_35 = tpu.vector_load %arg15[%swap3A_32, %swap3A_33, %swap3A_34] {strides = array<i32>} : memref<2x128x48xf32, #tpu.memory_space<vmem>>, vector<16xf32>,
      tpu.vector_store %arg15[%swap3A_32, %swap3A_33, %swap3A_34], %broadcast_in_dim3A_1 {strides = array<i32>} : memref<2x128x48xf32, #tpu.memory_space<vmem>>, vector<16xf32>,
      %swap3A_36 = arith.constant 1 : i32
      %swap3A_37 = arith.index_cast %swap3A_36 : i32 to index
      %swap3A_38 = arith.index_cast %scan3A_30 : i32 to index
      %swap3A_39 = arith.constant 32 : index
      %swap3A_40 = tpu.vector_load %arg15[%swap3A_37, %swap3A_38, %swap3A_39] {strides = array<i32>} : memref<2x128x48xf32, #tpu.memory_space<vmem>>, vector<16xf32>,
      tpu.vector_store %arg15[%swap3A_37, %swap3A_38, %swap3A_39], %broadcast_in_dim3A_1 {strides = array<i32>} : memref<2x128x48xf32, #tpu.memory_space<vmem>>, vector<16xf32>,
      %scan3A_41 = arith.constant 0 : i32
      scf.yield %scan3A_41 : i32
    }
    %scan3A_22 = arith.constant 128 : i32
    %scan3A_23 = arith.constant 0 : i32
    %scan3A_24 = arith.constant 0 : i32
    %scan3A_25 = arith.constant 8 : i32
    %scan3A_26 = arith.addi %scan3A_24, %scan3A_25 : i32
    %scan3A_27 = arith.constant 1 : i32
    %scan3A_28 = scf.for %scan3A_30 = %scan3A_24 to %scan3A_26 step %scan3A_27 iter_args(%scan3A_31 = %scan3A_23) -> (i32)  : i32 {
      %add3A = arith.constant 0 : i32
      %add3A_32 = arith.addi %multiple_of3A, %add3A : i32
      "tpu.region"() ({
        %run_scoped3A = tpu.sem_alloc : memref<!tpu.dma_semaphore, #tpu.memory_space<semaphore_mem>>
        %dma_start3A_324 = arith.constant 0 : i32
        %dma_start3A_325 = tpu.memref_slice %arg9[%add3A_32, %dma_start3A_324] : memref<10240x48xf32, #tpu.memory_space<vmem_shared>> -> memref<128x48xf32, #tpu.memory_space<vmem_shared>>
        %dma_start3A_326 = arith.constant 0 : i32
        %dma_start3A_327 = tpu.memref_slice %arg9[%add3A_32, %dma_start3A_326] : memref<10240x48xf32, #tpu.memory_space<vmem_shared>> -> memref<128x48xf32, #tpu.memory_space<vmem_shared>>
        tpu.enqueue_dma source(%arg17 : memref<128x48xf32, #tpu.memory_space<vmem>>) target(%dma_start3A_327 : memref<128x48xf32, #tpu.memory_space<vmem_shared>>) target_semaphore(%run_scoped3A : memref<!tpu.dma_semaphore, #tpu.memory_space<semaphore_mem>>)
        %dma_wait3A_328 = arith.constant 0 : i32
        %dma_wait3A_329 = tpu.memref_slice %arg9[%add3A_32, %dma_wait3A_328] : memref<10240x48xf32, #tpu.memory_space<vmem_shared>> -> memref<128x48xf32, #tpu.memory_space<vmem_shared>>
        %dma_wait3A_330 = arith.constant 0 : i32
        %dma_wait3A_331 = tpu.memref_slice %arg9[%add3A_32, %dma_wait3A_330] : memref<10240x48xf32, #tpu.memory_space<vmem_shared>> -> memref<128x48xf32, #tpu.memory_space<vmem_shared>>
        tpu.wait_dma2 semaphore(%run_scoped3A : memref<!tpu.dma_semaphore, #tpu.memory_space<semaphore_mem>>) src(%arg17 : memref<128x48xf32, #tpu.memory_space<vmem>>) dst(%dma_wait3A_331 : memref<128x48xf32, #tpu.memory_space<vmem_shared>>)
        tpu.yield
      }) : () -> ()
      %add3A_33 = arith.constant 128 : i32
      %add3A_34 = arith.addi %multiple_of3A, %add3A_33 : i32
      "tpu.region"() ({
        %run_scoped3A = tpu.sem_alloc : memref<!tpu.dma_semaphore, #tpu.memory_space<semaphore_mem>>
        %dma_start3A_324 = arith.constant 0 : i32
        %dma_start3A_325 = tpu.memref_slice %arg9[%add3A_34, %dma_start3A_324] : memref<10240x48xf32, #tpu.memory_space<vmem_shared>> -> memref<128x48xf32, #tpu.memory_space<vmem_shared>>
        %dma_start3A_326 = arith.constant 0 : i32
        %dma_start3A_327 = tpu.memref_slice %arg9[%add3A_34, %dma_start3A_326] : memref<10240x48xf32, #tpu.memory_space<vmem_shared>> -> memref<128x48xf32, #tpu.memory_space<vmem_shared>>
        tpu.enqueue_dma source(%arg17 : memref<128x48xf32, #tpu.memory_space<vmem>>) target(%dma_start3A_327 : memref<128x48xf32, #tpu.memory_space<vmem_shared>>) target_semaphore(%run_scoped3A : memref<!tpu.dma_semaphore, #tpu.memory_space<semaphore_mem>>)
        %dma_wait3A_328 = arith.constant 0 : i32
        %dma_wait3A_329 = tpu.memref_slice %arg9[%add3A_34, %dma_wait3A_328] : memref<10240x48xf32, #tpu.memory_space<vmem_shared>> -> memref<128x48xf32, #tpu.memory_space<vmem_shared>>
        %dma_wait3A_330 = arith.constant 0 : i32
        %dma_wait3A_331 = tpu.memref_slice %arg9[%add3A_34, %dma_wait3A_330] : memref<10240x48xf32, #tpu.memory_space<vmem_shared>> -> memref<128x48xf32, #tpu.memory_space<vmem_shared>>
        tpu.wait_dma2 semaphore(%run_scoped3A : memref<!tpu.dma_semaphore, #tpu.memory_space<semaphore_mem>>) src(%arg17 : memref<128x48xf32, #tpu.memory_space<vmem>>) dst(%dma_wait3A_331 : memref<128x48xf32, #tpu.memory_space<vmem_shared>>)
        tpu.yield
      }) : () -> ()
      %add3A_35 = arith.constant 256 : i32
      %add3A_36 = arith.addi %multiple_of3A, %add3A_35 : i32
      "tpu.region"() ({
        %run_scoped3A = tpu.sem_alloc : memref<!tpu.dma_semaphore, #tpu.memory_space<semaphore_mem>>
        %dma_start3A_324 = arith.constant 0 : i32
        %dma_start3A_325 = tpu.memref_slice %arg9[%add3A_36, %dma_start3A_324] : memref<10240x48xf32, #tpu.memory_space<vmem_shared>> -> memref<128x48xf32, #tpu.memory_space<vmem_shared>>
        %dma_start3A_326 = arith.constant 0 : i32
        %dma_start3A_327 = tpu.memref_slice %arg9[%add3A_36, %dma_start3A_326] : memref<10240x48xf32, #tpu.memory_space<vmem_shared>> -> memref<128x48xf32, #tpu.memory_space<vmem_shared>>
        tpu.enqueue_dma source(%arg17 : memref<128x48xf32, #tpu.memory_space<vmem>>) target(%dma_start3A_327 : memref<128x48xf32, #tpu.memory_space<vmem_shared>>) target_semaphore(%run_scoped3A : memref<!tpu.dma_semaphore, #tpu.memory_space<semaphore_mem>>)
        %dma_wait3A_328 = arith.constant 0 : i32
        %dma_wait3A_329 = tpu.memref_slice %arg9[%add3A_36, %dma_wait3A_328] : memref<10240x48xf32, #tpu.memory_space<vmem_shared>> -> memref<128x48xf32, #tpu.memory_space<vmem_shared>>
        %dma_wait3A_330 = arith.constant 0 : i32
        %dma_wait3A_331 = tpu.memref_slice %arg9[%add3A_36, %dma_wait3A_330] : memref<10240x48xf32, #tpu.memory_space<vmem_shared>> -> memref<128x48xf32, #tpu.memory_space<vmem_shared>>
        tpu.wait_dma2 semaphore(%run_scoped3A : memref<!tpu.dma_semaphore, #tpu.memory_space<semaphore_mem>>) src(%arg17 : memref<128x48xf32, #tpu.memory_space<vmem>>) dst(%dma_wait3A_331 : memref<128x48xf32, #tpu.memory_space<vmem_shared>>)
        tpu.yield
      }) : () -> ()
      %add3A_37 = arith.constant 384 : i32
      %add3A_38 = arith.addi %multiple_of3A, %add3A_37 : i32
      "tpu.region"() ({
        %run_scoped3A = tpu.sem_alloc : memref<!tpu.dma_semaphore, #tpu.memory_space<semaphore_mem>>
        %dma_start3A_324 = arith.constant 0 : i32
        %dma_start3A_325 = tpu.memref_slice %arg9[%add3A_38, %dma_start3A_324] : memref<10240x48xf32, #tpu.memory_space<vmem_shared>> -> memref<128x48xf32, #tpu.memory_space<vmem_shared>>
        %dma_start3A_326 = arith.constant 0 : i32
        %dma_start3A_327 = tpu.memref_slice %arg9[%add3A_38, %dma_start3A_326] : memref<10240x48xf32, #tpu.memory_space<vmem_shared>> -> memref<128x48xf32, #tpu.memory_space<vmem_shared>>
        tpu.enqueue_dma source(%arg17 : memref<128x48xf32, #tpu.memory_space<vmem>>) target(%dma_start3A_327 : memref<128x48xf32, #tpu.memory_space<vmem_shared>>) target_semaphore(%run_scoped3A : memref<!tpu.dma_semaphore, #tpu.memory_space<semaphore_mem>>)
        %dma_wait3A_328 = arith.constant 0 : i32
        %dma_wait3A_329 = tpu.memref_slice %arg9[%add3A_38, %dma_wait3A_328] : memref<10240x48xf32, #tpu.memory_space<vmem_shared>> -> memref<128x48xf32, #tpu.memory_space<vmem_shared>>
        %dma_wait3A_330 = arith.constant 0 : i32
        %dma_wait3A_331 = tpu.memref_slice %arg9[%add3A_38, %dma_wait3A_330] : memref<10240x48xf32, #tpu.memory_space<vmem_shared>> -> memref<128x48xf32, #tpu.memory_space<vmem_shared>>
        tpu.wait_dma2 semaphore(%run_scoped3A : memref<!tpu.dma_semaphore, #tpu.memory_space<semaphore_mem>>) src(%arg17 : memref<128x48xf32, #tpu.memory_space<vmem>>) dst(%dma_wait3A_331 : memref<128x48xf32, #tpu.memory_space<vmem_shared>>)
        tpu.yield
      }) : () -> ()
      %add3A_39 = arith.constant 512 : i32
      %add3A_40 = arith.addi %multiple_of3A, %add3A_39 : i32
      "tpu.region"() ({
        %run_scoped3A = tpu.sem_alloc : memref<!tpu.dma_semaphore, #tpu.memory_space<semaphore_mem>>
        %dma_start3A_324 = arith.constant 0 : i32
        %dma_start3A_325 = tpu.memref_slice %arg9[%add3A_40, %dma_start3A_324] : memref<10240x48xf32, #tpu.memory_space<vmem_shared>> -> memref<128x48xf32, #tpu.memory_space<vmem_shared>>
        %dma_start3A_326 = arith.constant 0 : i32
        %dma_start3A_327 = tpu.memref_slice %arg9[%add3A_40, %dma_start3A_326] : memref<10240x48xf32, #tpu.memory_space<vmem_shared>> -> memref<128x48xf32, #tpu.memory_space<vmem_shared>>
        tpu.enqueue_dma source(%arg17 : memref<128x48xf32, #tpu.memory_space<vmem>>) target(%dma_start3A_327 : memref<128x48xf32, #tpu.memory_space<vmem_shared>>) target_semaphore(%run_scoped3A : memref<!tpu.dma_semaphore, #tpu.memory_space<semaphore_mem>>)
        %dma_wait3A_328 = arith.constant 0 : i32
        %dma_wait3A_329 = tpu.memref_slice %arg9[%add3A_40, %dma_wait3A_328] : memref<10240x48xf32, #tpu.memory_space<vmem_shared>> -> memref<128x48xf32, #tpu.memory_space<vmem_shared>>
        %dma_wait3A_330 = arith.constant 0 : i32
        %dma_wait3A_331 = tpu.memref_slice %arg9[%add3A_40, %dma_wait3A_330] : memref<10240x48xf32, #tpu.memory_space<vmem_shared>> -> memref<128x48xf32, #tpu.memory_space<vmem_shared>>
        tpu.wait_dma2 semaphore(%run_scoped3A : memref<!tpu.dma_semaphore, #tpu.memory_space<semaphore_mem>>) src(%arg17 : memref<128x48xf32, #tpu.memory_space<vmem>>) dst(%dma_wait3A_331 : memref<128x48xf32, #tpu.memory_space<vmem_shared>>)
        tpu.yield
      }) : () -> ()
      %barrier3A = arith.constant 0 : index
      tpu.barrier barrier_id(%barrier3A)
      %mul3A_41 = arith.constant 20480 : i32
      %mul3A_42 = arith.muli %arg1, %mul3A_41 : i32
      %multiple_of3A_43 = tpu.assume_multiple %mul3A_42, 20480 : i32
      %add3A_44 = arith.constant 0 : i32
      %add3A_45 = arith.addi %multiple_of3A_43, %add3A_44 : i32
      %min3A = arith.constant 319872 : i32
      %min3A_46 = arith.minsi %add3A_45, %min3A : i32
      %shift_right_arithmetic3A = arith.constant 2 : i32
      %shift_right_arithmetic3A_47 = arith.shrsi %min3A_46, %shift_right_arithmetic3A : i32
      %multiple_of3A_48 = tpu.assume_multiple %shift_right_arithmetic3A_47, 8 : i32
      %dma_start3A = arith.constant 0 : i32
      %dma_start3A_49 = arith.constant 0 : i32
      %dma_start3A_50 = arith.constant 0 : i32
      %dma_start3A_51 = arith.constant 0 : i32
      %dma_start3A_52 = tpu.memref_slice %arg12[%dma_start3A, %dma_start3A_50, %dma_start3A_51] : memref<2x32x128xf32, #tpu.memory_space<vmem>> -> memref<1x32x128xf32, #tpu.memory_space<vmem>>
      %dma_start3A_53 = tpu.memref_squeeze %dma_start3A_52 : memref<1x32x128xf32, #tpu.memory_space<vmem>> -> memref<32x128xf32, #tpu.memory_space<vmem>>
      %dma_start3A_54 = arith.constant 0 : i32
      %dma_start3A_55 = tpu.memref_slice %arg4[%arg0, %scan3A_30, %multiple_of3A_48, %dma_start3A_54] : memref<2x8x80000x128xf32, #tpu.memory_space<hbm>> -> memref<1x1x32x128xf32, #tpu.memory_space<hbm>>
      %dma_start3A_56 = tpu.memref_squeeze %dma_start3A_55 : memref<1x1x32x128xf32, #tpu.memory_space<hbm>> -> memref<32x128xf32, #tpu.memory_space<hbm>>
      %dma_start3A_57 = tpu.memref_slice %arg18[%dma_start3A_49] : memref<2x!tpu.dma_semaphore, #tpu.memory_space<semaphore_mem>> -> memref<1x!tpu.dma_semaphore, #tpu.memory_space<semaphore_mem>>
      %dma_start3A_58 = tpu.memref_squeeze %dma_start3A_57 : memref<1x!tpu.dma_semaphore, #tpu.memory_space<semaphore_mem>> -> memref<!tpu.dma_semaphore, #tpu.memory_space<semaphore_mem>>
      %dma_start3A_59 = arith.constant 0 : i32
      %dma_start3A_60 = arith.constant 0 : i32
      %dma_start3A_61 = tpu.memref_slice %arg12[%dma_start3A, %dma_start3A_59, %dma_start3A_60] : memref<2x32x128xf32, #tpu.memory_space<vmem>> -> memref<1x32x128xf32, #tpu.memory_space<vmem>>
      %dma_start3A_62 = tpu.memref_squeeze %dma_start3A_61 : memref<1x32x128xf32, #tpu.memory_space<vmem>> -> memref<32x128xf32, #tpu.memory_space<vmem>>
      %dma_start3A_63 = arith.constant 0 : i32
      %dma_start3A_64 = tpu.memref_slice %arg4[%arg0, %scan3A_30, %multiple_of3A_48, %dma_start3A_63] : memref<2x8x80000x128xf32, #tpu.memory_space<hbm>> -> memref<1x1x32x128xf32, #tpu.memory_space<hbm>>
      %dma_start3A_65 = tpu.memref_squeeze %dma_start3A_64 : memref<1x1x32x128xf32, #tpu.memory_space<hbm>> -> memref<32x128xf32, #tpu.memory_space<hbm>>
      tpu.enqueue_dma source(%dma_start3A_65 : memref<32x128xf32, #tpu.memory_space<hbm>>) target(%dma_start3A_62 : memref<32x128xf32, #tpu.memory_space<vmem>>) target_semaphore(%dma_start3A_58 : memref<!tpu.dma_semaphore, #tpu.memory_space<semaphore_mem>>)
      %dma_start3A_66 = arith.constant 0 : i32
      %dma_start3A_67 = arith.constant 0 : i32
      %dma_start3A_68 = arith.constant 0 : i32
      %dma_start3A_69 = arith.constant 0 : i32
      %dma_start3A_70 = arith.constant 0 : i32
      %dma_start3A_71 = tpu.memref_slice %arg13[%dma_start3A_67, %dma_start3A_69, %dma_start3A_70] : memref<2x128x32xf32, #tpu.memory_space<vmem>> -> memref<1x128x32xf32, #tpu.memory_space<vmem>>
      %dma_start3A_72 = tpu.memref_squeeze %dma_start3A_71 : memref<1x128x32xf32, #tpu.memory_space<vmem>> -> memref<128x32xf32, #tpu.memory_space<vmem>>
      %dma_start3A_73 = arith.constant 0 : i32
      %dma_start3A_74 = tpu.memref_slice %arg10[%dma_start3A_66, %dma_start3A_73] : memref<160x128xi32, #tpu.memory_space<vmem>> -> memref<1x128xi32, #tpu.memory_space<vmem>>
      %dma_start3A_75 = tpu.memref_squeeze %dma_start3A_74 : memref<1x128xi32, #tpu.memory_space<vmem>> -> memref<128xi32, #tpu.memory_space<vmem>>
      %dma_start3A_76 = arith.constant 0 : i32
      %dma_start3A_77 = arith.constant 0 : i32
      %dma_start3A_78 = tpu.memref_slice %arg2[%arg0, %scan3A_30, %dma_start3A_76, %dma_start3A_77] : memref<2x8x10240x32xf32, #tpu.memory_space<hbm>> -> memref<1x1x10240x32xf32, #tpu.memory_space<hbm>>
      %dma_start3A_79 = tpu.memref_squeeze %dma_start3A_78 : memref<1x1x10240x32xf32, #tpu.memory_space<hbm>> -> memref<10240x32xf32, #tpu.memory_space<hbm>>
      %dma_start3A_80 = arith.constant 0 : i32
      %dma_start3A_81 = arith.constant 0 : i32
      %dma_start3A_82 = tpu.memref_slice %dma_start3A_79[%dma_start3A_80, %dma_start3A_81] : memref<10240x32xf32, #tpu.memory_space<hbm>> -> memref<10240x32xf32, #tpu.memory_space<hbm>>
      %dma_start3A_83 = tpu.memref_slice %arg19[%dma_start3A_68] : memref<2x!tpu.dma_semaphore, #tpu.memory_space<semaphore_mem>> -> memref<1x!tpu.dma_semaphore, #tpu.memory_space<semaphore_mem>>
      %dma_start3A_84 = tpu.memref_squeeze %dma_start3A_83 : memref<1x!tpu.dma_semaphore, #tpu.memory_space<semaphore_mem>> -> memref<!tpu.dma_semaphore, #tpu.memory_space<semaphore_mem>>
      tpu.enqueue_indirect_dma source(%dma_start3A_82 : memref<10240x32xf32, #tpu.memory_space<hbm>>) target(%dma_start3A_72 : memref<128x32xf32, #tpu.memory_space<vmem>>) offsets(%dma_start3A_75 : memref<128xi32, #tpu.memory_space<vmem>>) semaphore(%dma_start3A_84 : memref<!tpu.dma_semaphore, #tpu.memory_space<semaphore_mem>>)
      %dma_start3A_85 = arith.constant 0 : i32
      %dma_start3A_86 = arith.constant 0 : i32
      %dma_start3A_87 = arith.constant 0 : i32
      %dma_start3A_88 = arith.constant 0 : i32
      %dma_start3A_89 = arith.constant 0 : i32
      %dma_start3A_90 = tpu.memref_slice %arg14[%dma_start3A_86, %dma_start3A_88, %dma_start3A_89] : memref<2x128x32xf32, #tpu.memory_space<vmem>> -> memref<1x128x32xf32, #tpu.memory_space<vmem>>
      %dma_start3A_91 = tpu.memref_squeeze %dma_start3A_90 : memref<1x128x32xf32, #tpu.memory_space<vmem>> -> memref<128x32xf32, #tpu.memory_space<vmem>>
      %dma_start3A_92 = arith.constant 0 : i32
      %dma_start3A_93 = tpu.memref_slice %arg11[%dma_start3A_85, %dma_start3A_92] : memref<160x128xi32, #tpu.memory_space<vmem>> -> memref<1x128xi32, #tpu.memory_space<vmem>>
      %dma_start3A_94 = tpu.memref_squeeze %dma_start3A_93 : memref<1x128xi32, #tpu.memory_space<vmem>> -> memref<128xi32, #tpu.memory_space<vmem>>
      %dma_start3A_95 = arith.constant 0 : i32
      %dma_start3A_96 = arith.constant 0 : i32
      %dma_start3A_97 = tpu.memref_slice %arg3[%arg0, %scan3A_30, %dma_start3A_95, %dma_start3A_96] : memref<2x8x10240x32xf32, #tpu.memory_space<hbm>> -> memref<1x1x10240x32xf32, #tpu.memory_space<hbm>>
      %dma_start3A_98 = tpu.memref_squeeze %dma_start3A_97 : memref<1x1x10240x32xf32, #tpu.memory_space<hbm>> -> memref<10240x32xf32, #tpu.memory_space<hbm>>
      %dma_start3A_99 = arith.constant 0 : i32
      %dma_start3A_100 = arith.constant 0 : i32
      %dma_start3A_101 = tpu.memref_slice %dma_start3A_98[%dma_start3A_99, %dma_start3A_100] : memref<10240x32xf32, #tpu.memory_space<hbm>> -> memref<10240x32xf32, #tpu.memory_space<hbm>>
      %dma_start3A_102 = tpu.memref_slice %arg20[%dma_start3A_87] : memref<2x!tpu.dma_semaphore, #tpu.memory_space<semaphore_mem>> -> memref<1x!tpu.dma_semaphore, #tpu.memory_space<semaphore_mem>>
      %dma_start3A_103 = tpu.memref_squeeze %dma_start3A_102 : memref<1x!tpu.dma_semaphore, #tpu.memory_space<semaphore_mem>> -> memref<!tpu.dma_semaphore, #tpu.memory_space<semaphore_mem>>
      tpu.enqueue_indirect_dma source(%dma_start3A_101 : memref<10240x32xf32, #tpu.memory_space<hbm>>) target(%dma_start3A_91 : memref<128x32xf32, #tpu.memory_space<vmem>>) offsets(%dma_start3A_94 : memref<128xi32, #tpu.memory_space<vmem>>) semaphore(%dma_start3A_103 : memref<!tpu.dma_semaphore, #tpu.memory_space<semaphore_mem>>)
      %mul3A_104 = arith.constant 20480 : i32
      %mul3A_105 = arith.muli %arg1, %mul3A_104 : i32
      %multiple_of3A_106 = tpu.assume_multiple %mul3A_105, 20480 : i32
      %add3A_107 = arith.constant 128 : i32
      %add3A_108 = arith.addi %multiple_of3A_106, %add3A_107 : i32
      %min3A_109 = arith.constant 319872 : i32
      %min3A_110 = arith.minsi %add3A_108, %min3A_109 : i32
      %shift_right_arithmetic3A_111 = arith.constant 2 : i32
      %shift_right_arithmetic3A_112 = arith.shrsi %min3A_110, %shift_right_arithmetic3A_111 : i32
      %multiple_of3A_113 = tpu.assume_multiple %shift_right_arithmetic3A_112, 8 : i32
      %dma_start3A_114 = arith.constant 1 : i32
      %dma_start3A_115 = arith.constant 1 : i32
      %dma_start3A_116 = arith.constant 0 : i32
      %dma_start3A_117 = arith.constant 0 : i32
      %dma_start3A_118 = tpu.memref_slice %arg12[%dma_start3A_114, %dma_start3A_116, %dma_start3A_117] : memref<2x32x128xf32, #tpu.memory_space<vmem>> -> memref<1x32x128xf32, #tpu.memory_space<vmem>>
      %dma_start3A_119 = tpu.memref_squeeze %dma_start3A_118 : memref<1x32x128xf32, #tpu.memory_space<vmem>> -> memref<32x128xf32, #tpu.memory_space<vmem>>
      %dma_start3A_120 = arith.constant 0 : i32
      %dma_start3A_121 = tpu.memref_slice %arg4[%arg0, %scan3A_30, %multiple_of3A_113, %dma_start3A_120] : memref<2x8x80000x128xf32, #tpu.memory_space<hbm>> -> memref<1x1x32x128xf32, #tpu.memory_space<hbm>>
      %dma_start3A_122 = tpu.memref_squeeze %dma_start3A_121 : memref<1x1x32x128xf32, #tpu.memory_space<hbm>> -> memref<32x128xf32, #tpu.memory_space<hbm>>
      %dma_start3A_123 = tpu.memref_slice %arg18[%dma_start3A_115] : memref<2x!tpu.dma_semaphore, #tpu.memory_space<semaphore_mem>> -> memref<1x!tpu.dma_semaphore, #tpu.memory_space<semaphore_mem>>
      %dma_start3A_124 = tpu.memref_squeeze %dma_start3A_123 : memref<1x!tpu.dma_semaphore, #tpu.memory_space<semaphore_mem>> -> memref<!tpu.dma_semaphore, #tpu.memory_space<semaphore_mem>>
      %dma_start3A_125 = arith.constant 0 : i32
      %dma_start3A_126 = arith.constant 0 : i32
      %dma_start3A_127 = tpu.memref_slice %arg12[%dma_start3A_114, %dma_start3A_125, %dma_start3A_126] : memref<2x32x128xf32, #tpu.memory_space<vmem>> -> memref<1x32x128xf32, #tpu.memory_space<vmem>>
      %dma_start3A_128 = tpu.memref_squeeze %dma_start3A_127 : memref<1x32x128xf32, #tpu.memory_space<vmem>> -> memref<32x128xf32, #tpu.memory_space<vmem>>
      %dma_start3A_129 = arith.constant 0 : i32
      %dma_start3A_130 = tpu.memref_slice %arg4[%arg0, %scan3A_30, %multiple_of3A_113, %dma_start3A_129] : memref<2x8x80000x128xf32, #tpu.memory_space<hbm>> -> memref<1x1x32x128xf32, #tpu.memory_space<hbm>>
      %dma_start3A_131 = tpu.memref_squeeze %dma_start3A_130 : memref<1x1x32x128xf32, #tpu.memory_space<hbm>> -> memref<32x128xf32, #tpu.memory_space<hbm>>
      tpu.enqueue_dma source(%dma_start3A_131 : memref<32x128xf32, #tpu.memory_space<hbm>>) target(%dma_start3A_128 : memref<32x128xf32, #tpu.memory_space<vmem>>) target_semaphore(%dma_start3A_124 : memref<!tpu.dma_semaphore, #tpu.memory_space<semaphore_mem>>)
      %dma_start3A_132 = arith.constant 1 : i32
      %dma_start3A_133 = arith.constant 1 : i32
      %dma_start3A_134 = arith.constant 1 : i32
      %dma_start3A_135 = arith.constant 0 : i32
      %dma_start3A_136 = arith.constant 0 : i32
      %dma_start3A_137 = tpu.memref_slice %arg13[%dma_start3A_133, %dma_start3A_135, %dma_start3A_136] : memref<2x128x32xf32, #tpu.memory_space<vmem>> -> memref<1x128x32xf32, #tpu.memory_space<vmem>>
      %dma_start3A_138 = tpu.memref_squeeze %dma_start3A_137 : memref<1x128x32xf32, #tpu.memory_space<vmem>> -> memref<128x32xf32, #tpu.memory_space<vmem>>
      %dma_start3A_139 = arith.constant 0 : i32
      %dma_start3A_140 = tpu.memref_slice %arg10[%dma_start3A_132, %dma_start3A_139] : memref<160x128xi32, #tpu.memory_space<vmem>> -> memref<1x128xi32, #tpu.memory_space<vmem>>
      %dma_start3A_141 = tpu.memref_squeeze %dma_start3A_140 : memref<1x128xi32, #tpu.memory_space<vmem>> -> memref<128xi32, #tpu.memory_space<vmem>>
      %dma_start3A_142 = arith.constant 0 : i32
      %dma_start3A_143 = arith.constant 0 : i32
      %dma_start3A_144 = tpu.memref_slice %arg2[%arg0, %scan3A_30, %dma_start3A_142, %dma_start3A_143] : memref<2x8x10240x32xf32, #tpu.memory_space<hbm>> -> memref<1x1x10240x32xf32, #tpu.memory_space<hbm>>
      %dma_start3A_145 = tpu.memref_squeeze %dma_start3A_144 : memref<1x1x10240x32xf32, #tpu.memory_space<hbm>> -> memref<10240x32xf32, #tpu.memory_space<hbm>>
      %dma_start3A_146 = arith.constant 0 : i32
      %dma_start3A_147 = arith.constant 0 : i32
      %dma_start3A_148 = tpu.memref_slice %dma_start3A_145[%dma_start3A_146, %dma_start3A_147] : memref<10240x32xf32, #tpu.memory_space<hbm>> -> memref<10240x32xf32, #tpu.memory_space<hbm>>
      %dma_start3A_149 = tpu.memref_slice %arg19[%dma_start3A_134] : memref<2x!tpu.dma_semaphore, #tpu.memory_space<semaphore_mem>> -> memref<1x!tpu.dma_semaphore, #tpu.memory_space<semaphore_mem>>
      %dma_start3A_150 = tpu.memref_squeeze %dma_start3A_149 : memref<1x!tpu.dma_semaphore, #tpu.memory_space<semaphore_mem>> -> memref<!tpu.dma_semaphore, #tpu.memory_space<semaphore_mem>>
      tpu.enqueue_indirect_dma source(%dma_start3A_148 : memref<10240x32xf32, #tpu.memory_space<hbm>>) target(%dma_start3A_138 : memref<128x32xf32, #tpu.memory_space<vmem>>) offsets(%dma_start3A_141 : memref<128xi32, #tpu.memory_space<vmem>>) semaphore(%dma_start3A_150 : memref<!tpu.dma_semaphore, #tpu.memory_space<semaphore_mem>>)
      %dma_start3A_151 = arith.constant 1 : i32
      %dma_start3A_152 = arith.constant 1 : i32
      %dma_start3A_153 = arith.constant 1 : i32
      %dma_start3A_154 = arith.constant 0 : i32
      %dma_start3A_155 = arith.constant 0 : i32
      %dma_start3A_156 = tpu.memref_slice %arg14[%dma_start3A_152, %dma_start3A_154, %dma_start3A_155] : memref<2x128x32xf32, #tpu.memory_space<vmem>> -> memref<1x128x32xf32, #tpu.memory_space<vmem>>
      %dma_start3A_157 = tpu.memref_squeeze %dma_start3A_156 : memref<1x128x32xf32, #tpu.memory_space<vmem>> -> memref<128x32xf32, #tpu.memory_space<vmem>>
      %dma_start3A_158 = arith.constant 0 : i32
      %dma_start3A_159 = tpu.memref_slice %arg11[%dma_start3A_151, %dma_start3A_158] : memref<160x128xi32, #tpu.memory_space<vmem>> -> memref<1x128xi32, #tpu.memory_space<vmem>>
      %dma_start3A_160 = tpu.memref_squeeze %dma_start3A_159 : memref<1x128xi32, #tpu.memory_space<vmem>> -> memref<128xi32, #tpu.memory_space<vmem>>
      %dma_start3A_161 = arith.constant 0 : i32
      %dma_start3A_162 = arith.constant 0 : i32
      %dma_start3A_163 = tpu.memref_slice %arg3[%arg0, %scan3A_30, %dma_start3A_161, %dma_start3A_162] : memref<2x8x10240x32xf32, #tpu.memory_space<hbm>> -> memref<1x1x10240x32xf32, #tpu.memory_space<hbm>>
      %dma_start3A_164 = tpu.memref_squeeze %dma_start3A_163 : memref<1x1x10240x32xf32, #tpu.memory_space<hbm>> -> memref<10240x32xf32, #tpu.memory_space<hbm>>
      %dma_start3A_165 = arith.constant 0 : i32
      %dma_start3A_166 = arith.constant 0 : i32
      %dma_start3A_167 = tpu.memref_slice %dma_start3A_164[%dma_start3A_165, %dma_start3A_166] : memref<10240x32xf32, #tpu.memory_space<hbm>> -> memref<10240x32xf32, #tpu.memory_space<hbm>>
      %dma_start3A_168 = tpu.memref_slice %arg20[%dma_start3A_153] : memref<2x!tpu.dma_semaphore, #tpu.memory_space<semaphore_mem>> -> memref<1x!tpu.dma_semaphore, #tpu.memory_space<semaphore_mem>>
      %dma_start3A_169 = tpu.memref_squeeze %dma_start3A_168 : memref<1x!tpu.dma_semaphore, #tpu.memory_space<semaphore_mem>> -> memref<!tpu.dma_semaphore, #tpu.memory_space<semaphore_mem>>
      tpu.enqueue_indirect_dma source(%dma_start3A_167 : memref<10240x32xf32, #tpu.memory_space<hbm>>) target(%dma_start3A_157 : memref<128x32xf32, #tpu.memory_space<vmem>>) offsets(%dma_start3A_160 : memref<128xi32, #tpu.memory_space<vmem>>) semaphore(%dma_start3A_169 : memref<!tpu.dma_semaphore, #tpu.memory_space<semaphore_mem>>)
      %scan3A_170 = arith.constant 0 : i32
      %scan3A_171 = arith.constant 0 : i32
      %scan3A_172 = arith.constant 80 : i32
      %scan3A_173 = arith.addi %scan3A_171, %scan3A_172 : i32
      %scan3A_174 = arith.constant 1 : i32
      %scan3A_175 = scf.for %scan3A_324 = %scan3A_171 to %scan3A_173 step %scan3A_174 iter_args(%scan3A_325 = %scan3A_170) -> (i32)  : i32 {
        %mul3A_326 = arith.constant 2 : i32
        %mul3A_327 = arith.muli %mul3A_326, %scan3A_324 : i32
        %add3A_328 = arith.constant 0 : i32
        %add3A_329 = arith.addi %mul3A_327, %add3A_328 : i32
        %dma_wait3A_330 = arith.constant 0 : i32
        %dma_wait3A_331 = arith.constant 0 : i32
        %dma_wait3A_332 = arith.constant 0 : i32
        %dma_wait3A_333 = arith.constant 0 : i32
        %dma_wait3A_334 = tpu.memref_slice %arg12[%dma_wait3A_330, %dma_wait3A_332, %dma_wait3A_333] : memref<2x32x128xf32, #tpu.memory_space<vmem>> -> memref<1x32x128xf32, #tpu.memory_space<vmem>>
        %dma_wait3A_335 = tpu.memref_squeeze %dma_wait3A_334 : memref<1x32x128xf32, #tpu.memory_space<vmem>> -> memref<32x128xf32, #tpu.memory_space<vmem>>
        %dma_wait3A_336 = arith.constant 0 : i32
        %dma_wait3A_337 = arith.constant 0 : i32
        %dma_wait3A_338 = tpu.memref_slice %arg4[%arg0, %scan3A_30, %dma_wait3A_336, %dma_wait3A_337] : memref<2x8x80000x128xf32, #tpu.memory_space<hbm>> -> memref<1x1x32x128xf32, #tpu.memory_space<hbm>>
        %dma_wait3A_339 = tpu.memref_squeeze %dma_wait3A_338 : memref<1x1x32x128xf32, #tpu.memory_space<hbm>> -> memref<32x128xf32, #tpu.memory_space<hbm>>
        %dma_wait3A_340 = tpu.memref_slice %arg18[%dma_wait3A_331] : memref<2x!tpu.dma_semaphore, #tpu.memory_space<semaphore_mem>> -> memref<1x!tpu.dma_semaphore, #tpu.memory_space<semaphore_mem>>
        %dma_wait3A_341 = tpu.memref_squeeze %dma_wait3A_340 : memref<1x!tpu.dma_semaphore, #tpu.memory_space<semaphore_mem>> -> memref<!tpu.dma_semaphore, #tpu.memory_space<semaphore_mem>>
        %dma_wait3A_342 = arith.constant 0 : i32
        %dma_wait3A_343 = arith.constant 0 : i32
        %dma_wait3A_344 = tpu.memref_slice %arg12[%dma_wait3A_330, %dma_wait3A_342, %dma_wait3A_343] : memref<2x32x128xf32, #tpu.memory_space<vmem>> -> memref<1x32x128xf32, #tpu.memory_space<vmem>>
        %dma_wait3A_345 = tpu.memref_squeeze %dma_wait3A_344 : memref<1x32x128xf32, #tpu.memory_space<vmem>> -> memref<32x128xf32, #tpu.memory_space<vmem>>
        %dma_wait3A_346 = arith.constant 0 : i32
        %dma_wait3A_347 = arith.constant 0 : i32
        %dma_wait3A_348 = tpu.memref_slice %arg4[%arg0, %scan3A_30, %dma_wait3A_346, %dma_wait3A_347] : memref<2x8x80000x128xf32, #tpu.memory_space<hbm>> -> memref<1x1x32x128xf32, #tpu.memory_space<hbm>>
        %dma_wait3A_349 = tpu.memref_squeeze %dma_wait3A_348 : memref<1x1x32x128xf32, #tpu.memory_space<hbm>> -> memref<32x128xf32, #tpu.memory_space<hbm>>
        tpu.wait_dma2 semaphore(%dma_wait3A_341 : memref<!tpu.dma_semaphore, #tpu.memory_space<semaphore_mem>>) src(%dma_wait3A_349 : memref<32x128xf32, #tpu.memory_space<hbm>>) dst(%dma_wait3A_345 : memref<32x128xf32, #tpu.memory_space<vmem>>)
        %dma_wait3A_350 = arith.constant 0 : i32
        %dma_wait3A_351 = arith.constant 0 : i32
        %dma_wait3A_352 = arith.constant 0 : i32
        %dma_wait3A_353 = arith.constant 0 : i32
        %dma_wait3A_354 = arith.constant 0 : i32
        %dma_wait3A_355 = tpu.memref_slice %arg13[%dma_wait3A_351, %dma_wait3A_353, %dma_wait3A_354] : memref<2x128x32xf32, #tpu.memory_space<vmem>> -> memref<1x128x32xf32, #tpu.memory_space<vmem>>
        %dma_wait3A_356 = tpu.memref_squeeze %dma_wait3A_355 : memref<1x128x32xf32, #tpu.memory_space<vmem>> -> memref<128x32xf32, #tpu.memory_space<vmem>>
        %dma_wait3A_357 = arith.constant 0 : i32
        %dma_wait3A_358 = tpu.memref_slice %arg10[%dma_wait3A_350, %dma_wait3A_357] : memref<160x128xi32, #tpu.memory_space<vmem>> -> memref<1x128xi32, #tpu.memory_space<vmem>>
        %dma_wait3A_359 = tpu.memref_squeeze %dma_wait3A_358 : memref<1x128xi32, #tpu.memory_space<vmem>> -> memref<128xi32, #tpu.memory_space<vmem>>
        %dma_wait3A_360 = arith.constant 0 : i32
        %dma_wait3A_361 = arith.constant 0 : i32
        %dma_wait3A_362 = tpu.memref_slice %arg2[%arg0, %scan3A_30, %dma_wait3A_360, %dma_wait3A_361] : memref<2x8x10240x32xf32, #tpu.memory_space<hbm>> -> memref<1x1x10240x32xf32, #tpu.memory_space<hbm>>
        %dma_wait3A_363 = tpu.memref_squeeze %dma_wait3A_362 : memref<1x1x10240x32xf32, #tpu.memory_space<hbm>> -> memref<10240x32xf32, #tpu.memory_space<hbm>>
        %dma_wait3A_364 = arith.constant 0 : i32
        %dma_wait3A_365 = arith.constant 0 : i32
        %dma_wait3A_366 = tpu.memref_slice %dma_wait3A_363[%dma_wait3A_364, %dma_wait3A_365] : memref<10240x32xf32, #tpu.memory_space<hbm>> -> memref<10240x32xf32, #tpu.memory_space<hbm>>
        %dma_wait3A_367 = tpu.memref_slice %arg19[%dma_wait3A_352] : memref<2x!tpu.dma_semaphore, #tpu.memory_space<semaphore_mem>> -> memref<1x!tpu.dma_semaphore, #tpu.memory_space<semaphore_mem>>
        %dma_wait3A_368 = tpu.memref_squeeze %dma_wait3A_367 : memref<1x!tpu.dma_semaphore, #tpu.memory_space<semaphore_mem>> -> memref<!tpu.dma_semaphore, #tpu.memory_space<semaphore_mem>>
        tpu.wait_indirect_dma semaphore(%dma_wait3A_368 : memref<!tpu.dma_semaphore, #tpu.memory_space<semaphore_mem>>) src(%dma_wait3A_366 : memref<10240x32xf32, #tpu.memory_space<hbm>>) dst(%dma_wait3A_356 : memref<128x32xf32, #tpu.memory_space<vmem>>)
        %dma_wait3A_369 = arith.constant 0 : i32
        %dma_wait3A_370 = arith.constant 0 : i32
        %dma_wait3A_371 = arith.constant 0 : i32
        %dma_wait3A_372 = arith.constant 0 : i32
        %dma_wait3A_373 = arith.constant 0 : i32
        %dma_wait3A_374 = tpu.memref_slice %arg14[%dma_wait3A_370, %dma_wait3A_372, %dma_wait3A_373] : memref<2x128x32xf32, #tpu.memory_space<vmem>> -> memref<1x128x32xf32, #tpu.memory_space<vmem>>
        %dma_wait3A_375 = tpu.memref_squeeze %dma_wait3A_374 : memref<1x128x32xf32, #tpu.memory_space<vmem>> -> memref<128x32xf32, #tpu.memory_space<vmem>>
        %dma_wait3A_376 = arith.constant 0 : i32
        %dma_wait3A_377 = tpu.memref_slice %arg11[%dma_wait3A_369, %dma_wait3A_376] : memref<160x128xi32, #tpu.memory_space<vmem>> -> memref<1x128xi32, #tpu.memory_space<vmem>>
        %dma_wait3A_378 = tpu.memref_squeeze %dma_wait3A_377 : memref<1x128xi32, #tpu.memory_space<vmem>> -> memref<128xi32, #tpu.memory_space<vmem>>
        %dma_wait3A_379 = arith.constant 0 : i32
        %dma_wait3A_380 = arith.constant 0 : i32
        %dma_wait3A_381 = tpu.memref_slice %arg3[%arg0, %scan3A_30, %dma_wait3A_379, %dma_wait3A_380] : memref<2x8x10240x32xf32, #tpu.memory_space<hbm>> -> memref<1x1x10240x32xf32, #tpu.memory_space<hbm>>
        %dma_wait3A_382 = tpu.memref_squeeze %dma_wait3A_381 : memref<1x1x10240x32xf32, #tpu.memory_space<hbm>> -> memref<10240x32xf32, #tpu.memory_space<hbm>>
        %dma_wait3A_383 = arith.constant 0 : i32
        %dma_wait3A_384 = arith.constant 0 : i32
        %dma_wait3A_385 = tpu.memref_slice %dma_wait3A_382[%dma_wait3A_383, %dma_wait3A_384] : memref<10240x32xf32, #tpu.memory_space<hbm>> -> memref<10240x32xf32, #tpu.memory_space<hbm>>
        %dma_wait3A_386 = tpu.memref_slice %arg20[%dma_wait3A_371] : memref<2x!tpu.dma_semaphore, #tpu.memory_space<semaphore_mem>> -> memref<1x!tpu.dma_semaphore, #tpu.memory_space<semaphore_mem>>
        %dma_wait3A_387 = tpu.memref_squeeze %dma_wait3A_386 : memref<1x!tpu.dma_semaphore, #tpu.memory_space<semaphore_mem>> -> memref<!tpu.dma_semaphore, #tpu.memory_space<semaphore_mem>>
        tpu.wait_indirect_dma semaphore(%dma_wait3A_387 : memref<!tpu.dma_semaphore, #tpu.memory_space<semaphore_mem>>) src(%dma_wait3A_385 : memref<10240x32xf32, #tpu.memory_space<hbm>>) dst(%dma_wait3A_375 : memref<128x32xf32, #tpu.memory_space<vmem>>)
        %gt3A = arith.constant 0 : i32
        %gt3A_388 = arith.cmpi sgt, %scan3A_324, %gt3A : i32
        %convert_element_type3A = arith.extui %gt3A_388 : i1 to i32
        %cond3A = arith.constant 0 : i32
        %cond3A_389 = arith.cmpi ne, %convert_element_type3A, %cond3A : i32
        scf.if %cond3A_389 {
          %dma_wait3A_644 = arith.constant 0 : i32
          %dma_wait3A_645 = arith.constant 0 : i32
          %dma_wait3A_646 = arith.constant 0 : i32
          %dma_wait3A_647 = arith.constant 0 : i32
          %dma_wait3A_648 = arith.constant 0 : i32
          %dma_wait3A_649 = tpu.memref_slice %arg15[%dma_wait3A_644, %dma_wait3A_647, %dma_wait3A_648] : memref<2x128x48xf32, #tpu.memory_space<vmem>> -> memref<1x128x48xf32, #tpu.memory_space<vmem>>
          %dma_wait3A_650 = tpu.memref_squeeze %dma_wait3A_649 : memref<1x128x48xf32, #tpu.memory_space<vmem>> -> memref<128x48xf32, #tpu.memory_space<vmem>>
          %dma_wait3A_651 = arith.constant 0 : i32
          %dma_wait3A_652 = tpu.memref_slice %arg11[%dma_wait3A_645, %dma_wait3A_651] : memref<160x128xi32, #tpu.memory_space<vmem>> -> memref<1x128xi32, #tpu.memory_space<vmem>>
          %dma_wait3A_653 = tpu.memref_squeeze %dma_wait3A_652 : memref<1x128xi32, #tpu.memory_space<vmem>> -> memref<128xi32, #tpu.memory_space<vmem>>
          %dma_wait3A_654 = arith.constant 0 : i32
          %dma_wait3A_655 = arith.constant 0 : i32
          %dma_wait3A_656 = tpu.memref_slice %arg9[%dma_wait3A_654, %dma_wait3A_655] : memref<10240x48xf32, #tpu.memory_space<vmem_shared>> -> memref<10240x48xf32, #tpu.memory_space<vmem_shared>>
          %dma_wait3A_657 = tpu.memref_slice %arg21[%dma_wait3A_646] : memref<2x!tpu.dma_semaphore, #tpu.memory_space<semaphore_mem>> -> memref<1x!tpu.dma_semaphore, #tpu.memory_space<semaphore_mem>>
          %dma_wait3A_658 = tpu.memref_squeeze %dma_wait3A_657 : memref<1x!tpu.dma_semaphore, #tpu.memory_space<semaphore_mem>> -> memref<!tpu.dma_semaphore, #tpu.memory_space<semaphore_mem>>
          tpu.wait_indirect_dma semaphore(%dma_wait3A_658 : memref<!tpu.dma_semaphore, #tpu.memory_space<semaphore_mem>>) src(%dma_wait3A_650 : memref<128x48xf32, #tpu.memory_space<vmem>>) dst(%dma_wait3A_656 : memref<10240x48xf32, #tpu.memory_space<vmem_shared>>)
        } else {
        }
        %scan3A_390 = arith.constant 0 : i32
        %scan3A_391 = arith.constant 0 : i32
        %scan3A_392 = arith.constant 0 : i32
        %scan3A_393 = arith.constant 0 : i32
        %scan3A_394 = arith.constant 0 : i32
        %scan3A_395 = arith.constant 0 : i32
        %scan3A_396 = arith.constant 8 : i32
        %scan3A_397 = arith.addi %scan3A_395, %scan3A_396 : i32
        %scan3A_398 = arith.constant 1 : i32
        %scan3A_399 = scf.for %scan3A_644 = %scan3A_395 to %scan3A_397 step %scan3A_398 iter_args(%scan3A_645 = %scan3A_394) -> (i32)  : i32 {
          %mul3A_646 = arith.constant 16 : i32
          %mul3A_647 = arith.muli %scan3A_644, %mul3A_646 : i32
          %add3A_648 = vector.broadcast %mul3A_647 : i32 to vector<16xi32>
          %add3A_649 = arith.addi %add3A_648, %iota3A : vector<16xi32>
          %mul3A_650 = arith.constant 32 : i32
          %mul3A_651 = vector.broadcast %mul3A_650 : i32 to vector<16xi32>
          %mul3A_652 = arith.muli %add3A_649, %mul3A_651 : vector<16xi32>
          %broadcast_in_dim3A_653 = arith.constant 0.000000e+00 : f32
          %broadcast_in_dim3A_654 = vector.broadcast %broadcast_in_dim3A_653 : f32 to vector<16xf32>
          %scan3A_655 = arith.constant 0 : i32
          %scan3A_656 = arith.constant 8 : i32
          %scan3A_657 = arith.addi %scan3A_655, %scan3A_656 : i32
          %scan3A_658 = arith.constant 1 : i32
          %scan3A_659 = scf.for %scan3A_674 = %scan3A_655 to %scan3A_657 step %scan3A_658 iter_args(%scan3A_675 = %broadcast_in_dim3A_654) -> (vector<16xf32>)  : i32 {
            %mul3A_676 = arith.constant 4 : i32
            %mul3A_677 = arith.muli %scan3A_674, %mul3A_676 : i32
            %add3A_678 = arith.constant 0 : i32
            %add3A_679 = arith.addi %mul3A_677, %add3A_678 : i32
            %add3A_680 = vector.broadcast %add3A_679 : i32 to vector<16xi32>
            %add3A_681 = arith.addi %add3A_680, %iota3A : vector<16xi32>
            %and3A = arith.constant 31 : i32
            %and3A_682 = vector.broadcast %and3A : i32 to vector<16xi32>
            %and3A_683 = arith.andi %add3A_681, %and3A_682 : vector<16xi32>
            %add3A_684 = arith.addi %mul3A_652, %and3A_683 : vector<16xi32>
            %gather3A = arith.constant 0 : i32
            %gather3A_685 = arith.constant 0 : i32
            %gather3A_686 = tpu.memref_slice %arg13[%scan3A_390, %gather3A, %gather3A_685] : memref<2x128x32xf32, #tpu.memory_space<vmem>> -> memref<1x128x32xf32, #tpu.memory_space<vmem>>
            %gather3A_687 = tpu.memref_squeeze %gather3A_686 : memref<1x128x32xf32, #tpu.memory_space<vmem>> -> memref<128x32xf32, #tpu.memory_space<vmem>>
            %gather3A_688 = tpu.vector_load_idx %gather3A_687[%add3A_649, %and3A_683] : memref<128x32xf32, #tpu.memory_space<vmem>>[vector<16xi32>, vector<16xi32>], vector<16xf32>,
            %gather3A_689 = arith.constant 0 : i32
            %gather3A_690 = arith.constant 0 : i32
            %gather3A_691 = tpu.memref_slice %arg14[%scan3A_391, %gather3A_689, %gather3A_690] : memref<2x128x32xf32, #tpu.memory_space<vmem>> -> memref<1x128x32xf32, #tpu.memory_space<vmem>>
            %gather3A_692 = tpu.memref_squeeze %gather3A_691 : memref<1x128x32xf32, #tpu.memory_space<vmem>> -> memref<128x32xf32, #tpu.memory_space<vmem>>
            %gather3A_693 = tpu.vector_load_idx %gather3A_692[%add3A_649, %and3A_683] : memref<128x32xf32, #tpu.memory_space<vmem>>[vector<16xi32>, vector<16xi32>], vector<16xf32>,
            %shift_right_arithmetic3A_694 = arith.constant 7 : i32
            %shift_right_arithmetic3A_695 = vector.broadcast %shift_right_arithmetic3A_694 : i32 to vector<16xi32>
            %shift_right_arithmetic3A_696 = arith.shrsi %add3A_684, %shift_right_arithmetic3A_695 : vector<16xi32>
            %and3A_697 = arith.constant 127 : i32
            %and3A_698 = vector.broadcast %and3A_697 : i32 to vector<16xi32>
            %and3A_699 = arith.andi %add3A_684, %and3A_698 : vector<16xi32>
            %gather3A_700 = arith.constant 0 : i32
            %gather3A_701 = arith.constant 0 : i32
            %gather3A_702 = tpu.memref_slice %arg12[%scan3A_392, %gather3A_700, %gather3A_701] : memref<2x32x128xf32, #tpu.memory_space<vmem>> -> memref<1x32x128xf32, #tpu.memory_space<vmem>>
            %gather3A_703 = tpu.memref_squeeze %gather3A_702 : memref<1x32x128xf32, #tpu.memory_space<vmem>> -> memref<32x128xf32, #tpu.memory_space<vmem>>
            %gather3A_704 = tpu.vector_load_idx %gather3A_703[%shift_right_arithmetic3A_696, %and3A_699] : memref<32x128xf32, #tpu.memory_space<vmem>>[vector<16xi32>, vector<16xi32>], vector<16xf32>,
            %gather3A_705 = tpu.vector_load_idx %arg16[%broadcast_in_dim3A_3, %and3A_683] : memref<1x32xf32, #tpu.memory_space<vmem>>[vector<16xi32>, vector<16xi32>], vector<16xf32>,
            %add3A_706 = arith.addf %gather3A_688, %gather3A_693 : vector<16xf32>
            %add3A_707 = arith.addf %add3A_706, %gather3A_704 : vector<16xf32>
            %mul3A_708 = arith.constant 2.000000e-01 : f32
            %mul3A_709 = vector.broadcast %mul3A_708 : f32 to vector<16xf32>
            %mul3A_710 = arith.mulf %mul3A_709, %add3A_707 : vector<16xf32>
            %max3A = arith.maximumf %add3A_707, %mul3A_710 : vector<16xf32>
            %mul3A_711 = arith.mulf %max3A, %gather3A_705 : vector<16xf32>
            %add3A_712 = arith.addf %scan3A_675, %mul3A_711 : vector<16xf32>
            %add3A_713 = arith.constant 1 : i32
            %add3A_714 = arith.addi %mul3A_677, %add3A_713 : i32
            %add3A_715 = vector.broadcast %add3A_714 : i32 to vector<16xi32>
            %add3A_716 = arith.addi %add3A_715, %iota3A : vector<16xi32>
            %and3A_717 = arith.constant 31 : i32
            %and3A_718 = vector.broadcast %and3A_717 : i32 to vector<16xi32>
            %and3A_719 = arith.andi %add3A_716, %and3A_718 : vector<16xi32>
            %add3A_720 = arith.addi %mul3A_652, %and3A_719 : vector<16xi32>
            %gather3A_721 = arith.constant 0 : i32
            %gather3A_722 = arith.constant 0 : i32
            %gather3A_723 = tpu.memref_slice %arg13[%scan3A_390, %gather3A_721, %gather3A_722] : memref<2x128x32xf32, #tpu.memory_space<vmem>> -> memref<1x128x32xf32, #tpu.memory_space<vmem>>
            %gather3A_724 = tpu.memref_squeeze %gather3A_723 : memref<1x128x32xf32, #tpu.memory_space<vmem>> -> memref<128x32xf32, #tpu.memory_space<vmem>>
            %gather3A_725 = tpu.vector_load_idx %gather3A_724[%add3A_649, %and3A_719] : memref<128x32xf32, #tpu.memory_space<vmem>>[vector<16xi32>, vector<16xi32>], vector<16xf32>,
            %gather3A_726 = arith.constant 0 : i32
            %gather3A_727 = arith.constant 0 : i32
            %gather3A_728 = tpu.memref_slice %arg14[%scan3A_391, %gather3A_726, %gather3A_727] : memref<2x128x32xf32, #tpu.memory_space<vmem>> -> memref<1x128x32xf32, #tpu.memory_space<vmem>>
            %gather3A_729 = tpu.memref_squeeze %gather3A_728 : memref<1x128x32xf32, #tpu.memory_space<vmem>> -> memref<128x32xf32, #tpu.memory_space<vmem>>
            %gather3A_730 = tpu.vector_load_idx %gather3A_729[%add3A_649, %and3A_719] : memref<128x32xf32, #tpu.memory_space<vmem>>[vector<16xi32>, vector<16xi32>], vector<16xf32>,
            %shift_right_arithmetic3A_731 = arith.constant 7 : i32
            %shift_right_arithmetic3A_732 = vector.broadcast %shift_right_arithmetic3A_731 : i32 to vector<16xi32>
            %shift_right_arithmetic3A_733 = arith.shrsi %add3A_720, %shift_right_arithmetic3A_732 : vector<16xi32>
            %and3A_734 = arith.constant 127 : i32
            %and3A_735 = vector.broadcast %and3A_734 : i32 to vector<16xi32>
            %and3A_736 = arith.andi %add3A_720, %and3A_735 : vector<16xi32>
            %gather3A_737 = arith.constant 0 : i32
            %gather3A_738 = arith.constant 0 : i32
            %gather3A_739 = tpu.memref_slice %arg12[%scan3A_392, %gather3A_737, %gather3A_738] : memref<2x32x128xf32, #tpu.memory_space<vmem>> -> memref<1x32x128xf32, #tpu.memory_space<vmem>>
            %gather3A_740 = tpu.memref_squeeze %gather3A_739 : memref<1x32x128xf32, #tpu.memory_space<vmem>> -> memref<32x128xf32, #tpu.memory_space<vmem>>
            %gather3A_741 = tpu.vector_load_idx %gather3A_740[%shift_right_arithmetic3A_733, %and3A_736] : memref<32x128xf32, #tpu.memory_space<vmem>>[vector<16xi32>, vector<16xi32>], vector<16xf32>,
            %gather3A_742 = tpu.vector_load_idx %arg16[%broadcast_in_dim3A_3, %and3A_719] : memref<1x32xf32, #tpu.memory_space<vmem>>[vector<16xi32>, vector<16xi32>], vector<16xf32>,
            %add3A_743 = arith.addf %gather3A_725, %gather3A_730 : vector<16xf32>
            %add3A_744 = arith.addf %add3A_743, %gather3A_741 : vector<16xf32>
            %mul3A_745 = arith.constant 2.000000e-01 : f32
            %mul3A_746 = vector.broadcast %mul3A_745 : f32 to vector<16xf32>
            %mul3A_747 = arith.mulf %mul3A_746, %add3A_744 : vector<16xf32>
            %max3A_748 = arith.maximumf %add3A_744, %mul3A_747 : vector<16xf32>
            %mul3A_749 = arith.mulf %max3A_748, %gather3A_742 : vector<16xf32>
            %add3A_750 = arith.addf %add3A_712, %mul3A_749 : vector<16xf32>
            %add3A_751 = arith.constant 2 : i32
            %add3A_752 = arith.addi %mul3A_677, %add3A_751 : i32
            %add3A_753 = vector.broadcast %add3A_752 : i32 to vector<16xi32>
            %add3A_754 = arith.addi %add3A_753, %iota3A : vector<16xi32>
            %and3A_755 = arith.constant 31 : i32
            %and3A_756 = vector.broadcast %and3A_755 : i32 to vector<16xi32>
            %and3A_757 = arith.andi %add3A_754, %and3A_756 : vector<16xi32>
            %add3A_758 = arith.addi %mul3A_652, %and3A_757 : vector<16xi32>
            %gather3A_759 = arith.constant 0 : i32
            %gather3A_760 = arith.constant 0 : i32
            %gather3A_761 = tpu.memref_slice %arg13[%scan3A_390, %gather3A_759, %gather3A_760] : memref<2x128x32xf32, #tpu.memory_space<vmem>> -> memref<1x128x32xf32, #tpu.memory_space<vmem>>
            %gather3A_762 = tpu.memref_squeeze %gather3A_761 : memref<1x128x32xf32, #tpu.memory_space<vmem>> -> memref<128x32xf32, #tpu.memory_space<vmem>>
            %gather3A_763 = tpu.vector_load_idx %gather3A_762[%add3A_649, %and3A_757] : memref<128x32xf32, #tpu.memory_space<vmem>>[vector<16xi32>, vector<16xi32>], vector<16xf32>,
            %gather3A_764 = arith.constant 0 : i32
            %gather3A_765 = arith.constant 0 : i32
            %gather3A_766 = tpu.memref_slice %arg14[%scan3A_391, %gather3A_764, %gather3A_765] : memref<2x128x32xf32, #tpu.memory_space<vmem>> -> memref<1x128x32xf32, #tpu.memory_space<vmem>>
            %gather3A_767 = tpu.memref_squeeze %gather3A_766 : memref<1x128x32xf32, #tpu.memory_space<vmem>> -> memref<128x32xf32, #tpu.memory_space<vmem>>
            %gather3A_768 = tpu.vector_load_idx %gather3A_767[%add3A_649, %and3A_757] : memref<128x32xf32, #tpu.memory_space<vmem>>[vector<16xi32>, vector<16xi32>], vector<16xf32>,
            %shift_right_arithmetic3A_769 = arith.constant 7 : i32
            %shift_right_arithmetic3A_770 = vector.broadcast %shift_right_arithmetic3A_769 : i32 to vector<16xi32>
            %shift_right_arithmetic3A_771 = arith.shrsi %add3A_758, %shift_right_arithmetic3A_770 : vector<16xi32>
            %and3A_772 = arith.constant 127 : i32
            %and3A_773 = vector.broadcast %and3A_772 : i32 to vector<16xi32>
            %and3A_774 = arith.andi %add3A_758, %and3A_773 : vector<16xi32>
            %gather3A_775 = arith.constant 0 : i32
            %gather3A_776 = arith.constant 0 : i32
            %gather3A_777 = tpu.memref_slice %arg12[%scan3A_392, %gather3A_775, %gather3A_776] : memref<2x32x128xf32, #tpu.memory_space<vmem>> -> memref<1x32x128xf32, #tpu.memory_space<vmem>>
            %gather3A_778 = tpu.memref_squeeze %gather3A_777 : memref<1x32x128xf32, #tpu.memory_space<vmem>> -> memref<32x128xf32, #tpu.memory_space<vmem>>
            %gather3A_779 = tpu.vector_load_idx %gather3A_778[%shift_right_arithmetic3A_771, %and3A_774] : memref<32x128xf32, #tpu.memory_space<vmem>>[vector<16xi32>, vector<16xi32>], vector<16xf32>,
            %gather3A_780 = tpu.vector_load_idx %arg16[%broadcast_in_dim3A_3, %and3A_757] : memref<1x32xf32, #tpu.memory_space<vmem>>[vector<16xi32>, vector<16xi32>], vector<16xf32>,
            %add3A_781 = arith.addf %gather3A_763, %gather3A_768 : vector<16xf32>
            %add3A_782 = arith.addf %add3A_781, %gather3A_779 : vector<16xf32>
            %mul3A_783 = arith.constant 2.000000e-01 : f32
            %mul3A_784 = vector.broadcast %mul3A_783 : f32 to vector<16xf32>
            %mul3A_785 = arith.mulf %mul3A_784, %add3A_782 : vector<16xf32>
            %max3A_786 = arith.maximumf %add3A_782, %mul3A_785 : vector<16xf32>
            %mul3A_787 = arith.mulf %max3A_786, %gather3A_780 : vector<16xf32>
            %add3A_788 = arith.addf %add3A_750, %mul3A_787 : vector<16xf32>
            %add3A_789 = arith.constant 3 : i32
            %add3A_790 = arith.addi %mul3A_677, %add3A_789 : i32
            %add3A_791 = vector.broadcast %add3A_790 : i32 to vector<16xi32>
            %add3A_792 = arith.addi %add3A_791, %iota3A : vector<16xi32>
            %and3A_793 = arith.constant 31 : i32
            %and3A_794 = vector.broadcast %and3A_793 : i32 to vector<16xi32>
            %and3A_795 = arith.andi %add3A_792, %and3A_794 : vector<16xi32>
            %add3A_796 = arith.addi %mul3A_652, %and3A_795 : vector<16xi32>
            %gather3A_797 = arith.constant 0 : i32
            %gather3A_798 = arith.constant 0 : i32
            %gather3A_799 = tpu.memref_slice %arg13[%scan3A_390, %gather3A_797, %gather3A_798] : memref<2x128x32xf32, #tpu.memory_space<vmem>> -> memref<1x128x32xf32, #tpu.memory_space<vmem>>
            %gather3A_800 = tpu.memref_squeeze %gather3A_799 : memref<1x128x32xf32, #tpu.memory_space<vmem>> -> memref<128x32xf32, #tpu.memory_space<vmem>>
            %gather3A_801 = tpu.vector_load_idx %gather3A_800[%add3A_649, %and3A_795] : memref<128x32xf32, #tpu.memory_space<vmem>>[vector<16xi32>, vector<16xi32>], vector<16xf32>,
            %gather3A_802 = arith.constant 0 : i32
            %gather3A_803 = arith.constant 0 : i32
            %gather3A_804 = tpu.memref_slice %arg14[%scan3A_391, %gather3A_802, %gather3A_803] : memref<2x128x32xf32, #tpu.memory_space<vmem>> -> memref<1x128x32xf32, #tpu.memory_space<vmem>>
            %gather3A_805 = tpu.memref_squeeze %gather3A_804 : memref<1x128x32xf32, #tpu.memory_space<vmem>> -> memref<128x32xf32, #tpu.memory_space<vmem>>
            %gather3A_806 = tpu.vector_load_idx %gather3A_805[%add3A_649, %and3A_795] : memref<128x32xf32, #tpu.memory_space<vmem>>[vector<16xi32>, vector<16xi32>], vector<16xf32>,
            %shift_right_arithmetic3A_807 = arith.constant 7 : i32
            %shift_right_arithmetic3A_808 = vector.broadcast %shift_right_arithmetic3A_807 : i32 to vector<16xi32>
            %shift_right_arithmetic3A_809 = arith.shrsi %add3A_796, %shift_right_arithmetic3A_808 : vector<16xi32>
            %and3A_810 = arith.constant 127 : i32
            %and3A_811 = vector.broadcast %and3A_810 : i32 to vector<16xi32>
            %and3A_812 = arith.andi %add3A_796, %and3A_811 : vector<16xi32>
            %gather3A_813 = arith.constant 0 : i32
            %gather3A_814 = arith.constant 0 : i32
            %gather3A_815 = tpu.memref_slice %arg12[%scan3A_392, %gather3A_813, %gather3A_814] : memref<2x32x128xf32, #tpu.memory_space<vmem>> -> memref<1x32x128xf32, #tpu.memory_space<vmem>>
            %gather3A_816 = tpu.memref_squeeze %gather3A_815 : memref<1x32x128xf32, #tpu.memory_space<vmem>> -> memref<32x128xf32, #tpu.memory_space<vmem>>
            %gather3A_817 = tpu.vector_load_idx %gather3A_816[%shift_right_arithmetic3A_809, %and3A_812] : memref<32x128xf32, #tpu.memory_space<vmem>>[vector<16xi32>, vector<16xi32>], vector<16xf32>,
            %gather3A_818 = tpu.vector_load_idx %arg16[%broadcast_in_dim3A_3, %and3A_795] : memref<1x32xf32, #tpu.memory_space<vmem>>[vector<16xi32>, vector<16xi32>], vector<16xf32>,
            %add3A_819 = arith.addf %gather3A_801, %gather3A_806 : vector<16xf32>
            %add3A_820 = arith.addf %add3A_819, %gather3A_817 : vector<16xf32>
            %mul3A_821 = arith.constant 2.000000e-01 : f32
            %mul3A_822 = vector.broadcast %mul3A_821 : f32 to vector<16xf32>
            %mul3A_823 = arith.mulf %mul3A_822, %add3A_820 : vector<16xf32>
            %max3A_824 = arith.maximumf %add3A_820, %mul3A_823 : vector<16xf32>
            %mul3A_825 = arith.mulf %max3A_824, %gather3A_818 : vector<16xf32>
            %add3A_826 = arith.addf %add3A_788, %mul3A_825 : vector<16xf32>
            scf.yield %add3A_826 : vector<16xf32>
          }
          %scan3A_660 = arith.constant 8 : i32
          %exp3A = math.exp %scan3A_659 : vector<16xf32>
          %scan3A_661 = arith.constant 0 : i32
          %scan3A_662 = arith.constant 0 : i32
          %scan3A_663 = arith.constant 8 : i32
          %scan3A_664 = arith.addi %scan3A_662, %scan3A_663 : i32
          %scan3A_665 = arith.constant 1 : i32
          %scan3A_666 = scf.for %scan3A_674 = %scan3A_662 to %scan3A_664 step %scan3A_665 iter_args(%scan3A_675 = %scan3A_661) -> (i32)  : i32 {
            %mul3A_676 = arith.constant 4 : i32
            %mul3A_677 = arith.muli %scan3A_674, %mul3A_676 : i32
            %add3A_678 = arith.constant 0 : i32
            %add3A_679 = arith.addi %mul3A_677, %add3A_678 : i32
            %add3A_680 = vector.broadcast %add3A_679 : i32 to vector<16xi32>
            %add3A_681 = arith.addi %add3A_680, %iota3A : vector<16xi32>
            %and3A = arith.constant 31 : i32
            %and3A_682 = vector.broadcast %and3A : i32 to vector<16xi32>
            %and3A_683 = arith.andi %add3A_681, %and3A_682 : vector<16xi32>
            %gather3A = arith.constant 0 : i32
            %gather3A_684 = arith.constant 0 : i32
            %gather3A_685 = tpu.memref_slice %arg13[%scan3A_390, %gather3A, %gather3A_684] : memref<2x128x32xf32, #tpu.memory_space<vmem>> -> memref<1x128x32xf32, #tpu.memory_space<vmem>>
            %gather3A_686 = tpu.memref_squeeze %gather3A_685 : memref<1x128x32xf32, #tpu.memory_space<vmem>> -> memref<128x32xf32, #tpu.memory_space<vmem>>
            %gather3A_687 = tpu.vector_load_idx %gather3A_686[%add3A_649, %and3A_683] : memref<128x32xf32, #tpu.memory_space<vmem>>[vector<16xi32>, vector<16xi32>], vector<16xf32>,
            %mul3A_688 = arith.mulf %exp3A, %gather3A_687 : vector<16xf32>
            %scatter3A_689 = arith.constant 0 : i32
            %scatter3A_690 = arith.constant 0 : i32
            %scatter3A_691 = tpu.memref_slice %arg15[%scan3A_393, %scatter3A_689, %scatter3A_690] : memref<2x128x48xf32, #tpu.memory_space<vmem>> -> memref<1x128x48xf32, #tpu.memory_space<vmem>>
            %scatter3A_692 = tpu.memref_squeeze %scatter3A_691 : memref<1x128x48xf32, #tpu.memory_space<vmem>> -> memref<128x48xf32, #tpu.memory_space<vmem>>
            tpu.vector_store_idx %scatter3A_692[%add3A_649, %and3A_683], %mul3A_688 : memref<128x48xf32, #tpu.memory_space<vmem>>[vector<16xi32>, vector<16xi32>], vector<16xf32>,
            %add3A_693 = arith.constant 1 : i32
            %add3A_694 = arith.addi %mul3A_677, %add3A_693 : i32
            %add3A_695 = vector.broadcast %add3A_694 : i32 to vector<16xi32>
            %add3A_696 = arith.addi %add3A_695, %iota3A : vector<16xi32>
            %and3A_697 = arith.constant 31 : i32
            %and3A_698 = vector.broadcast %and3A_697 : i32 to vector<16xi32>
            %and3A_699 = arith.andi %add3A_696, %and3A_698 : vector<16xi32>
            %gather3A_700 = arith.constant 0 : i32
            %gather3A_701 = arith.constant 0 : i32
            %gather3A_702 = tpu.memref_slice %arg13[%scan3A_390, %gather3A_700, %gather3A_701] : memref<2x128x32xf32, #tpu.memory_space<vmem>> -> memref<1x128x32xf32, #tpu.memory_space<vmem>>
            %gather3A_703 = tpu.memref_squeeze %gather3A_702 : memref<1x128x32xf32, #tpu.memory_space<vmem>> -> memref<128x32xf32, #tpu.memory_space<vmem>>
            %gather3A_704 = tpu.vector_load_idx %gather3A_703[%add3A_649, %and3A_699] : memref<128x32xf32, #tpu.memory_space<vmem>>[vector<16xi32>, vector<16xi32>], vector<16xf32>,
            %mul3A_705 = arith.mulf %exp3A, %gather3A_704 : vector<16xf32>
            %scatter3A_706 = arith.constant 0 : i32
            %scatter3A_707 = arith.constant 0 : i32
            %scatter3A_708 = tpu.memref_slice %arg15[%scan3A_393, %scatter3A_706, %scatter3A_707] : memref<2x128x48xf32, #tpu.memory_space<vmem>> -> memref<1x128x48xf32, #tpu.memory_space<vmem>>
            %scatter3A_709 = tpu.memref_squeeze %scatter3A_708 : memref<1x128x48xf32, #tpu.memory_space<vmem>> -> memref<128x48xf32, #tpu.memory_space<vmem>>
            tpu.vector_store_idx %scatter3A_709[%add3A_649, %and3A_699], %mul3A_705 : memref<128x48xf32, #tpu.memory_space<vmem>>[vector<16xi32>, vector<16xi32>], vector<16xf32>,
            %add3A_710 = arith.constant 2 : i32
            %add3A_711 = arith.addi %mul3A_677, %add3A_710 : i32
            %add3A_712 = vector.broadcast %add3A_711 : i32 to vector<16xi32>
            %add3A_713 = arith.addi %add3A_712, %iota3A : vector<16xi32>
            %and3A_714 = arith.constant 31 : i32
            %and3A_715 = vector.broadcast %and3A_714 : i32 to vector<16xi32>
            %and3A_716 = arith.andi %add3A_713, %and3A_715 : vector<16xi32>
            %gather3A_717 = arith.constant 0 : i32
            %gather3A_718 = arith.constant 0 : i32
            %gather3A_719 = tpu.memref_slice %arg13[%scan3A_390, %gather3A_717, %gather3A_718] : memref<2x128x32xf32, #tpu.memory_space<vmem>> -> memref<1x128x32xf32, #tpu.memory_space<vmem>>
            %gather3A_720 = tpu.memref_squeeze %gather3A_719 : memref<1x128x32xf32, #tpu.memory_space<vmem>> -> memref<128x32xf32, #tpu.memory_space<vmem>>
            %gather3A_721 = tpu.vector_load_idx %gather3A_720[%add3A_649, %and3A_716] : memref<128x32xf32, #tpu.memory_space<vmem>>[vector<16xi32>, vector<16xi32>], vector<16xf32>,
            %mul3A_722 = arith.mulf %exp3A, %gather3A_721 : vector<16xf32>
            %scatter3A_723 = arith.constant 0 : i32
            %scatter3A_724 = arith.constant 0 : i32
            %scatter3A_725 = tpu.memref_slice %arg15[%scan3A_393, %scatter3A_723, %scatter3A_724] : memref<2x128x48xf32, #tpu.memory_space<vmem>> -> memref<1x128x48xf32, #tpu.memory_space<vmem>>
            %scatter3A_726 = tpu.memref_squeeze %scatter3A_725 : memref<1x128x48xf32, #tpu.memory_space<vmem>> -> memref<128x48xf32, #tpu.memory_space<vmem>>
            tpu.vector_store_idx %scatter3A_726[%add3A_649, %and3A_716], %mul3A_722 : memref<128x48xf32, #tpu.memory_space<vmem>>[vector<16xi32>, vector<16xi32>], vector<16xf32>,
            %add3A_727 = arith.constant 3 : i32
            %add3A_728 = arith.addi %mul3A_677, %add3A_727 : i32
            %add3A_729 = vector.broadcast %add3A_728 : i32 to vector<16xi32>
            %add3A_730 = arith.addi %add3A_729, %iota3A : vector<16xi32>
            %and3A_731 = arith.constant 31 : i32
            %and3A_732 = vector.broadcast %and3A_731 : i32 to vector<16xi32>
            %and3A_733 = arith.andi %add3A_730, %and3A_732 : vector<16xi32>
            %gather3A_734 = arith.constant 0 : i32
            %gather3A_735 = arith.constant 0 : i32
            %gather3A_736 = tpu.memref_slice %arg13[%scan3A_390, %gather3A_734, %gather3A_735] : memref<2x128x32xf32, #tpu.memory_space<vmem>> -> memref<1x128x32xf32, #tpu.memory_space<vmem>>
            %gather3A_737 = tpu.memref_squeeze %gather3A_736 : memref<1x128x32xf32, #tpu.memory_space<vmem>> -> memref<128x32xf32, #tpu.memory_space<vmem>>
            %gather3A_738 = tpu.vector_load_idx %gather3A_737[%add3A_649, %and3A_733] : memref<128x32xf32, #tpu.memory_space<vmem>>[vector<16xi32>, vector<16xi32>], vector<16xf32>,
            %mul3A_739 = arith.mulf %exp3A, %gather3A_738 : vector<16xf32>
            %scatter3A_740 = arith.constant 0 : i32
            %scatter3A_741 = arith.constant 0 : i32
            %scatter3A_742 = tpu.memref_slice %arg15[%scan3A_393, %scatter3A_740, %scatter3A_741] : memref<2x128x48xf32, #tpu.memory_space<vmem>> -> memref<1x128x48xf32, #tpu.memory_space<vmem>>
            %scatter3A_743 = tpu.memref_squeeze %scatter3A_742 : memref<1x128x48xf32, #tpu.memory_space<vmem>> -> memref<128x48xf32, #tpu.memory_space<vmem>>
            tpu.vector_store_idx %scatter3A_743[%add3A_649, %and3A_733], %mul3A_739 : memref<128x48xf32, #tpu.memory_space<vmem>>[vector<16xi32>, vector<16xi32>], vector<16xf32>,
            %scan3A_744 = arith.constant 0 : i32
            scf.yield %scan3A_744 : i32
          }
          %scan3A_667 = arith.constant 8 : i32
          %broadcast_in_dim3A_668 = arith.constant 32 : i32
          %broadcast_in_dim3A_669 = vector.broadcast %broadcast_in_dim3A_668 : i32 to vector<16xi32>
          %scatter3A = arith.constant 0 : i32
          %scatter3A_670 = arith.constant 0 : i32
          %scatter3A_671 = tpu.memref_slice %arg15[%scan3A_393, %scatter3A, %scatter3A_670] : memref<2x128x48xf32, #tpu.memory_space<vmem>> -> memref<1x128x48xf32, #tpu.memory_space<vmem>>
          %scatter3A_672 = tpu.memref_squeeze %scatter3A_671 : memref<1x128x48xf32, #tpu.memory_space<vmem>> -> memref<128x48xf32, #tpu.memory_space<vmem>>
          tpu.vector_store_idx %scatter3A_672[%add3A_649, %broadcast_in_dim3A_669], %exp3A : memref<128x48xf32, #tpu.memory_space<vmem>>[vector<16xi32>, vector<16xi32>], vector<16xf32>,
          %scan3A_673 = arith.constant 0 : i32
          scf.yield %scan3A_673 : i32
        }
        %scan3A_400 = arith.constant 8 : i32
        %dma_start3A_401 = arith.constant 0 : i32
        %dma_start3A_402 = arith.constant 0 : i32
        %dma_start3A_403 = arith.constant 0 : i32
        %dma_start3A_404 = arith.constant 0 : i32
        %dma_start3A_405 = tpu.memref_slice %arg15[%dma_start3A_401, %dma_start3A_403, %dma_start3A_404] : memref<2x128x48xf32, #tpu.memory_space<vmem>> -> memref<1x128x48xf32, #tpu.memory_space<vmem>>
        %dma_start3A_406 = tpu.memref_squeeze %dma_start3A_405 : memref<1x128x48xf32, #tpu.memory_space<vmem>> -> memref<128x48xf32, #tpu.memory_space<vmem>>
        %dma_start3A_407 = arith.constant 0 : i32
        %dma_start3A_408 = tpu.memref_slice %arg11[%add3A_329, %dma_start3A_407] : memref<160x128xi32, #tpu.memory_space<vmem>> -> memref<1x128xi32, #tpu.memory_space<vmem>>
        %dma_start3A_409 = tpu.memref_squeeze %dma_start3A_408 : memref<1x128xi32, #tpu.memory_space<vmem>> -> memref<128xi32, #tpu.memory_space<vmem>>
        %dma_start3A_410 = arith.constant 0 : i32
        %dma_start3A_411 = arith.constant 0 : i32
        %dma_start3A_412 = tpu.memref_slice %arg9[%dma_start3A_410, %dma_start3A_411] : memref<10240x48xf32, #tpu.memory_space<vmem_shared>> -> memref<10240x48xf32, #tpu.memory_space<vmem_shared>>
        %dma_start3A_413 = tpu.memref_slice %arg21[%dma_start3A_402] : memref<2x!tpu.dma_semaphore, #tpu.memory_space<semaphore_mem>> -> memref<1x!tpu.dma_semaphore, #tpu.memory_space<semaphore_mem>>
        %dma_start3A_414 = tpu.memref_squeeze %dma_start3A_413 : memref<1x!tpu.dma_semaphore, #tpu.memory_space<semaphore_mem>> -> memref<!tpu.dma_semaphore, #tpu.memory_space<semaphore_mem>>
        tpu.enqueue_indirect_dma source(%dma_start3A_406 : memref<128x48xf32, #tpu.memory_space<vmem>>) target(%dma_start3A_412 : memref<10240x48xf32, #tpu.memory_space<vmem_shared>>) offsets(%dma_start3A_409 : memref<128xi32, #tpu.memory_space<vmem>>) semaphore(%dma_start3A_414 : memref<!tpu.dma_semaphore, #tpu.memory_space<semaphore_mem>>) {add = true}
        %add3A_415 = arith.constant 2 : i32
        %add3A_416 = arith.addi %add3A_329, %add3A_415 : i32
        %min3A_417 = arith.constant 159 : i32
        %min3A_418 = arith.minsi %add3A_416, %min3A_417 : i32
        %mul3A_419 = arith.constant 20480 : i32
        %mul3A_420 = arith.muli %arg1, %mul3A_419 : i32
        %multiple_of3A_421 = tpu.assume_multiple %mul3A_420, 20480 : i32
        %mul3A_422 = arith.constant 128 : i32
        %mul3A_423 = arith.muli %min3A_418, %mul3A_422 : i32
        %add3A_424 = arith.addi %multiple_of3A_421, %mul3A_423 : i32
        %min3A_425 = arith.constant 319872 : i32
        %min3A_426 = arith.minsi %add3A_424, %min3A_425 : i32
        %shift_right_arithmetic3A_427 = arith.constant 2 : i32
        %shift_right_arithmetic3A_428 = arith.shrsi %min3A_426, %shift_right_arithmetic3A_427 : i32
        %multiple_of3A_429 = tpu.assume_multiple %shift_right_arithmetic3A_428, 8 : i32
        %dma_start3A_430 = arith.constant 0 : i32
        %dma_start3A_431 = arith.constant 0 : i32
        %dma_start3A_432 = arith.constant 0 : i32
        %dma_start3A_433 = arith.constant 0 : i32
        %dma_start3A_434 = tpu.memref_slice %arg12[%dma_start3A_430, %dma_start3A_432, %dma_start3A_433] : memref<2x32x128xf32, #tpu.memory_space<vmem>> -> memref<1x32x128xf32, #tpu.memory_space<vmem>>
        %dma_start3A_435 = tpu.memref_squeeze %dma_start3A_434 : memref<1x32x128xf32, #tpu.memory_space<vmem>> -> memref<32x128xf32, #tpu.memory_space<vmem>>
        %dma_start3A_436 = arith.constant 0 : i32
        %dma_start3A_437 = tpu.memref_slice %arg4[%arg0, %scan3A_30, %multiple_of3A_429, %dma_start3A_436] : memref<2x8x80000x128xf32, #tpu.memory_space<hbm>> -> memref<1x1x32x128xf32, #tpu.memory_space<hbm>>
        %dma_start3A_438 = tpu.memref_squeeze %dma_start3A_437 : memref<1x1x32x128xf32, #tpu.memory_space<hbm>> -> memref<32x128xf32, #tpu.memory_space<hbm>>
        %dma_start3A_439 = tpu.memref_slice %arg18[%dma_start3A_431] : memref<2x!tpu.dma_semaphore, #tpu.memory_space<semaphore_mem>> -> memref<1x!tpu.dma_semaphore, #tpu.memory_space<semaphore_mem>>
        %dma_start3A_440 = tpu.memref_squeeze %dma_start3A_439 : memref<1x!tpu.dma_semaphore, #tpu.memory_space<semaphore_mem>> -> memref<!tpu.dma_semaphore, #tpu.memory_space<semaphore_mem>>
        %dma_start3A_441 = arith.constant 0 : i32
        %dma_start3A_442 = arith.constant 0 : i32
        %dma_start3A_443 = tpu.memref_slice %arg12[%dma_start3A_430, %dma_start3A_441, %dma_start3A_442] : memref<2x32x128xf32, #tpu.memory_space<vmem>> -> memref<1x32x128xf32, #tpu.memory_space<vmem>>
        %dma_start3A_444 = tpu.memref_squeeze %dma_start3A_443 : memref<1x32x128xf32, #tpu.memory_space<vmem>> -> memref<32x128xf32, #tpu.memory_space<vmem>>
        %dma_start3A_445 = arith.constant 0 : i32
        %dma_start3A_446 = tpu.memref_slice %arg4[%arg0, %scan3A_30, %multiple_of3A_429, %dma_start3A_445] : memref<2x8x80000x128xf32, #tpu.memory_space<hbm>> -> memref<1x1x32x128xf32, #tpu.memory_space<hbm>>
        %dma_start3A_447 = tpu.memref_squeeze %dma_start3A_446 : memref<1x1x32x128xf32, #tpu.memory_space<hbm>> -> memref<32x128xf32, #tpu.memory_space<hbm>>
        tpu.enqueue_dma source(%dma_start3A_447 : memref<32x128xf32, #tpu.memory_space<hbm>>) target(%dma_start3A_444 : memref<32x128xf32, #tpu.memory_space<vmem>>) target_semaphore(%dma_start3A_440 : memref<!tpu.dma_semaphore, #tpu.memory_space<semaphore_mem>>)
        %dma_start3A_448 = arith.constant 0 : i32
        %dma_start3A_449 = arith.constant 0 : i32
        %dma_start3A_450 = arith.constant 0 : i32
        %dma_start3A_451 = arith.constant 0 : i32
        %dma_start3A_452 = tpu.memref_slice %arg13[%dma_start3A_448, %dma_start3A_450, %dma_start3A_451] : memref<2x128x32xf32, #tpu.memory_space<vmem>> -> memref<1x128x32xf32, #tpu.memory_space<vmem>>
        %dma_start3A_453 = tpu.memref_squeeze %dma_start3A_452 : memref<1x128x32xf32, #tpu.memory_space<vmem>> -> memref<128x32xf32, #tpu.memory_space<vmem>>
        %dma_start3A_454 = arith.constant 0 : i32
        %dma_start3A_455 = tpu.memref_slice %arg10[%min3A_418, %dma_start3A_454] : memref<160x128xi32, #tpu.memory_space<vmem>> -> memref<1x128xi32, #tpu.memory_space<vmem>>
        %dma_start3A_456 = tpu.memref_squeeze %dma_start3A_455 : memref<1x128xi32, #tpu.memory_space<vmem>> -> memref<128xi32, #tpu.memory_space<vmem>>
        %dma_start3A_457 = arith.constant 0 : i32
        %dma_start3A_458 = arith.constant 0 : i32
        %dma_start3A_459 = tpu.memref_slice %arg2[%arg0, %scan3A_30, %dma_start3A_457, %dma_start3A_458] : memref<2x8x10240x32xf32, #tpu.memory_space<hbm>> -> memref<1x1x10240x32xf32, #tpu.memory_space<hbm>>
        %dma_start3A_460 = tpu.memref_squeeze %dma_start3A_459 : memref<1x1x10240x32xf32, #tpu.memory_space<hbm>> -> memref<10240x32xf32, #tpu.memory_space<hbm>>
        %dma_start3A_461 = arith.constant 0 : i32
        %dma_start3A_462 = arith.constant 0 : i32
        %dma_start3A_463 = tpu.memref_slice %dma_start3A_460[%dma_start3A_461, %dma_start3A_462] : memref<10240x32xf32, #tpu.memory_space<hbm>> -> memref<10240x32xf32, #tpu.memory_space<hbm>>
        %dma_start3A_464 = tpu.memref_slice %arg19[%dma_start3A_449] : memref<2x!tpu.dma_semaphore, #tpu.memory_space<semaphore_mem>> -> memref<1x!tpu.dma_semaphore, #tpu.memory_space<semaphore_mem>>
        %dma_start3A_465 = tpu.memref_squeeze %dma_start3A_464 : memref<1x!tpu.dma_semaphore, #tpu.memory_space<semaphore_mem>> -> memref<!tpu.dma_semaphore, #tpu.memory_space<semaphore_mem>>
        tpu.enqueue_indirect_dma source(%dma_start3A_463 : memref<10240x32xf32, #tpu.memory_space<hbm>>) target(%dma_start3A_453 : memref<128x32xf32, #tpu.memory_space<vmem>>) offsets(%dma_start3A_456 : memref<128xi32, #tpu.memory_space<vmem>>) semaphore(%dma_start3A_465 : memref<!tpu.dma_semaphore, #tpu.memory_space<semaphore_mem>>)
        %dma_start3A_466 = arith.constant 0 : i32
        %dma_start3A_467 = arith.constant 0 : i32
        %dma_start3A_468 = arith.constant 0 : i32
        %dma_start3A_469 = arith.constant 0 : i32
        %dma_start3A_470 = tpu.memref_slice %arg14[%dma_start3A_466, %dma_start3A_468, %dma_start3A_469] : memref<2x128x32xf32, #tpu.memory_space<vmem>> -> memref<1x128x32xf32, #tpu.memory_space<vmem>>
        %dma_start3A_471 = tpu.memref_squeeze %dma_start3A_470 : memref<1x128x32xf32, #tpu.memory_space<vmem>> -> memref<128x32xf32, #tpu.memory_space<vmem>>
        %dma_start3A_472 = arith.constant 0 : i32
        %dma_start3A_473 = tpu.memref_slice %arg11[%min3A_418, %dma_start3A_472] : memref<160x128xi32, #tpu.memory_space<vmem>> -> memref<1x128xi32, #tpu.memory_space<vmem>>
        %dma_start3A_474 = tpu.memref_squeeze %dma_start3A_473 : memref<1x128xi32, #tpu.memory_space<vmem>> -> memref<128xi32, #tpu.memory_space<vmem>>
        %dma_start3A_475 = arith.constant 0 : i32
        %dma_start3A_476 = arith.constant 0 : i32
        %dma_start3A_477 = tpu.memref_slice %arg3[%arg0, %scan3A_30, %dma_start3A_475, %dma_start3A_476] : memref<2x8x10240x32xf32, #tpu.memory_space<hbm>> -> memref<1x1x10240x32xf32, #tpu.memory_space<hbm>>
        %dma_start3A_478 = tpu.memref_squeeze %dma_start3A_477 : memref<1x1x10240x32xf32, #tpu.memory_space<hbm>> -> memref<10240x32xf32, #tpu.memory_space<hbm>>
        %dma_start3A_479 = arith.constant 0 : i32
        %dma_start3A_480 = arith.constant 0 : i32
        %dma_start3A_481 = tpu.memref_slice %dma_start3A_478[%dma_start3A_479, %dma_start3A_480] : memref<10240x32xf32, #tpu.memory_space<hbm>> -> memref<10240x32xf32, #tpu.memory_space<hbm>>
        %dma_start3A_482 = tpu.memref_slice %arg20[%dma_start3A_467] : memref<2x!tpu.dma_semaphore, #tpu.memory_space<semaphore_mem>> -> memref<1x!tpu.dma_semaphore, #tpu.memory_space<semaphore_mem>>
        %dma_start3A_483 = tpu.memref_squeeze %dma_start3A_482 : memref<1x!tpu.dma_semaphore, #tpu.memory_space<semaphore_mem>> -> memref<!tpu.dma_semaphore, #tpu.memory_space<semaphore_mem>>
        tpu.enqueue_indirect_dma source(%dma_start3A_481 : memref<10240x32xf32, #tpu.memory_space<hbm>>) target(%dma_start3A_471 : memref<128x32xf32, #tpu.memory_space<vmem>>) offsets(%dma_start3A_474 : memref<128xi32, #tpu.memory_space<vmem>>) semaphore(%dma_start3A_483 : memref<!tpu.dma_semaphore, #tpu.memory_space<semaphore_mem>>)
        %add3A_484 = arith.constant 1 : i32
        %add3A_485 = arith.addi %mul3A_327, %add3A_484 : i32
        %dma_wait3A_486 = arith.constant 1 : i32
        %dma_wait3A_487 = arith.constant 1 : i32
        %dma_wait3A_488 = arith.constant 0 : i32
        %dma_wait3A_489 = arith.constant 0 : i32
        %dma_wait3A_490 = tpu.memref_slice %arg12[%dma_wait3A_486, %dma_wait3A_488, %dma_wait3A_489] : memref<2x32x128xf32, #tpu.memory_space<vmem>> -> memref<1x32x128xf32, #tpu.memory_space<vmem>>
        %dma_wait3A_491 = tpu.memref_squeeze %dma_wait3A_490 : memref<1x32x128xf32, #tpu.memory_space<vmem>> -> memref<32x128xf32, #tpu.memory_space<vmem>>
        %dma_wait3A_492 = arith.constant 0 : i32
        %dma_wait3A_493 = arith.constant 0 : i32
        %dma_wait3A_494 = tpu.memref_slice %arg4[%arg0, %scan3A_30, %dma_wait3A_492, %dma_wait3A_493] : memref<2x8x80000x128xf32, #tpu.memory_space<hbm>> -> memref<1x1x32x128xf32, #tpu.memory_space<hbm>>
        %dma_wait3A_495 = tpu.memref_squeeze %dma_wait3A_494 : memref<1x1x32x128xf32, #tpu.memory_space<hbm>> -> memref<32x128xf32, #tpu.memory_space<hbm>>
        %dma_wait3A_496 = tpu.memref_slice %arg18[%dma_wait3A_487] : memref<2x!tpu.dma_semaphore, #tpu.memory_space<semaphore_mem>> -> memref<1x!tpu.dma_semaphore, #tpu.memory_space<semaphore_mem>>
        %dma_wait3A_497 = tpu.memref_squeeze %dma_wait3A_496 : memref<1x!tpu.dma_semaphore, #tpu.memory_space<semaphore_mem>> -> memref<!tpu.dma_semaphore, #tpu.memory_space<semaphore_mem>>
        %dma_wait3A_498 = arith.constant 0 : i32
        %dma_wait3A_499 = arith.constant 0 : i32
        %dma_wait3A_500 = tpu.memref_slice %arg12[%dma_wait3A_486, %dma_wait3A_498, %dma_wait3A_499] : memref<2x32x128xf32, #tpu.memory_space<vmem>> -> memref<1x32x128xf32, #tpu.memory_space<vmem>>
        %dma_wait3A_501 = tpu.memref_squeeze %dma_wait3A_500 : memref<1x32x128xf32, #tpu.memory_space<vmem>> -> memref<32x128xf32, #tpu.memory_space<vmem>>
        %dma_wait3A_502 = arith.constant 0 : i32
        %dma_wait3A_503 = arith.constant 0 : i32
        %dma_wait3A_504 = tpu.memref_slice %arg4[%arg0, %scan3A_30, %dma_wait3A_502, %dma_wait3A_503] : memref<2x8x80000x128xf32, #tpu.memory_space<hbm>> -> memref<1x1x32x128xf32, #tpu.memory_space<hbm>>
        %dma_wait3A_505 = tpu.memref_squeeze %dma_wait3A_504 : memref<1x1x32x128xf32, #tpu.memory_space<hbm>> -> memref<32x128xf32, #tpu.memory_space<hbm>>
        tpu.wait_dma2 semaphore(%dma_wait3A_497 : memref<!tpu.dma_semaphore, #tpu.memory_space<semaphore_mem>>) src(%dma_wait3A_505 : memref<32x128xf32, #tpu.memory_space<hbm>>) dst(%dma_wait3A_501 : memref<32x128xf32, #tpu.memory_space<vmem>>)
        %dma_wait3A_506 = arith.constant 0 : i32
        %dma_wait3A_507 = arith.constant 1 : i32
        %dma_wait3A_508 = arith.constant 1 : i32
        %dma_wait3A_509 = arith.constant 0 : i32
        %dma_wait3A_510 = arith.constant 0 : i32
        %dma_wait3A_511 = tpu.memref_slice %arg13[%dma_wait3A_507, %dma_wait3A_509, %dma_wait3A_510] : memref<2x128x32xf32, #tpu.memory_space<vmem>> -> memref<1x128x32xf32, #tpu.memory_space<vmem>>
        %dma_wait3A_512 = tpu.memref_squeeze %dma_wait3A_511 : memref<1x128x32xf32, #tpu.memory_space<vmem>> -> memref<128x32xf32, #tpu.memory_space<vmem>>
        %dma_wait3A_513 = arith.constant 0 : i32
        %dma_wait3A_514 = tpu.memref_slice %arg10[%dma_wait3A_506, %dma_wait3A_513] : memref<160x128xi32, #tpu.memory_space<vmem>> -> memref<1x128xi32, #tpu.memory_space<vmem>>
        %dma_wait3A_515 = tpu.memref_squeeze %dma_wait3A_514 : memref<1x128xi32, #tpu.memory_space<vmem>> -> memref<128xi32, #tpu.memory_space<vmem>>
        %dma_wait3A_516 = arith.constant 0 : i32
        %dma_wait3A_517 = arith.constant 0 : i32
        %dma_wait3A_518 = tpu.memref_slice %arg2[%arg0, %scan3A_30, %dma_wait3A_516, %dma_wait3A_517] : memref<2x8x10240x32xf32, #tpu.memory_space<hbm>> -> memref<1x1x10240x32xf32, #tpu.memory_space<hbm>>
        %dma_wait3A_519 = tpu.memref_squeeze %dma_wait3A_518 : memref<1x1x10240x32xf32, #tpu.memory_space<hbm>> -> memref<10240x32xf32, #tpu.memory_space<hbm>>
        %dma_wait3A_520 = arith.constant 0 : i32
        %dma_wait3A_521 = arith.constant 0 : i32
        %dma_wait3A_522 = tpu.memref_slice %dma_wait3A_519[%dma_wait3A_520, %dma_wait3A_521] : memref<10240x32xf32, #tpu.memory_space<hbm>> -> memref<10240x32xf32, #tpu.memory_space<hbm>>
        %dma_wait3A_523 = tpu.memref_slice %arg19[%dma_wait3A_508] : memref<2x!tpu.dma_semaphore, #tpu.memory_space<semaphore_mem>> -> memref<1x!tpu.dma_semaphore, #tpu.memory_space<semaphore_mem>>
        %dma_wait3A_524 = tpu.memref_squeeze %dma_wait3A_523 : memref<1x!tpu.dma_semaphore, #tpu.memory_space<semaphore_mem>> -> memref<!tpu.dma_semaphore, #tpu.memory_space<semaphore_mem>>
        tpu.wait_indirect_dma semaphore(%dma_wait3A_524 : memref<!tpu.dma_semaphore, #tpu.memory_space<semaphore_mem>>) src(%dma_wait3A_522 : memref<10240x32xf32, #tpu.memory_space<hbm>>) dst(%dma_wait3A_512 : memref<128x32xf32, #tpu.memory_space<vmem>>)
        %dma_wait3A_525 = arith.constant 0 : i32
        %dma_wait3A_526 = arith.constant 1 : i32
        %dma_wait3A_527 = arith.constant 1 : i32
        %dma_wait3A_528 = arith.constant 0 : i32
        %dma_wait3A_529 = arith.constant 0 : i32
        %dma_wait3A_530 = tpu.memref_slice %arg14[%dma_wait3A_526, %dma_wait3A_528, %dma_wait3A_529] : memref<2x128x32xf32, #tpu.memory_space<vmem>> -> memref<1x128x32xf32, #tpu.memory_space<vmem>>
        %dma_wait3A_531 = tpu.memref_squeeze %dma_wait3A_530 : memref<1x128x32xf32, #tpu.memory_space<vmem>> -> memref<128x32xf32, #tpu.memory_space<vmem>>
        %dma_wait3A_532 = arith.constant 0 : i32
        %dma_wait3A_533 = tpu.memref_slice %arg11[%dma_wait3A_525, %dma_wait3A_532] : memref<160x128xi32, #tpu.memory_space<vmem>> -> memref<1x128xi32, #tpu.memory_space<vmem>>
        %dma_wait3A_534 = tpu.memref_squeeze %dma_wait3A_533 : memref<1x128xi32, #tpu.memory_space<vmem>> -> memref<128xi32, #tpu.memory_space<vmem>>
        %dma_wait3A_535 = arith.constant 0 : i32
        %dma_wait3A_536 = arith.constant 0 : i32
        %dma_wait3A_537 = tpu.memref_slice %arg3[%arg0, %scan3A_30, %dma_wait3A_535, %dma_wait3A_536] : memref<2x8x10240x32xf32, #tpu.memory_space<hbm>> -> memref<1x1x10240x32xf32, #tpu.memory_space<hbm>>
        %dma_wait3A_538 = tpu.memref_squeeze %dma_wait3A_537 : memref<1x1x10240x32xf32, #tpu.memory_space<hbm>> -> memref<10240x32xf32, #tpu.memory_space<hbm>>
        %dma_wait3A_539 = arith.constant 0 : i32
        %dma_wait3A_540 = arith.constant 0 : i32
        %dma_wait3A_541 = tpu.memref_slice %dma_wait3A_538[%dma_wait3A_539, %dma_wait3A_540] : memref<10240x32xf32, #tpu.memory_space<hbm>> -> memref<10240x32xf32, #tpu.memory_space<hbm>>
        %dma_wait3A_542 = tpu.memref_slice %arg20[%dma_wait3A_527] : memref<2x!tpu.dma_semaphore, #tpu.memory_space<semaphore_mem>> -> memref<1x!tpu.dma_semaphore, #tpu.memory_space<semaphore_mem>>
        %dma_wait3A_543 = tpu.memref_squeeze %dma_wait3A_542 : memref<1x!tpu.dma_semaphore, #tpu.memory_space<semaphore_mem>> -> memref<!tpu.dma_semaphore, #tpu.memory_space<semaphore_mem>>
        tpu.wait_indirect_dma semaphore(%dma_wait3A_543 : memref<!tpu.dma_semaphore, #tpu.memory_space<semaphore_mem>>) src(%dma_wait3A_541 : memref<10240x32xf32, #tpu.memory_space<hbm>>) dst(%dma_wait3A_531 : memref<128x32xf32, #tpu.memory_space<vmem>>)
        %gt3A_544 = arith.constant 0 : i32
        %gt3A_545 = arith.cmpi sgt, %scan3A_324, %gt3A_544 : i32
        %convert_element_type3A_546 = arith.extui %gt3A_545 : i1 to i32
        %cond3A_547 = arith.constant 0 : i32
        %cond3A_548 = arith.cmpi ne, %convert_element_type3A_546, %cond3A_547 : i32
        scf.if %cond3A_548 {
          %dma_wait3A_644 = arith.constant 1 : i32
          %dma_wait3A_645 = arith.constant 0 : i32
          %dma_wait3A_646 = arith.constant 1 : i32
          %dma_wait3A_647 = arith.constant 0 : i32
          %dma_wait3A_648 = arith.constant 0 : i32
          %dma_wait3A_649 = tpu.memref_slice %arg15[%dma_wait3A_644, %dma_wait3A_647, %dma_wait3A_648] : memref<2x128x48xf32, #tpu.memory_space<vmem>> -> memref<1x128x48xf32, #tpu.memory_space<vmem>>
          %dma_wait3A_650 = tpu.memref_squeeze %dma_wait3A_649 : memref<1x128x48xf32, #tpu.memory_space<vmem>> -> memref<128x48xf32, #tpu.memory_space<vmem>>
          %dma_wait3A_651 = arith.constant 0 : i32
          %dma_wait3A_652 = tpu.memref_slice %arg11[%dma_wait3A_645, %dma_wait3A_651] : memref<160x128xi32, #tpu.memory_space<vmem>> -> memref<1x128xi32, #tpu.memory_space<vmem>>
          %dma_wait3A_653 = tpu.memref_squeeze %dma_wait3A_652 : memref<1x128xi32, #tpu.memory_space<vmem>> -> memref<128xi32, #tpu.memory_space<vmem>>
          %dma_wait3A_654 = arith.constant 0 : i32
          %dma_wait3A_655 = arith.constant 0 : i32
          %dma_wait3A_656 = tpu.memref_slice %arg9[%dma_wait3A_654, %dma_wait3A_655] : memref<10240x48xf32, #tpu.memory_space<vmem_shared>> -> memref<10240x48xf32, #tpu.memory_space<vmem_shared>>
          %dma_wait3A_657 = tpu.memref_slice %arg21[%dma_wait3A_646] : memref<2x!tpu.dma_semaphore, #tpu.memory_space<semaphore_mem>> -> memref<1x!tpu.dma_semaphore, #tpu.memory_space<semaphore_mem>>
          %dma_wait3A_658 = tpu.memref_squeeze %dma_wait3A_657 : memref<1x!tpu.dma_semaphore, #tpu.memory_space<semaphore_mem>> -> memref<!tpu.dma_semaphore, #tpu.memory_space<semaphore_mem>>
          tpu.wait_indirect_dma semaphore(%dma_wait3A_658 : memref<!tpu.dma_semaphore, #tpu.memory_space<semaphore_mem>>) src(%dma_wait3A_650 : memref<128x48xf32, #tpu.memory_space<vmem>>) dst(%dma_wait3A_656 : memref<10240x48xf32, #tpu.memory_space<vmem_shared>>)
        } else {
        }
        %scan3A_549 = arith.constant 1 : i32
        %scan3A_550 = arith.constant 1 : i32
        %scan3A_551 = arith.constant 1 : i32
        %scan3A_552 = arith.constant 1 : i32
        %scan3A_553 = arith.constant 0 : i32
        %scan3A_554 = arith.constant 0 : i32
        %scan3A_555 = arith.constant 8 : i32
        %scan3A_556 = arith.addi %scan3A_554, %scan3A_555 : i32
        %scan3A_557 = arith.constant 1 : i32
        %scan3A_558 = scf.for %scan3A_644 = %scan3A_554 to %scan3A_556 step %scan3A_557 iter_args(%scan3A_645 = %scan3A_553) -> (i32)  : i32 {
          %mul3A_646 = arith.constant 16 : i32
          %mul3A_647 = arith.muli %scan3A_644, %mul3A_646 : i32
          %add3A_648 = vector.broadcast %mul3A_647 : i32 to vector<16xi32>
          %add3A_649 = arith.addi %add3A_648, %iota3A : vector<16xi32>
          %mul3A_650 = arith.constant 32 : i32
          %mul3A_651 = vector.broadcast %mul3A_650 : i32 to vector<16xi32>
          %mul3A_652 = arith.muli %add3A_649, %mul3A_651 : vector<16xi32>
          %broadcast_in_dim3A_653 = arith.constant 0.000000e+00 : f32
          %broadcast_in_dim3A_654 = vector.broadcast %broadcast_in_dim3A_653 : f32 to vector<16xf32>
          %scan3A_655 = arith.constant 0 : i32
          %scan3A_656 = arith.constant 8 : i32
          %scan3A_657 = arith.addi %scan3A_655, %scan3A_656 : i32
          %scan3A_658 = arith.constant 1 : i32
          %scan3A_659 = scf.for %scan3A_674 = %scan3A_655 to %scan3A_657 step %scan3A_658 iter_args(%scan3A_675 = %broadcast_in_dim3A_654) -> (vector<16xf32>)  : i32 {
            %mul3A_676 = arith.constant 4 : i32
            %mul3A_677 = arith.muli %scan3A_674, %mul3A_676 : i32
            %add3A_678 = arith.constant 0 : i32
            %add3A_679 = arith.addi %mul3A_677, %add3A_678 : i32
            %add3A_680 = vector.broadcast %add3A_679 : i32 to vector<16xi32>
            %add3A_681 = arith.addi %add3A_680, %iota3A : vector<16xi32>
            %and3A = arith.constant 31 : i32
            %and3A_682 = vector.broadcast %and3A : i32 to vector<16xi32>
            %and3A_683 = arith.andi %add3A_681, %and3A_682 : vector<16xi32>
            %add3A_684 = arith.addi %mul3A_652, %and3A_683 : vector<16xi32>
            %gather3A = arith.constant 0 : i32
            %gather3A_685 = arith.constant 0 : i32
            %gather3A_686 = tpu.memref_slice %arg13[%scan3A_549, %gather3A, %gather3A_685] : memref<2x128x32xf32, #tpu.memory_space<vmem>> -> memref<1x128x32xf32, #tpu.memory_space<vmem>>
            %gather3A_687 = tpu.memref_squeeze %gather3A_686 : memref<1x128x32xf32, #tpu.memory_space<vmem>> -> memref<128x32xf32, #tpu.memory_space<vmem>>
            %gather3A_688 = tpu.vector_load_idx %gather3A_687[%add3A_649, %and3A_683] : memref<128x32xf32, #tpu.memory_space<vmem>>[vector<16xi32>, vector<16xi32>], vector<16xf32>,
            %gather3A_689 = arith.constant 0 : i32
            %gather3A_690 = arith.constant 0 : i32
            %gather3A_691 = tpu.memref_slice %arg14[%scan3A_550, %gather3A_689, %gather3A_690] : memref<2x128x32xf32, #tpu.memory_space<vmem>> -> memref<1x128x32xf32, #tpu.memory_space<vmem>>
            %gather3A_692 = tpu.memref_squeeze %gather3A_691 : memref<1x128x32xf32, #tpu.memory_space<vmem>> -> memref<128x32xf32, #tpu.memory_space<vmem>>
            %gather3A_693 = tpu.vector_load_idx %gather3A_692[%add3A_649, %and3A_683] : memref<128x32xf32, #tpu.memory_space<vmem>>[vector<16xi32>, vector<16xi32>], vector<16xf32>,
            %shift_right_arithmetic3A_694 = arith.constant 7 : i32
            %shift_right_arithmetic3A_695 = vector.broadcast %shift_right_arithmetic3A_694 : i32 to vector<16xi32>
            %shift_right_arithmetic3A_696 = arith.shrsi %add3A_684, %shift_right_arithmetic3A_695 : vector<16xi32>
            %and3A_697 = arith.constant 127 : i32
            %and3A_698 = vector.broadcast %and3A_697 : i32 to vector<16xi32>
            %and3A_699 = arith.andi %add3A_684, %and3A_698 : vector<16xi32>
            %gather3A_700 = arith.constant 0 : i32
            %gather3A_701 = arith.constant 0 : i32
            %gather3A_702 = tpu.memref_slice %arg12[%scan3A_551, %gather3A_700, %gather3A_701] : memref<2x32x128xf32, #tpu.memory_space<vmem>> -> memref<1x32x128xf32, #tpu.memory_space<vmem>>
            %gather3A_703 = tpu.memref_squeeze %gather3A_702 : memref<1x32x128xf32, #tpu.memory_space<vmem>> -> memref<32x128xf32, #tpu.memory_space<vmem>>
            %gather3A_704 = tpu.vector_load_idx %gather3A_703[%shift_right_arithmetic3A_696, %and3A_699] : memref<32x128xf32, #tpu.memory_space<vmem>>[vector<16xi32>, vector<16xi32>], vector<16xf32>,
            %gather3A_705 = tpu.vector_load_idx %arg16[%broadcast_in_dim3A_3, %and3A_683] : memref<1x32xf32, #tpu.memory_space<vmem>>[vector<16xi32>, vector<16xi32>], vector<16xf32>,
            %add3A_706 = arith.addf %gather3A_688, %gather3A_693 : vector<16xf32>
            %add3A_707 = arith.addf %add3A_706, %gather3A_704 : vector<16xf32>
            %mul3A_708 = arith.constant 2.000000e-01 : f32
            %mul3A_709 = vector.broadcast %mul3A_708 : f32 to vector<16xf32>
            %mul3A_710 = arith.mulf %mul3A_709, %add3A_707 : vector<16xf32>
            %max3A = arith.maximumf %add3A_707, %mul3A_710 : vector<16xf32>
            %mul3A_711 = arith.mulf %max3A, %gather3A_705 : vector<16xf32>
            %add3A_712 = arith.addf %scan3A_675, %mul3A_711 : vector<16xf32>
            %add3A_713 = arith.constant 1 : i32
            %add3A_714 = arith.addi %mul3A_677, %add3A_713 : i32
            %add3A_715 = vector.broadcast %add3A_714 : i32 to vector<16xi32>
            %add3A_716 = arith.addi %add3A_715, %iota3A : vector<16xi32>
            %and3A_717 = arith.constant 31 : i32
            %and3A_718 = vector.broadcast %and3A_717 : i32 to vector<16xi32>
            %and3A_719 = arith.andi %add3A_716, %and3A_718 : vector<16xi32>
            %add3A_720 = arith.addi %mul3A_652, %and3A_719 : vector<16xi32>
            %gather3A_721 = arith.constant 0 : i32
            %gather3A_722 = arith.constant 0 : i32
            %gather3A_723 = tpu.memref_slice %arg13[%scan3A_549, %gather3A_721, %gather3A_722] : memref<2x128x32xf32, #tpu.memory_space<vmem>> -> memref<1x128x32xf32, #tpu.memory_space<vmem>>
            %gather3A_724 = tpu.memref_squeeze %gather3A_723 : memref<1x128x32xf32, #tpu.memory_space<vmem>> -> memref<128x32xf32, #tpu.memory_space<vmem>>
            %gather3A_725 = tpu.vector_load_idx %gather3A_724[%add3A_649, %and3A_719] : memref<128x32xf32, #tpu.memory_space<vmem>>[vector<16xi32>, vector<16xi32>], vector<16xf32>,
            %gather3A_726 = arith.constant 0 : i32
            %gather3A_727 = arith.constant 0 : i32
            %gather3A_728 = tpu.memref_slice %arg14[%scan3A_550, %gather3A_726, %gather3A_727] : memref<2x128x32xf32, #tpu.memory_space<vmem>> -> memref<1x128x32xf32, #tpu.memory_space<vmem>>
            %gather3A_729 = tpu.memref_squeeze %gather3A_728 : memref<1x128x32xf32, #tpu.memory_space<vmem>> -> memref<128x32xf32, #tpu.memory_space<vmem>>
            %gather3A_730 = tpu.vector_load_idx %gather3A_729[%add3A_649, %and3A_719] : memref<128x32xf32, #tpu.memory_space<vmem>>[vector<16xi32>, vector<16xi32>], vector<16xf32>,
            %shift_right_arithmetic3A_731 = arith.constant 7 : i32
            %shift_right_arithmetic3A_732 = vector.broadcast %shift_right_arithmetic3A_731 : i32 to vector<16xi32>
            %shift_right_arithmetic3A_733 = arith.shrsi %add3A_720, %shift_right_arithmetic3A_732 : vector<16xi32>
            %and3A_734 = arith.constant 127 : i32
            %and3A_735 = vector.broadcast %and3A_734 : i32 to vector<16xi32>
            %and3A_736 = arith.andi %add3A_720, %and3A_735 : vector<16xi32>
            %gather3A_737 = arith.constant 0 : i32
            %gather3A_738 = arith.constant 0 : i32
            %gather3A_739 = tpu.memref_slice %arg12[%scan3A_551, %gather3A_737, %gather3A_738] : memref<2x32x128xf32, #tpu.memory_space<vmem>> -> memref<1x32x128xf32, #tpu.memory_space<vmem>>
            %gather3A_740 = tpu.memref_squeeze %gather3A_739 : memref<1x32x128xf32, #tpu.memory_space<vmem>> -> memref<32x128xf32, #tpu.memory_space<vmem>>
            %gather3A_741 = tpu.vector_load_idx %gather3A_740[%shift_right_arithmetic3A_733, %and3A_736] : memref<32x128xf32, #tpu.memory_space<vmem>>[vector<16xi32>, vector<16xi32>], vector<16xf32>,
            %gather3A_742 = tpu.vector_load_idx %arg16[%broadcast_in_dim3A_3, %and3A_719] : memref<1x32xf32, #tpu.memory_space<vmem>>[vector<16xi32>, vector<16xi32>], vector<16xf32>,
            %add3A_743 = arith.addf %gather3A_725, %gather3A_730 : vector<16xf32>
            %add3A_744 = arith.addf %add3A_743, %gather3A_741 : vector<16xf32>
            %mul3A_745 = arith.constant 2.000000e-01 : f32
            %mul3A_746 = vector.broadcast %mul3A_745 : f32 to vector<16xf32>
            %mul3A_747 = arith.mulf %mul3A_746, %add3A_744 : vector<16xf32>
            %max3A_748 = arith.maximumf %add3A_744, %mul3A_747 : vector<16xf32>
            %mul3A_749 = arith.mulf %max3A_748, %gather3A_742 : vector<16xf32>
            %add3A_750 = arith.addf %add3A_712, %mul3A_749 : vector<16xf32>
            %add3A_751 = arith.constant 2 : i32
            %add3A_752 = arith.addi %mul3A_677, %add3A_751 : i32
            %add3A_753 = vector.broadcast %add3A_752 : i32 to vector<16xi32>
            %add3A_754 = arith.addi %add3A_753, %iota3A : vector<16xi32>
            %and3A_755 = arith.constant 31 : i32
            %and3A_756 = vector.broadcast %and3A_755 : i32 to vector<16xi32>
            %and3A_757 = arith.andi %add3A_754, %and3A_756 : vector<16xi32>
            %add3A_758 = arith.addi %mul3A_652, %and3A_757 : vector<16xi32>
            %gather3A_759 = arith.constant 0 : i32
            %gather3A_760 = arith.constant 0 : i32
            %gather3A_761 = tpu.memref_slice %arg13[%scan3A_549, %gather3A_759, %gather3A_760] : memref<2x128x32xf32, #tpu.memory_space<vmem>> -> memref<1x128x32xf32, #tpu.memory_space<vmem>>
            %gather3A_762 = tpu.memref_squeeze %gather3A_761 : memref<1x128x32xf32, #tpu.memory_space<vmem>> -> memref<128x32xf32, #tpu.memory_space<vmem>>
            %gather3A_763 = tpu.vector_load_idx %gather3A_762[%add3A_649, %and3A_757] : memref<128x32xf32, #tpu.memory_space<vmem>>[vector<16xi32>, vector<16xi32>], vector<16xf32>,
            %gather3A_764 = arith.constant 0 : i32
            %gather3A_765 = arith.constant 0 : i32
            %gather3A_766 = tpu.memref_slice %arg14[%scan3A_550, %gather3A_764, %gather3A_765] : memref<2x128x32xf32, #tpu.memory_space<vmem>> -> memref<1x128x32xf32, #tpu.memory_space<vmem>>
            %gather3A_767 = tpu.memref_squeeze %gather3A_766 : memref<1x128x32xf32, #tpu.memory_space<vmem>> -> memref<128x32xf32, #tpu.memory_space<vmem>>
            %gather3A_768 = tpu.vector_load_idx %gather3A_767[%add3A_649, %and3A_757] : memref<128x32xf32, #tpu.memory_space<vmem>>[vector<16xi32>, vector<16xi32>], vector<16xf32>,
            %shift_right_arithmetic3A_769 = arith.constant 7 : i32
            %shift_right_arithmetic3A_770 = vector.broadcast %shift_right_arithmetic3A_769 : i32 to vector<16xi32>
            %shift_right_arithmetic3A_771 = arith.shrsi %add3A_758, %shift_right_arithmetic3A_770 : vector<16xi32>
            %and3A_772 = arith.constant 127 : i32
            %and3A_773 = vector.broadcast %and3A_772 : i32 to vector<16xi32>
            %and3A_774 = arith.andi %add3A_758, %and3A_773 : vector<16xi32>
            %gather3A_775 = arith.constant 0 : i32
            %gather3A_776 = arith.constant 0 : i32
            %gather3A_777 = tpu.memref_slice %arg12[%scan3A_551, %gather3A_775, %gather3A_776] : memref<2x32x128xf32, #tpu.memory_space<vmem>> -> memref<1x32x128xf32, #tpu.memory_space<vmem>>
            %gather3A_778 = tpu.memref_squeeze %gather3A_777 : memref<1x32x128xf32, #tpu.memory_space<vmem>> -> memref<32x128xf32, #tpu.memory_space<vmem>>
            %gather3A_779 = tpu.vector_load_idx %gather3A_778[%shift_right_arithmetic3A_771, %and3A_774] : memref<32x128xf32, #tpu.memory_space<vmem>>[vector<16xi32>, vector<16xi32>], vector<16xf32>,
            %gather3A_780 = tpu.vector_load_idx %arg16[%broadcast_in_dim3A_3, %and3A_757] : memref<1x32xf32, #tpu.memory_space<vmem>>[vector<16xi32>, vector<16xi32>], vector<16xf32>,
            %add3A_781 = arith.addf %gather3A_763, %gather3A_768 : vector<16xf32>
            %add3A_782 = arith.addf %add3A_781, %gather3A_779 : vector<16xf32>
            %mul3A_783 = arith.constant 2.000000e-01 : f32
            %mul3A_784 = vector.broadcast %mul3A_783 : f32 to vector<16xf32>
            %mul3A_785 = arith.mulf %mul3A_784, %add3A_782 : vector<16xf32>
            %max3A_786 = arith.maximumf %add3A_782, %mul3A_785 : vector<16xf32>
            %mul3A_787 = arith.mulf %max3A_786, %gather3A_780 : vector<16xf32>
            %add3A_788 = arith.addf %add3A_750, %mul3A_787 : vector<16xf32>
            %add3A_789 = arith.constant 3 : i32
            %add3A_790 = arith.addi %mul3A_677, %add3A_789 : i32
            %add3A_791 = vector.broadcast %add3A_790 : i32 to vector<16xi32>
            %add3A_792 = arith.addi %add3A_791, %iota3A : vector<16xi32>
            %and3A_793 = arith.constant 31 : i32
            %and3A_794 = vector.broadcast %and3A_793 : i32 to vector<16xi32>
            %and3A_795 = arith.andi %add3A_792, %and3A_794 : vector<16xi32>
            %add3A_796 = arith.addi %mul3A_652, %and3A_795 : vector<16xi32>
            %gather3A_797 = arith.constant 0 : i32
            %gather3A_798 = arith.constant 0 : i32
            %gather3A_799 = tpu.memref_slice %arg13[%scan3A_549, %gather3A_797, %gather3A_798] : memref<2x128x32xf32, #tpu.memory_space<vmem>> -> memref<1x128x32xf32, #tpu.memory_space<vmem>>
            %gather3A_800 = tpu.memref_squeeze %gather3A_799 : memref<1x128x32xf32, #tpu.memory_space<vmem>> -> memref<128x32xf32, #tpu.memory_space<vmem>>
            %gather3A_801 = tpu.vector_load_idx %gather3A_800[%add3A_649, %and3A_795] : memref<128x32xf32, #tpu.memory_space<vmem>>[vector<16xi32>, vector<16xi32>], vector<16xf32>,
            %gather3A_802 = arith.constant 0 : i32
            %gather3A_803 = arith.constant 0 : i32
            %gather3A_804 = tpu.memref_slice %arg14[%scan3A_550, %gather3A_802, %gather3A_803] : memref<2x128x32xf32, #tpu.memory_space<vmem>> -> memref<1x128x32xf32, #tpu.memory_space<vmem>>
            %gather3A_805 = tpu.memref_squeeze %gather3A_804 : memref<1x128x32xf32, #tpu.memory_space<vmem>> -> memref<128x32xf32, #tpu.memory_space<vmem>>
            %gather3A_806 = tpu.vector_load_idx %gather3A_805[%add3A_649, %and3A_795] : memref<128x32xf32, #tpu.memory_space<vmem>>[vector<16xi32>, vector<16xi32>], vector<16xf32>,
            %shift_right_arithmetic3A_807 = arith.constant 7 : i32
            %shift_right_arithmetic3A_808 = vector.broadcast %shift_right_arithmetic3A_807 : i32 to vector<16xi32>
            %shift_right_arithmetic3A_809 = arith.shrsi %add3A_796, %shift_right_arithmetic3A_808 : vector<16xi32>
            %and3A_810 = arith.constant 127 : i32
            %and3A_811 = vector.broadcast %and3A_810 : i32 to vector<16xi32>
            %and3A_812 = arith.andi %add3A_796, %and3A_811 : vector<16xi32>
            %gather3A_813 = arith.constant 0 : i32
            %gather3A_814 = arith.constant 0 : i32
            %gather3A_815 = tpu.memref_slice %arg12[%scan3A_551, %gather3A_813, %gather3A_814] : memref<2x32x128xf32, #tpu.memory_space<vmem>> -> memref<1x32x128xf32, #tpu.memory_space<vmem>>
            %gather3A_816 = tpu.memref_squeeze %gather3A_815 : memref<1x32x128xf32, #tpu.memory_space<vmem>> -> memref<32x128xf32, #tpu.memory_space<vmem>>
            %gather3A_817 = tpu.vector_load_idx %gather3A_816[%shift_right_arithmetic3A_809, %and3A_812] : memref<32x128xf32, #tpu.memory_space<vmem>>[vector<16xi32>, vector<16xi32>], vector<16xf32>,
            %gather3A_818 = tpu.vector_load_idx %arg16[%broadcast_in_dim3A_3, %and3A_795] : memref<1x32xf32, #tpu.memory_space<vmem>>[vector<16xi32>, vector<16xi32>], vector<16xf32>,
            %add3A_819 = arith.addf %gather3A_801, %gather3A_806 : vector<16xf32>
            %add3A_820 = arith.addf %add3A_819, %gather3A_817 : vector<16xf32>
            %mul3A_821 = arith.constant 2.000000e-01 : f32
            %mul3A_822 = vector.broadcast %mul3A_821 : f32 to vector<16xf32>
            %mul3A_823 = arith.mulf %mul3A_822, %add3A_820 : vector<16xf32>
            %max3A_824 = arith.maximumf %add3A_820, %mul3A_823 : vector<16xf32>
            %mul3A_825 = arith.mulf %max3A_824, %gather3A_818 : vector<16xf32>
            %add3A_826 = arith.addf %add3A_788, %mul3A_825 : vector<16xf32>
            scf.yield %add3A_826 : vector<16xf32>
          }
          %scan3A_660 = arith.constant 8 : i32
          %exp3A = math.exp %scan3A_659 : vector<16xf32>
          %scan3A_661 = arith.constant 0 : i32
          %scan3A_662 = arith.constant 0 : i32
          %scan3A_663 = arith.constant 8 : i32
          %scan3A_664 = arith.addi %scan3A_662, %scan3A_663 : i32
          %scan3A_665 = arith.constant 1 : i32
          %scan3A_666 = scf.for %scan3A_674 = %scan3A_662 to %scan3A_664 step %scan3A_665 iter_args(%scan3A_675 = %scan3A_661) -> (i32)  : i32 {
            %mul3A_676 = arith.constant 4 : i32
            %mul3A_677 = arith.muli %scan3A_674, %mul3A_676 : i32
            %add3A_678 = arith.constant 0 : i32
            %add3A_679 = arith.addi %mul3A_677, %add3A_678 : i32
            %add3A_680 = vector.broadcast %add3A_679 : i32 to vector<16xi32>
            %add3A_681 = arith.addi %add3A_680, %iota3A : vector<16xi32>
            %and3A = arith.constant 31 : i32
            %and3A_682 = vector.broadcast %and3A : i32 to vector<16xi32>
            %and3A_683 = arith.andi %add3A_681, %and3A_682 : vector<16xi32>
            %gather3A = arith.constant 0 : i32
            %gather3A_684 = arith.constant 0 : i32
            %gather3A_685 = tpu.memref_slice %arg13[%scan3A_549, %gather3A, %gather3A_684] : memref<2x128x32xf32, #tpu.memory_space<vmem>> -> memref<1x128x32xf32, #tpu.memory_space<vmem>>
            %gather3A_686 = tpu.memref_squeeze %gather3A_685 : memref<1x128x32xf32, #tpu.memory_space<vmem>> -> memref<128x32xf32, #tpu.memory_space<vmem>>
            %gather3A_687 = tpu.vector_load_idx %gather3A_686[%add3A_649, %and3A_683] : memref<128x32xf32, #tpu.memory_space<vmem>>[vector<16xi32>, vector<16xi32>], vector<16xf32>,
            %mul3A_688 = arith.mulf %exp3A, %gather3A_687 : vector<16xf32>
            %scatter3A_689 = arith.constant 0 : i32
            %scatter3A_690 = arith.constant 0 : i32
            %scatter3A_691 = tpu.memref_slice %arg15[%scan3A_552, %scatter3A_689, %scatter3A_690] : memref<2x128x48xf32, #tpu.memory_space<vmem>> -> memref<1x128x48xf32, #tpu.memory_space<vmem>>
            %scatter3A_692 = tpu.memref_squeeze %scatter3A_691 : memref<1x128x48xf32, #tpu.memory_space<vmem>> -> memref<128x48xf32, #tpu.memory_space<vmem>>
            tpu.vector_store_idx %scatter3A_692[%add3A_649, %and3A_683], %mul3A_688 : memref<128x48xf32, #tpu.memory_space<vmem>>[vector<16xi32>, vector<16xi32>], vector<16xf32>,
            %add3A_693 = arith.constant 1 : i32
            %add3A_694 = arith.addi %mul3A_677, %add3A_693 : i32
            %add3A_695 = vector.broadcast %add3A_694 : i32 to vector<16xi32>
            %add3A_696 = arith.addi %add3A_695, %iota3A : vector<16xi32>
            %and3A_697 = arith.constant 31 : i32
            %and3A_698 = vector.broadcast %and3A_697 : i32 to vector<16xi32>
            %and3A_699 = arith.andi %add3A_696, %and3A_698 : vector<16xi32>
            %gather3A_700 = arith.constant 0 : i32
            %gather3A_701 = arith.constant 0 : i32
            %gather3A_702 = tpu.memref_slice %arg13[%scan3A_549, %gather3A_700, %gather3A_701] : memref<2x128x32xf32, #tpu.memory_space<vmem>> -> memref<1x128x32xf32, #tpu.memory_space<vmem>>
            %gather3A_703 = tpu.memref_squeeze %gather3A_702 : memref<1x128x32xf32, #tpu.memory_space<vmem>> -> memref<128x32xf32, #tpu.memory_space<vmem>>
            %gather3A_704 = tpu.vector_load_idx %gather3A_703[%add3A_649, %and3A_699] : memref<128x32xf32, #tpu.memory_space<vmem>>[vector<16xi32>, vector<16xi32>], vector<16xf32>,
            %mul3A_705 = arith.mulf %exp3A, %gather3A_704 : vector<16xf32>
            %scatter3A_706 = arith.constant 0 : i32
            %scatter3A_707 = arith.constant 0 : i32
            %scatter3A_708 = tpu.memref_slice %arg15[%scan3A_552, %scatter3A_706, %scatter3A_707] : memref<2x128x48xf32, #tpu.memory_space<vmem>> -> memref<1x128x48xf32, #tpu.memory_space<vmem>>
            %scatter3A_709 = tpu.memref_squeeze %scatter3A_708 : memref<1x128x48xf32, #tpu.memory_space<vmem>> -> memref<128x48xf32, #tpu.memory_space<vmem>>
            tpu.vector_store_idx %scatter3A_709[%add3A_649, %and3A_699], %mul3A_705 : memref<128x48xf32, #tpu.memory_space<vmem>>[vector<16xi32>, vector<16xi32>], vector<16xf32>,
            %add3A_710 = arith.constant 2 : i32
            %add3A_711 = arith.addi %mul3A_677, %add3A_710 : i32
            %add3A_712 = vector.broadcast %add3A_711 : i32 to vector<16xi32>
            %add3A_713 = arith.addi %add3A_712, %iota3A : vector<16xi32>
            %and3A_714 = arith.constant 31 : i32
            %and3A_715 = vector.broadcast %and3A_714 : i32 to vector<16xi32>
            %and3A_716 = arith.andi %add3A_713, %and3A_715 : vector<16xi32>
            %gather3A_717 = arith.constant 0 : i32
            %gather3A_718 = arith.constant 0 : i32
            %gather3A_719 = tpu.memref_slice %arg13[%scan3A_549, %gather3A_717, %gather3A_718] : memref<2x128x32xf32, #tpu.memory_space<vmem>> -> memref<1x128x32xf32, #tpu.memory_space<vmem>>
            %gather3A_720 = tpu.memref_squeeze %gather3A_719 : memref<1x128x32xf32, #tpu.memory_space<vmem>> -> memref<128x32xf32, #tpu.memory_space<vmem>>
            %gather3A_721 = tpu.vector_load_idx %gather3A_720[%add3A_649, %and3A_716] : memref<128x32xf32, #tpu.memory_space<vmem>>[vector<16xi32>, vector<16xi32>], vector<16xf32>,
            %mul3A_722 = arith.mulf %exp3A, %gather3A_721 : vector<16xf32>
            %scatter3A_723 = arith.constant 0 : i32
            %scatter3A_724 = arith.constant 0 : i32
            %scatter3A_725 = tpu.memref_slice %arg15[%scan3A_552, %scatter3A_723, %scatter3A_724] : memref<2x128x48xf32, #tpu.memory_space<vmem>> -> memref<1x128x48xf32, #tpu.memory_space<vmem>>
            %scatter3A_726 = tpu.memref_squeeze %scatter3A_725 : memref<1x128x48xf32, #tpu.memory_space<vmem>> -> memref<128x48xf32, #tpu.memory_space<vmem>>
            tpu.vector_store_idx %scatter3A_726[%add3A_649, %and3A_716], %mul3A_722 : memref<128x48xf32, #tpu.memory_space<vmem>>[vector<16xi32>, vector<16xi32>], vector<16xf32>,
            %add3A_727 = arith.constant 3 : i32
            %add3A_728 = arith.addi %mul3A_677, %add3A_727 : i32
            %add3A_729 = vector.broadcast %add3A_728 : i32 to vector<16xi32>
            %add3A_730 = arith.addi %add3A_729, %iota3A : vector<16xi32>
            %and3A_731 = arith.constant 31 : i32
            %and3A_732 = vector.broadcast %and3A_731 : i32 to vector<16xi32>
            %and3A_733 = arith.andi %add3A_730, %and3A_732 : vector<16xi32>
            %gather3A_734 = arith.constant 0 : i32
            %gather3A_735 = arith.constant 0 : i32
            %gather3A_736 = tpu.memref_slice %arg13[%scan3A_549, %gather3A_734, %gather3A_735] : memref<2x128x32xf32, #tpu.memory_space<vmem>> -> memref<1x128x32xf32, #tpu.memory_space<vmem>>
            %gather3A_737 = tpu.memref_squeeze %gather3A_736 : memref<1x128x32xf32, #tpu.memory_space<vmem>> -> memref<128x32xf32, #tpu.memory_space<vmem>>
            %gather3A_738 = tpu.vector_load_idx %gather3A_737[%add3A_649, %and3A_733] : memref<128x32xf32, #tpu.memory_space<vmem>>[vector<16xi32>, vector<16xi32>], vector<16xf32>,
            %mul3A_739 = arith.mulf %exp3A, %gather3A_738 : vector<16xf32>
            %scatter3A_740 = arith.constant 0 : i32
            %scatter3A_741 = arith.constant 0 : i32
            %scatter3A_742 = tpu.memref_slice %arg15[%scan3A_552, %scatter3A_740, %scatter3A_741] : memref<2x128x48xf32, #tpu.memory_space<vmem>> -> memref<1x128x48xf32, #tpu.memory_space<vmem>>
            %scatter3A_743 = tpu.memref_squeeze %scatter3A_742 : memref<1x128x48xf32, #tpu.memory_space<vmem>> -> memref<128x48xf32, #tpu.memory_space<vmem>>
            tpu.vector_store_idx %scatter3A_743[%add3A_649, %and3A_733], %mul3A_739 : memref<128x48xf32, #tpu.memory_space<vmem>>[vector<16xi32>, vector<16xi32>], vector<16xf32>,
            %scan3A_744 = arith.constant 0 : i32
            scf.yield %scan3A_744 : i32
          }
          %scan3A_667 = arith.constant 8 : i32
          %broadcast_in_dim3A_668 = arith.constant 32 : i32
          %broadcast_in_dim3A_669 = vector.broadcast %broadcast_in_dim3A_668 : i32 to vector<16xi32>
          %scatter3A = arith.constant 0 : i32
          %scatter3A_670 = arith.constant 0 : i32
          %scatter3A_671 = tpu.memref_slice %arg15[%scan3A_552, %scatter3A, %scatter3A_670] : memref<2x128x48xf32, #tpu.memory_space<vmem>> -> memref<1x128x48xf32, #tpu.memory_space<vmem>>
          %scatter3A_672 = tpu.memref_squeeze %scatter3A_671 : memref<1x128x48xf32, #tpu.memory_space<vmem>> -> memref<128x48xf32, #tpu.memory_space<vmem>>
          tpu.vector_store_idx %scatter3A_672[%add3A_649, %broadcast_in_dim3A_669], %exp3A : memref<128x48xf32, #tpu.memory_space<vmem>>[vector<16xi32>, vector<16xi32>], vector<16xf32>,
          %scan3A_673 = arith.constant 0 : i32
          scf.yield %scan3A_673 : i32
        }
        %scan3A_559 = arith.constant 8 : i32
        %dma_start3A_560 = arith.constant 1 : i32
        %dma_start3A_561 = arith.constant 1 : i32
        %dma_start3A_562 = arith.constant 0 : i32
        %dma_start3A_563 = arith.constant 0 : i32
        %dma_start3A_564 = tpu.memref_slice %arg15[%dma_start3A_560, %dma_start3A_562, %dma_start3A_563] : memref<2x128x48xf32, #tpu.memory_space<vmem>> -> memref<1x128x48xf32, #tpu.memory_space<vmem>>
        %dma_start3A_565 = tpu.memref_squeeze %dma_start3A_564 : memref<1x128x48xf32, #tpu.memory_space<vmem>> -> memref<128x48xf32, #tpu.memory_space<vmem>>
        %dma_start3A_566 = arith.constant 0 : i32
        %dma_start3A_567 = tpu.memref_slice %arg11[%add3A_485, %dma_start3A_566] : memref<160x128xi32, #tpu.memory_space<vmem>> -> memref<1x128xi32, #tpu.memory_space<vmem>>
        %dma_start3A_568 = tpu.memref_squeeze %dma_start3A_567 : memref<1x128xi32, #tpu.memory_space<vmem>> -> memref<128xi32, #tpu.memory_space<vmem>>
        %dma_start3A_569 = arith.constant 0 : i32
        %dma_start3A_570 = arith.constant 0 : i32
        %dma_start3A_571 = tpu.memref_slice %arg9[%dma_start3A_569, %dma_start3A_570] : memref<10240x48xf32, #tpu.memory_space<vmem_shared>> -> memref<10240x48xf32, #tpu.memory_space<vmem_shared>>
        %dma_start3A_572 = tpu.memref_slice %arg21[%dma_start3A_561] : memref<2x!tpu.dma_semaphore, #tpu.memory_space<semaphore_mem>> -> memref<1x!tpu.dma_semaphore, #tpu.memory_space<semaphore_mem>>
        %dma_start3A_573 = tpu.memref_squeeze %dma_start3A_572 : memref<1x!tpu.dma_semaphore, #tpu.memory_space<semaphore_mem>> -> memref<!tpu.dma_semaphore, #tpu.memory_space<semaphore_mem>>
        tpu.enqueue_indirect_dma source(%dma_start3A_565 : memref<128x48xf32, #tpu.memory_space<vmem>>) target(%dma_start3A_571 : memref<10240x48xf32, #tpu.memory_space<vmem_shared>>) offsets(%dma_start3A_568 : memref<128xi32, #tpu.memory_space<vmem>>) semaphore(%dma_start3A_573 : memref<!tpu.dma_semaphore, #tpu.memory_space<semaphore_mem>>) {add = true}
        %add3A_574 = arith.constant 2 : i32
        %add3A_575 = arith.addi %add3A_485, %add3A_574 : i32
        %min3A_576 = arith.constant 159 : i32
        %min3A_577 = arith.minsi %add3A_575, %min3A_576 : i32
        %mul3A_578 = arith.constant 20480 : i32
        %mul3A_579 = arith.muli %arg1, %mul3A_578 : i32
        %multiple_of3A_580 = tpu.assume_multiple %mul3A_579, 20480 : i32
        %mul3A_581 = arith.constant 128 : i32
        %mul3A_582 = arith.muli %min3A_577, %mul3A_581 : i32
        %add3A_583 = arith.addi %multiple_of3A_580, %mul3A_582 : i32
        %min3A_584 = arith.constant 319872 : i32
        %min3A_585 = arith.minsi %add3A_583, %min3A_584 : i32
        %shift_right_arithmetic3A_586 = arith.constant 2 : i32
        %shift_right_arithmetic3A_587 = arith.shrsi %min3A_585, %shift_right_arithmetic3A_586 : i32
        %multiple_of3A_588 = tpu.assume_multiple %shift_right_arithmetic3A_587, 8 : i32
        %dma_start3A_589 = arith.constant 1 : i32
        %dma_start3A_590 = arith.constant 1 : i32
        %dma_start3A_591 = arith.constant 0 : i32
        %dma_start3A_592 = arith.constant 0 : i32
        %dma_start3A_593 = tpu.memref_slice %arg12[%dma_start3A_589, %dma_start3A_591, %dma_start3A_592] : memref<2x32x128xf32, #tpu.memory_space<vmem>> -> memref<1x32x128xf32, #tpu.memory_space<vmem>>
        %dma_start3A_594 = tpu.memref_squeeze %dma_start3A_593 : memref<1x32x128xf32, #tpu.memory_space<vmem>> -> memref<32x128xf32, #tpu.memory_space<vmem>>
        %dma_start3A_595 = arith.constant 0 : i32
        %dma_start3A_596 = tpu.memref_slice %arg4[%arg0, %scan3A_30, %multiple_of3A_588, %dma_start3A_595] : memref<2x8x80000x128xf32, #tpu.memory_space<hbm>> -> memref<1x1x32x128xf32, #tpu.memory_space<hbm>>
        %dma_start3A_597 = tpu.memref_squeeze %dma_start3A_596 : memref<1x1x32x128xf32, #tpu.memory_space<hbm>> -> memref<32x128xf32, #tpu.memory_space<hbm>>
        %dma_start3A_598 = tpu.memref_slice %arg18[%dma_start3A_590] : memref<2x!tpu.dma_semaphore, #tpu.memory_space<semaphore_mem>> -> memref<1x!tpu.dma_semaphore, #tpu.memory_space<semaphore_mem>>
        %dma_start3A_599 = tpu.memref_squeeze %dma_start3A_598 : memref<1x!tpu.dma_semaphore, #tpu.memory_space<semaphore_mem>> -> memref<!tpu.dma_semaphore, #tpu.memory_space<semaphore_mem>>
        %dma_start3A_600 = arith.constant 0 : i32
        %dma_start3A_601 = arith.constant 0 : i32
        %dma_start3A_602 = tpu.memref_slice %arg12[%dma_start3A_589, %dma_start3A_600, %dma_start3A_601] : memref<2x32x128xf32, #tpu.memory_space<vmem>> -> memref<1x32x128xf32, #tpu.memory_space<vmem>>
        %dma_start3A_603 = tpu.memref_squeeze %dma_start3A_602 : memref<1x32x128xf32, #tpu.memory_space<vmem>> -> memref<32x128xf32, #tpu.memory_space<vmem>>
        %dma_start3A_604 = arith.constant 0 : i32
        %dma_start3A_605 = tpu.memref_slice %arg4[%arg0, %scan3A_30, %multiple_of3A_588, %dma_start3A_604] : memref<2x8x80000x128xf32, #tpu.memory_space<hbm>> -> memref<1x1x32x128xf32, #tpu.memory_space<hbm>>
        %dma_start3A_606 = tpu.memref_squeeze %dma_start3A_605 : memref<1x1x32x128xf32, #tpu.memory_space<hbm>> -> memref<32x128xf32, #tpu.memory_space<hbm>>
        tpu.enqueue_dma source(%dma_start3A_606 : memref<32x128xf32, #tpu.memory_space<hbm>>) target(%dma_start3A_603 : memref<32x128xf32, #tpu.memory_space<vmem>>) target_semaphore(%dma_start3A_599 : memref<!tpu.dma_semaphore, #tpu.memory_space<semaphore_mem>>)
        %dma_start3A_607 = arith.constant 1 : i32
        %dma_start3A_608 = arith.constant 1 : i32
        %dma_start3A_609 = arith.constant 0 : i32
        %dma_start3A_610 = arith.constant 0 : i32
        %dma_start3A_611 = tpu.memref_slice %arg13[%dma_start3A_607, %dma_start3A_609, %dma_start3A_610] : memref<2x128x32xf32, #tpu.memory_space<vmem>> -> memref<1x128x32xf32, #tpu.memory_space<vmem>>
        %dma_start3A_612 = tpu.memref_squeeze %dma_start3A_611 : memref<1x128x32xf32, #tpu.memory_space<vmem>> -> memref<128x32xf32, #tpu.memory_space<vmem>>
        %dma_start3A_613 = arith.constant 0 : i32
        %dma_start3A_614 = tpu.memref_slice %arg10[%min3A_577, %dma_start3A_613] : memref<160x128xi32, #tpu.memory_space<vmem>> -> memref<1x128xi32, #tpu.memory_space<vmem>>
        %dma_start3A_615 = tpu.memref_squeeze %dma_start3A_614 : memref<1x128xi32, #tpu.memory_space<vmem>> -> memref<128xi32, #tpu.memory_space<vmem>>
        %dma_start3A_616 = arith.constant 0 : i32
        %dma_start3A_617 = arith.constant 0 : i32
        %dma_start3A_618 = tpu.memref_slice %arg2[%arg0, %scan3A_30, %dma_start3A_616, %dma_start3A_617] : memref<2x8x10240x32xf32, #tpu.memory_space<hbm>> -> memref<1x1x10240x32xf32, #tpu.memory_space<hbm>>
        %dma_start3A_619 = tpu.memref_squeeze %dma_start3A_618 : memref<1x1x10240x32xf32, #tpu.memory_space<hbm>> -> memref<10240x32xf32, #tpu.memory_space<hbm>>
        %dma_start3A_620 = arith.constant 0 : i32
        %dma_start3A_621 = arith.constant 0 : i32
        %dma_start3A_622 = tpu.memref_slice %dma_start3A_619[%dma_start3A_620, %dma_start3A_621] : memref<10240x32xf32, #tpu.memory_space<hbm>> -> memref<10240x32xf32, #tpu.memory_space<hbm>>
        %dma_start3A_623 = tpu.memref_slice %arg19[%dma_start3A_608] : memref<2x!tpu.dma_semaphore, #tpu.memory_space<semaphore_mem>> -> memref<1x!tpu.dma_semaphore, #tpu.memory_space<semaphore_mem>>
        %dma_start3A_624 = tpu.memref_squeeze %dma_start3A_623 : memref<1x!tpu.dma_semaphore, #tpu.memory_space<semaphore_mem>> -> memref<!tpu.dma_semaphore, #tpu.memory_space<semaphore_mem>>
        tpu.enqueue_indirect_dma source(%dma_start3A_622 : memref<10240x32xf32, #tpu.memory_space<hbm>>) target(%dma_start3A_612 : memref<128x32xf32, #tpu.memory_space<vmem>>) offsets(%dma_start3A_615 : memref<128xi32, #tpu.memory_space<vmem>>) semaphore(%dma_start3A_624 : memref<!tpu.dma_semaphore, #tpu.memory_space<semaphore_mem>>)
        %dma_start3A_625 = arith.constant 1 : i32
        %dma_start3A_626 = arith.constant 1 : i32
        %dma_start3A_627 = arith.constant 0 : i32
        %dma_start3A_628 = arith.constant 0 : i32
        %dma_start3A_629 = tpu.memref_slice %arg14[%dma_start3A_625, %dma_start3A_627, %dma_start3A_628] : memref<2x128x32xf32, #tpu.memory_space<vmem>> -> memref<1x128x32xf32, #tpu.memory_space<vmem>>
        %dma_start3A_630 = tpu.memref_squeeze %dma_start3A_629 : memref<1x128x32xf32, #tpu.memory_space<vmem>> -> memref<128x32xf32, #tpu.memory_space<vmem>>
        %dma_start3A_631 = arith.constant 0 : i32
        %dma_start3A_632 = tpu.memref_slice %arg11[%min3A_577, %dma_start3A_631] : memref<160x128xi32, #tpu.memory_space<vmem>> -> memref<1x128xi32, #tpu.memory_space<vmem>>
        %dma_start3A_633 = tpu.memref_squeeze %dma_start3A_632 : memref<1x128xi32, #tpu.memory_space<vmem>> -> memref<128xi32, #tpu.memory_space<vmem>>
        %dma_start3A_634 = arith.constant 0 : i32
        %dma_start3A_635 = arith.constant 0 : i32
        %dma_start3A_636 = tpu.memref_slice %arg3[%arg0, %scan3A_30, %dma_start3A_634, %dma_start3A_635] : memref<2x8x10240x32xf32, #tpu.memory_space<hbm>> -> memref<1x1x10240x32xf32, #tpu.memory_space<hbm>>
        %dma_start3A_637 = tpu.memref_squeeze %dma_start3A_636 : memref<1x1x10240x32xf32, #tpu.memory_space<hbm>> -> memref<10240x32xf32, #tpu.memory_space<hbm>>
        %dma_start3A_638 = arith.constant 0 : i32
        %dma_start3A_639 = arith.constant 0 : i32
        %dma_start3A_640 = tpu.memref_slice %dma_start3A_637[%dma_start3A_638, %dma_start3A_639] : memref<10240x32xf32, #tpu.memory_space<hbm>> -> memref<10240x32xf32, #tpu.memory_space<hbm>>
        %dma_start3A_641 = tpu.memref_slice %arg20[%dma_start3A_626] : memref<2x!tpu.dma_semaphore, #tpu.memory_space<semaphore_mem>> -> memref<1x!tpu.dma_semaphore, #tpu.memory_space<semaphore_mem>>
        %dma_start3A_642 = tpu.memref_squeeze %dma_start3A_641 : memref<1x!tpu.dma_semaphore, #tpu.memory_space<semaphore_mem>> -> memref<!tpu.dma_semaphore, #tpu.memory_space<semaphore_mem>>
        tpu.enqueue_indirect_dma source(%dma_start3A_640 : memref<10240x32xf32, #tpu.memory_space<hbm>>) target(%dma_start3A_630 : memref<128x32xf32, #tpu.memory_space<vmem>>) offsets(%dma_start3A_633 : memref<128xi32, #tpu.memory_space<vmem>>) semaphore(%dma_start3A_642 : memref<!tpu.dma_semaphore, #tpu.memory_space<semaphore_mem>>)
        %scan3A_643 = arith.constant 0 : i32
        scf.yield %scan3A_643 : i32
      }
      %scan3A_176 = arith.constant 80 : i32
      %dma_wait3A = arith.constant 0 : i32
      %dma_wait3A_177 = arith.constant 0 : i32
      %dma_wait3A_178 = arith.constant 0 : i32
      %dma_wait3A_179 = arith.constant 0 : i32
      %dma_wait3A_180 = arith.constant 0 : i32
      %dma_wait3A_181 = tpu.memref_slice %arg15[%dma_wait3A, %dma_wait3A_179, %dma_wait3A_180] : memref<2x128x48xf32, #tpu.memory_space<vmem>> -> memref<1x128x48xf32, #tpu.memory_space<vmem>>
      %dma_wait3A_182 = tpu.memref_squeeze %dma_wait3A_181 : memref<1x128x48xf32, #tpu.memory_space<vmem>> -> memref<128x48xf32, #tpu.memory_space<vmem>>
      %dma_wait3A_183 = arith.constant 0 : i32
      %dma_wait3A_184 = tpu.memref_slice %arg11[%dma_wait3A_177, %dma_wait3A_183] : memref<160x128xi32, #tpu.memory_space<vmem>> -> memref<1x128xi32, #tpu.memory_space<vmem>>
      %dma_wait3A_185 = tpu.memref_squeeze %dma_wait3A_184 : memref<1x128xi32, #tpu.memory_space<vmem>> -> memref<128xi32, #tpu.memory_space<vmem>>
      %dma_wait3A_186 = arith.constant 0 : i32
      %dma_wait3A_187 = arith.constant 0 : i32
      %dma_wait3A_188 = tpu.memref_slice %arg9[%dma_wait3A_186, %dma_wait3A_187] : memref<10240x48xf32, #tpu.memory_space<vmem_shared>> -> memref<10240x48xf32, #tpu.memory_space<vmem_shared>>
      %dma_wait3A_189 = tpu.memref_slice %arg21[%dma_wait3A_178] : memref<2x!tpu.dma_semaphore, #tpu.memory_space<semaphore_mem>> -> memref<1x!tpu.dma_semaphore, #tpu.memory_space<semaphore_mem>>
      %dma_wait3A_190 = tpu.memref_squeeze %dma_wait3A_189 : memref<1x!tpu.dma_semaphore, #tpu.memory_space<semaphore_mem>> -> memref<!tpu.dma_semaphore, #tpu.memory_space<semaphore_mem>>
      tpu.wait_indirect_dma semaphore(%dma_wait3A_190 : memref<!tpu.dma_semaphore, #tpu.memory_space<semaphore_mem>>) src(%dma_wait3A_182 : memref<128x48xf32, #tpu.memory_space<vmem>>) dst(%dma_wait3A_188 : memref<10240x48xf32, #tpu.memory_space<vmem_shared>>)
      %dma_wait3A_191 = arith.constant 0 : i32
      %dma_wait3A_192 = arith.constant 0 : i32
      %dma_wait3A_193 = arith.constant 0 : i32
      %dma_wait3A_194 = arith.constant 0 : i32
      %dma_wait3A_195 = tpu.memref_slice %arg12[%dma_wait3A_191, %dma_wait3A_193, %dma_wait3A_194] : memref<2x32x128xf32, #tpu.memory_space<vmem>> -> memref<1x32x128xf32, #tpu.memory_space<vmem>>
      %dma_wait3A_196 = tpu.memref_squeeze %dma_wait3A_195 : memref<1x32x128xf32, #tpu.memory_space<vmem>> -> memref<32x128xf32, #tpu.memory_space<vmem>>
      %dma_wait3A_197 = arith.constant 0 : i32
      %dma_wait3A_198 = arith.constant 0 : i32
      %dma_wait3A_199 = tpu.memref_slice %arg4[%arg0, %scan3A_30, %dma_wait3A_197, %dma_wait3A_198] : memref<2x8x80000x128xf32, #tpu.memory_space<hbm>> -> memref<1x1x32x128xf32, #tpu.memory_space<hbm>>
      %dma_wait3A_200 = tpu.memref_squeeze %dma_wait3A_199 : memref<1x1x32x128xf32, #tpu.memory_space<hbm>> -> memref<32x128xf32, #tpu.memory_space<hbm>>
      %dma_wait3A_201 = tpu.memref_slice %arg18[%dma_wait3A_192] : memref<2x!tpu.dma_semaphore, #tpu.memory_space<semaphore_mem>> -> memref<1x!tpu.dma_semaphore, #tpu.memory_space<semaphore_mem>>
      %dma_wait3A_202 = tpu.memref_squeeze %dma_wait3A_201 : memref<1x!tpu.dma_semaphore, #tpu.memory_space<semaphore_mem>> -> memref<!tpu.dma_semaphore, #tpu.memory_space<semaphore_mem>>
      %dma_wait3A_203 = arith.constant 0 : i32
      %dma_wait3A_204 = arith.constant 0 : i32
      %dma_wait3A_205 = tpu.memref_slice %arg12[%dma_wait3A_191, %dma_wait3A_203, %dma_wait3A_204] : memref<2x32x128xf32, #tpu.memory_space<vmem>> -> memref<1x32x128xf32, #tpu.memory_space<vmem>>
      %dma_wait3A_206 = tpu.memref_squeeze %dma_wait3A_205 : memref<1x32x128xf32, #tpu.memory_space<vmem>> -> memref<32x128xf32, #tpu.memory_space<vmem>>
      %dma_wait3A_207 = arith.constant 0 : i32
      %dma_wait3A_208 = arith.constant 0 : i32
      %dma_wait3A_209 = tpu.memref_slice %arg4[%arg0, %scan3A_30, %dma_wait3A_207, %dma_wait3A_208] : memref<2x8x80000x128xf32, #tpu.memory_space<hbm>> -> memref<1x1x32x128xf32, #tpu.memory_space<hbm>>
      %dma_wait3A_210 = tpu.memref_squeeze %dma_wait3A_209 : memref<1x1x32x128xf32, #tpu.memory_space<hbm>> -> memref<32x128xf32, #tpu.memory_space<hbm>>
      tpu.wait_dma2 semaphore(%dma_wait3A_202 : memref<!tpu.dma_semaphore, #tpu.memory_space<semaphore_mem>>) src(%dma_wait3A_210 : memref<32x128xf32, #tpu.memory_space<hbm>>) dst(%dma_wait3A_206 : memref<32x128xf32, #tpu.memory_space<vmem>>)
      %dma_wait3A_211 = arith.constant 0 : i32
      %dma_wait3A_212 = arith.constant 0 : i32
      %dma_wait3A_213 = arith.constant 0 : i32
      %dma_wait3A_214 = arith.constant 0 : i32
      %dma_wait3A_215 = arith.constant 0 : i32
      %dma_wait3A_216 = tpu.memref_slice %arg13[%dma_wait3A_212, %dma_wait3A_214, %dma_wait3A_215] : memref<2x128x32xf32, #tpu.memory_space<vmem>> -> memref<1x128x32xf32, #tpu.memory_space<vmem>>
      %dma_wait3A_217 = tpu.memref_squeeze %dma_wait3A_216 : memref<1x128x32xf32, #tpu.memory_space<vmem>> -> memref<128x32xf32, #tpu.memory_space<vmem>>
      %dma_wait3A_218 = arith.constant 0 : i32
      %dma_wait3A_219 = tpu.memref_slice %arg10[%dma_wait3A_211, %dma_wait3A_218] : memref<160x128xi32, #tpu.memory_space<vmem>> -> memref<1x128xi32, #tpu.memory_space<vmem>>
      %dma_wait3A_220 = tpu.memref_squeeze %dma_wait3A_219 : memref<1x128xi32, #tpu.memory_space<vmem>> -> memref<128xi32, #tpu.memory_space<vmem>>
      %dma_wait3A_221 = arith.constant 0 : i32
      %dma_wait3A_222 = arith.constant 0 : i32
      %dma_wait3A_223 = tpu.memref_slice %arg2[%arg0, %scan3A_30, %dma_wait3A_221, %dma_wait3A_222] : memref<2x8x10240x32xf32, #tpu.memory_space<hbm>> -> memref<1x1x10240x32xf32, #tpu.memory_space<hbm>>
      %dma_wait3A_224 = tpu.memref_squeeze %dma_wait3A_223 : memref<1x1x10240x32xf32, #tpu.memory_space<hbm>> -> memref<10240x32xf32, #tpu.memory_space<hbm>>
      %dma_wait3A_225 = arith.constant 0 : i32
      %dma_wait3A_226 = arith.constant 0 : i32
      %dma_wait3A_227 = tpu.memref_slice %dma_wait3A_224[%dma_wait3A_225, %dma_wait3A_226] : memref<10240x32xf32, #tpu.memory_space<hbm>> -> memref<10240x32xf32, #tpu.memory_space<hbm>>
      %dma_wait3A_228 = tpu.memref_slice %arg19[%dma_wait3A_213] : memref<2x!tpu.dma_semaphore, #tpu.memory_space<semaphore_mem>> -> memref<1x!tpu.dma_semaphore, #tpu.memory_space<semaphore_mem>>
      %dma_wait3A_229 = tpu.memref_squeeze %dma_wait3A_228 : memref<1x!tpu.dma_semaphore, #tpu.memory_space<semaphore_mem>> -> memref<!tpu.dma_semaphore, #tpu.memory_space<semaphore_mem>>
      tpu.wait_indirect_dma semaphore(%dma_wait3A_229 : memref<!tpu.dma_semaphore, #tpu.memory_space<semaphore_mem>>) src(%dma_wait3A_227 : memref<10240x32xf32, #tpu.memory_space<hbm>>) dst(%dma_wait3A_217 : memref<128x32xf32, #tpu.memory_space<vmem>>)
      %dma_wait3A_230 = arith.constant 0 : i32
      %dma_wait3A_231 = arith.constant 0 : i32
      %dma_wait3A_232 = arith.constant 0 : i32
      %dma_wait3A_233 = arith.constant 0 : i32
      %dma_wait3A_234 = arith.constant 0 : i32
      %dma_wait3A_235 = tpu.memref_slice %arg14[%dma_wait3A_231, %dma_wait3A_233, %dma_wait3A_234] : memref<2x128x32xf32, #tpu.memory_space<vmem>> -> memref<1x128x32xf32, #tpu.memory_space<vmem>>
      %dma_wait3A_236 = tpu.memref_squeeze %dma_wait3A_235 : memref<1x128x32xf32, #tpu.memory_space<vmem>> -> memref<128x32xf32, #tpu.memory_space<vmem>>
      %dma_wait3A_237 = arith.constant 0 : i32
      %dma_wait3A_238 = tpu.memref_slice %arg11[%dma_wait3A_230, %dma_wait3A_237] : memref<160x128xi32, #tpu.memory_space<vmem>> -> memref<1x128xi32, #tpu.memory_space<vmem>>
      %dma_wait3A_239 = tpu.memref_squeeze %dma_wait3A_238 : memref<1x128xi32, #tpu.memory_space<vmem>> -> memref<128xi32, #tpu.memory_space<vmem>>
      %dma_wait3A_240 = arith.constant 0 : i32
      %dma_wait3A_241 = arith.constant 0 : i32
      %dma_wait3A_242 = tpu.memref_slice %arg3[%arg0, %scan3A_30, %dma_wait3A_240, %dma_wait3A_241] : memref<2x8x10240x32xf32, #tpu.memory_space<hbm>> -> memref<1x1x10240x32xf32, #tpu.memory_space<hbm>>
      %dma_wait3A_243 = tpu.memref_squeeze %dma_wait3A_242 : memref<1x1x10240x32xf32, #tpu.memory_space<hbm>> -> memref<10240x32xf32, #tpu.memory_space<hbm>>
      %dma_wait3A_244 = arith.constant 0 : i32
      %dma_wait3A_245 = arith.constant 0 : i32
      %dma_wait3A_246 = tpu.memref_slice %dma_wait3A_243[%dma_wait3A_244, %dma_wait3A_245] : memref<10240x32xf32, #tpu.memory_space<hbm>> -> memref<10240x32xf32, #tpu.memory_space<hbm>>
      %dma_wait3A_247 = tpu.memref_slice %arg20[%dma_wait3A_232] : memref<2x!tpu.dma_semaphore, #tpu.memory_space<semaphore_mem>> -> memref<1x!tpu.dma_semaphore, #tpu.memory_space<semaphore_mem>>
      %dma_wait3A_248 = tpu.memref_squeeze %dma_wait3A_247 : memref<1x!tpu.dma_semaphore, #tpu.memory_space<semaphore_mem>> -> memref<!tpu.dma_semaphore, #tpu.memory_space<semaphore_mem>>
      tpu.wait_indirect_dma semaphore(%dma_wait3A_248 : memref<!tpu.dma_semaphore, #tpu.memory_space<semaphore_mem>>) src(%dma_wait3A_246 : memref<10240x32xf32, #tpu.memory_space<hbm>>) dst(%dma_wait3A_236 : memref<128x32xf32, #tpu.memory_space<vmem>>)
      %dma_wait3A_249 = arith.constant 1 : i32
      %dma_wait3A_250 = arith.constant 0 : i32
      %dma_wait3A_251 = arith.constant 1 : i32
      %dma_wait3A_252 = arith.constant 0 : i32
      %dma_wait3A_253 = arith.constant 0 : i32
      %dma_wait3A_254 = tpu.memref_slice %arg15[%dma_wait3A_249, %dma_wait3A_252, %dma_wait3A_253] : memref<2x128x48xf32, #tpu.memory_space<vmem>> -> memref<1x128x48xf32, #tpu.memory_space<vmem>>
      %dma_wait3A_255 = tpu.memref_squeeze %dma_wait3A_254 : memref<1x128x48xf32, #tpu.memory_space<vmem>> -> memref<128x48xf32, #tpu.memory_space<vmem>>
      %dma_wait3A_256 = arith.constant 0 : i32
      %dma_wait3A_257 = tpu.memref_slice %arg11[%dma_wait3A_250, %dma_wait3A_256] : memref<160x128xi32, #tpu.memory_space<vmem>> -> memref<1x128xi32, #tpu.memory_space<vmem>>
      %dma_wait3A_258 = tpu.memref_squeeze %dma_wait3A_257 : memref<1x128xi32, #tpu.memory_space<vmem>> -> memref<128xi32, #tpu.memory_space<vmem>>
      %dma_wait3A_259 = arith.constant 0 : i32
      %dma_wait3A_260 = arith.constant 0 : i32
      %dma_wait3A_261 = tpu.memref_slice %arg9[%dma_wait3A_259, %dma_wait3A_260] : memref<10240x48xf32, #tpu.memory_space<vmem_shared>> -> memref<10240x48xf32, #tpu.memory_space<vmem_shared>>
      %dma_wait3A_262 = tpu.memref_slice %arg21[%dma_wait3A_251] : memref<2x!tpu.dma_semaphore, #tpu.memory_space<semaphore_mem>> -> memref<1x!tpu.dma_semaphore, #tpu.memory_space<semaphore_mem>>
      %dma_wait3A_263 = tpu.memref_squeeze %dma_wait3A_262 : memref<1x!tpu.dma_semaphore, #tpu.memory_space<semaphore_mem>> -> memref<!tpu.dma_semaphore, #tpu.memory_space<semaphore_mem>>
      tpu.wait_indirect_dma semaphore(%dma_wait3A_263 : memref<!tpu.dma_semaphore, #tpu.memory_space<semaphore_mem>>) src(%dma_wait3A_255 : memref<128x48xf32, #tpu.memory_space<vmem>>) dst(%dma_wait3A_261 : memref<10240x48xf32, #tpu.memory_space<vmem_shared>>)
      %dma_wait3A_264 = arith.constant 1 : i32
      %dma_wait3A_265 = arith.constant 1 : i32
      %dma_wait3A_266 = arith.constant 0 : i32
      %dma_wait3A_267 = arith.constant 0 : i32
      %dma_wait3A_268 = tpu.memref_slice %arg12[%dma_wait3A_264, %dma_wait3A_266, %dma_wait3A_267] : memref<2x32x128xf32, #tpu.memory_space<vmem>> -> memref<1x32x128xf32, #tpu.memory_space<vmem>>
      %dma_wait3A_269 = tpu.memref_squeeze %dma_wait3A_268 : memref<1x32x128xf32, #tpu.memory_space<vmem>> -> memref<32x128xf32, #tpu.memory_space<vmem>>
      %dma_wait3A_270 = arith.constant 0 : i32
      %dma_wait3A_271 = arith.constant 0 : i32
      %dma_wait3A_272 = tpu.memref_slice %arg4[%arg0, %scan3A_30, %dma_wait3A_270, %dma_wait3A_271] : memref<2x8x80000x128xf32, #tpu.memory_space<hbm>> -> memref<1x1x32x128xf32, #tpu.memory_space<hbm>>
      %dma_wait3A_273 = tpu.memref_squeeze %dma_wait3A_272 : memref<1x1x32x128xf32, #tpu.memory_space<hbm>> -> memref<32x128xf32, #tpu.memory_space<hbm>>
      %dma_wait3A_274 = tpu.memref_slice %arg18[%dma_wait3A_265] : memref<2x!tpu.dma_semaphore, #tpu.memory_space<semaphore_mem>> -> memref<1x!tpu.dma_semaphore, #tpu.memory_space<semaphore_mem>>
      %dma_wait3A_275 = tpu.memref_squeeze %dma_wait3A_274 : memref<1x!tpu.dma_semaphore, #tpu.memory_space<semaphore_mem>> -> memref<!tpu.dma_semaphore, #tpu.memory_space<semaphore_mem>>
      %dma_wait3A_276 = arith.constant 0 : i32
      %dma_wait3A_277 = arith.constant 0 : i32
      %dma_wait3A_278 = tpu.memref_slice %arg12[%dma_wait3A_264, %dma_wait3A_276, %dma_wait3A_277] : memref<2x32x128xf32, #tpu.memory_space<vmem>> -> memref<1x32x128xf32, #tpu.memory_space<vmem>>
      %dma_wait3A_279 = tpu.memref_squeeze %dma_wait3A_278 : memref<1x32x128xf32, #tpu.memory_space<vmem>> -> memref<32x128xf32, #tpu.memory_space<vmem>>
      %dma_wait3A_280 = arith.constant 0 : i32
      %dma_wait3A_281 = arith.constant 0 : i32
      %dma_wait3A_282 = tpu.memref_slice %arg4[%arg0, %scan3A_30, %dma_wait3A_280, %dma_wait3A_281] : memref<2x8x80000x128xf32, #tpu.memory_space<hbm>> -> memref<1x1x32x128xf32, #tpu.memory_space<hbm>>
      %dma_wait3A_283 = tpu.memref_squeeze %dma_wait3A_282 : memref<1x1x32x128xf32, #tpu.memory_space<hbm>> -> memref<32x128xf32, #tpu.memory_space<hbm>>
      tpu.wait_dma2 semaphore(%dma_wait3A_275 : memref<!tpu.dma_semaphore, #tpu.memory_space<semaphore_mem>>) src(%dma_wait3A_283 : memref<32x128xf32, #tpu.memory_space<hbm>>) dst(%dma_wait3A_279 : memref<32x128xf32, #tpu.memory_space<vmem>>)
      %dma_wait3A_284 = arith.constant 0 : i32
      %dma_wait3A_285 = arith.constant 1 : i32
      %dma_wait3A_286 = arith.constant 1 : i32
      %dma_wait3A_287 = arith.constant 0 : i32
      %dma_wait3A_288 = arith.constant 0 : i32
      %dma_wait3A_289 = tpu.memref_slice %arg13[%dma_wait3A_285, %dma_wait3A_287, %dma_wait3A_288] : memref<2x128x32xf32, #tpu.memory_space<vmem>> -> memref<1x128x32xf32, #tpu.memory_space<vmem>>
      %dma_wait3A_290 = tpu.memref_squeeze %dma_wait3A_289 : memref<1x128x32xf32, #tpu.memory_space<vmem>> -> memref<128x32xf32, #tpu.memory_space<vmem>>
      %dma_wait3A_291 = arith.constant 0 : i32
      %dma_wait3A_292 = tpu.memref_slice %arg10[%dma_wait3A_284, %dma_wait3A_291] : memref<160x128xi32, #tpu.memory_space<vmem>> -> memref<1x128xi32, #tpu.memory_space<vmem>>
      %dma_wait3A_293 = tpu.memref_squeeze %dma_wait3A_292 : memref<1x128xi32, #tpu.memory_space<vmem>> -> memref<128xi32, #tpu.memory_space<vmem>>
      %dma_wait3A_294 = arith.constant 0 : i32
      %dma_wait3A_295 = arith.constant 0 : i32
      %dma_wait3A_296 = tpu.memref_slice %arg2[%arg0, %scan3A_30, %dma_wait3A_294, %dma_wait3A_295] : memref<2x8x10240x32xf32, #tpu.memory_space<hbm>> -> memref<1x1x10240x32xf32, #tpu.memory_space<hbm>>
      %dma_wait3A_297 = tpu.memref_squeeze %dma_wait3A_296 : memref<1x1x10240x32xf32, #tpu.memory_space<hbm>> -> memref<10240x32xf32, #tpu.memory_space<hbm>>
      %dma_wait3A_298 = arith.constant 0 : i32
      %dma_wait3A_299 = arith.constant 0 : i32
      %dma_wait3A_300 = tpu.memref_slice %dma_wait3A_297[%dma_wait3A_298, %dma_wait3A_299] : memref<10240x32xf32, #tpu.memory_space<hbm>> -> memref<10240x32xf32, #tpu.memory_space<hbm>>
      %dma_wait3A_301 = tpu.memref_slice %arg19[%dma_wait3A_286] : memref<2x!tpu.dma_semaphore, #tpu.memory_space<semaphore_mem>> -> memref<1x!tpu.dma_semaphore, #tpu.memory_space<semaphore_mem>>
      %dma_wait3A_302 = tpu.memref_squeeze %dma_wait3A_301 : memref<1x!tpu.dma_semaphore, #tpu.memory_space<semaphore_mem>> -> memref<!tpu.dma_semaphore, #tpu.memory_space<semaphore_mem>>
      tpu.wait_indirect_dma semaphore(%dma_wait3A_302 : memref<!tpu.dma_semaphore, #tpu.memory_space<semaphore_mem>>) src(%dma_wait3A_300 : memref<10240x32xf32, #tpu.memory_space<hbm>>) dst(%dma_wait3A_290 : memref<128x32xf32, #tpu.memory_space<vmem>>)
      %dma_wait3A_303 = arith.constant 0 : i32
      %dma_wait3A_304 = arith.constant 1 : i32
      %dma_wait3A_305 = arith.constant 1 : i32
      %dma_wait3A_306 = arith.constant 0 : i32
      %dma_wait3A_307 = arith.constant 0 : i32
      %dma_wait3A_308 = tpu.memref_slice %arg14[%dma_wait3A_304, %dma_wait3A_306, %dma_wait3A_307] : memref<2x128x32xf32, #tpu.memory_space<vmem>> -> memref<1x128x32xf32, #tpu.memory_space<vmem>>
      %dma_wait3A_309 = tpu.memref_squeeze %dma_wait3A_308 : memref<1x128x32xf32, #tpu.memory_space<vmem>> -> memref<128x32xf32, #tpu.memory_space<vmem>>
      %dma_wait3A_310 = arith.constant 0 : i32
      %dma_wait3A_311 = tpu.memref_slice %arg11[%dma_wait3A_303, %dma_wait3A_310] : memref<160x128xi32, #tpu.memory_space<vmem>> -> memref<1x128xi32, #tpu.memory_space<vmem>>
      %dma_wait3A_312 = tpu.memref_squeeze %dma_wait3A_311 : memref<1x128xi32, #tpu.memory_space<vmem>> -> memref<128xi32, #tpu.memory_space<vmem>>
      %dma_wait3A_313 = arith.constant 0 : i32
      %dma_wait3A_314 = arith.constant 0 : i32
      %dma_wait3A_315 = tpu.memref_slice %arg3[%arg0, %scan3A_30, %dma_wait3A_313, %dma_wait3A_314] : memref<2x8x10240x32xf32, #tpu.memory_space<hbm>> -> memref<1x1x10240x32xf32, #tpu.memory_space<hbm>>
      %dma_wait3A_316 = tpu.memref_squeeze %dma_wait3A_315 : memref<1x1x10240x32xf32, #tpu.memory_space<hbm>> -> memref<10240x32xf32, #tpu.memory_space<hbm>>
      %dma_wait3A_317 = arith.constant 0 : i32
      %dma_wait3A_318 = arith.constant 0 : i32
      %dma_wait3A_319 = tpu.memref_slice %dma_wait3A_316[%dma_wait3A_317, %dma_wait3A_318] : memref<10240x32xf32, #tpu.memory_space<hbm>> -> memref<10240x32xf32, #tpu.memory_space<hbm>>
      %dma_wait3A_320 = tpu.memref_slice %arg20[%dma_wait3A_305] : memref<2x!tpu.dma_semaphore, #tpu.memory_space<semaphore_mem>> -> memref<1x!tpu.dma_semaphore, #tpu.memory_space<semaphore_mem>>
      %dma_wait3A_321 = tpu.memref_squeeze %dma_wait3A_320 : memref<1x!tpu.dma_semaphore, #tpu.memory_space<semaphore_mem>> -> memref<!tpu.dma_semaphore, #tpu.memory_space<semaphore_mem>>
      tpu.wait_indirect_dma semaphore(%dma_wait3A_321 : memref<!tpu.dma_semaphore, #tpu.memory_space<semaphore_mem>>) src(%dma_wait3A_319 : memref<10240x32xf32, #tpu.memory_space<hbm>>) dst(%dma_wait3A_309 : memref<128x32xf32, #tpu.memory_space<vmem>>)
      %barrier3A_322 = arith.constant 0 : index
      tpu.barrier barrier_id(%barrier3A_322)
      "tpu.region"() ({
        %run_scoped3A = tpu.sem_alloc : memref<!tpu.dma_semaphore, #tpu.memory_space<semaphore_mem>>
        %dma_start3A_324 = arith.constant 0 : i32
        %dma_start3A_325 = tpu.memref_slice %arg8[%arg0, %scan3A_30, %multiple_of3A, %dma_start3A_324] : memref<2x8x10240x48xf32, #tpu.memory_space<hbm>> -> memref<1x1x640x48xf32, #tpu.memory_space<hbm>>
        %dma_start3A_326 = tpu.memref_squeeze %dma_start3A_325 : memref<1x1x640x48xf32, #tpu.memory_space<hbm>> -> memref<640x48xf32, #tpu.memory_space<hbm>>
        %dma_start3A_327 = arith.constant 0 : i32
        %dma_start3A_328 = tpu.memref_slice %arg9[%multiple_of3A, %dma_start3A_327] : memref<10240x48xf32, #tpu.memory_space<vmem_shared>> -> memref<640x48xf32, #tpu.memory_space<vmem_shared>>
        tpu.enqueue_dma source(%dma_start3A_328 : memref<640x48xf32, #tpu.memory_space<vmem_shared>>) target(%dma_start3A_326 : memref<640x48xf32, #tpu.memory_space<hbm>>) target_semaphore(%run_scoped3A : memref<!tpu.dma_semaphore, #tpu.memory_space<semaphore_mem>>)
        %dma_wait3A_329 = arith.constant 0 : i32
        %dma_wait3A_330 = tpu.memref_slice %arg8[%arg0, %scan3A_30, %multiple_of3A, %dma_wait3A_329] : memref<2x8x10240x48xf32, #tpu.memory_space<hbm>> -> memref<1x1x640x48xf32, #tpu.memory_space<hbm>>
        %dma_wait3A_331 = tpu.memref_squeeze %dma_wait3A_330 : memref<1x1x640x48xf32, #tpu.memory_space<hbm>> -> memref<640x48xf32, #tpu.memory_space<hbm>>
        %dma_wait3A_332 = arith.constant 0 : i32
        %dma_wait3A_333 = tpu.memref_slice %arg9[%multiple_of3A, %dma_wait3A_332] : memref<10240x48xf32, #tpu.memory_space<vmem_shared>> -> memref<640x48xf32, #tpu.memory_space<vmem_shared>>
        tpu.wait_dma2 semaphore(%run_scoped3A : memref<!tpu.dma_semaphore, #tpu.memory_space<semaphore_mem>>) src(%dma_wait3A_333 : memref<640x48xf32, #tpu.memory_space<vmem_shared>>) dst(%dma_wait3A_331 : memref<640x48xf32, #tpu.memory_space<hbm>>)
        tpu.yield
      }) : () -> ()
      %scan3A_323 = arith.constant 0 : i32
      scf.yield %scan3A_323 : i32
    }
    %scan3A_29 = arith.constant 8 : i32
    return
  }
}

#map = affine_map<(d0, d1) -> (0, 0, 0, 0)>
#map1 = affine_map<(d0, d1) -> (0, 0)>
module attributes {stable_mosaic.version = 14 : i64} {
  func.func @body(%arg0: i32, %arg1: i32, %arg2: memref<2x8x10240x32xf32, #tpu.memory_space<hbm>>, %arg3: memref<2x8x10240x32xf32, #tpu.memory_space<hbm>>, %arg4: memref<2x8x80000x128xf32, #tpu.memory_space<hbm>>, %arg5: memref<2560x128xi32, #tpu.memory_space<hbm>>, %arg6: memref<2560x128xi32, #tpu.memory_space<hbm>>, %arg7: memref<16x32xf32, #tpu.memory_space<hbm>>, %arg8: memref<2x8x10240x48xf32, #tpu.memory_space<hbm>>, %arg9: memref<10240x48xf32, #tpu.memory_space<vmem_shared>>, %arg10: memref<160x128xi32, #tpu.memory_space<vmem>>, %arg11: memref<160x128xi32, #tpu.memory_space<vmem>>, %arg12: memref<2x32x128xf32, #tpu.memory_space<vmem>>, %arg13: memref<2x128x32xf32, #tpu.memory_space<vmem>>, %arg14: memref<2x128x32xf32, #tpu.memory_space<vmem>>, %arg15: memref<2x128x48xf32, #tpu.memory_space<vmem>>, %arg16: memref<1x32xf32, #tpu.memory_space<vmem>>, %arg17: memref<128x48xf32, #tpu.memory_space<vmem>>, %arg18: memref<2x!tpu.dma_semaphore, #tpu.memory_space<semaphore_mem>>, %arg19: memref<2x!tpu.dma_semaphore, #tpu.memory_space<semaphore_mem>>, %arg20: memref<2x!tpu.dma_semaphore, #tpu.memory_space<semaphore_mem>>, %arg21: memref<2x!tpu.dma_semaphore, #tpu.memory_space<semaphore_mem>>) attributes {dimension_semantics = [#tpu.dimension_semantics<core_parallel>, #tpu.dimension_semantics<subcore_parallel>], iteration_bounds = array<i64: 2, 16>, scalar_prefetch = 0 : i64, scratch_operands = 13 : i64, tpu.core_type = #tpu.core_type<sc_vector_subcore>, window_params = [{transform_indices = #map}, {transform_indices = #map}, {transform_indices = #map}, {transform_indices = #map1}, {transform_indices = #map1}, {transform_indices = #map1}, {transform_indices = #map}]} {
    %mul3A = arith.constant 640 : i32
    %mul3A_0 = arith.muli %arg1, %mul3A : i32
    %multiple_of3A = tpu.assume_multiple %mul3A_0, 640 : i32
    %iota3A = tpu.iota {dimensions = array<i32: 0>} : vector<16xi32>
    %broadcast_in_dim3A = arith.constant 0.000000e+00 : f32
    %broadcast_in_dim3A_1 = vector.broadcast %broadcast_in_dim3A : f32 to vector<16xf32>
    %broadcast_in_dim3A_2 = arith.constant 0 : i32
    %broadcast_in_dim3A_3 = vector.broadcast %broadcast_in_dim3A_2 : i32 to vector<16xi32>
    %mul3A_4 = arith.constant 8 : i32
    %mul3A_5 = arith.muli %arg0, %mul3A_4 : i32
    %multiple_of3A_6 = tpu.assume_multiple %mul3A_5, 8 : i32
    "tpu.region"() ({
      %run_scoped3A = tpu.sem_alloc : memref<!tpu.dma_semaphore, #tpu.memory_space<semaphore_mem>>
      %dma_start3A = arith.constant 0 : i32
      %dma_start3A_30 = tpu.memref_slice %arg7[%multiple_of3A_6, %dma_start3A] : memref<16x32xf32, #tpu.memory_space<hbm>> -> memref<1x32xf32, #tpu.memory_space<hbm>>
      %dma_start3A_31 = arith.constant 0 : i32
      %dma_start3A_32 = tpu.memref_slice %arg7[%multiple_of3A_6, %dma_start3A_31] : memref<16x32xf32, #tpu.memory_space<hbm>> -> memref<1x32xf32, #tpu.memory_space<hbm>>
      tpu.enqueue_dma source(%dma_start3A_32 : memref<1x32xf32, #tpu.memory_space<hbm>>) target(%arg16 : memref<1x32xf32, #tpu.memory_space<vmem>>) target_semaphore(%run_scoped3A : memref<!tpu.dma_semaphore, #tpu.memory_space<semaphore_mem>>)
      %dma_wait3A = arith.constant 0 : i32
      %dma_wait3A_33 = tpu.memref_slice %arg7[%multiple_of3A_6, %dma_wait3A] : memref<16x32xf32, #tpu.memory_space<hbm>> -> memref<1x32xf32, #tpu.memory_space<hbm>>
      %dma_wait3A_34 = arith.constant 0 : i32
      %dma_wait3A_35 = tpu.memref_slice %arg7[%multiple_of3A_6, %dma_wait3A_34] : memref<16x32xf32, #tpu.memory_space<hbm>> -> memref<1x32xf32, #tpu.memory_space<hbm>>
      tpu.wait_dma2 semaphore(%run_scoped3A : memref<!tpu.dma_semaphore, #tpu.memory_space<semaphore_mem>>) src(%dma_wait3A_35 : memref<1x32xf32, #tpu.memory_space<hbm>>) dst(%arg16 : memref<1x32xf32, #tpu.memory_space<vmem>>)
      tpu.yield
    }) : () -> ()
    %mul3A_7 = arith.constant 160 : i32
    %mul3A_8 = arith.muli %arg1, %mul3A_7 : i32
    %multiple_of3A_9 = tpu.assume_multiple %mul3A_8, 160 : i32
    "tpu.region"() ({
      %run_scoped3A = tpu.sem_alloc : memref<!tpu.dma_semaphore, #tpu.memory_space<semaphore_mem>>
      %dma_start3A = arith.constant 0 : i32
      %dma_start3A_30 = tpu.memref_slice %arg5[%multiple_of3A_9, %dma_start3A] : memref<2560x128xi32, #tpu.memory_space<hbm>> -> memref<160x128xi32, #tpu.memory_space<hbm>>
      %dma_start3A_31 = arith.constant 0 : i32
      %dma_start3A_32 = tpu.memref_slice %arg5[%multiple_of3A_9, %dma_start3A_31] : memref<2560x128xi32, #tpu.memory_space<hbm>> -> memref<160x128xi32, #tpu.memory_space<hbm>>
      tpu.enqueue_dma source(%dma_start3A_32 : memref<160x128xi32, #tpu.memory_space<hbm>>) target(%arg10 : memref<160x128xi32, #tpu.memory_space<vmem>>) target_semaphore(%run_scoped3A : memref<!tpu.dma_semaphore, #tpu.memory_space<semaphore_mem>>)
      %dma_wait3A = arith.constant 0 : i32
      %dma_wait3A_33 = tpu.memref_slice %arg5[%multiple_of3A_9, %dma_wait3A] : memref<2560x128xi32, #tpu.memory_space<hbm>> -> memref<160x128xi32, #tpu.memory_space<hbm>>
      %dma_wait3A_34 = arith.constant 0 : i32
      %dma_wait3A_35 = tpu.memref_slice %arg5[%multiple_of3A_9, %dma_wait3A_34] : memref<2560x128xi32, #tpu.memory_space<hbm>> -> memref<160x128xi32, #tpu.memory_space<hbm>>
      tpu.wait_dma2 semaphore(%run_scoped3A : memref<!tpu.dma_semaphore, #tpu.memory_space<semaphore_mem>>) src(%dma_wait3A_35 : memref<160x128xi32, #tpu.memory_space<hbm>>) dst(%arg10 : memref<160x128xi32, #tpu.memory_space<vmem>>)
      tpu.yield
    }) : () -> ()
    "tpu.region"() ({
      %run_scoped3A = tpu.sem_alloc : memref<!tpu.dma_semaphore, #tpu.memory_space<semaphore_mem>>
      %dma_start3A = arith.constant 0 : i32
      %dma_start3A_30 = tpu.memref_slice %arg6[%multiple_of3A_9, %dma_start3A] : memref<2560x128xi32, #tpu.memory_space<hbm>> -> memref<160x128xi32, #tpu.memory_space<hbm>>
      %dma_start3A_31 = arith.constant 0 : i32
      %dma_start3A_32 = tpu.memref_slice %arg6[%multiple_of3A_9, %dma_start3A_31] : memref<2560x128xi32, #tpu.memory_space<hbm>> -> memref<160x128xi32, #tpu.memory_space<hbm>>
      tpu.enqueue_dma source(%dma_start3A_32 : memref<160x128xi32, #tpu.memory_space<hbm>>) target(%arg11 : memref<160x128xi32, #tpu.memory_space<vmem>>) target_semaphore(%run_scoped3A : memref<!tpu.dma_semaphore, #tpu.memory_space<semaphore_mem>>)
      %dma_wait3A = arith.constant 0 : i32
      %dma_wait3A_33 = tpu.memref_slice %arg6[%multiple_of3A_9, %dma_wait3A] : memref<2560x128xi32, #tpu.memory_space<hbm>> -> memref<160x128xi32, #tpu.memory_space<hbm>>
      %dma_wait3A_34 = arith.constant 0 : i32
      %dma_wait3A_35 = tpu.memref_slice %arg6[%multiple_of3A_9, %dma_wait3A_34] : memref<2560x128xi32, #tpu.memory_space<hbm>> -> memref<160x128xi32, #tpu.memory_space<hbm>>
      tpu.wait_dma2 semaphore(%run_scoped3A : memref<!tpu.dma_semaphore, #tpu.memory_space<semaphore_mem>>) src(%dma_wait3A_35 : memref<160x128xi32, #tpu.memory_space<hbm>>) dst(%arg11 : memref<160x128xi32, #tpu.memory_space<vmem>>)
      tpu.yield
    }) : () -> ()
    %scan3A = arith.constant 0 : i32
    %scan3A_10 = arith.constant 0 : i32
    %scan3A_11 = arith.constant 128 : i32
    %scan3A_12 = arith.addi %scan3A_10, %scan3A_11 : i32
    %scan3A_13 = arith.constant 1 : i32
    %scan3A_14 = scf.for %scan3A_30 = %scan3A_10 to %scan3A_12 step %scan3A_13 iter_args(%scan3A_31 = %scan3A) -> (i32)  : i32 {
      %swap3A = arith.index_cast %scan3A_30 : i32 to index
      %swap3A_32 = arith.constant 0 : index
      %swap3A_33 = tpu.vector_load %arg17[%swap3A, %swap3A_32] {strides = array<i32>} : memref<128x48xf32, #tpu.memory_space<vmem>>, vector<16xf32>,
      tpu.vector_store %arg17[%swap3A, %swap3A_32], %broadcast_in_dim3A_1 {strides = array<i32>} : memref<128x48xf32, #tpu.memory_space<vmem>>, vector<16xf32>,
      %swap3A_34 = arith.index_cast %scan3A_30 : i32 to index
      %swap3A_35 = arith.constant 16 : index
      %swap3A_36 = tpu.vector_load %arg17[%swap3A_34, %swap3A_35] {strides = array<i32>} : memref<128x48xf32, #tpu.memory_space<vmem>>, vector<16xf32>,
      tpu.vector_store %arg17[%swap3A_34, %swap3A_35], %broadcast_in_dim3A_1 {strides = array<i32>} : memref<128x48xf32, #tpu.memory_space<vmem>>, vector<16xf32>,
      %swap3A_37 = arith.index_cast %scan3A_30 : i32 to index
      %swap3A_38 = arith.constant 32 : index
      %swap3A_39 = tpu.vector_load %arg17[%swap3A_37, %swap3A_38] {strides = array<i32>} : memref<128x48xf32, #tpu.memory_space<vmem>>, vector<16xf32>,
      tpu.vector_store %arg17[%swap3A_37, %swap3A_38], %broadcast_in_dim3A_1 {strides = array<i32>} : memref<128x48xf32, #tpu.memory_space<vmem>>, vector<16xf32>,
      %scan3A_40 = arith.constant 0 : i32
      scf.yield %scan3A_40 : i32
    }
    %scan3A_15 = arith.constant 128 : i32
    %scan3A_16 = arith.constant 0 : i32
    %scan3A_17 = arith.constant 0 : i32
    %scan3A_18 = arith.constant 128 : i32
    %scan3A_19 = arith.addi %scan3A_17, %scan3A_18 : i32
    %scan3A_20 = arith.constant 1 : i32
    %scan3A_21 = scf.for %scan3A_30 = %scan3A_17 to %scan3A_19 step %scan3A_20 iter_args(%scan3A_31 = %scan3A_16) -> (i32)  : i32 {
      %swap3A = arith.constant 0 : i32
      %swap3A_32 = arith.index_cast %swap3A : i32 to index
      %swap3A_33 = arith.index_cast %scan3A_30 : i32 to index
      %swap3A_34 = arith.constant 32 : index
      %swap3A_35 = tpu.vector_load %arg15[%swap3A_32, %swap3A_33, %swap3A_34] {strides = array<i32>} : memref<2x128x48xf32, #tpu.memory_space<vmem>>, vector<16xf32>,
      tpu.vector_store %arg15[%swap3A_32, %swap3A_33, %swap3A_34], %broadcast_in_dim3A_1 {strides = array<i32>} : memref<2x128x48xf32, #tpu.memory_space<vmem>>, vector<16xf32>,
      %swap3A_36 = arith.constant 1 : i32
      %swap3A_37 = arith.index_cast %swap3A_36 : i32 to index
      %swap3A_38 = arith.index_cast %scan3A_30 : i32 to index
      %swap3A_39 = arith.constant 32 : index
      %swap3A_40 = tpu.vector_load %arg15[%swap3A_37, %swap3A_38, %swap3A_39] {strides = array<i32>} : memref<2x128x48xf32, #tpu.memory_space<vmem>>, vector<16xf32>,
      tpu.vector_store %arg15[%swap3A_37, %swap3A_38, %swap3A_39], %broadcast_in_dim3A_1 {strides = array<i32>} : memref<2x128x48xf32, #tpu.memory_space<vmem>>, vector<16xf32>,
      %scan3A_41 = arith.constant 0 : i32
      scf.yield %scan3A_41 : i32
    }
    %scan3A_22 = arith.constant 128 : i32
    %scan3A_23 = arith.constant 0 : i32
    %scan3A_24 = arith.constant 0 : i32
    %scan3A_25 = arith.constant 8 : i32
    %scan3A_26 = arith.addi %scan3A_24, %scan3A_25 : i32
    %scan3A_27 = arith.constant 1 : i32
    %scan3A_28 = scf.for %scan3A_30 = %scan3A_24 to %scan3A_26 step %scan3A_27 iter_args(%scan3A_31 = %scan3A_23) -> (i32)  : i32 {
      %add3A = arith.constant 0 : i32
      %add3A_32 = arith.addi %multiple_of3A, %add3A : i32
      "tpu.region"() ({
        %run_scoped3A = tpu.sem_alloc : memref<!tpu.dma_semaphore, #tpu.memory_space<semaphore_mem>>
        %dma_start3A_324 = arith.constant 0 : i32
        %dma_start3A_325 = tpu.memref_slice %arg9[%add3A_32, %dma_start3A_324] : memref<10240x48xf32, #tpu.memory_space<vmem_shared>> -> memref<128x48xf32, #tpu.memory_space<vmem_shared>>
        %dma_start3A_326 = arith.constant 0 : i32
        %dma_start3A_327 = tpu.memref_slice %arg9[%add3A_32, %dma_start3A_326] : memref<10240x48xf32, #tpu.memory_space<vmem_shared>> -> memref<128x48xf32, #tpu.memory_space<vmem_shared>>
        tpu.enqueue_dma source(%arg17 : memref<128x48xf32, #tpu.memory_space<vmem>>) target(%dma_start3A_327 : memref<128x48xf32, #tpu.memory_space<vmem_shared>>) target_semaphore(%run_scoped3A : memref<!tpu.dma_semaphore, #tpu.memory_space<semaphore_mem>>)
        %dma_wait3A_328 = arith.constant 0 : i32
        %dma_wait3A_329 = tpu.memref_slice %arg9[%add3A_32, %dma_wait3A_328] : memref<10240x48xf32, #tpu.memory_space<vmem_shared>> -> memref<128x48xf32, #tpu.memory_space<vmem_shared>>
        %dma_wait3A_330 = arith.constant 0 : i32
        %dma_wait3A_331 = tpu.memref_slice %arg9[%add3A_32, %dma_wait3A_330] : memref<10240x48xf32, #tpu.memory_space<vmem_shared>> -> memref<128x48xf32, #tpu.memory_space<vmem_shared>>
        tpu.wait_dma2 semaphore(%run_scoped3A : memref<!tpu.dma_semaphore, #tpu.memory_space<semaphore_mem>>) src(%arg17 : memref<128x48xf32, #tpu.memory_space<vmem>>) dst(%dma_wait3A_331 : memref<128x48xf32, #tpu.memory_space<vmem_shared>>)
        tpu.yield
      }) : () -> ()
      %add3A_33 = arith.constant 128 : i32
      %add3A_34 = arith.addi %multiple_of3A, %add3A_33 : i32
      "tpu.region"() ({
        %run_scoped3A = tpu.sem_alloc : memref<!tpu.dma_semaphore, #tpu.memory_space<semaphore_mem>>
        %dma_start3A_324 = arith.constant 0 : i32
        %dma_start3A_325 = tpu.memref_slice %arg9[%add3A_34, %dma_start3A_324] : memref<10240x48xf32, #tpu.memory_space<vmem_shared>> -> memref<128x48xf32, #tpu.memory_space<vmem_shared>>
        %dma_start3A_326 = arith.constant 0 : i32
        %dma_start3A_327 = tpu.memref_slice %arg9[%add3A_34, %dma_start3A_326] : memref<10240x48xf32, #tpu.memory_space<vmem_shared>> -> memref<128x48xf32, #tpu.memory_space<vmem_shared>>
        tpu.enqueue_dma source(%arg17 : memref<128x48xf32, #tpu.memory_space<vmem>>) target(%dma_start3A_327 : memref<128x48xf32, #tpu.memory_space<vmem_shared>>) target_semaphore(%run_scoped3A : memref<!tpu.dma_semaphore, #tpu.memory_space<semaphore_mem>>)
        %dma_wait3A_328 = arith.constant 0 : i32
        %dma_wait3A_329 = tpu.memref_slice %arg9[%add3A_34, %dma_wait3A_328] : memref<10240x48xf32, #tpu.memory_space<vmem_shared>> -> memref<128x48xf32, #tpu.memory_space<vmem_shared>>
        %dma_wait3A_330 = arith.constant 0 : i32
        %dma_wait3A_331 = tpu.memref_slice %arg9[%add3A_34, %dma_wait3A_330] : memref<10240x48xf32, #tpu.memory_space<vmem_shared>> -> memref<128x48xf32, #tpu.memory_space<vmem_shared>>
        tpu.wait_dma2 semaphore(%run_scoped3A : memref<!tpu.dma_semaphore, #tpu.memory_space<semaphore_mem>>) src(%arg17 : memref<128x48xf32, #tpu.memory_space<vmem>>) dst(%dma_wait3A_331 : memref<128x48xf32, #tpu.memory_space<vmem_shared>>)
        tpu.yield
      }) : () -> ()
      %add3A_35 = arith.constant 256 : i32
      %add3A_36 = arith.addi %multiple_of3A, %add3A_35 : i32
      "tpu.region"() ({
        %run_scoped3A = tpu.sem_alloc : memref<!tpu.dma_semaphore, #tpu.memory_space<semaphore_mem>>
        %dma_start3A_324 = arith.constant 0 : i32
        %dma_start3A_325 = tpu.memref_slice %arg9[%add3A_36, %dma_start3A_324] : memref<10240x48xf32, #tpu.memory_space<vmem_shared>> -> memref<128x48xf32, #tpu.memory_space<vmem_shared>>
        %dma_start3A_326 = arith.constant 0 : i32
        %dma_start3A_327 = tpu.memref_slice %arg9[%add3A_36, %dma_start3A_326] : memref<10240x48xf32, #tpu.memory_space<vmem_shared>> -> memref<128x48xf32, #tpu.memory_space<vmem_shared>>
        tpu.enqueue_dma source(%arg17 : memref<128x48xf32, #tpu.memory_space<vmem>>) target(%dma_start3A_327 : memref<128x48xf32, #tpu.memory_space<vmem_shared>>) target_semaphore(%run_scoped3A : memref<!tpu.dma_semaphore, #tpu.memory_space<semaphore_mem>>)
        %dma_wait3A_328 = arith.constant 0 : i32
        %dma_wait3A_329 = tpu.memref_slice %arg9[%add3A_36, %dma_wait3A_328] : memref<10240x48xf32, #tpu.memory_space<vmem_shared>> -> memref<128x48xf32, #tpu.memory_space<vmem_shared>>
        %dma_wait3A_330 = arith.constant 0 : i32
        %dma_wait3A_331 = tpu.memref_slice %arg9[%add3A_36, %dma_wait3A_330] : memref<10240x48xf32, #tpu.memory_space<vmem_shared>> -> memref<128x48xf32, #tpu.memory_space<vmem_shared>>
        tpu.wait_dma2 semaphore(%run_scoped3A : memref<!tpu.dma_semaphore, #tpu.memory_space<semaphore_mem>>) src(%arg17 : memref<128x48xf32, #tpu.memory_space<vmem>>) dst(%dma_wait3A_331 : memref<128x48xf32, #tpu.memory_space<vmem_shared>>)
        tpu.yield
      }) : () -> ()
      %add3A_37 = arith.constant 384 : i32
      %add3A_38 = arith.addi %multiple_of3A, %add3A_37 : i32
      "tpu.region"() ({
        %run_scoped3A = tpu.sem_alloc : memref<!tpu.dma_semaphore, #tpu.memory_space<semaphore_mem>>
        %dma_start3A_324 = arith.constant 0 : i32
        %dma_start3A_325 = tpu.memref_slice %arg9[%add3A_38, %dma_start3A_324] : memref<10240x48xf32, #tpu.memory_space<vmem_shared>> -> memref<128x48xf32, #tpu.memory_space<vmem_shared>>
        %dma_start3A_326 = arith.constant 0 : i32
        %dma_start3A_327 = tpu.memref_slice %arg9[%add3A_38, %dma_start3A_326] : memref<10240x48xf32, #tpu.memory_space<vmem_shared>> -> memref<128x48xf32, #tpu.memory_space<vmem_shared>>
        tpu.enqueue_dma source(%arg17 : memref<128x48xf32, #tpu.memory_space<vmem>>) target(%dma_start3A_327 : memref<128x48xf32, #tpu.memory_space<vmem_shared>>) target_semaphore(%run_scoped3A : memref<!tpu.dma_semaphore, #tpu.memory_space<semaphore_mem>>)
        %dma_wait3A_328 = arith.constant 0 : i32
        %dma_wait3A_329 = tpu.memref_slice %arg9[%add3A_38, %dma_wait3A_328] : memref<10240x48xf32, #tpu.memory_space<vmem_shared>> -> memref<128x48xf32, #tpu.memory_space<vmem_shared>>
        %dma_wait3A_330 = arith.constant 0 : i32
        %dma_wait3A_331 = tpu.memref_slice %arg9[%add3A_38, %dma_wait3A_330] : memref<10240x48xf32, #tpu.memory_space<vmem_shared>> -> memref<128x48xf32, #tpu.memory_space<vmem_shared>>
        tpu.wait_dma2 semaphore(%run_scoped3A : memref<!tpu.dma_semaphore, #tpu.memory_space<semaphore_mem>>) src(%arg17 : memref<128x48xf32, #tpu.memory_space<vmem>>) dst(%dma_wait3A_331 : memref<128x48xf32, #tpu.memory_space<vmem_shared>>)
        tpu.yield
      }) : () -> ()
      %add3A_39 = arith.constant 512 : i32
      %add3A_40 = arith.addi %multiple_of3A, %add3A_39 : i32
      "tpu.region"() ({
        %run_scoped3A = tpu.sem_alloc : memref<!tpu.dma_semaphore, #tpu.memory_space<semaphore_mem>>
        %dma_start3A_324 = arith.constant 0 : i32
        %dma_start3A_325 = tpu.memref_slice %arg9[%add3A_40, %dma_start3A_324] : memref<10240x48xf32, #tpu.memory_space<vmem_shared>> -> memref<128x48xf32, #tpu.memory_space<vmem_shared>>
        %dma_start3A_326 = arith.constant 0 : i32
        %dma_start3A_327 = tpu.memref_slice %arg9[%add3A_40, %dma_start3A_326] : memref<10240x48xf32, #tpu.memory_space<vmem_shared>> -> memref<128x48xf32, #tpu.memory_space<vmem_shared>>
        tpu.enqueue_dma source(%arg17 : memref<128x48xf32, #tpu.memory_space<vmem>>) target(%dma_start3A_327 : memref<128x48xf32, #tpu.memory_space<vmem_shared>>) target_semaphore(%run_scoped3A : memref<!tpu.dma_semaphore, #tpu.memory_space<semaphore_mem>>)
        %dma_wait3A_328 = arith.constant 0 : i32
        %dma_wait3A_329 = tpu.memref_slice %arg9[%add3A_40, %dma_wait3A_328] : memref<10240x48xf32, #tpu.memory_space<vmem_shared>> -> memref<128x48xf32, #tpu.memory_space<vmem_shared>>
        %dma_wait3A_330 = arith.constant 0 : i32
        %dma_wait3A_331 = tpu.memref_slice %arg9[%add3A_40, %dma_wait3A_330] : memref<10240x48xf32, #tpu.memory_space<vmem_shared>> -> memref<128x48xf32, #tpu.memory_space<vmem_shared>>
        tpu.wait_dma2 semaphore(%run_scoped3A : memref<!tpu.dma_semaphore, #tpu.memory_space<semaphore_mem>>) src(%arg17 : memref<128x48xf32, #tpu.memory_space<vmem>>) dst(%dma_wait3A_331 : memref<128x48xf32, #tpu.memory_space<vmem_shared>>)
        tpu.yield
      }) : () -> ()
      %barrier3A = arith.constant 0 : index
      tpu.barrier barrier_id(%barrier3A)
      %mul3A_41 = arith.constant 20480 : i32
      %mul3A_42 = arith.muli %arg1, %mul3A_41 : i32
      %multiple_of3A_43 = tpu.assume_multiple %mul3A_42, 20480 : i32
      %add3A_44 = arith.constant 0 : i32
      %add3A_45 = arith.addi %multiple_of3A_43, %add3A_44 : i32
      %min3A = arith.constant 319872 : i32
      %min3A_46 = arith.minsi %add3A_45, %min3A : i32
      %shift_right_arithmetic3A = arith.constant 2 : i32
      %shift_right_arithmetic3A_47 = arith.shrsi %min3A_46, %shift_right_arithmetic3A : i32
      %multiple_of3A_48 = tpu.assume_multiple %shift_right_arithmetic3A_47, 8 : i32
      %dma_start3A = arith.constant 0 : i32
      %dma_start3A_49 = arith.constant 0 : i32
      %dma_start3A_50 = arith.constant 0 : i32
      %dma_start3A_51 = arith.constant 0 : i32
      %dma_start3A_52 = tpu.memref_slice %arg12[%dma_start3A, %dma_start3A_50, %dma_start3A_51] : memref<2x32x128xf32, #tpu.memory_space<vmem>> -> memref<1x32x128xf32, #tpu.memory_space<vmem>>
      %dma_start3A_53 = tpu.memref_squeeze %dma_start3A_52 : memref<1x32x128xf32, #tpu.memory_space<vmem>> -> memref<32x128xf32, #tpu.memory_space<vmem>>
      %dma_start3A_54 = arith.constant 0 : i32
      %dma_start3A_55 = tpu.memref_slice %arg4[%arg0, %scan3A_30, %multiple_of3A_48, %dma_start3A_54] : memref<2x8x80000x128xf32, #tpu.memory_space<hbm>> -> memref<1x1x32x128xf32, #tpu.memory_space<hbm>>
      %dma_start3A_56 = tpu.memref_squeeze %dma_start3A_55 : memref<1x1x32x128xf32, #tpu.memory_space<hbm>> -> memref<32x128xf32, #tpu.memory_space<hbm>>
      %dma_start3A_57 = tpu.memref_slice %arg18[%dma_start3A_49] : memref<2x!tpu.dma_semaphore, #tpu.memory_space<semaphore_mem>> -> memref<1x!tpu.dma_semaphore, #tpu.memory_space<semaphore_mem>>
      %dma_start3A_58 = tpu.memref_squeeze %dma_start3A_57 : memref<1x!tpu.dma_semaphore, #tpu.memory_space<semaphore_mem>> -> memref<!tpu.dma_semaphore, #tpu.memory_space<semaphore_mem>>
      %dma_start3A_59 = arith.constant 0 : i32
      %dma_start3A_60 = arith.constant 0 : i32
      %dma_start3A_61 = tpu.memref_slice %arg12[%dma_start3A, %dma_start3A_59, %dma_start3A_60] : memref<2x32x128xf32, #tpu.memory_space<vmem>> -> memref<1x32x128xf32, #tpu.memory_space<vmem>>
      %dma_start3A_62 = tpu.memref_squeeze %dma_start3A_61 : memref<1x32x128xf32, #tpu.memory_space<vmem>> -> memref<32x128xf32, #tpu.memory_space<vmem>>
      %dma_start3A_63 = arith.constant 0 : i32
      %dma_start3A_64 = tpu.memref_slice %arg4[%arg0, %scan3A_30, %multiple_of3A_48, %dma_start3A_63] : memref<2x8x80000x128xf32, #tpu.memory_space<hbm>> -> memref<1x1x32x128xf32, #tpu.memory_space<hbm>>
      %dma_start3A_65 = tpu.memref_squeeze %dma_start3A_64 : memref<1x1x32x128xf32, #tpu.memory_space<hbm>> -> memref<32x128xf32, #tpu.memory_space<hbm>>
      tpu.enqueue_dma source(%dma_start3A_65 : memref<32x128xf32, #tpu.memory_space<hbm>>) target(%dma_start3A_62 : memref<32x128xf32, #tpu.memory_space<vmem>>) target_semaphore(%dma_start3A_58 : memref<!tpu.dma_semaphore, #tpu.memory_space<semaphore_mem>>)
      %dma_start3A_66 = arith.constant 0 : i32
      %dma_start3A_67 = arith.constant 0 : i32
      %dma_start3A_68 = arith.constant 0 : i32
      %dma_start3A_69 = arith.constant 0 : i32
      %dma_start3A_70 = arith.constant 0 : i32
      %dma_start3A_71 = tpu.memref_slice %arg13[%dma_start3A_67, %dma_start3A_69, %dma_start3A_70] : memref<2x128x32xf32, #tpu.memory_space<vmem>> -> memref<1x128x32xf32, #tpu.memory_space<vmem>>
      %dma_start3A_72 = tpu.memref_squeeze %dma_start3A_71 : memref<1x128x32xf32, #tpu.memory_space<vmem>> -> memref<128x32xf32, #tpu.memory_space<vmem>>
      %dma_start3A_73 = arith.constant 0 : i32
      %dma_start3A_74 = tpu.memref_slice %arg10[%dma_start3A_66, %dma_start3A_73] : memref<160x128xi32, #tpu.memory_space<vmem>> -> memref<1x128xi32, #tpu.memory_space<vmem>>
      %dma_start3A_75 = tpu.memref_squeeze %dma_start3A_74 : memref<1x128xi32, #tpu.memory_space<vmem>> -> memref<128xi32, #tpu.memory_space<vmem>>
      %dma_start3A_76 = arith.constant 0 : i32
      %dma_start3A_77 = arith.constant 0 : i32
      %dma_start3A_78 = tpu.memref_slice %arg2[%arg0, %scan3A_30, %dma_start3A_76, %dma_start3A_77] : memref<2x8x10240x32xf32, #tpu.memory_space<hbm>> -> memref<1x1x10240x32xf32, #tpu.memory_space<hbm>>
      %dma_start3A_79 = tpu.memref_squeeze %dma_start3A_78 : memref<1x1x10240x32xf32, #tpu.memory_space<hbm>> -> memref<10240x32xf32, #tpu.memory_space<hbm>>
      %dma_start3A_80 = arith.constant 0 : i32
      %dma_start3A_81 = arith.constant 0 : i32
      %dma_start3A_82 = tpu.memref_slice %dma_start3A_79[%dma_start3A_80, %dma_start3A_81] : memref<10240x32xf32, #tpu.memory_space<hbm>> -> memref<10240x32xf32, #tpu.memory_space<hbm>>
      %dma_start3A_83 = tpu.memref_slice %arg19[%dma_start3A_68] : memref<2x!tpu.dma_semaphore, #tpu.memory_space<semaphore_mem>> -> memref<1x!tpu.dma_semaphore, #tpu.memory_space<semaphore_mem>>
      %dma_start3A_84 = tpu.memref_squeeze %dma_start3A_83 : memref<1x!tpu.dma_semaphore, #tpu.memory_space<semaphore_mem>> -> memref<!tpu.dma_semaphore, #tpu.memory_space<semaphore_mem>>
      tpu.enqueue_indirect_dma source(%dma_start3A_82 : memref<10240x32xf32, #tpu.memory_space<hbm>>) target(%dma_start3A_72 : memref<128x32xf32, #tpu.memory_space<vmem>>) offsets(%dma_start3A_75 : memref<128xi32, #tpu.memory_space<vmem>>) semaphore(%dma_start3A_84 : memref<!tpu.dma_semaphore, #tpu.memory_space<semaphore_mem>>)
      %dma_start3A_85 = arith.constant 0 : i32
      %dma_start3A_86 = arith.constant 0 : i32
      %dma_start3A_87 = arith.constant 0 : i32
      %dma_start3A_88 = arith.constant 0 : i32
      %dma_start3A_89 = arith.constant 0 : i32
      %dma_start3A_90 = tpu.memref_slice %arg14[%dma_start3A_86, %dma_start3A_88, %dma_start3A_89] : memref<2x128x32xf32, #tpu.memory_space<vmem>> -> memref<1x128x32xf32, #tpu.memory_space<vmem>>
      %dma_start3A_91 = tpu.memref_squeeze %dma_start3A_90 : memref<1x128x32xf32, #tpu.memory_space<vmem>> -> memref<128x32xf32, #tpu.memory_space<vmem>>
      %dma_start3A_92 = arith.constant 0 : i32
      %dma_start3A_93 = tpu.memref_slice %arg11[%dma_start3A_85, %dma_start3A_92] : memref<160x128xi32, #tpu.memory_space<vmem>> -> memref<1x128xi32, #tpu.memory_space<vmem>>
      %dma_start3A_94 = tpu.memref_squeeze %dma_start3A_93 : memref<1x128xi32, #tpu.memory_space<vmem>> -> memref<128xi32, #tpu.memory_space<vmem>>
      %dma_start3A_95 = arith.constant 0 : i32
      %dma_start3A_96 = arith.constant 0 : i32
      %dma_start3A_97 = tpu.memref_slice %arg3[%arg0, %scan3A_30, %dma_start3A_95, %dma_start3A_96] : memref<2x8x10240x32xf32, #tpu.memory_space<hbm>> -> memref<1x1x10240x32xf32, #tpu.memory_space<hbm>>
      %dma_start3A_98 = tpu.memref_squeeze %dma_start3A_97 : memref<1x1x10240x32xf32, #tpu.memory_space<hbm>> -> memref<10240x32xf32, #tpu.memory_space<hbm>>
      %dma_start3A_99 = arith.constant 0 : i32
      %dma_start3A_100 = arith.constant 0 : i32
      %dma_start3A_101 = tpu.memref_slice %dma_start3A_98[%dma_start3A_99, %dma_start3A_100] : memref<10240x32xf32, #tpu.memory_space<hbm>> -> memref<10240x32xf32, #tpu.memory_space<hbm>>
      %dma_start3A_102 = tpu.memref_slice %arg20[%dma_start3A_87] : memref<2x!tpu.dma_semaphore, #tpu.memory_space<semaphore_mem>> -> memref<1x!tpu.dma_semaphore, #tpu.memory_space<semaphore_mem>>
      %dma_start3A_103 = tpu.memref_squeeze %dma_start3A_102 : memref<1x!tpu.dma_semaphore, #tpu.memory_space<semaphore_mem>> -> memref<!tpu.dma_semaphore, #tpu.memory_space<semaphore_mem>>
      tpu.enqueue_indirect_dma source(%dma_start3A_101 : memref<10240x32xf32, #tpu.memory_space<hbm>>) target(%dma_start3A_91 : memref<128x32xf32, #tpu.memory_space<vmem>>) offsets(%dma_start3A_94 : memref<128xi32, #tpu.memory_space<vmem>>) semaphore(%dma_start3A_103 : memref<!tpu.dma_semaphore, #tpu.memory_space<semaphore_mem>>)
      %mul3A_104 = arith.constant 20480 : i32
      %mul3A_105 = arith.muli %arg1, %mul3A_104 : i32
      %multiple_of3A_106 = tpu.assume_multiple %mul3A_105, 20480 : i32
      %add3A_107 = arith.constant 128 : i32
      %add3A_108 = arith.addi %multiple_of3A_106, %add3A_107 : i32
      %min3A_109 = arith.constant 319872 : i32
      %min3A_110 = arith.minsi %add3A_108, %min3A_109 : i32
      %shift_right_arithmetic3A_111 = arith.constant 2 : i32
      %shift_right_arithmetic3A_112 = arith.shrsi %min3A_110, %shift_right_arithmetic3A_111 : i32
      %multiple_of3A_113 = tpu.assume_multiple %shift_right_arithmetic3A_112, 8 : i32
      %dma_start3A_114 = arith.constant 1 : i32
      %dma_start3A_115 = arith.constant 1 : i32
      %dma_start3A_116 = arith.constant 0 : i32
      %dma_start3A_117 = arith.constant 0 : i32
      %dma_start3A_118 = tpu.memref_slice %arg12[%dma_start3A_114, %dma_start3A_116, %dma_start3A_117] : memref<2x32x128xf32, #tpu.memory_space<vmem>> -> memref<1x32x128xf32, #tpu.memory_space<vmem>>
      %dma_start3A_119 = tpu.memref_squeeze %dma_start3A_118 : memref<1x32x128xf32, #tpu.memory_space<vmem>> -> memref<32x128xf32, #tpu.memory_space<vmem>>
      %dma_start3A_120 = arith.constant 0 : i32
      %dma_start3A_121 = tpu.memref_slice %arg4[%arg0, %scan3A_30, %multiple_of3A_113, %dma_start3A_120] : memref<2x8x80000x128xf32, #tpu.memory_space<hbm>> -> memref<1x1x32x128xf32, #tpu.memory_space<hbm>>
      %dma_start3A_122 = tpu.memref_squeeze %dma_start3A_121 : memref<1x1x32x128xf32, #tpu.memory_space<hbm>> -> memref<32x128xf32, #tpu.memory_space<hbm>>
      %dma_start3A_123 = tpu.memref_slice %arg18[%dma_start3A_115] : memref<2x!tpu.dma_semaphore, #tpu.memory_space<semaphore_mem>> -> memref<1x!tpu.dma_semaphore, #tpu.memory_space<semaphore_mem>>
      %dma_start3A_124 = tpu.memref_squeeze %dma_start3A_123 : memref<1x!tpu.dma_semaphore, #tpu.memory_space<semaphore_mem>> -> memref<!tpu.dma_semaphore, #tpu.memory_space<semaphore_mem>>
      %dma_start3A_125 = arith.constant 0 : i32
      %dma_start3A_126 = arith.constant 0 : i32
      %dma_start3A_127 = tpu.memref_slice %arg12[%dma_start3A_114, %dma_start3A_125, %dma_start3A_126] : memref<2x32x128xf32, #tpu.memory_space<vmem>> -> memref<1x32x128xf32, #tpu.memory_space<vmem>>
      %dma_start3A_128 = tpu.memref_squeeze %dma_start3A_127 : memref<1x32x128xf32, #tpu.memory_space<vmem>> -> memref<32x128xf32, #tpu.memory_space<vmem>>
      %dma_start3A_129 = arith.constant 0 : i32
      %dma_start3A_130 = tpu.memref_slice %arg4[%arg0, %scan3A_30, %multiple_of3A_113, %dma_start3A_129] : memref<2x8x80000x128xf32, #tpu.memory_space<hbm>> -> memref<1x1x32x128xf32, #tpu.memory_space<hbm>>
      %dma_start3A_131 = tpu.memref_squeeze %dma_start3A_130 : memref<1x1x32x128xf32, #tpu.memory_space<hbm>> -> memref<32x128xf32, #tpu.memory_space<hbm>>
      tpu.enqueue_dma source(%dma_start3A_131 : memref<32x128xf32, #tpu.memory_space<hbm>>) target(%dma_start3A_128 : memref<32x128xf32, #tpu.memory_space<vmem>>) target_semaphore(%dma_start3A_124 : memref<!tpu.dma_semaphore, #tpu.memory_space<semaphore_mem>>)
      %dma_start3A_132 = arith.constant 1 : i32
      %dma_start3A_133 = arith.constant 1 : i32
      %dma_start3A_134 = arith.constant 1 : i32
      %dma_start3A_135 = arith.constant 0 : i32
      %dma_start3A_136 = arith.constant 0 : i32
      %dma_start3A_137 = tpu.memref_slice %arg13[%dma_start3A_133, %dma_start3A_135, %dma_start3A_136] : memref<2x128x32xf32, #tpu.memory_space<vmem>> -> memref<1x128x32xf32, #tpu.memory_space<vmem>>
      %dma_start3A_138 = tpu.memref_squeeze %dma_start3A_137 : memref<1x128x32xf32, #tpu.memory_space<vmem>> -> memref<128x32xf32, #tpu.memory_space<vmem>>
      %dma_start3A_139 = arith.constant 0 : i32
      %dma_start3A_140 = tpu.memref_slice %arg10[%dma_start3A_132, %dma_start3A_139] : memref<160x128xi32, #tpu.memory_space<vmem>> -> memref<1x128xi32, #tpu.memory_space<vmem>>
      %dma_start3A_141 = tpu.memref_squeeze %dma_start3A_140 : memref<1x128xi32, #tpu.memory_space<vmem>> -> memref<128xi32, #tpu.memory_space<vmem>>
      %dma_start3A_142 = arith.constant 0 : i32
      %dma_start3A_143 = arith.constant 0 : i32
      %dma_start3A_144 = tpu.memref_slice %arg2[%arg0, %scan3A_30, %dma_start3A_142, %dma_start3A_143] : memref<2x8x10240x32xf32, #tpu.memory_space<hbm>> -> memref<1x1x10240x32xf32, #tpu.memory_space<hbm>>
      %dma_start3A_145 = tpu.memref_squeeze %dma_start3A_144 : memref<1x1x10240x32xf32, #tpu.memory_space<hbm>> -> memref<10240x32xf32, #tpu.memory_space<hbm>>
      %dma_start3A_146 = arith.constant 0 : i32
      %dma_start3A_147 = arith.constant 0 : i32
      %dma_start3A_148 = tpu.memref_slice %dma_start3A_145[%dma_start3A_146, %dma_start3A_147] : memref<10240x32xf32, #tpu.memory_space<hbm>> -> memref<10240x32xf32, #tpu.memory_space<hbm>>
      %dma_start3A_149 = tpu.memref_slice %arg19[%dma_start3A_134] : memref<2x!tpu.dma_semaphore, #tpu.memory_space<semaphore_mem>> -> memref<1x!tpu.dma_semaphore, #tpu.memory_space<semaphore_mem>>
      %dma_start3A_150 = tpu.memref_squeeze %dma_start3A_149 : memref<1x!tpu.dma_semaphore, #tpu.memory_space<semaphore_mem>> -> memref<!tpu.dma_semaphore, #tpu.memory_space<semaphore_mem>>
      tpu.enqueue_indirect_dma source(%dma_start3A_148 : memref<10240x32xf32, #tpu.memory_space<hbm>>) target(%dma_start3A_138 : memref<128x32xf32, #tpu.memory_space<vmem>>) offsets(%dma_start3A_141 : memref<128xi32, #tpu.memory_space<vmem>>) semaphore(%dma_start3A_150 : memref<!tpu.dma_semaphore, #tpu.memory_space<semaphore_mem>>)
      %dma_start3A_151 = arith.constant 1 : i32
      %dma_start3A_152 = arith.constant 1 : i32
      %dma_start3A_153 = arith.constant 1 : i32
      %dma_start3A_154 = arith.constant 0 : i32
      %dma_start3A_155 = arith.constant 0 : i32
      %dma_start3A_156 = tpu.memref_slice %arg14[%dma_start3A_152, %dma_start3A_154, %dma_start3A_155] : memref<2x128x32xf32, #tpu.memory_space<vmem>> -> memref<1x128x32xf32, #tpu.memory_space<vmem>>
      %dma_start3A_157 = tpu.memref_squeeze %dma_start3A_156 : memref<1x128x32xf32, #tpu.memory_space<vmem>> -> memref<128x32xf32, #tpu.memory_space<vmem>>
      %dma_start3A_158 = arith.constant 0 : i32
      %dma_start3A_159 = tpu.memref_slice %arg11[%dma_start3A_151, %dma_start3A_158] : memref<160x128xi32, #tpu.memory_space<vmem>> -> memref<1x128xi32, #tpu.memory_space<vmem>>
      %dma_start3A_160 = tpu.memref_squeeze %dma_start3A_159 : memref<1x128xi32, #tpu.memory_space<vmem>> -> memref<128xi32, #tpu.memory_space<vmem>>
      %dma_start3A_161 = arith.constant 0 : i32
      %dma_start3A_162 = arith.constant 0 : i32
      %dma_start3A_163 = tpu.memref_slice %arg3[%arg0, %scan3A_30, %dma_start3A_161, %dma_start3A_162] : memref<2x8x10240x32xf32, #tpu.memory_space<hbm>> -> memref<1x1x10240x32xf32, #tpu.memory_space<hbm>>
      %dma_start3A_164 = tpu.memref_squeeze %dma_start3A_163 : memref<1x1x10240x32xf32, #tpu.memory_space<hbm>> -> memref<10240x32xf32, #tpu.memory_space<hbm>>
      %dma_start3A_165 = arith.constant 0 : i32
      %dma_start3A_166 = arith.constant 0 : i32
      %dma_start3A_167 = tpu.memref_slice %dma_start3A_164[%dma_start3A_165, %dma_start3A_166] : memref<10240x32xf32, #tpu.memory_space<hbm>> -> memref<10240x32xf32, #tpu.memory_space<hbm>>
      %dma_start3A_168 = tpu.memref_slice %arg20[%dma_start3A_153] : memref<2x!tpu.dma_semaphore, #tpu.memory_space<semaphore_mem>> -> memref<1x!tpu.dma_semaphore, #tpu.memory_space<semaphore_mem>>
      %dma_start3A_169 = tpu.memref_squeeze %dma_start3A_168 : memref<1x!tpu.dma_semaphore, #tpu.memory_space<semaphore_mem>> -> memref<!tpu.dma_semaphore, #tpu.memory_space<semaphore_mem>>
      tpu.enqueue_indirect_dma source(%dma_start3A_167 : memref<10240x32xf32, #tpu.memory_space<hbm>>) target(%dma_start3A_157 : memref<128x32xf32, #tpu.memory_space<vmem>>) offsets(%dma_start3A_160 : memref<128xi32, #tpu.memory_space<vmem>>) semaphore(%dma_start3A_169 : memref<!tpu.dma_semaphore, #tpu.memory_space<semaphore_mem>>)
      %scan3A_170 = arith.constant 0 : i32
      %scan3A_171 = arith.constant 0 : i32
      %scan3A_172 = arith.constant 80 : i32
      %scan3A_173 = arith.addi %scan3A_171, %scan3A_172 : i32
      %scan3A_174 = arith.constant 1 : i32
      %scan3A_175 = scf.for %scan3A_324 = %scan3A_171 to %scan3A_173 step %scan3A_174 iter_args(%scan3A_325 = %scan3A_170) -> (i32)  : i32 {
        %mul3A_326 = arith.constant 2 : i32
        %mul3A_327 = arith.muli %mul3A_326, %scan3A_324 : i32
        %add3A_328 = arith.constant 0 : i32
        %add3A_329 = arith.addi %mul3A_327, %add3A_328 : i32
        %dma_wait3A_330 = arith.constant 0 : i32
        %dma_wait3A_331 = arith.constant 0 : i32
        %dma_wait3A_332 = arith.constant 0 : i32
        %dma_wait3A_333 = arith.constant 0 : i32
        %dma_wait3A_334 = tpu.memref_slice %arg12[%dma_wait3A_330, %dma_wait3A_332, %dma_wait3A_333] : memref<2x32x128xf32, #tpu.memory_space<vmem>> -> memref<1x32x128xf32, #tpu.memory_space<vmem>>
        %dma_wait3A_335 = tpu.memref_squeeze %dma_wait3A_334 : memref<1x32x128xf32, #tpu.memory_space<vmem>> -> memref<32x128xf32, #tpu.memory_space<vmem>>
        %dma_wait3A_336 = arith.constant 0 : i32
        %dma_wait3A_337 = arith.constant 0 : i32
        %dma_wait3A_338 = tpu.memref_slice %arg4[%arg0, %scan3A_30, %dma_wait3A_336, %dma_wait3A_337] : memref<2x8x80000x128xf32, #tpu.memory_space<hbm>> -> memref<1x1x32x128xf32, #tpu.memory_space<hbm>>
        %dma_wait3A_339 = tpu.memref_squeeze %dma_wait3A_338 : memref<1x1x32x128xf32, #tpu.memory_space<hbm>> -> memref<32x128xf32, #tpu.memory_space<hbm>>
        %dma_wait3A_340 = tpu.memref_slice %arg18[%dma_wait3A_331] : memref<2x!tpu.dma_semaphore, #tpu.memory_space<semaphore_mem>> -> memref<1x!tpu.dma_semaphore, #tpu.memory_space<semaphore_mem>>
        %dma_wait3A_341 = tpu.memref_squeeze %dma_wait3A_340 : memref<1x!tpu.dma_semaphore, #tpu.memory_space<semaphore_mem>> -> memref<!tpu.dma_semaphore, #tpu.memory_space<semaphore_mem>>
        %dma_wait3A_342 = arith.constant 0 : i32
        %dma_wait3A_343 = arith.constant 0 : i32
        %dma_wait3A_344 = tpu.memref_slice %arg12[%dma_wait3A_330, %dma_wait3A_342, %dma_wait3A_343] : memref<2x32x128xf32, #tpu.memory_space<vmem>> -> memref<1x32x128xf32, #tpu.memory_space<vmem>>
        %dma_wait3A_345 = tpu.memref_squeeze %dma_wait3A_344 : memref<1x32x128xf32, #tpu.memory_space<vmem>> -> memref<32x128xf32, #tpu.memory_space<vmem>>
        %dma_wait3A_346 = arith.constant 0 : i32
        %dma_wait3A_347 = arith.constant 0 : i32
        %dma_wait3A_348 = tpu.memref_slice %arg4[%arg0, %scan3A_30, %dma_wait3A_346, %dma_wait3A_347] : memref<2x8x80000x128xf32, #tpu.memory_space<hbm>> -> memref<1x1x32x128xf32, #tpu.memory_space<hbm>>
        %dma_wait3A_349 = tpu.memref_squeeze %dma_wait3A_348 : memref<1x1x32x128xf32, #tpu.memory_space<hbm>> -> memref<32x128xf32, #tpu.memory_space<hbm>>
        tpu.wait_dma2 semaphore(%dma_wait3A_341 : memref<!tpu.dma_semaphore, #tpu.memory_space<semaphore_mem>>) src(%dma_wait3A_349 : memref<32x128xf32, #tpu.memory_space<hbm>>) dst(%dma_wait3A_345 : memref<32x128xf32, #tpu.memory_space<vmem>>)
        %dma_wait3A_350 = arith.constant 0 : i32
        %dma_wait3A_351 = arith.constant 0 : i32
        %dma_wait3A_352 = arith.constant 0 : i32
        %dma_wait3A_353 = arith.constant 0 : i32
        %dma_wait3A_354 = arith.constant 0 : i32
        %dma_wait3A_355 = tpu.memref_slice %arg13[%dma_wait3A_351, %dma_wait3A_353, %dma_wait3A_354] : memref<2x128x32xf32, #tpu.memory_space<vmem>> -> memref<1x128x32xf32, #tpu.memory_space<vmem>>
        %dma_wait3A_356 = tpu.memref_squeeze %dma_wait3A_355 : memref<1x128x32xf32, #tpu.memory_space<vmem>> -> memref<128x32xf32, #tpu.memory_space<vmem>>
        %dma_wait3A_357 = arith.constant 0 : i32
        %dma_wait3A_358 = tpu.memref_slice %arg10[%dma_wait3A_350, %dma_wait3A_357] : memref<160x128xi32, #tpu.memory_space<vmem>> -> memref<1x128xi32, #tpu.memory_space<vmem>>
        %dma_wait3A_359 = tpu.memref_squeeze %dma_wait3A_358 : memref<1x128xi32, #tpu.memory_space<vmem>> -> memref<128xi32, #tpu.memory_space<vmem>>
        %dma_wait3A_360 = arith.constant 0 : i32
        %dma_wait3A_361 = arith.constant 0 : i32
        %dma_wait3A_362 = tpu.memref_slice %arg2[%arg0, %scan3A_30, %dma_wait3A_360, %dma_wait3A_361] : memref<2x8x10240x32xf32, #tpu.memory_space<hbm>> -> memref<1x1x10240x32xf32, #tpu.memory_space<hbm>>
        %dma_wait3A_363 = tpu.memref_squeeze %dma_wait3A_362 : memref<1x1x10240x32xf32, #tpu.memory_space<hbm>> -> memref<10240x32xf32, #tpu.memory_space<hbm>>
        %dma_wait3A_364 = arith.constant 0 : i32
        %dma_wait3A_365 = arith.constant 0 : i32
        %dma_wait3A_366 = tpu.memref_slice %dma_wait3A_363[%dma_wait3A_364, %dma_wait3A_365] : memref<10240x32xf32, #tpu.memory_space<hbm>> -> memref<10240x32xf32, #tpu.memory_space<hbm>>
        %dma_wait3A_367 = tpu.memref_slice %arg19[%dma_wait3A_352] : memref<2x!tpu.dma_semaphore, #tpu.memory_space<semaphore_mem>> -> memref<1x!tpu.dma_semaphore, #tpu.memory_space<semaphore_mem>>
        %dma_wait3A_368 = tpu.memref_squeeze %dma_wait3A_367 : memref<1x!tpu.dma_semaphore, #tpu.memory_space<semaphore_mem>> -> memref<!tpu.dma_semaphore, #tpu.memory_space<semaphore_mem>>
        tpu.wait_indirect_dma semaphore(%dma_wait3A_368 : memref<!tpu.dma_semaphore, #tpu.memory_space<semaphore_mem>>) src(%dma_wait3A_366 : memref<10240x32xf32, #tpu.memory_space<hbm>>) dst(%dma_wait3A_356 : memref<128x32xf32, #tpu.memory_space<vmem>>)
        %dma_wait3A_369 = arith.constant 0 : i32
        %dma_wait3A_370 = arith.constant 0 : i32
        %dma_wait3A_371 = arith.constant 0 : i32
        %dma_wait3A_372 = arith.constant 0 : i32
        %dma_wait3A_373 = arith.constant 0 : i32
        %dma_wait3A_374 = tpu.memref_slice %arg14[%dma_wait3A_370, %dma_wait3A_372, %dma_wait3A_373] : memref<2x128x32xf32, #tpu.memory_space<vmem>> -> memref<1x128x32xf32, #tpu.memory_space<vmem>>
        %dma_wait3A_375 = tpu.memref_squeeze %dma_wait3A_374 : memref<1x128x32xf32, #tpu.memory_space<vmem>> -> memref<128x32xf32, #tpu.memory_space<vmem>>
        %dma_wait3A_376 = arith.constant 0 : i32
        %dma_wait3A_377 = tpu.memref_slice %arg11[%dma_wait3A_369, %dma_wait3A_376] : memref<160x128xi32, #tpu.memory_space<vmem>> -> memref<1x128xi32, #tpu.memory_space<vmem>>
        %dma_wait3A_378 = tpu.memref_squeeze %dma_wait3A_377 : memref<1x128xi32, #tpu.memory_space<vmem>> -> memref<128xi32, #tpu.memory_space<vmem>>
        %dma_wait3A_379 = arith.constant 0 : i32
        %dma_wait3A_380 = arith.constant 0 : i32
        %dma_wait3A_381 = tpu.memref_slice %arg3[%arg0, %scan3A_30, %dma_wait3A_379, %dma_wait3A_380] : memref<2x8x10240x32xf32, #tpu.memory_space<hbm>> -> memref<1x1x10240x32xf32, #tpu.memory_space<hbm>>
        %dma_wait3A_382 = tpu.memref_squeeze %dma_wait3A_381 : memref<1x1x10240x32xf32, #tpu.memory_space<hbm>> -> memref<10240x32xf32, #tpu.memory_space<hbm>>
        %dma_wait3A_383 = arith.constant 0 : i32
        %dma_wait3A_384 = arith.constant 0 : i32
        %dma_wait3A_385 = tpu.memref_slice %dma_wait3A_382[%dma_wait3A_383, %dma_wait3A_384] : memref<10240x32xf32, #tpu.memory_space<hbm>> -> memref<10240x32xf32, #tpu.memory_space<hbm>>
        %dma_wait3A_386 = tpu.memref_slice %arg20[%dma_wait3A_371] : memref<2x!tpu.dma_semaphore, #tpu.memory_space<semaphore_mem>> -> memref<1x!tpu.dma_semaphore, #tpu.memory_space<semaphore_mem>>
        %dma_wait3A_387 = tpu.memref_squeeze %dma_wait3A_386 : memref<1x!tpu.dma_semaphore, #tpu.memory_space<semaphore_mem>> -> memref<!tpu.dma_semaphore, #tpu.memory_space<semaphore_mem>>
        tpu.wait_indirect_dma semaphore(%dma_wait3A_387 : memref<!tpu.dma_semaphore, #tpu.memory_space<semaphore_mem>>) src(%dma_wait3A_385 : memref<10240x32xf32, #tpu.memory_space<hbm>>) dst(%dma_wait3A_375 : memref<128x32xf32, #tpu.memory_space<vmem>>)
        %gt3A = arith.constant 0 : i32
        %gt3A_388 = arith.cmpi sgt, %scan3A_324, %gt3A : i32
        %convert_element_type3A = arith.extui %gt3A_388 : i1 to i32
        %cond3A = arith.constant 0 : i32
        %cond3A_389 = arith.cmpi ne, %convert_element_type3A, %cond3A : i32
        scf.if %cond3A_389 {
          %dma_wait3A_644 = arith.constant 0 : i32
          %dma_wait3A_645 = arith.constant 0 : i32
          %dma_wait3A_646 = arith.constant 0 : i32
          %dma_wait3A_647 = arith.constant 0 : i32
          %dma_wait3A_648 = arith.constant 0 : i32
          %dma_wait3A_649 = tpu.memref_slice %arg15[%dma_wait3A_644, %dma_wait3A_647, %dma_wait3A_648] : memref<2x128x48xf32, #tpu.memory_space<vmem>> -> memref<1x128x48xf32, #tpu.memory_space<vmem>>
          %dma_wait3A_650 = tpu.memref_squeeze %dma_wait3A_649 : memref<1x128x48xf32, #tpu.memory_space<vmem>> -> memref<128x48xf32, #tpu.memory_space<vmem>>
          %dma_wait3A_651 = arith.constant 0 : i32
          %dma_wait3A_652 = tpu.memref_slice %arg11[%dma_wait3A_645, %dma_wait3A_651] : memref<160x128xi32, #tpu.memory_space<vmem>> -> memref<1x128xi32, #tpu.memory_space<vmem>>
          %dma_wait3A_653 = tpu.memref_squeeze %dma_wait3A_652 : memref<1x128xi32, #tpu.memory_space<vmem>> -> memref<128xi32, #tpu.memory_space<vmem>>
          %dma_wait3A_654 = arith.constant 0 : i32
          %dma_wait3A_655 = arith.constant 0 : i32
          %dma_wait3A_656 = tpu.memref_slice %arg9[%dma_wait3A_654, %dma_wait3A_655] : memref<10240x48xf32, #tpu.memory_space<vmem_shared>> -> memref<10240x48xf32, #tpu.memory_space<vmem_shared>>
          %dma_wait3A_657 = tpu.memref_slice %arg21[%dma_wait3A_646] : memref<2x!tpu.dma_semaphore, #tpu.memory_space<semaphore_mem>> -> memref<1x!tpu.dma_semaphore, #tpu.memory_space<semaphore_mem>>
          %dma_wait3A_658 = tpu.memref_squeeze %dma_wait3A_657 : memref<1x!tpu.dma_semaphore, #tpu.memory_space<semaphore_mem>> -> memref<!tpu.dma_semaphore, #tpu.memory_space<semaphore_mem>>
          tpu.wait_indirect_dma semaphore(%dma_wait3A_658 : memref<!tpu.dma_semaphore, #tpu.memory_space<semaphore_mem>>) src(%dma_wait3A_650 : memref<128x48xf32, #tpu.memory_space<vmem>>) dst(%dma_wait3A_656 : memref<10240x48xf32, #tpu.memory_space<vmem_shared>>)
        } else {
        }
        %scan3A_390 = arith.constant 0 : i32
        %scan3A_391 = arith.constant 0 : i32
        %scan3A_392 = arith.constant 0 : i32
        %scan3A_393 = arith.constant 0 : i32
        %scan3A_394 = arith.constant 0 : i32
        %scan3A_395 = arith.constant 0 : i32
        %scan3A_396 = arith.constant 8 : i32
        %scan3A_397 = arith.addi %scan3A_395, %scan3A_396 : i32
        %scan3A_398 = arith.constant 1 : i32
        %scan3A_399 = scf.for %scan3A_644 = %scan3A_395 to %scan3A_397 step %scan3A_398 iter_args(%scan3A_645 = %scan3A_394) -> (i32)  : i32 {
          %mul3A_646 = arith.constant 16 : i32
          %mul3A_647 = arith.muli %scan3A_644, %mul3A_646 : i32
          %add3A_648 = vector.broadcast %mul3A_647 : i32 to vector<16xi32>
          %add3A_649 = arith.addi %add3A_648, %iota3A : vector<16xi32>
          %mul3A_650 = arith.constant 32 : i32
          %mul3A_651 = vector.broadcast %mul3A_650 : i32 to vector<16xi32>
          %mul3A_652 = arith.muli %add3A_649, %mul3A_651 : vector<16xi32>
          %broadcast_in_dim3A_653 = arith.constant 0.000000e+00 : f32
          %broadcast_in_dim3A_654 = vector.broadcast %broadcast_in_dim3A_653 : f32 to vector<16xf32>
          %scan3A_655 = arith.constant 0 : i32
          %scan3A_656 = arith.constant 8 : i32
          %scan3A_657 = arith.addi %scan3A_655, %scan3A_656 : i32
          %scan3A_658 = arith.constant 1 : i32
          %scan3A_659 = scf.for %scan3A_674 = %scan3A_655 to %scan3A_657 step %scan3A_658 iter_args(%scan3A_675 = %broadcast_in_dim3A_654) -> (vector<16xf32>)  : i32 {
            %mul3A_676 = arith.constant 4 : i32
            %mul3A_677 = arith.muli %scan3A_674, %mul3A_676 : i32
            %add3A_678 = arith.constant 0 : i32
            %add3A_679 = arith.addi %mul3A_677, %add3A_678 : i32
            %add3A_680 = vector.broadcast %add3A_679 : i32 to vector<16xi32>
            %add3A_681 = arith.addi %add3A_680, %iota3A : vector<16xi32>
            %and3A = arith.constant 31 : i32
            %and3A_682 = vector.broadcast %and3A : i32 to vector<16xi32>
            %and3A_683 = arith.andi %add3A_681, %and3A_682 : vector<16xi32>
            %add3A_684 = arith.addi %mul3A_652, %and3A_683 : vector<16xi32>
            %gather3A = arith.constant 0 : i32
            %gather3A_685 = arith.constant 0 : i32
            %gather3A_686 = tpu.memref_slice %arg13[%scan3A_390, %gather3A, %gather3A_685] : memref<2x128x32xf32, #tpu.memory_space<vmem>> -> memref<1x128x32xf32, #tpu.memory_space<vmem>>
            %gather3A_687 = tpu.memref_squeeze %gather3A_686 : memref<1x128x32xf32, #tpu.memory_space<vmem>> -> memref<128x32xf32, #tpu.memory_space<vmem>>
            %gather3A_688 = tpu.vector_load_idx %gather3A_687[%add3A_649, %and3A_683] : memref<128x32xf32, #tpu.memory_space<vmem>>[vector<16xi32>, vector<16xi32>], vector<16xf32>,
            %gather3A_689 = arith.constant 0 : i32
            %gather3A_690 = arith.constant 0 : i32
            %gather3A_691 = tpu.memref_slice %arg14[%scan3A_391, %gather3A_689, %gather3A_690] : memref<2x128x32xf32, #tpu.memory_space<vmem>> -> memref<1x128x32xf32, #tpu.memory_space<vmem>>
            %gather3A_692 = tpu.memref_squeeze %gather3A_691 : memref<1x128x32xf32, #tpu.memory_space<vmem>> -> memref<128x32xf32, #tpu.memory_space<vmem>>
            %gather3A_693 = tpu.vector_load_idx %gather3A_692[%add3A_649, %and3A_683] : memref<128x32xf32, #tpu.memory_space<vmem>>[vector<16xi32>, vector<16xi32>], vector<16xf32>,
            %shift_right_arithmetic3A_694 = arith.constant 7 : i32
            %shift_right_arithmetic3A_695 = vector.broadcast %shift_right_arithmetic3A_694 : i32 to vector<16xi32>
            %shift_right_arithmetic3A_696 = arith.shrsi %add3A_684, %shift_right_arithmetic3A_695 : vector<16xi32>
            %and3A_697 = arith.constant 127 : i32
            %and3A_698 = vector.broadcast %and3A_697 : i32 to vector<16xi32>
            %and3A_699 = arith.andi %add3A_684, %and3A_698 : vector<16xi32>
            %gather3A_700 = arith.constant 0 : i32
            %gather3A_701 = arith.constant 0 : i32
            %gather3A_702 = tpu.memref_slice %arg12[%scan3A_392, %gather3A_700, %gather3A_701] : memref<2x32x128xf32, #tpu.memory_space<vmem>> -> memref<1x32x128xf32, #tpu.memory_space<vmem>>
            %gather3A_703 = tpu.memref_squeeze %gather3A_702 : memref<1x32x128xf32, #tpu.memory_space<vmem>> -> memref<32x128xf32, #tpu.memory_space<vmem>>
            %gather3A_704 = tpu.vector_load_idx %gather3A_703[%shift_right_arithmetic3A_696, %and3A_699] : memref<32x128xf32, #tpu.memory_space<vmem>>[vector<16xi32>, vector<16xi32>], vector<16xf32>,
            %gather3A_705 = tpu.vector_load_idx %arg16[%broadcast_in_dim3A_3, %and3A_683] : memref<1x32xf32, #tpu.memory_space<vmem>>[vector<16xi32>, vector<16xi32>], vector<16xf32>,
            %add3A_706 = arith.addf %gather3A_688, %gather3A_693 : vector<16xf32>
            %add3A_707 = arith.addf %add3A_706, %gather3A_704 : vector<16xf32>
            %mul3A_708 = arith.constant 2.000000e-01 : f32
            %mul3A_709 = vector.broadcast %mul3A_708 : f32 to vector<16xf32>
            %mul3A_710 = arith.mulf %mul3A_709, %add3A_707 : vector<16xf32>
            %max3A = arith.maximumf %add3A_707, %mul3A_710 : vector<16xf32>
            %mul3A_711 = arith.mulf %max3A, %gather3A_705 : vector<16xf32>
            %add3A_712 = arith.addf %scan3A_675, %mul3A_711 : vector<16xf32>
            %add3A_713 = arith.constant 1 : i32
            %add3A_714 = arith.addi %mul3A_677, %add3A_713 : i32
            %add3A_715 = vector.broadcast %add3A_714 : i32 to vector<16xi32>
            %add3A_716 = arith.addi %add3A_715, %iota3A : vector<16xi32>
            %and3A_717 = arith.constant 31 : i32
            %and3A_718 = vector.broadcast %and3A_717 : i32 to vector<16xi32>
            %and3A_719 = arith.andi %add3A_716, %and3A_718 : vector<16xi32>
            %add3A_720 = arith.addi %mul3A_652, %and3A_719 : vector<16xi32>
            %gather3A_721 = arith.constant 0 : i32
            %gather3A_722 = arith.constant 0 : i32
            %gather3A_723 = tpu.memref_slice %arg13[%scan3A_390, %gather3A_721, %gather3A_722] : memref<2x128x32xf32, #tpu.memory_space<vmem>> -> memref<1x128x32xf32, #tpu.memory_space<vmem>>
            %gather3A_724 = tpu.memref_squeeze %gather3A_723 : memref<1x128x32xf32, #tpu.memory_space<vmem>> -> memref<128x32xf32, #tpu.memory_space<vmem>>
            %gather3A_725 = tpu.vector_load_idx %gather3A_724[%add3A_649, %and3A_719] : memref<128x32xf32, #tpu.memory_space<vmem>>[vector<16xi32>, vector<16xi32>], vector<16xf32>,
            %gather3A_726 = arith.constant 0 : i32
            %gather3A_727 = arith.constant 0 : i32
            %gather3A_728 = tpu.memref_slice %arg14[%scan3A_391, %gather3A_726, %gather3A_727] : memref<2x128x32xf32, #tpu.memory_space<vmem>> -> memref<1x128x32xf32, #tpu.memory_space<vmem>>
            %gather3A_729 = tpu.memref_squeeze %gather3A_728 : memref<1x128x32xf32, #tpu.memory_space<vmem>> -> memref<128x32xf32, #tpu.memory_space<vmem>>
            %gather3A_730 = tpu.vector_load_idx %gather3A_729[%add3A_649, %and3A_719] : memref<128x32xf32, #tpu.memory_space<vmem>>[vector<16xi32>, vector<16xi32>], vector<16xf32>,
            %shift_right_arithmetic3A_731 = arith.constant 7 : i32
            %shift_right_arithmetic3A_732 = vector.broadcast %shift_right_arithmetic3A_731 : i32 to vector<16xi32>
            %shift_right_arithmetic3A_733 = arith.shrsi %add3A_720, %shift_right_arithmetic3A_732 : vector<16xi32>
            %and3A_734 = arith.constant 127 : i32
            %and3A_735 = vector.broadcast %and3A_734 : i32 to vector<16xi32>
            %and3A_736 = arith.andi %add3A_720, %and3A_735 : vector<16xi32>
            %gather3A_737 = arith.constant 0 : i32
            %gather3A_738 = arith.constant 0 : i32
            %gather3A_739 = tpu.memref_slice %arg12[%scan3A_392, %gather3A_737, %gather3A_738] : memref<2x32x128xf32, #tpu.memory_space<vmem>> -> memref<1x32x128xf32, #tpu.memory_space<vmem>>
            %gather3A_740 = tpu.memref_squeeze %gather3A_739 : memref<1x32x128xf32, #tpu.memory_space<vmem>> -> memref<32x128xf32, #tpu.memory_space<vmem>>
            %gather3A_741 = tpu.vector_load_idx %gather3A_740[%shift_right_arithmetic3A_733, %and3A_736] : memref<32x128xf32, #tpu.memory_space<vmem>>[vector<16xi32>, vector<16xi32>], vector<16xf32>,
            %gather3A_742 = tpu.vector_load_idx %arg16[%broadcast_in_dim3A_3, %and3A_719] : memref<1x32xf32, #tpu.memory_space<vmem>>[vector<16xi32>, vector<16xi32>], vector<16xf32>,
            %add3A_743 = arith.addf %gather3A_725, %gather3A_730 : vector<16xf32>
            %add3A_744 = arith.addf %add3A_743, %gather3A_741 : vector<16xf32>
            %mul3A_745 = arith.constant 2.000000e-01 : f32
            %mul3A_746 = vector.broadcast %mul3A_745 : f32 to vector<16xf32>
            %mul3A_747 = arith.mulf %mul3A_746, %add3A_744 : vector<16xf32>
            %max3A_748 = arith.maximumf %add3A_744, %mul3A_747 : vector<16xf32>
            %mul3A_749 = arith.mulf %max3A_748, %gather3A_742 : vector<16xf32>
            %add3A_750 = arith.addf %add3A_712, %mul3A_749 : vector<16xf32>
            %add3A_751 = arith.constant 2 : i32
            %add3A_752 = arith.addi %mul3A_677, %add3A_751 : i32
            %add3A_753 = vector.broadcast %add3A_752 : i32 to vector<16xi32>
            %add3A_754 = arith.addi %add3A_753, %iota3A : vector<16xi32>
            %and3A_755 = arith.constant 31 : i32
            %and3A_756 = vector.broadcast %and3A_755 : i32 to vector<16xi32>
            %and3A_757 = arith.andi %add3A_754, %and3A_756 : vector<16xi32>
            %add3A_758 = arith.addi %mul3A_652, %and3A_757 : vector<16xi32>
            %gather3A_759 = arith.constant 0 : i32
            %gather3A_760 = arith.constant 0 : i32
            %gather3A_761 = tpu.memref_slice %arg13[%scan3A_390, %gather3A_759, %gather3A_760] : memref<2x128x32xf32, #tpu.memory_space<vmem>> -> memref<1x128x32xf32, #tpu.memory_space<vmem>>
            %gather3A_762 = tpu.memref_squeeze %gather3A_761 : memref<1x128x32xf32, #tpu.memory_space<vmem>> -> memref<128x32xf32, #tpu.memory_space<vmem>>
            %gather3A_763 = tpu.vector_load_idx %gather3A_762[%add3A_649, %and3A_757] : memref<128x32xf32, #tpu.memory_space<vmem>>[vector<16xi32>, vector<16xi32>], vector<16xf32>,
            %gather3A_764 = arith.constant 0 : i32
            %gather3A_765 = arith.constant 0 : i32
            %gather3A_766 = tpu.memref_slice %arg14[%scan3A_391, %gather3A_764, %gather3A_765] : memref<2x128x32xf32, #tpu.memory_space<vmem>> -> memref<1x128x32xf32, #tpu.memory_space<vmem>>
            %gather3A_767 = tpu.memref_squeeze %gather3A_766 : memref<1x128x32xf32, #tpu.memory_space<vmem>> -> memref<128x32xf32, #tpu.memory_space<vmem>>
            %gather3A_768 = tpu.vector_load_idx %gather3A_767[%add3A_649, %and3A_757] : memref<128x32xf32, #tpu.memory_space<vmem>>[vector<16xi32>, vector<16xi32>], vector<16xf32>,
            %shift_right_arithmetic3A_769 = arith.constant 7 : i32
            %shift_right_arithmetic3A_770 = vector.broadcast %shift_right_arithmetic3A_769 : i32 to vector<16xi32>
            %shift_right_arithmetic3A_771 = arith.shrsi %add3A_758, %shift_right_arithmetic3A_770 : vector<16xi32>
            %and3A_772 = arith.constant 127 : i32
            %and3A_773 = vector.broadcast %and3A_772 : i32 to vector<16xi32>
            %and3A_774 = arith.andi %add3A_758, %and3A_773 : vector<16xi32>
            %gather3A_775 = arith.constant 0 : i32
            %gather3A_776 = arith.constant 0 : i32
            %gather3A_777 = tpu.memref_slice %arg12[%scan3A_392, %gather3A_775, %gather3A_776] : memref<2x32x128xf32, #tpu.memory_space<vmem>> -> memref<1x32x128xf32, #tpu.memory_space<vmem>>
            %gather3A_778 = tpu.memref_squeeze %gather3A_777 : memref<1x32x128xf32, #tpu.memory_space<vmem>> -> memref<32x128xf32, #tpu.memory_space<vmem>>
            %gather3A_779 = tpu.vector_load_idx %gather3A_778[%shift_right_arithmetic3A_771, %and3A_774] : memref<32x128xf32, #tpu.memory_space<vmem>>[vector<16xi32>, vector<16xi32>], vector<16xf32>,
            %gather3A_780 = tpu.vector_load_idx %arg16[%broadcast_in_dim3A_3, %and3A_757] : memref<1x32xf32, #tpu.memory_space<vmem>>[vector<16xi32>, vector<16xi32>], vector<16xf32>,
            %add3A_781 = arith.addf %gather3A_763, %gather3A_768 : vector<16xf32>
            %add3A_782 = arith.addf %add3A_781, %gather3A_779 : vector<16xf32>
            %mul3A_783 = arith.constant 2.000000e-01 : f32
            %mul3A_784 = vector.broadcast %mul3A_783 : f32 to vector<16xf32>
            %mul3A_785 = arith.mulf %mul3A_784, %add3A_782 : vector<16xf32>
            %max3A_786 = arith.maximumf %add3A_782, %mul3A_785 : vector<16xf32>
            %mul3A_787 = arith.mulf %max3A_786, %gather3A_780 : vector<16xf32>
            %add3A_788 = arith.addf %add3A_750, %mul3A_787 : vector<16xf32>
            %add3A_789 = arith.constant 3 : i32
            %add3A_790 = arith.addi %mul3A_677, %add3A_789 : i32
            %add3A_791 = vector.broadcast %add3A_790 : i32 to vector<16xi32>
            %add3A_792 = arith.addi %add3A_791, %iota3A : vector<16xi32>
            %and3A_793 = arith.constant 31 : i32
            %and3A_794 = vector.broadcast %and3A_793 : i32 to vector<16xi32>
            %and3A_795 = arith.andi %add3A_792, %and3A_794 : vector<16xi32>
            %add3A_796 = arith.addi %mul3A_652, %and3A_795 : vector<16xi32>
            %gather3A_797 = arith.constant 0 : i32
            %gather3A_798 = arith.constant 0 : i32
            %gather3A_799 = tpu.memref_slice %arg13[%scan3A_390, %gather3A_797, %gather3A_798] : memref<2x128x32xf32, #tpu.memory_space<vmem>> -> memref<1x128x32xf32, #tpu.memory_space<vmem>>
            %gather3A_800 = tpu.memref_squeeze %gather3A_799 : memref<1x128x32xf32, #tpu.memory_space<vmem>> -> memref<128x32xf32, #tpu.memory_space<vmem>>
            %gather3A_801 = tpu.vector_load_idx %gather3A_800[%add3A_649, %and3A_795] : memref<128x32xf32, #tpu.memory_space<vmem>>[vector<16xi32>, vector<16xi32>], vector<16xf32>,
            %gather3A_802 = arith.constant 0 : i32
            %gather3A_803 = arith.constant 0 : i32
            %gather3A_804 = tpu.memref_slice %arg14[%scan3A_391, %gather3A_802, %gather3A_803] : memref<2x128x32xf32, #tpu.memory_space<vmem>> -> memref<1x128x32xf32, #tpu.memory_space<vmem>>
            %gather3A_805 = tpu.memref_squeeze %gather3A_804 : memref<1x128x32xf32, #tpu.memory_space<vmem>> -> memref<128x32xf32, #tpu.memory_space<vmem>>
            %gather3A_806 = tpu.vector_load_idx %gather3A_805[%add3A_649, %and3A_795] : memref<128x32xf32, #tpu.memory_space<vmem>>[vector<16xi32>, vector<16xi32>], vector<16xf32>,
            %shift_right_arithmetic3A_807 = arith.constant 7 : i32
            %shift_right_arithmetic3A_808 = vector.broadcast %shift_right_arithmetic3A_807 : i32 to vector<16xi32>
            %shift_right_arithmetic3A_809 = arith.shrsi %add3A_796, %shift_right_arithmetic3A_808 : vector<16xi32>
            %and3A_810 = arith.constant 127 : i32
            %and3A_811 = vector.broadcast %and3A_810 : i32 to vector<16xi32>
            %and3A_812 = arith.andi %add3A_796, %and3A_811 : vector<16xi32>
            %gather3A_813 = arith.constant 0 : i32
            %gather3A_814 = arith.constant 0 : i32
            %gather3A_815 = tpu.memref_slice %arg12[%scan3A_392, %gather3A_813, %gather3A_814] : memref<2x32x128xf32, #tpu.memory_space<vmem>> -> memref<1x32x128xf32, #tpu.memory_space<vmem>>
            %gather3A_816 = tpu.memref_squeeze %gather3A_815 : memref<1x32x128xf32, #tpu.memory_space<vmem>> -> memref<32x128xf32, #tpu.memory_space<vmem>>
            %gather3A_817 = tpu.vector_load_idx %gather3A_816[%shift_right_arithmetic3A_809, %and3A_812] : memref<32x128xf32, #tpu.memory_space<vmem>>[vector<16xi32>, vector<16xi32>], vector<16xf32>,
            %gather3A_818 = tpu.vector_load_idx %arg16[%broadcast_in_dim3A_3, %and3A_795] : memref<1x32xf32, #tpu.memory_space<vmem>>[vector<16xi32>, vector<16xi32>], vector<16xf32>,
            %add3A_819 = arith.addf %gather3A_801, %gather3A_806 : vector<16xf32>
            %add3A_820 = arith.addf %add3A_819, %gather3A_817 : vector<16xf32>
            %mul3A_821 = arith.constant 2.000000e-01 : f32
            %mul3A_822 = vector.broadcast %mul3A_821 : f32 to vector<16xf32>
            %mul3A_823 = arith.mulf %mul3A_822, %add3A_820 : vector<16xf32>
            %max3A_824 = arith.maximumf %add3A_820, %mul3A_823 : vector<16xf32>
            %mul3A_825 = arith.mulf %max3A_824, %gather3A_818 : vector<16xf32>
            %add3A_826 = arith.addf %add3A_788, %mul3A_825 : vector<16xf32>
            scf.yield %add3A_826 : vector<16xf32>
          }
          %scan3A_660 = arith.constant 8 : i32
          %exp3A = math.exp %scan3A_659 : vector<16xf32>
          %scan3A_661 = arith.constant 0 : i32
          %scan3A_662 = arith.constant 0 : i32
          %scan3A_663 = arith.constant 8 : i32
          %scan3A_664 = arith.addi %scan3A_662, %scan3A_663 : i32
          %scan3A_665 = arith.constant 1 : i32
          %scan3A_666 = scf.for %scan3A_674 = %scan3A_662 to %scan3A_664 step %scan3A_665 iter_args(%scan3A_675 = %scan3A_661) -> (i32)  : i32 {
            %mul3A_676 = arith.constant 4 : i32
            %mul3A_677 = arith.muli %scan3A_674, %mul3A_676 : i32
            %add3A_678 = arith.constant 0 : i32
            %add3A_679 = arith.addi %mul3A_677, %add3A_678 : i32
            %add3A_680 = vector.broadcast %add3A_679 : i32 to vector<16xi32>
            %add3A_681 = arith.addi %add3A_680, %iota3A : vector<16xi32>
            %and3A = arith.constant 31 : i32
            %and3A_682 = vector.broadcast %and3A : i32 to vector<16xi32>
            %and3A_683 = arith.andi %add3A_681, %and3A_682 : vector<16xi32>
            %gather3A = arith.constant 0 : i32
            %gather3A_684 = arith.constant 0 : i32
            %gather3A_685 = tpu.memref_slice %arg13[%scan3A_390, %gather3A, %gather3A_684] : memref<2x128x32xf32, #tpu.memory_space<vmem>> -> memref<1x128x32xf32, #tpu.memory_space<vmem>>
            %gather3A_686 = tpu.memref_squeeze %gather3A_685 : memref<1x128x32xf32, #tpu.memory_space<vmem>> -> memref<128x32xf32, #tpu.memory_space<vmem>>
            %gather3A_687 = tpu.vector_load_idx %gather3A_686[%add3A_649, %and3A_683] : memref<128x32xf32, #tpu.memory_space<vmem>>[vector<16xi32>, vector<16xi32>], vector<16xf32>,
            %mul3A_688 = arith.mulf %exp3A, %gather3A_687 : vector<16xf32>
            %scatter3A_689 = arith.constant 0 : i32
            %scatter3A_690 = arith.constant 0 : i32
            %scatter3A_691 = tpu.memref_slice %arg15[%scan3A_393, %scatter3A_689, %scatter3A_690] : memref<2x128x48xf32, #tpu.memory_space<vmem>> -> memref<1x128x48xf32, #tpu.memory_space<vmem>>
            %scatter3A_692 = tpu.memref_squeeze %scatter3A_691 : memref<1x128x48xf32, #tpu.memory_space<vmem>> -> memref<128x48xf32, #tpu.memory_space<vmem>>
            tpu.vector_store_idx %scatter3A_692[%add3A_649, %and3A_683], %mul3A_688 : memref<128x48xf32, #tpu.memory_space<vmem>>[vector<16xi32>, vector<16xi32>], vector<16xf32>,
            %add3A_693 = arith.constant 1 : i32
            %add3A_694 = arith.addi %mul3A_677, %add3A_693 : i32
            %add3A_695 = vector.broadcast %add3A_694 : i32 to vector<16xi32>
            %add3A_696 = arith.addi %add3A_695, %iota3A : vector<16xi32>
            %and3A_697 = arith.constant 31 : i32
            %and3A_698 = vector.broadcast %and3A_697 : i32 to vector<16xi32>
            %and3A_699 = arith.andi %add3A_696, %and3A_698 : vector<16xi32>
            %gather3A_700 = arith.constant 0 : i32
            %gather3A_701 = arith.constant 0 : i32
            %gather3A_702 = tpu.memref_slice %arg13[%scan3A_390, %gather3A_700, %gather3A_701] : memref<2x128x32xf32, #tpu.memory_space<vmem>> -> memref<1x128x32xf32, #tpu.memory_space<vmem>>
            %gather3A_703 = tpu.memref_squeeze %gather3A_702 : memref<1x128x32xf32, #tpu.memory_space<vmem>> -> memref<128x32xf32, #tpu.memory_space<vmem>>
            %gather3A_704 = tpu.vector_load_idx %gather3A_703[%add3A_649, %and3A_699] : memref<128x32xf32, #tpu.memory_space<vmem>>[vector<16xi32>, vector<16xi32>], vector<16xf32>,
            %mul3A_705 = arith.mulf %exp3A, %gather3A_704 : vector<16xf32>
            %scatter3A_706 = arith.constant 0 : i32
            %scatter3A_707 = arith.constant 0 : i32
            %scatter3A_708 = tpu.memref_slice %arg15[%scan3A_393, %scatter3A_706, %scatter3A_707] : memref<2x128x48xf32, #tpu.memory_space<vmem>> -> memref<1x128x48xf32, #tpu.memory_space<vmem>>
            %scatter3A_709 = tpu.memref_squeeze %scatter3A_708 : memref<1x128x48xf32, #tpu.memory_space<vmem>> -> memref<128x48xf32, #tpu.memory_space<vmem>>
            tpu.vector_store_idx %scatter3A_709[%add3A_649, %and3A_699], %mul3A_705 : memref<128x48xf32, #tpu.memory_space<vmem>>[vector<16xi32>, vector<16xi32>], vector<16xf32>,
            %add3A_710 = arith.constant 2 : i32
            %add3A_711 = arith.addi %mul3A_677, %add3A_710 : i32
            %add3A_712 = vector.broadcast %add3A_711 : i32 to vector<16xi32>
            %add3A_713 = arith.addi %add3A_712, %iota3A : vector<16xi32>
            %and3A_714 = arith.constant 31 : i32
            %and3A_715 = vector.broadcast %and3A_714 : i32 to vector<16xi32>
            %and3A_716 = arith.andi %add3A_713, %and3A_715 : vector<16xi32>
            %gather3A_717 = arith.constant 0 : i32
            %gather3A_718 = arith.constant 0 : i32
            %gather3A_719 = tpu.memref_slice %arg13[%scan3A_390, %gather3A_717, %gather3A_718] : memref<2x128x32xf32, #tpu.memory_space<vmem>> -> memref<1x128x32xf32, #tpu.memory_space<vmem>>
            %gather3A_720 = tpu.memref_squeeze %gather3A_719 : memref<1x128x32xf32, #tpu.memory_space<vmem>> -> memref<128x32xf32, #tpu.memory_space<vmem>>
            %gather3A_721 = tpu.vector_load_idx %gather3A_720[%add3A_649, %and3A_716] : memref<128x32xf32, #tpu.memory_space<vmem>>[vector<16xi32>, vector<16xi32>], vector<16xf32>,
            %mul3A_722 = arith.mulf %exp3A, %gather3A_721 : vector<16xf32>
            %scatter3A_723 = arith.constant 0 : i32
            %scatter3A_724 = arith.constant 0 : i32
            %scatter3A_725 = tpu.memref_slice %arg15[%scan3A_393, %scatter3A_723, %scatter3A_724] : memref<2x128x48xf32, #tpu.memory_space<vmem>> -> memref<1x128x48xf32, #tpu.memory_space<vmem>>
            %scatter3A_726 = tpu.memref_squeeze %scatter3A_725 : memref<1x128x48xf32, #tpu.memory_space<vmem>> -> memref<128x48xf32, #tpu.memory_space<vmem>>
            tpu.vector_store_idx %scatter3A_726[%add3A_649, %and3A_716], %mul3A_722 : memref<128x48xf32, #tpu.memory_space<vmem>>[vector<16xi32>, vector<16xi32>], vector<16xf32>,
            %add3A_727 = arith.constant 3 : i32
            %add3A_728 = arith.addi %mul3A_677, %add3A_727 : i32
            %add3A_729 = vector.broadcast %add3A_728 : i32 to vector<16xi32>
            %add3A_730 = arith.addi %add3A_729, %iota3A : vector<16xi32>
            %and3A_731 = arith.constant 31 : i32
            %and3A_732 = vector.broadcast %and3A_731 : i32 to vector<16xi32>
            %and3A_733 = arith.andi %add3A_730, %and3A_732 : vector<16xi32>
            %gather3A_734 = arith.constant 0 : i32
            %gather3A_735 = arith.constant 0 : i32
            %gather3A_736 = tpu.memref_slice %arg13[%scan3A_390, %gather3A_734, %gather3A_735] : memref<2x128x32xf32, #tpu.memory_space<vmem>> -> memref<1x128x32xf32, #tpu.memory_space<vmem>>
            %gather3A_737 = tpu.memref_squeeze %gather3A_736 : memref<1x128x32xf32, #tpu.memory_space<vmem>> -> memref<128x32xf32, #tpu.memory_space<vmem>>
            %gather3A_738 = tpu.vector_load_idx %gather3A_737[%add3A_649, %and3A_733] : memref<128x32xf32, #tpu.memory_space<vmem>>[vector<16xi32>, vector<16xi32>], vector<16xf32>,
            %mul3A_739 = arith.mulf %exp3A, %gather3A_738 : vector<16xf32>
            %scatter3A_740 = arith.constant 0 : i32
            %scatter3A_741 = arith.constant 0 : i32
            %scatter3A_742 = tpu.memref_slice %arg15[%scan3A_393, %scatter3A_740, %scatter3A_741] : memref<2x128x48xf32, #tpu.memory_space<vmem>> -> memref<1x128x48xf32, #tpu.memory_space<vmem>>
            %scatter3A_743 = tpu.memref_squeeze %scatter3A_742 : memref<1x128x48xf32, #tpu.memory_space<vmem>> -> memref<128x48xf32, #tpu.memory_space<vmem>>
            tpu.vector_store_idx %scatter3A_743[%add3A_649, %and3A_733], %mul3A_739 : memref<128x48xf32, #tpu.memory_space<vmem>>[vector<16xi32>, vector<16xi32>], vector<16xf32>,
            %scan3A_744 = arith.constant 0 : i32
            scf.yield %scan3A_744 : i32
          }
          %scan3A_667 = arith.constant 8 : i32
          %broadcast_in_dim3A_668 = arith.constant 32 : i32
          %broadcast_in_dim3A_669 = vector.broadcast %broadcast_in_dim3A_668 : i32 to vector<16xi32>
          %scatter3A = arith.constant 0 : i32
          %scatter3A_670 = arith.constant 0 : i32
          %scatter3A_671 = tpu.memref_slice %arg15[%scan3A_393, %scatter3A, %scatter3A_670] : memref<2x128x48xf32, #tpu.memory_space<vmem>> -> memref<1x128x48xf32, #tpu.memory_space<vmem>>
          %scatter3A_672 = tpu.memref_squeeze %scatter3A_671 : memref<1x128x48xf32, #tpu.memory_space<vmem>> -> memref<128x48xf32, #tpu.memory_space<vmem>>
          tpu.vector_store_idx %scatter3A_672[%add3A_649, %broadcast_in_dim3A_669], %exp3A : memref<128x48xf32, #tpu.memory_space<vmem>>[vector<16xi32>, vector<16xi32>], vector<16xf32>,
          %scan3A_673 = arith.constant 0 : i32
          scf.yield %scan3A_673 : i32
        }
        %scan3A_400 = arith.constant 8 : i32
        %dma_start3A_401 = arith.constant 0 : i32
        %dma_start3A_402 = arith.constant 0 : i32
        %dma_start3A_403 = arith.constant 0 : i32
        %dma_start3A_404 = arith.constant 0 : i32
        %dma_start3A_405 = tpu.memref_slice %arg15[%dma_start3A_401, %dma_start3A_403, %dma_start3A_404] : memref<2x128x48xf32, #tpu.memory_space<vmem>> -> memref<1x128x48xf32, #tpu.memory_space<vmem>>
        %dma_start3A_406 = tpu.memref_squeeze %dma_start3A_405 : memref<1x128x48xf32, #tpu.memory_space<vmem>> -> memref<128x48xf32, #tpu.memory_space<vmem>>
        %dma_start3A_407 = arith.constant 0 : i32
        %dma_start3A_408 = tpu.memref_slice %arg11[%add3A_329, %dma_start3A_407] : memref<160x128xi32, #tpu.memory_space<vmem>> -> memref<1x128xi32, #tpu.memory_space<vmem>>
        %dma_start3A_409 = tpu.memref_squeeze %dma_start3A_408 : memref<1x128xi32, #tpu.memory_space<vmem>> -> memref<128xi32, #tpu.memory_space<vmem>>
        %dma_start3A_410 = arith.constant 0 : i32
        %dma_start3A_411 = arith.constant 0 : i32
        %dma_start3A_412 = tpu.memref_slice %arg9[%dma_start3A_410, %dma_start3A_411] : memref<10240x48xf32, #tpu.memory_space<vmem_shared>> -> memref<10240x48xf32, #tpu.memory_space<vmem_shared>>
        %dma_start3A_413 = tpu.memref_slice %arg21[%dma_start3A_402] : memref<2x!tpu.dma_semaphore, #tpu.memory_space<semaphore_mem>> -> memref<1x!tpu.dma_semaphore, #tpu.memory_space<semaphore_mem>>
        %dma_start3A_414 = tpu.memref_squeeze %dma_start3A_413 : memref<1x!tpu.dma_semaphore, #tpu.memory_space<semaphore_mem>> -> memref<!tpu.dma_semaphore, #tpu.memory_space<semaphore_mem>>
        tpu.enqueue_indirect_dma source(%dma_start3A_406 : memref<128x48xf32, #tpu.memory_space<vmem>>) target(%dma_start3A_412 : memref<10240x48xf32, #tpu.memory_space<vmem_shared>>) offsets(%dma_start3A_409 : memref<128xi32, #tpu.memory_space<vmem>>) semaphore(%dma_start3A_414 : memref<!tpu.dma_semaphore, #tpu.memory_space<semaphore_mem>>) {add = true}
        %add3A_415 = arith.constant 2 : i32
        %add3A_416 = arith.addi %add3A_329, %add3A_415 : i32
        %min3A_417 = arith.constant 159 : i32
        %min3A_418 = arith.minsi %add3A_416, %min3A_417 : i32
        %mul3A_419 = arith.constant 20480 : i32
        %mul3A_420 = arith.muli %arg1, %mul3A_419 : i32
        %multiple_of3A_421 = tpu.assume_multiple %mul3A_420, 20480 : i32
        %mul3A_422 = arith.constant 128 : i32
        %mul3A_423 = arith.muli %min3A_418, %mul3A_422 : i32
        %add3A_424 = arith.addi %multiple_of3A_421, %mul3A_423 : i32
        %min3A_425 = arith.constant 319872 : i32
        %min3A_426 = arith.minsi %add3A_424, %min3A_425 : i32
        %shift_right_arithmetic3A_427 = arith.constant 2 : i32
        %shift_right_arithmetic3A_428 = arith.shrsi %min3A_426, %shift_right_arithmetic3A_427 : i32
        %multiple_of3A_429 = tpu.assume_multiple %shift_right_arithmetic3A_428, 8 : i32
        %dma_start3A_430 = arith.constant 0 : i32
        %dma_start3A_431 = arith.constant 0 : i32
        %dma_start3A_432 = arith.constant 0 : i32
        %dma_start3A_433 = arith.constant 0 : i32
        %dma_start3A_434 = tpu.memref_slice %arg12[%dma_start3A_430, %dma_start3A_432, %dma_start3A_433] : memref<2x32x128xf32, #tpu.memory_space<vmem>> -> memref<1x32x128xf32, #tpu.memory_space<vmem>>
        %dma_start3A_435 = tpu.memref_squeeze %dma_start3A_434 : memref<1x32x128xf32, #tpu.memory_space<vmem>> -> memref<32x128xf32, #tpu.memory_space<vmem>>
        %dma_start3A_436 = arith.constant 0 : i32
        %dma_start3A_437 = tpu.memref_slice %arg4[%arg0, %scan3A_30, %multiple_of3A_429, %dma_start3A_436] : memref<2x8x80000x128xf32, #tpu.memory_space<hbm>> -> memref<1x1x32x128xf32, #tpu.memory_space<hbm>>
        %dma_start3A_438 = tpu.memref_squeeze %dma_start3A_437 : memref<1x1x32x128xf32, #tpu.memory_space<hbm>> -> memref<32x128xf32, #tpu.memory_space<hbm>>
        %dma_start3A_439 = tpu.memref_slice %arg18[%dma_start3A_431] : memref<2x!tpu.dma_semaphore, #tpu.memory_space<semaphore_mem>> -> memref<1x!tpu.dma_semaphore, #tpu.memory_space<semaphore_mem>>
        %dma_start3A_440 = tpu.memref_squeeze %dma_start3A_439 : memref<1x!tpu.dma_semaphore, #tpu.memory_space<semaphore_mem>> -> memref<!tpu.dma_semaphore, #tpu.memory_space<semaphore_mem>>
        %dma_start3A_441 = arith.constant 0 : i32
        %dma_start3A_442 = arith.constant 0 : i32
        %dma_start3A_443 = tpu.memref_slice %arg12[%dma_start3A_430, %dma_start3A_441, %dma_start3A_442] : memref<2x32x128xf32, #tpu.memory_space<vmem>> -> memref<1x32x128xf32, #tpu.memory_space<vmem>>
        %dma_start3A_444 = tpu.memref_squeeze %dma_start3A_443 : memref<1x32x128xf32, #tpu.memory_space<vmem>> -> memref<32x128xf32, #tpu.memory_space<vmem>>
        %dma_start3A_445 = arith.constant 0 : i32
        %dma_start3A_446 = tpu.memref_slice %arg4[%arg0, %scan3A_30, %multiple_of3A_429, %dma_start3A_445] : memref<2x8x80000x128xf32, #tpu.memory_space<hbm>> -> memref<1x1x32x128xf32, #tpu.memory_space<hbm>>
        %dma_start3A_447 = tpu.memref_squeeze %dma_start3A_446 : memref<1x1x32x128xf32, #tpu.memory_space<hbm>> -> memref<32x128xf32, #tpu.memory_space<hbm>>
        tpu.enqueue_dma source(%dma_start3A_447 : memref<32x128xf32, #tpu.memory_space<hbm>>) target(%dma_start3A_444 : memref<32x128xf32, #tpu.memory_space<vmem>>) target_semaphore(%dma_start3A_440 : memref<!tpu.dma_semaphore, #tpu.memory_space<semaphore_mem>>)
        %dma_start3A_448 = arith.constant 0 : i32
        %dma_start3A_449 = arith.constant 0 : i32
        %dma_start3A_450 = arith.constant 0 : i32
        %dma_start3A_451 = arith.constant 0 : i32
        %dma_start3A_452 = tpu.memref_slice %arg13[%dma_start3A_448, %dma_start3A_450, %dma_start3A_451] : memref<2x128x32xf32, #tpu.memory_space<vmem>> -> memref<1x128x32xf32, #tpu.memory_space<vmem>>
        %dma_start3A_453 = tpu.memref_squeeze %dma_start3A_452 : memref<1x128x32xf32, #tpu.memory_space<vmem>> -> memref<128x32xf32, #tpu.memory_space<vmem>>
        %dma_start3A_454 = arith.constant 0 : i32
        %dma_start3A_455 = tpu.memref_slice %arg10[%min3A_418, %dma_start3A_454] : memref<160x128xi32, #tpu.memory_space<vmem>> -> memref<1x128xi32, #tpu.memory_space<vmem>>
        %dma_start3A_456 = tpu.memref_squeeze %dma_start3A_455 : memref<1x128xi32, #tpu.memory_space<vmem>> -> memref<128xi32, #tpu.memory_space<vmem>>
        %dma_start3A_457 = arith.constant 0 : i32
        %dma_start3A_458 = arith.constant 0 : i32
        %dma_start3A_459 = tpu.memref_slice %arg2[%arg0, %scan3A_30, %dma_start3A_457, %dma_start3A_458] : memref<2x8x10240x32xf32, #tpu.memory_space<hbm>> -> memref<1x1x10240x32xf32, #tpu.memory_space<hbm>>
        %dma_start3A_460 = tpu.memref_squeeze %dma_start3A_459 : memref<1x1x10240x32xf32, #tpu.memory_space<hbm>> -> memref<10240x32xf32, #tpu.memory_space<hbm>>
        %dma_start3A_461 = arith.constant 0 : i32
        %dma_start3A_462 = arith.constant 0 : i32
        %dma_start3A_463 = tpu.memref_slice %dma_start3A_460[%dma_start3A_461, %dma_start3A_462] : memref<10240x32xf32, #tpu.memory_space<hbm>> -> memref<10240x32xf32, #tpu.memory_space<hbm>>
        %dma_start3A_464 = tpu.memref_slice %arg19[%dma_start3A_449] : memref<2x!tpu.dma_semaphore, #tpu.memory_space<semaphore_mem>> -> memref<1x!tpu.dma_semaphore, #tpu.memory_space<semaphore_mem>>
        %dma_start3A_465 = tpu.memref_squeeze %dma_start3A_464 : memref<1x!tpu.dma_semaphore, #tpu.memory_space<semaphore_mem>> -> memref<!tpu.dma_semaphore, #tpu.memory_space<semaphore_mem>>
        tpu.enqueue_indirect_dma source(%dma_start3A_463 : memref<10240x32xf32, #tpu.memory_space<hbm>>) target(%dma_start3A_453 : memref<128x32xf32, #tpu.memory_space<vmem>>) offsets(%dma_start3A_456 : memref<128xi32, #tpu.memory_space<vmem>>) semaphore(%dma_start3A_465 : memref<!tpu.dma_semaphore, #tpu.memory_space<semaphore_mem>>)
        %dma_start3A_466 = arith.constant 0 : i32
        %dma_start3A_467 = arith.constant 0 : i32
        %dma_start3A_468 = arith.constant 0 : i32
        %dma_start3A_469 = arith.constant 0 : i32
        %dma_start3A_470 = tpu.memref_slice %arg14[%dma_start3A_466, %dma_start3A_468, %dma_start3A_469] : memref<2x128x32xf32, #tpu.memory_space<vmem>> -> memref<1x128x32xf32, #tpu.memory_space<vmem>>
        %dma_start3A_471 = tpu.memref_squeeze %dma_start3A_470 : memref<1x128x32xf32, #tpu.memory_space<vmem>> -> memref<128x32xf32, #tpu.memory_space<vmem>>
        %dma_start3A_472 = arith.constant 0 : i32
        %dma_start3A_473 = tpu.memref_slice %arg11[%min3A_418, %dma_start3A_472] : memref<160x128xi32, #tpu.memory_space<vmem>> -> memref<1x128xi32, #tpu.memory_space<vmem>>
        %dma_start3A_474 = tpu.memref_squeeze %dma_start3A_473 : memref<1x128xi32, #tpu.memory_space<vmem>> -> memref<128xi32, #tpu.memory_space<vmem>>
        %dma_start3A_475 = arith.constant 0 : i32
        %dma_start3A_476 = arith.constant 0 : i32
        %dma_start3A_477 = tpu.memref_slice %arg3[%arg0, %scan3A_30, %dma_start3A_475, %dma_start3A_476] : memref<2x8x10240x32xf32, #tpu.memory_space<hbm>> -> memref<1x1x10240x32xf32, #tpu.memory_space<hbm>>
        %dma_start3A_478 = tpu.memref_squeeze %dma_start3A_477 : memref<1x1x10240x32xf32, #tpu.memory_space<hbm>> -> memref<10240x32xf32, #tpu.memory_space<hbm>>
        %dma_start3A_479 = arith.constant 0 : i32
        %dma_start3A_480 = arith.constant 0 : i32
        %dma_start3A_481 = tpu.memref_slice %dma_start3A_478[%dma_start3A_479, %dma_start3A_480] : memref<10240x32xf32, #tpu.memory_space<hbm>> -> memref<10240x32xf32, #tpu.memory_space<hbm>>
        %dma_start3A_482 = tpu.memref_slice %arg20[%dma_start3A_467] : memref<2x!tpu.dma_semaphore, #tpu.memory_space<semaphore_mem>> -> memref<1x!tpu.dma_semaphore, #tpu.memory_space<semaphore_mem>>
        %dma_start3A_483 = tpu.memref_squeeze %dma_start3A_482 : memref<1x!tpu.dma_semaphore, #tpu.memory_space<semaphore_mem>> -> memref<!tpu.dma_semaphore, #tpu.memory_space<semaphore_mem>>
        tpu.enqueue_indirect_dma source(%dma_start3A_481 : memref<10240x32xf32, #tpu.memory_space<hbm>>) target(%dma_start3A_471 : memref<128x32xf32, #tpu.memory_space<vmem>>) offsets(%dma_start3A_474 : memref<128xi32, #tpu.memory_space<vmem>>) semaphore(%dma_start3A_483 : memref<!tpu.dma_semaphore, #tpu.memory_space<semaphore_mem>>)
        %add3A_484 = arith.constant 1 : i32
        %add3A_485 = arith.addi %mul3A_327, %add3A_484 : i32
        %dma_wait3A_486 = arith.constant 1 : i32
        %dma_wait3A_487 = arith.constant 1 : i32
        %dma_wait3A_488 = arith.constant 0 : i32
        %dma_wait3A_489 = arith.constant 0 : i32
        %dma_wait3A_490 = tpu.memref_slice %arg12[%dma_wait3A_486, %dma_wait3A_488, %dma_wait3A_489] : memref<2x32x128xf32, #tpu.memory_space<vmem>> -> memref<1x32x128xf32, #tpu.memory_space<vmem>>
        %dma_wait3A_491 = tpu.memref_squeeze %dma_wait3A_490 : memref<1x32x128xf32, #tpu.memory_space<vmem>> -> memref<32x128xf32, #tpu.memory_space<vmem>>
        %dma_wait3A_492 = arith.constant 0 : i32
        %dma_wait3A_493 = arith.constant 0 : i32
        %dma_wait3A_494 = tpu.memref_slice %arg4[%arg0, %scan3A_30, %dma_wait3A_492, %dma_wait3A_493] : memref<2x8x80000x128xf32, #tpu.memory_space<hbm>> -> memref<1x1x32x128xf32, #tpu.memory_space<hbm>>
        %dma_wait3A_495 = tpu.memref_squeeze %dma_wait3A_494 : memref<1x1x32x128xf32, #tpu.memory_space<hbm>> -> memref<32x128xf32, #tpu.memory_space<hbm>>
        %dma_wait3A_496 = tpu.memref_slice %arg18[%dma_wait3A_487] : memref<2x!tpu.dma_semaphore, #tpu.memory_space<semaphore_mem>> -> memref<1x!tpu.dma_semaphore, #tpu.memory_space<semaphore_mem>>
        %dma_wait3A_497 = tpu.memref_squeeze %dma_wait3A_496 : memref<1x!tpu.dma_semaphore, #tpu.memory_space<semaphore_mem>> -> memref<!tpu.dma_semaphore, #tpu.memory_space<semaphore_mem>>
        %dma_wait3A_498 = arith.constant 0 : i32
        %dma_wait3A_499 = arith.constant 0 : i32
        %dma_wait3A_500 = tpu.memref_slice %arg12[%dma_wait3A_486, %dma_wait3A_498, %dma_wait3A_499] : memref<2x32x128xf32, #tpu.memory_space<vmem>> -> memref<1x32x128xf32, #tpu.memory_space<vmem>>
        %dma_wait3A_501 = tpu.memref_squeeze %dma_wait3A_500 : memref<1x32x128xf32, #tpu.memory_space<vmem>> -> memref<32x128xf32, #tpu.memory_space<vmem>>
        %dma_wait3A_502 = arith.constant 0 : i32
        %dma_wait3A_503 = arith.constant 0 : i32
        %dma_wait3A_504 = tpu.memref_slice %arg4[%arg0, %scan3A_30, %dma_wait3A_502, %dma_wait3A_503] : memref<2x8x80000x128xf32, #tpu.memory_space<hbm>> -> memref<1x1x32x128xf32, #tpu.memory_space<hbm>>
        %dma_wait3A_505 = tpu.memref_squeeze %dma_wait3A_504 : memref<1x1x32x128xf32, #tpu.memory_space<hbm>> -> memref<32x128xf32, #tpu.memory_space<hbm>>
        tpu.wait_dma2 semaphore(%dma_wait3A_497 : memref<!tpu.dma_semaphore, #tpu.memory_space<semaphore_mem>>) src(%dma_wait3A_505 : memref<32x128xf32, #tpu.memory_space<hbm>>) dst(%dma_wait3A_501 : memref<32x128xf32, #tpu.memory_space<vmem>>)
        %dma_wait3A_506 = arith.constant 0 : i32
        %dma_wait3A_507 = arith.constant 1 : i32
        %dma_wait3A_508 = arith.constant 1 : i32
        %dma_wait3A_509 = arith.constant 0 : i32
        %dma_wait3A_510 = arith.constant 0 : i32
        %dma_wait3A_511 = tpu.memref_slice %arg13[%dma_wait3A_507, %dma_wait3A_509, %dma_wait3A_510] : memref<2x128x32xf32, #tpu.memory_space<vmem>> -> memref<1x128x32xf32, #tpu.memory_space<vmem>>
        %dma_wait3A_512 = tpu.memref_squeeze %dma_wait3A_511 : memref<1x128x32xf32, #tpu.memory_space<vmem>> -> memref<128x32xf32, #tpu.memory_space<vmem>>
        %dma_wait3A_513 = arith.constant 0 : i32
        %dma_wait3A_514 = tpu.memref_slice %arg10[%dma_wait3A_506, %dma_wait3A_513] : memref<160x128xi32, #tpu.memory_space<vmem>> -> memref<1x128xi32, #tpu.memory_space<vmem>>
        %dma_wait3A_515 = tpu.memref_squeeze %dma_wait3A_514 : memref<1x128xi32, #tpu.memory_space<vmem>> -> memref<128xi32, #tpu.memory_space<vmem>>
        %dma_wait3A_516 = arith.constant 0 : i32
        %dma_wait3A_517 = arith.constant 0 : i32
        %dma_wait3A_518 = tpu.memref_slice %arg2[%arg0, %scan3A_30, %dma_wait3A_516, %dma_wait3A_517] : memref<2x8x10240x32xf32, #tpu.memory_space<hbm>> -> memref<1x1x10240x32xf32, #tpu.memory_space<hbm>>
        %dma_wait3A_519 = tpu.memref_squeeze %dma_wait3A_518 : memref<1x1x10240x32xf32, #tpu.memory_space<hbm>> -> memref<10240x32xf32, #tpu.memory_space<hbm>>
        %dma_wait3A_520 = arith.constant 0 : i32
        %dma_wait3A_521 = arith.constant 0 : i32
        %dma_wait3A_522 = tpu.memref_slice %dma_wait3A_519[%dma_wait3A_520, %dma_wait3A_521] : memref<10240x32xf32, #tpu.memory_space<hbm>> -> memref<10240x32xf32, #tpu.memory_space<hbm>>
        %dma_wait3A_523 = tpu.memref_slice %arg19[%dma_wait3A_508] : memref<2x!tpu.dma_semaphore, #tpu.memory_space<semaphore_mem>> -> memref<1x!tpu.dma_semaphore, #tpu.memory_space<semaphore_mem>>
        %dma_wait3A_524 = tpu.memref_squeeze %dma_wait3A_523 : memref<1x!tpu.dma_semaphore, #tpu.memory_space<semaphore_mem>> -> memref<!tpu.dma_semaphore, #tpu.memory_space<semaphore_mem>>
        tpu.wait_indirect_dma semaphore(%dma_wait3A_524 : memref<!tpu.dma_semaphore, #tpu.memory_space<semaphore_mem>>) src(%dma_wait3A_522 : memref<10240x32xf32, #tpu.memory_space<hbm>>) dst(%dma_wait3A_512 : memref<128x32xf32, #tpu.memory_space<vmem>>)
        %dma_wait3A_525 = arith.constant 0 : i32
        %dma_wait3A_526 = arith.constant 1 : i32
        %dma_wait3A_527 = arith.constant 1 : i32
        %dma_wait3A_528 = arith.constant 0 : i32
        %dma_wait3A_529 = arith.constant 0 : i32
        %dma_wait3A_530 = tpu.memref_slice %arg14[%dma_wait3A_526, %dma_wait3A_528, %dma_wait3A_529] : memref<2x128x32xf32, #tpu.memory_space<vmem>> -> memref<1x128x32xf32, #tpu.memory_space<vmem>>
        %dma_wait3A_531 = tpu.memref_squeeze %dma_wait3A_530 : memref<1x128x32xf32, #tpu.memory_space<vmem>> -> memref<128x32xf32, #tpu.memory_space<vmem>>
        %dma_wait3A_532 = arith.constant 0 : i32
        %dma_wait3A_533 = tpu.memref_slice %arg11[%dma_wait3A_525, %dma_wait3A_532] : memref<160x128xi32, #tpu.memory_space<vmem>> -> memref<1x128xi32, #tpu.memory_space<vmem>>
        %dma_wait3A_534 = tpu.memref_squeeze %dma_wait3A_533 : memref<1x128xi32, #tpu.memory_space<vmem>> -> memref<128xi32, #tpu.memory_space<vmem>>
        %dma_wait3A_535 = arith.constant 0 : i32
        %dma_wait3A_536 = arith.constant 0 : i32
        %dma_wait3A_537 = tpu.memref_slice %arg3[%arg0, %scan3A_30, %dma_wait3A_535, %dma_wait3A_536] : memref<2x8x10240x32xf32, #tpu.memory_space<hbm>> -> memref<1x1x10240x32xf32, #tpu.memory_space<hbm>>
        %dma_wait3A_538 = tpu.memref_squeeze %dma_wait3A_537 : memref<1x1x10240x32xf32, #tpu.memory_space<hbm>> -> memref<10240x32xf32, #tpu.memory_space<hbm>>
        %dma_wait3A_539 = arith.constant 0 : i32
        %dma_wait3A_540 = arith.constant 0 : i32
        %dma_wait3A_541 = tpu.memref_slice %dma_wait3A_538[%dma_wait3A_539, %dma_wait3A_540] : memref<10240x32xf32, #tpu.memory_space<hbm>> -> memref<10240x32xf32, #tpu.memory_space<hbm>>
        %dma_wait3A_542 = tpu.memref_slice %arg20[%dma_wait3A_527] : memref<2x!tpu.dma_semaphore, #tpu.memory_space<semaphore_mem>> -> memref<1x!tpu.dma_semaphore, #tpu.memory_space<semaphore_mem>>
        %dma_wait3A_543 = tpu.memref_squeeze %dma_wait3A_542 : memref<1x!tpu.dma_semaphore, #tpu.memory_space<semaphore_mem>> -> memref<!tpu.dma_semaphore, #tpu.memory_space<semaphore_mem>>
        tpu.wait_indirect_dma semaphore(%dma_wait3A_543 : memref<!tpu.dma_semaphore, #tpu.memory_space<semaphore_mem>>) src(%dma_wait3A_541 : memref<10240x32xf32, #tpu.memory_space<hbm>>) dst(%dma_wait3A_531 : memref<128x32xf32, #tpu.memory_space<vmem>>)
        %gt3A_544 = arith.constant 0 : i32
        %gt3A_545 = arith.cmpi sgt, %scan3A_324, %gt3A_544 : i32
        %convert_element_type3A_546 = arith.extui %gt3A_545 : i1 to i32
        %cond3A_547 = arith.constant 0 : i32
        %cond3A_548 = arith.cmpi ne, %convert_element_type3A_546, %cond3A_547 : i32
        scf.if %cond3A_548 {
          %dma_wait3A_644 = arith.constant 1 : i32
          %dma_wait3A_645 = arith.constant 0 : i32
          %dma_wait3A_646 = arith.constant 1 : i32
          %dma_wait3A_647 = arith.constant 0 : i32
          %dma_wait3A_648 = arith.constant 0 : i32
          %dma_wait3A_649 = tpu.memref_slice %arg15[%dma_wait3A_644, %dma_wait3A_647, %dma_wait3A_648] : memref<2x128x48xf32, #tpu.memory_space<vmem>> -> memref<1x128x48xf32, #tpu.memory_space<vmem>>
          %dma_wait3A_650 = tpu.memref_squeeze %dma_wait3A_649 : memref<1x128x48xf32, #tpu.memory_space<vmem>> -> memref<128x48xf32, #tpu.memory_space<vmem>>
          %dma_wait3A_651 = arith.constant 0 : i32
          %dma_wait3A_652 = tpu.memref_slice %arg11[%dma_wait3A_645, %dma_wait3A_651] : memref<160x128xi32, #tpu.memory_space<vmem>> -> memref<1x128xi32, #tpu.memory_space<vmem>>
          %dma_wait3A_653 = tpu.memref_squeeze %dma_wait3A_652 : memref<1x128xi32, #tpu.memory_space<vmem>> -> memref<128xi32, #tpu.memory_space<vmem>>
          %dma_wait3A_654 = arith.constant 0 : i32
          %dma_wait3A_655 = arith.constant 0 : i32
          %dma_wait3A_656 = tpu.memref_slice %arg9[%dma_wait3A_654, %dma_wait3A_655] : memref<10240x48xf32, #tpu.memory_space<vmem_shared>> -> memref<10240x48xf32, #tpu.memory_space<vmem_shared>>
          %dma_wait3A_657 = tpu.memref_slice %arg21[%dma_wait3A_646] : memref<2x!tpu.dma_semaphore, #tpu.memory_space<semaphore_mem>> -> memref<1x!tpu.dma_semaphore, #tpu.memory_space<semaphore_mem>>
          %dma_wait3A_658 = tpu.memref_squeeze %dma_wait3A_657 : memref<1x!tpu.dma_semaphore, #tpu.memory_space<semaphore_mem>> -> memref<!tpu.dma_semaphore, #tpu.memory_space<semaphore_mem>>
          tpu.wait_indirect_dma semaphore(%dma_wait3A_658 : memref<!tpu.dma_semaphore, #tpu.memory_space<semaphore_mem>>) src(%dma_wait3A_650 : memref<128x48xf32, #tpu.memory_space<vmem>>) dst(%dma_wait3A_656 : memref<10240x48xf32, #tpu.memory_space<vmem_shared>>)
        } else {
        }
        %scan3A_549 = arith.constant 1 : i32
        %scan3A_550 = arith.constant 1 : i32
        %scan3A_551 = arith.constant 1 : i32
        %scan3A_552 = arith.constant 1 : i32
        %scan3A_553 = arith.constant 0 : i32
        %scan3A_554 = arith.constant 0 : i32
        %scan3A_555 = arith.constant 8 : i32
        %scan3A_556 = arith.addi %scan3A_554, %scan3A_555 : i32
        %scan3A_557 = arith.constant 1 : i32
        %scan3A_558 = scf.for %scan3A_644 = %scan3A_554 to %scan3A_556 step %scan3A_557 iter_args(%scan3A_645 = %scan3A_553) -> (i32)  : i32 {
          %mul3A_646 = arith.constant 16 : i32
          %mul3A_647 = arith.muli %scan3A_644, %mul3A_646 : i32
          %add3A_648 = vector.broadcast %mul3A_647 : i32 to vector<16xi32>
          %add3A_649 = arith.addi %add3A_648, %iota3A : vector<16xi32>
          %mul3A_650 = arith.constant 32 : i32
          %mul3A_651 = vector.broadcast %mul3A_650 : i32 to vector<16xi32>
          %mul3A_652 = arith.muli %add3A_649, %mul3A_651 : vector<16xi32>
          %broadcast_in_dim3A_653 = arith.constant 0.000000e+00 : f32
          %broadcast_in_dim3A_654 = vector.broadcast %broadcast_in_dim3A_653 : f32 to vector<16xf32>
          %scan3A_655 = arith.constant 0 : i32
          %scan3A_656 = arith.constant 8 : i32
          %scan3A_657 = arith.addi %scan3A_655, %scan3A_656 : i32
          %scan3A_658 = arith.constant 1 : i32
          %scan3A_659 = scf.for %scan3A_674 = %scan3A_655 to %scan3A_657 step %scan3A_658 iter_args(%scan3A_675 = %broadcast_in_dim3A_654) -> (vector<16xf32>)  : i32 {
            %mul3A_676 = arith.constant 4 : i32
            %mul3A_677 = arith.muli %scan3A_674, %mul3A_676 : i32
            %add3A_678 = arith.constant 0 : i32
            %add3A_679 = arith.addi %mul3A_677, %add3A_678 : i32
            %add3A_680 = vector.broadcast %add3A_679 : i32 to vector<16xi32>
            %add3A_681 = arith.addi %add3A_680, %iota3A : vector<16xi32>
            %and3A = arith.constant 31 : i32
            %and3A_682 = vector.broadcast %and3A : i32 to vector<16xi32>
            %and3A_683 = arith.andi %add3A_681, %and3A_682 : vector<16xi32>
            %add3A_684 = arith.addi %mul3A_652, %and3A_683 : vector<16xi32>
            %gather3A = arith.constant 0 : i32
            %gather3A_685 = arith.constant 0 : i32
            %gather3A_686 = tpu.memref_slice %arg13[%scan3A_549, %gather3A, %gather3A_685] : memref<2x128x32xf32, #tpu.memory_space<vmem>> -> memref<1x128x32xf32, #tpu.memory_space<vmem>>
            %gather3A_687 = tpu.memref_squeeze %gather3A_686 : memref<1x128x32xf32, #tpu.memory_space<vmem>> -> memref<128x32xf32, #tpu.memory_space<vmem>>
            %gather3A_688 = tpu.vector_load_idx %gather3A_687[%add3A_649, %and3A_683] : memref<128x32xf32, #tpu.memory_space<vmem>>[vector<16xi32>, vector<16xi32>], vector<16xf32>,
            %gather3A_689 = arith.constant 0 : i32
            %gather3A_690 = arith.constant 0 : i32
            %gather3A_691 = tpu.memref_slice %arg14[%scan3A_550, %gather3A_689, %gather3A_690] : memref<2x128x32xf32, #tpu.memory_space<vmem>> -> memref<1x128x32xf32, #tpu.memory_space<vmem>>
            %gather3A_692 = tpu.memref_squeeze %gather3A_691 : memref<1x128x32xf32, #tpu.memory_space<vmem>> -> memref<128x32xf32, #tpu.memory_space<vmem>>
            %gather3A_693 = tpu.vector_load_idx %gather3A_692[%add3A_649, %and3A_683] : memref<128x32xf32, #tpu.memory_space<vmem>>[vector<16xi32>, vector<16xi32>], vector<16xf32>,
            %shift_right_arithmetic3A_694 = arith.constant 7 : i32
            %shift_right_arithmetic3A_695 = vector.broadcast %shift_right_arithmetic3A_694 : i32 to vector<16xi32>
            %shift_right_arithmetic3A_696 = arith.shrsi %add3A_684, %shift_right_arithmetic3A_695 : vector<16xi32>
            %and3A_697 = arith.constant 127 : i32
            %and3A_698 = vector.broadcast %and3A_697 : i32 to vector<16xi32>
            %and3A_699 = arith.andi %add3A_684, %and3A_698 : vector<16xi32>
            %gather3A_700 = arith.constant 0 : i32
            %gather3A_701 = arith.constant 0 : i32
            %gather3A_702 = tpu.memref_slice %arg12[%scan3A_551, %gather3A_700, %gather3A_701] : memref<2x32x128xf32, #tpu.memory_space<vmem>> -> memref<1x32x128xf32, #tpu.memory_space<vmem>>
            %gather3A_703 = tpu.memref_squeeze %gather3A_702 : memref<1x32x128xf32, #tpu.memory_space<vmem>> -> memref<32x128xf32, #tpu.memory_space<vmem>>
            %gather3A_704 = tpu.vector_load_idx %gather3A_703[%shift_right_arithmetic3A_696, %and3A_699] : memref<32x128xf32, #tpu.memory_space<vmem>>[vector<16xi32>, vector<16xi32>], vector<16xf32>,
            %gather3A_705 = tpu.vector_load_idx %arg16[%broadcast_in_dim3A_3, %and3A_683] : memref<1x32xf32, #tpu.memory_space<vmem>>[vector<16xi32>, vector<16xi32>], vector<16xf32>,
            %add3A_706 = arith.addf %gather3A_688, %gather3A_693 : vector<16xf32>
            %add3A_707 = arith.addf %add3A_706, %gather3A_704 : vector<16xf32>
            %mul3A_708 = arith.constant 2.000000e-01 : f32
            %mul3A_709 = vector.broadcast %mul3A_708 : f32 to vector<16xf32>
            %mul3A_710 = arith.mulf %mul3A_709, %add3A_707 : vector<16xf32>
            %max3A = arith.maximumf %add3A_707, %mul3A_710 : vector<16xf32>
            %mul3A_711 = arith.mulf %max3A, %gather3A_705 : vector<16xf32>
            %add3A_712 = arith.addf %scan3A_675, %mul3A_711 : vector<16xf32>
            %add3A_713 = arith.constant 1 : i32
            %add3A_714 = arith.addi %mul3A_677, %add3A_713 : i32
            %add3A_715 = vector.broadcast %add3A_714 : i32 to vector<16xi32>
            %add3A_716 = arith.addi %add3A_715, %iota3A : vector<16xi32>
            %and3A_717 = arith.constant 31 : i32
            %and3A_718 = vector.broadcast %and3A_717 : i32 to vector<16xi32>
            %and3A_719 = arith.andi %add3A_716, %and3A_718 : vector<16xi32>
            %add3A_720 = arith.addi %mul3A_652, %and3A_719 : vector<16xi32>
            %gather3A_721 = arith.constant 0 : i32
            %gather3A_722 = arith.constant 0 : i32
            %gather3A_723 = tpu.memref_slice %arg13[%scan3A_549, %gather3A_721, %gather3A_722] : memref<2x128x32xf32, #tpu.memory_space<vmem>> -> memref<1x128x32xf32, #tpu.memory_space<vmem>>
            %gather3A_724 = tpu.memref_squeeze %gather3A_723 : memref<1x128x32xf32, #tpu.memory_space<vmem>> -> memref<128x32xf32, #tpu.memory_space<vmem>>
            %gather3A_725 = tpu.vector_load_idx %gather3A_724[%add3A_649, %and3A_719] : memref<128x32xf32, #tpu.memory_space<vmem>>[vector<16xi32>, vector<16xi32>], vector<16xf32>,
            %gather3A_726 = arith.constant 0 : i32
            %gather3A_727 = arith.constant 0 : i32
            %gather3A_728 = tpu.memref_slice %arg14[%scan3A_550, %gather3A_726, %gather3A_727] : memref<2x128x32xf32, #tpu.memory_space<vmem>> -> memref<1x128x32xf32, #tpu.memory_space<vmem>>
            %gather3A_729 = tpu.memref_squeeze %gather3A_728 : memref<1x128x32xf32, #tpu.memory_space<vmem>> -> memref<128x32xf32, #tpu.memory_space<vmem>>
            %gather3A_730 = tpu.vector_load_idx %gather3A_729[%add3A_649, %and3A_719] : memref<128x32xf32, #tpu.memory_space<vmem>>[vector<16xi32>, vector<16xi32>], vector<16xf32>,
            %shift_right_arithmetic3A_731 = arith.constant 7 : i32
            %shift_right_arithmetic3A_732 = vector.broadcast %shift_right_arithmetic3A_731 : i32 to vector<16xi32>
            %shift_right_arithmetic3A_733 = arith.shrsi %add3A_720, %shift_right_arithmetic3A_732 : vector<16xi32>
            %and3A_734 = arith.constant 127 : i32
            %and3A_735 = vector.broadcast %and3A_734 : i32 to vector<16xi32>
            %and3A_736 = arith.andi %add3A_720, %and3A_735 : vector<16xi32>
            %gather3A_737 = arith.constant 0 : i32
            %gather3A_738 = arith.constant 0 : i32
            %gather3A_739 = tpu.memref_slice %arg12[%scan3A_551, %gather3A_737, %gather3A_738] : memref<2x32x128xf32, #tpu.memory_space<vmem>> -> memref<1x32x128xf32, #tpu.memory_space<vmem>>
            %gather3A_740 = tpu.memref_squeeze %gather3A_739 : memref<1x32x128xf32, #tpu.memory_space<vmem>> -> memref<32x128xf32, #tpu.memory_space<vmem>>
            %gather3A_741 = tpu.vector_load_idx %gather3A_740[%shift_right_arithmetic3A_733, %and3A_736] : memref<32x128xf32, #tpu.memory_space<vmem>>[vector<16xi32>, vector<16xi32>], vector<16xf32>,
            %gather3A_742 = tpu.vector_load_idx %arg16[%broadcast_in_dim3A_3, %and3A_719] : memref<1x32xf32, #tpu.memory_space<vmem>>[vector<16xi32>, vector<16xi32>], vector<16xf32>,
            %add3A_743 = arith.addf %gather3A_725, %gather3A_730 : vector<16xf32>
            %add3A_744 = arith.addf %add3A_743, %gather3A_741 : vector<16xf32>
            %mul3A_745 = arith.constant 2.000000e-01 : f32
            %mul3A_746 = vector.broadcast %mul3A_745 : f32 to vector<16xf32>
            %mul3A_747 = arith.mulf %mul3A_746, %add3A_744 : vector<16xf32>
            %max3A_748 = arith.maximumf %add3A_744, %mul3A_747 : vector<16xf32>
            %mul3A_749 = arith.mulf %max3A_748, %gather3A_742 : vector<16xf32>
            %add3A_750 = arith.addf %add3A_712, %mul3A_749 : vector<16xf32>
            %add3A_751 = arith.constant 2 : i32
            %add3A_752 = arith.addi %mul3A_677, %add3A_751 : i32
            %add3A_753 = vector.broadcast %add3A_752 : i32 to vector<16xi32>
            %add3A_754 = arith.addi %add3A_753, %iota3A : vector<16xi32>
            %and3A_755 = arith.constant 31 : i32
            %and3A_756 = vector.broadcast %and3A_755 : i32 to vector<16xi32>
            %and3A_757 = arith.andi %add3A_754, %and3A_756 : vector<16xi32>
            %add3A_758 = arith.addi %mul3A_652, %and3A_757 : vector<16xi32>
            %gather3A_759 = arith.constant 0 : i32
            %gather3A_760 = arith.constant 0 : i32
            %gather3A_761 = tpu.memref_slice %arg13[%scan3A_549, %gather3A_759, %gather3A_760] : memref<2x128x32xf32, #tpu.memory_space<vmem>> -> memref<1x128x32xf32, #tpu.memory_space<vmem>>
            %gather3A_762 = tpu.memref_squeeze %gather3A_761 : memref<1x128x32xf32, #tpu.memory_space<vmem>> -> memref<128x32xf32, #tpu.memory_space<vmem>>
            %gather3A_763 = tpu.vector_load_idx %gather3A_762[%add3A_649, %and3A_757] : memref<128x32xf32, #tpu.memory_space<vmem>>[vector<16xi32>, vector<16xi32>], vector<16xf32>,
            %gather3A_764 = arith.constant 0 : i32
            %gather3A_765 = arith.constant 0 : i32
            %gather3A_766 = tpu.memref_slice %arg14[%scan3A_550, %gather3A_764, %gather3A_765] : memref<2x128x32xf32, #tpu.memory_space<vmem>> -> memref<1x128x32xf32, #tpu.memory_space<vmem>>
            %gather3A_767 = tpu.memref_squeeze %gather3A_766 : memref<1x128x32xf32, #tpu.memory_space<vmem>> -> memref<128x32xf32, #tpu.memory_space<vmem>>
            %gather3A_768 = tpu.vector_load_idx %gather3A_767[%add3A_649, %and3A_757] : memref<128x32xf32, #tpu.memory_space<vmem>>[vector<16xi32>, vector<16xi32>], vector<16xf32>,
            %shift_right_arithmetic3A_769 = arith.constant 7 : i32
            %shift_right_arithmetic3A_770 = vector.broadcast %shift_right_arithmetic3A_769 : i32 to vector<16xi32>
            %shift_right_arithmetic3A_771 = arith.shrsi %add3A_758, %shift_right_arithmetic3A_770 : vector<16xi32>
            %and3A_772 = arith.constant 127 : i32
            %and3A_773 = vector.broadcast %and3A_772 : i32 to vector<16xi32>
            %and3A_774 = arith.andi %add3A_758, %and3A_773 : vector<16xi32>
            %gather3A_775 = arith.constant 0 : i32
            %gather3A_776 = arith.constant 0 : i32
            %gather3A_777 = tpu.memref_slice %arg12[%scan3A_551, %gather3A_775, %gather3A_776] : memref<2x32x128xf32, #tpu.memory_space<vmem>> -> memref<1x32x128xf32, #tpu.memory_space<vmem>>
            %gather3A_778 = tpu.memref_squeeze %gather3A_777 : memref<1x32x128xf32, #tpu.memory_space<vmem>> -> memref<32x128xf32, #tpu.memory_space<vmem>>
            %gather3A_779 = tpu.vector_load_idx %gather3A_778[%shift_right_arithmetic3A_771, %and3A_774] : memref<32x128xf32, #tpu.memory_space<vmem>>[vector<16xi32>, vector<16xi32>], vector<16xf32>,
            %gather3A_780 = tpu.vector_load_idx %arg16[%broadcast_in_dim3A_3, %and3A_757] : memref<1x32xf32, #tpu.memory_space<vmem>>[vector<16xi32>, vector<16xi32>], vector<16xf32>,
            %add3A_781 = arith.addf %gather3A_763, %gather3A_768 : vector<16xf32>
            %add3A_782 = arith.addf %add3A_781, %gather3A_779 : vector<16xf32>
            %mul3A_783 = arith.constant 2.000000e-01 : f32
            %mul3A_784 = vector.broadcast %mul3A_783 : f32 to vector<16xf32>
            %mul3A_785 = arith.mulf %mul3A_784, %add3A_782 : vector<16xf32>
            %max3A_786 = arith.maximumf %add3A_782, %mul3A_785 : vector<16xf32>
            %mul3A_787 = arith.mulf %max3A_786, %gather3A_780 : vector<16xf32>
            %add3A_788 = arith.addf %add3A_750, %mul3A_787 : vector<16xf32>
            %add3A_789 = arith.constant 3 : i32
            %add3A_790 = arith.addi %mul3A_677, %add3A_789 : i32
            %add3A_791 = vector.broadcast %add3A_790 : i32 to vector<16xi32>
            %add3A_792 = arith.addi %add3A_791, %iota3A : vector<16xi32>
            %and3A_793 = arith.constant 31 : i32
            %and3A_794 = vector.broadcast %and3A_793 : i32 to vector<16xi32>
            %and3A_795 = arith.andi %add3A_792, %and3A_794 : vector<16xi32>
            %add3A_796 = arith.addi %mul3A_652, %and3A_795 : vector<16xi32>
            %gather3A_797 = arith.constant 0 : i32
            %gather3A_798 = arith.constant 0 : i32
            %gather3A_799 = tpu.memref_slice %arg13[%scan3A_549, %gather3A_797, %gather3A_798] : memref<2x128x32xf32, #tpu.memory_space<vmem>> -> memref<1x128x32xf32, #tpu.memory_space<vmem>>
            %gather3A_800 = tpu.memref_squeeze %gather3A_799 : memref<1x128x32xf32, #tpu.memory_space<vmem>> -> memref<128x32xf32, #tpu.memory_space<vmem>>
            %gather3A_801 = tpu.vector_load_idx %gather3A_800[%add3A_649, %and3A_795] : memref<128x32xf32, #tpu.memory_space<vmem>>[vector<16xi32>, vector<16xi32>], vector<16xf32>,
            %gather3A_802 = arith.constant 0 : i32
            %gather3A_803 = arith.constant 0 : i32
            %gather3A_804 = tpu.memref_slice %arg14[%scan3A_550, %gather3A_802, %gather3A_803] : memref<2x128x32xf32, #tpu.memory_space<vmem>> -> memref<1x128x32xf32, #tpu.memory_space<vmem>>
            %gather3A_805 = tpu.memref_squeeze %gather3A_804 : memref<1x128x32xf32, #tpu.memory_space<vmem>> -> memref<128x32xf32, #tpu.memory_space<vmem>>
            %gather3A_806 = tpu.vector_load_idx %gather3A_805[%add3A_649, %and3A_795] : memref<128x32xf32, #tpu.memory_space<vmem>>[vector<16xi32>, vector<16xi32>], vector<16xf32>,
            %shift_right_arithmetic3A_807 = arith.constant 7 : i32
            %shift_right_arithmetic3A_808 = vector.broadcast %shift_right_arithmetic3A_807 : i32 to vector<16xi32>
            %shift_right_arithmetic3A_809 = arith.shrsi %add3A_796, %shift_right_arithmetic3A_808 : vector<16xi32>
            %and3A_810 = arith.constant 127 : i32
            %and3A_811 = vector.broadcast %and3A_810 : i32 to vector<16xi32>
            %and3A_812 = arith.andi %add3A_796, %and3A_811 : vector<16xi32>
            %gather3A_813 = arith.constant 0 : i32
            %gather3A_814 = arith.constant 0 : i32
            %gather3A_815 = tpu.memref_slice %arg12[%scan3A_551, %gather3A_813, %gather3A_814] : memref<2x32x128xf32, #tpu.memory_space<vmem>> -> memref<1x32x128xf32, #tpu.memory_space<vmem>>
            %gather3A_816 = tpu.memref_squeeze %gather3A_815 : memref<1x32x128xf32, #tpu.memory_space<vmem>> -> memref<32x128xf32, #tpu.memory_space<vmem>>
            %gather3A_817 = tpu.vector_load_idx %gather3A_816[%shift_right_arithmetic3A_809, %and3A_812] : memref<32x128xf32, #tpu.memory_space<vmem>>[vector<16xi32>, vector<16xi32>], vector<16xf32>,
            %gather3A_818 = tpu.vector_load_idx %arg16[%broadcast_in_dim3A_3, %and3A_795] : memref<1x32xf32, #tpu.memory_space<vmem>>[vector<16xi32>, vector<16xi32>], vector<16xf32>,
            %add3A_819 = arith.addf %gather3A_801, %gather3A_806 : vector<16xf32>
            %add3A_820 = arith.addf %add3A_819, %gather3A_817 : vector<16xf32>
            %mul3A_821 = arith.constant 2.000000e-01 : f32
            %mul3A_822 = vector.broadcast %mul3A_821 : f32 to vector<16xf32>
            %mul3A_823 = arith.mulf %mul3A_822, %add3A_820 : vector<16xf32>
            %max3A_824 = arith.maximumf %add3A_820, %mul3A_823 : vector<16xf32>
            %mul3A_825 = arith.mulf %max3A_824, %gather3A_818 : vector<16xf32>
            %add3A_826 = arith.addf %add3A_788, %mul3A_825 : vector<16xf32>
            scf.yield %add3A_826 : vector<16xf32>
          }
          %scan3A_660 = arith.constant 8 : i32
          %exp3A = math.exp %scan3A_659 : vector<16xf32>
          %scan3A_661 = arith.constant 0 : i32
          %scan3A_662 = arith.constant 0 : i32
          %scan3A_663 = arith.constant 8 : i32
          %scan3A_664 = arith.addi %scan3A_662, %scan3A_663 : i32
          %scan3A_665 = arith.constant 1 : i32
          %scan3A_666 = scf.for %scan3A_674 = %scan3A_662 to %scan3A_664 step %scan3A_665 iter_args(%scan3A_675 = %scan3A_661) -> (i32)  : i32 {
            %mul3A_676 = arith.constant 4 : i32
            %mul3A_677 = arith.muli %scan3A_674, %mul3A_676 : i32
            %add3A_678 = arith.constant 0 : i32
            %add3A_679 = arith.addi %mul3A_677, %add3A_678 : i32
            %add3A_680 = vector.broadcast %add3A_679 : i32 to vector<16xi32>
            %add3A_681 = arith.addi %add3A_680, %iota3A : vector<16xi32>
            %and3A = arith.constant 31 : i32
            %and3A_682 = vector.broadcast %and3A : i32 to vector<16xi32>
            %and3A_683 = arith.andi %add3A_681, %and3A_682 : vector<16xi32>
            %gather3A = arith.constant 0 : i32
            %gather3A_684 = arith.constant 0 : i32
            %gather3A_685 = tpu.memref_slice %arg13[%scan3A_549, %gather3A, %gather3A_684] : memref<2x128x32xf32, #tpu.memory_space<vmem>> -> memref<1x128x32xf32, #tpu.memory_space<vmem>>
            %gather3A_686 = tpu.memref_squeeze %gather3A_685 : memref<1x128x32xf32, #tpu.memory_space<vmem>> -> memref<128x32xf32, #tpu.memory_space<vmem>>
            %gather3A_687 = tpu.vector_load_idx %gather3A_686[%add3A_649, %and3A_683] : memref<128x32xf32, #tpu.memory_space<vmem>>[vector<16xi32>, vector<16xi32>], vector<16xf32>,
            %mul3A_688 = arith.mulf %exp3A, %gather3A_687 : vector<16xf32>
            %scatter3A_689 = arith.constant 0 : i32
            %scatter3A_690 = arith.constant 0 : i32
            %scatter3A_691 = tpu.memref_slice %arg15[%scan3A_552, %scatter3A_689, %scatter3A_690] : memref<2x128x48xf32, #tpu.memory_space<vmem>> -> memref<1x128x48xf32, #tpu.memory_space<vmem>>
            %scatter3A_692 = tpu.memref_squeeze %scatter3A_691 : memref<1x128x48xf32, #tpu.memory_space<vmem>> -> memref<128x48xf32, #tpu.memory_space<vmem>>
            tpu.vector_store_idx %scatter3A_692[%add3A_649, %and3A_683], %mul3A_688 : memref<128x48xf32, #tpu.memory_space<vmem>>[vector<16xi32>, vector<16xi32>], vector<16xf32>,
            %add3A_693 = arith.constant 1 : i32
            %add3A_694 = arith.addi %mul3A_677, %add3A_693 : i32
            %add3A_695 = vector.broadcast %add3A_694 : i32 to vector<16xi32>
            %add3A_696 = arith.addi %add3A_695, %iota3A : vector<16xi32>
            %and3A_697 = arith.constant 31 : i32
            %and3A_698 = vector.broadcast %and3A_697 : i32 to vector<16xi32>
            %and3A_699 = arith.andi %add3A_696, %and3A_698 : vector<16xi32>
            %gather3A_700 = arith.constant 0 : i32
            %gather3A_701 = arith.constant 0 : i32
            %gather3A_702 = tpu.memref_slice %arg13[%scan3A_549, %gather3A_700, %gather3A_701] : memref<2x128x32xf32, #tpu.memory_space<vmem>> -> memref<1x128x32xf32, #tpu.memory_space<vmem>>
            %gather3A_703 = tpu.memref_squeeze %gather3A_702 : memref<1x128x32xf32, #tpu.memory_space<vmem>> -> memref<128x32xf32, #tpu.memory_space<vmem>>
            %gather3A_704 = tpu.vector_load_idx %gather3A_703[%add3A_649, %and3A_699] : memref<128x32xf32, #tpu.memory_space<vmem>>[vector<16xi32>, vector<16xi32>], vector<16xf32>,
            %mul3A_705 = arith.mulf %exp3A, %gather3A_704 : vector<16xf32>
            %scatter3A_706 = arith.constant 0 : i32
            %scatter3A_707 = arith.constant 0 : i32
            %scatter3A_708 = tpu.memref_slice %arg15[%scan3A_552, %scatter3A_706, %scatter3A_707] : memref<2x128x48xf32, #tpu.memory_space<vmem>> -> memref<1x128x48xf32, #tpu.memory_space<vmem>>
            %scatter3A_709 = tpu.memref_squeeze %scatter3A_708 : memref<1x128x48xf32, #tpu.memory_space<vmem>> -> memref<128x48xf32, #tpu.memory_space<vmem>>
            tpu.vector_store_idx %scatter3A_709[%add3A_649, %and3A_699], %mul3A_705 : memref<128x48xf32, #tpu.memory_space<vmem>>[vector<16xi32>, vector<16xi32>], vector<16xf32>,
            %add3A_710 = arith.constant 2 : i32
            %add3A_711 = arith.addi %mul3A_677, %add3A_710 : i32
            %add3A_712 = vector.broadcast %add3A_711 : i32 to vector<16xi32>
            %add3A_713 = arith.addi %add3A_712, %iota3A : vector<16xi32>
            %and3A_714 = arith.constant 31 : i32
            %and3A_715 = vector.broadcast %and3A_714 : i32 to vector<16xi32>
            %and3A_716 = arith.andi %add3A_713, %and3A_715 : vector<16xi32>
            %gather3A_717 = arith.constant 0 : i32
            %gather3A_718 = arith.constant 0 : i32
            %gather3A_719 = tpu.memref_slice %arg13[%scan3A_549, %gather3A_717, %gather3A_718] : memref<2x128x32xf32, #tpu.memory_space<vmem>> -> memref<1x128x32xf32, #tpu.memory_space<vmem>>
            %gather3A_720 = tpu.memref_squeeze %gather3A_719 : memref<1x128x32xf32, #tpu.memory_space<vmem>> -> memref<128x32xf32, #tpu.memory_space<vmem>>
            %gather3A_721 = tpu.vector_load_idx %gather3A_720[%add3A_649, %and3A_716] : memref<128x32xf32, #tpu.memory_space<vmem>>[vector<16xi32>, vector<16xi32>], vector<16xf32>,
            %mul3A_722 = arith.mulf %exp3A, %gather3A_721 : vector<16xf32>
            %scatter3A_723 = arith.constant 0 : i32
            %scatter3A_724 = arith.constant 0 : i32
            %scatter3A_725 = tpu.memref_slice %arg15[%scan3A_552, %scatter3A_723, %scatter3A_724] : memref<2x128x48xf32, #tpu.memory_space<vmem>> -> memref<1x128x48xf32, #tpu.memory_space<vmem>>
            %scatter3A_726 = tpu.memref_squeeze %scatter3A_725 : memref<1x128x48xf32, #tpu.memory_space<vmem>> -> memref<128x48xf32, #tpu.memory_space<vmem>>
            tpu.vector_store_idx %scatter3A_726[%add3A_649, %and3A_716], %mul3A_722 : memref<128x48xf32, #tpu.memory_space<vmem>>[vector<16xi32>, vector<16xi32>], vector<16xf32>,
            %add3A_727 = arith.constant 3 : i32
            %add3A_728 = arith.addi %mul3A_677, %add3A_727 : i32
            %add3A_729 = vector.broadcast %add3A_728 : i32 to vector<16xi32>
            %add3A_730 = arith.addi %add3A_729, %iota3A : vector<16xi32>
            %and3A_731 = arith.constant 31 : i32
            %and3A_732 = vector.broadcast %and3A_731 : i32 to vector<16xi32>
            %and3A_733 = arith.andi %add3A_730, %and3A_732 : vector<16xi32>
            %gather3A_734 = arith.constant 0 : i32
            %gather3A_735 = arith.constant 0 : i32
            %gather3A_736 = tpu.memref_slice %arg13[%scan3A_549, %gather3A_734, %gather3A_735] : memref<2x128x32xf32, #tpu.memory_space<vmem>> -> memref<1x128x32xf32, #tpu.memory_space<vmem>>
            %gather3A_737 = tpu.memref_squeeze %gather3A_736 : memref<1x128x32xf32, #tpu.memory_space<vmem>> -> memref<128x32xf32, #tpu.memory_space<vmem>>
            %gather3A_738 = tpu.vector_load_idx %gather3A_737[%add3A_649, %and3A_733] : memref<128x32xf32, #tpu.memory_space<vmem>>[vector<16xi32>, vector<16xi32>], vector<16xf32>,
            %mul3A_739 = arith.mulf %exp3A, %gather3A_738 : vector<16xf32>
            %scatter3A_740 = arith.constant 0 : i32
            %scatter3A_741 = arith.constant 0 : i32
            %scatter3A_742 = tpu.memref_slice %arg15[%scan3A_552, %scatter3A_740, %scatter3A_741] : memref<2x128x48xf32, #tpu.memory_space<vmem>> -> memref<1x128x48xf32, #tpu.memory_space<vmem>>
            %scatter3A_743 = tpu.memref_squeeze %scatter3A_742 : memref<1x128x48xf32, #tpu.memory_space<vmem>> -> memref<128x48xf32, #tpu.memory_space<vmem>>
            tpu.vector_store_idx %scatter3A_743[%add3A_649, %and3A_733], %mul3A_739 : memref<128x48xf32, #tpu.memory_space<vmem>>[vector<16xi32>, vector<16xi32>], vector<16xf32>,
            %scan3A_744 = arith.constant 0 : i32
            scf.yield %scan3A_744 : i32
          }
          %scan3A_667 = arith.constant 8 : i32
          %broadcast_in_dim3A_668 = arith.constant 32 : i32
          %broadcast_in_dim3A_669 = vector.broadcast %broadcast_in_dim3A_668 : i32 to vector<16xi32>
          %scatter3A = arith.constant 0 : i32
          %scatter3A_670 = arith.constant 0 : i32
          %scatter3A_671 = tpu.memref_slice %arg15[%scan3A_552, %scatter3A, %scatter3A_670] : memref<2x128x48xf32, #tpu.memory_space<vmem>> -> memref<1x128x48xf32, #tpu.memory_space<vmem>>
          %scatter3A_672 = tpu.memref_squeeze %scatter3A_671 : memref<1x128x48xf32, #tpu.memory_space<vmem>> -> memref<128x48xf32, #tpu.memory_space<vmem>>
          tpu.vector_store_idx %scatter3A_672[%add3A_649, %broadcast_in_dim3A_669], %exp3A : memref<128x48xf32, #tpu.memory_space<vmem>>[vector<16xi32>, vector<16xi32>], vector<16xf32>,
          %scan3A_673 = arith.constant 0 : i32
          scf.yield %scan3A_673 : i32
        }
        %scan3A_559 = arith.constant 8 : i32
        %dma_start3A_560 = arith.constant 1 : i32
        %dma_start3A_561 = arith.constant 1 : i32
        %dma_start3A_562 = arith.constant 0 : i32
        %dma_start3A_563 = arith.constant 0 : i32
        %dma_start3A_564 = tpu.memref_slice %arg15[%dma_start3A_560, %dma_start3A_562, %dma_start3A_563] : memref<2x128x48xf32, #tpu.memory_space<vmem>> -> memref<1x128x48xf32, #tpu.memory_space<vmem>>
        %dma_start3A_565 = tpu.memref_squeeze %dma_start3A_564 : memref<1x128x48xf32, #tpu.memory_space<vmem>> -> memref<128x48xf32, #tpu.memory_space<vmem>>
        %dma_start3A_566 = arith.constant 0 : i32
        %dma_start3A_567 = tpu.memref_slice %arg11[%add3A_485, %dma_start3A_566] : memref<160x128xi32, #tpu.memory_space<vmem>> -> memref<1x128xi32, #tpu.memory_space<vmem>>
        %dma_start3A_568 = tpu.memref_squeeze %dma_start3A_567 : memref<1x128xi32, #tpu.memory_space<vmem>> -> memref<128xi32, #tpu.memory_space<vmem>>
        %dma_start3A_569 = arith.constant 0 : i32
        %dma_start3A_570 = arith.constant 0 : i32
        %dma_start3A_571 = tpu.memref_slice %arg9[%dma_start3A_569, %dma_start3A_570] : memref<10240x48xf32, #tpu.memory_space<vmem_shared>> -> memref<10240x48xf32, #tpu.memory_space<vmem_shared>>
        %dma_start3A_572 = tpu.memref_slice %arg21[%dma_start3A_561] : memref<2x!tpu.dma_semaphore, #tpu.memory_space<semaphore_mem>> -> memref<1x!tpu.dma_semaphore, #tpu.memory_space<semaphore_mem>>
        %dma_start3A_573 = tpu.memref_squeeze %dma_start3A_572 : memref<1x!tpu.dma_semaphore, #tpu.memory_space<semaphore_mem>> -> memref<!tpu.dma_semaphore, #tpu.memory_space<semaphore_mem>>
        tpu.enqueue_indirect_dma source(%dma_start3A_565 : memref<128x48xf32, #tpu.memory_space<vmem>>) target(%dma_start3A_571 : memref<10240x48xf32, #tpu.memory_space<vmem_shared>>) offsets(%dma_start3A_568 : memref<128xi32, #tpu.memory_space<vmem>>) semaphore(%dma_start3A_573 : memref<!tpu.dma_semaphore, #tpu.memory_space<semaphore_mem>>) {add = true}
        %add3A_574 = arith.constant 2 : i32
        %add3A_575 = arith.addi %add3A_485, %add3A_574 : i32
        %min3A_576 = arith.constant 159 : i32
        %min3A_577 = arith.minsi %add3A_575, %min3A_576 : i32
        %mul3A_578 = arith.constant 20480 : i32
        %mul3A_579 = arith.muli %arg1, %mul3A_578 : i32
        %multiple_of3A_580 = tpu.assume_multiple %mul3A_579, 20480 : i32
        %mul3A_581 = arith.constant 128 : i32
        %mul3A_582 = arith.muli %min3A_577, %mul3A_581 : i32
        %add3A_583 = arith.addi %multiple_of3A_580, %mul3A_582 : i32
        %min3A_584 = arith.constant 319872 : i32
        %min3A_585 = arith.minsi %add3A_583, %min3A_584 : i32
        %shift_right_arithmetic3A_586 = arith.constant 2 : i32
        %shift_right_arithmetic3A_587 = arith.shrsi %min3A_585, %shift_right_arithmetic3A_586 : i32
        %multiple_of3A_588 = tpu.assume_multiple %shift_right_arithmetic3A_587, 8 : i32
        %dma_start3A_589 = arith.constant 1 : i32
        %dma_start3A_590 = arith.constant 1 : i32
        %dma_start3A_591 = arith.constant 0 : i32
        %dma_start3A_592 = arith.constant 0 : i32
        %dma_start3A_593 = tpu.memref_slice %arg12[%dma_start3A_589, %dma_start3A_591, %dma_start3A_592] : memref<2x32x128xf32, #tpu.memory_space<vmem>> -> memref<1x32x128xf32, #tpu.memory_space<vmem>>
        %dma_start3A_594 = tpu.memref_squeeze %dma_start3A_593 : memref<1x32x128xf32, #tpu.memory_space<vmem>> -> memref<32x128xf32, #tpu.memory_space<vmem>>
        %dma_start3A_595 = arith.constant 0 : i32
        %dma_start3A_596 = tpu.memref_slice %arg4[%arg0, %scan3A_30, %multiple_of3A_588, %dma_start3A_595] : memref<2x8x80000x128xf32, #tpu.memory_space<hbm>> -> memref<1x1x32x128xf32, #tpu.memory_space<hbm>>
        %dma_start3A_597 = tpu.memref_squeeze %dma_start3A_596 : memref<1x1x32x128xf32, #tpu.memory_space<hbm>> -> memref<32x128xf32, #tpu.memory_space<hbm>>
        %dma_start3A_598 = tpu.memref_slice %arg18[%dma_start3A_590] : memref<2x!tpu.dma_semaphore, #tpu.memory_space<semaphore_mem>> -> memref<1x!tpu.dma_semaphore, #tpu.memory_space<semaphore_mem>>
        %dma_start3A_599 = tpu.memref_squeeze %dma_start3A_598 : memref<1x!tpu.dma_semaphore, #tpu.memory_space<semaphore_mem>> -> memref<!tpu.dma_semaphore, #tpu.memory_space<semaphore_mem>>
        %dma_start3A_600 = arith.constant 0 : i32
        %dma_start3A_601 = arith.constant 0 : i32
        %dma_start3A_602 = tpu.memref_slice %arg12[%dma_start3A_589, %dma_start3A_600, %dma_start3A_601] : memref<2x32x128xf32, #tpu.memory_space<vmem>> -> memref<1x32x128xf32, #tpu.memory_space<vmem>>
        %dma_start3A_603 = tpu.memref_squeeze %dma_start3A_602 : memref<1x32x128xf32, #tpu.memory_space<vmem>> -> memref<32x128xf32, #tpu.memory_space<vmem>>
        %dma_start3A_604 = arith.constant 0 : i32
        %dma_start3A_605 = tpu.memref_slice %arg4[%arg0, %scan3A_30, %multiple_of3A_588, %dma_start3A_604] : memref<2x8x80000x128xf32, #tpu.memory_space<hbm>> -> memref<1x1x32x128xf32, #tpu.memory_space<hbm>>
        %dma_start3A_606 = tpu.memref_squeeze %dma_start3A_605 : memref<1x1x32x128xf32, #tpu.memory_space<hbm>> -> memref<32x128xf32, #tpu.memory_space<hbm>>
        tpu.enqueue_dma source(%dma_start3A_606 : memref<32x128xf32, #tpu.memory_space<hbm>>) target(%dma_start3A_603 : memref<32x128xf32, #tpu.memory_space<vmem>>) target_semaphore(%dma_start3A_599 : memref<!tpu.dma_semaphore, #tpu.memory_space<semaphore_mem>>)
        %dma_start3A_607 = arith.constant 1 : i32
        %dma_start3A_608 = arith.constant 1 : i32
        %dma_start3A_609 = arith.constant 0 : i32
        %dma_start3A_610 = arith.constant 0 : i32
        %dma_start3A_611 = tpu.memref_slice %arg13[%dma_start3A_607, %dma_start3A_609, %dma_start3A_610] : memref<2x128x32xf32, #tpu.memory_space<vmem>> -> memref<1x128x32xf32, #tpu.memory_space<vmem>>
        %dma_start3A_612 = tpu.memref_squeeze %dma_start3A_611 : memref<1x128x32xf32, #tpu.memory_space<vmem>> -> memref<128x32xf32, #tpu.memory_space<vmem>>
        %dma_start3A_613 = arith.constant 0 : i32
        %dma_start3A_614 = tpu.memref_slice %arg10[%min3A_577, %dma_start3A_613] : memref<160x128xi32, #tpu.memory_space<vmem>> -> memref<1x128xi32, #tpu.memory_space<vmem>>
        %dma_start3A_615 = tpu.memref_squeeze %dma_start3A_614 : memref<1x128xi32, #tpu.memory_space<vmem>> -> memref<128xi32, #tpu.memory_space<vmem>>
        %dma_start3A_616 = arith.constant 0 : i32
        %dma_start3A_617 = arith.constant 0 : i32
        %dma_start3A_618 = tpu.memref_slice %arg2[%arg0, %scan3A_30, %dma_start3A_616, %dma_start3A_617] : memref<2x8x10240x32xf32, #tpu.memory_space<hbm>> -> memref<1x1x10240x32xf32, #tpu.memory_space<hbm>>
        %dma_start3A_619 = tpu.memref_squeeze %dma_start3A_618 : memref<1x1x10240x32xf32, #tpu.memory_space<hbm>> -> memref<10240x32xf32, #tpu.memory_space<hbm>>
        %dma_start3A_620 = arith.constant 0 : i32
        %dma_start3A_621 = arith.constant 0 : i32
        %dma_start3A_622 = tpu.memref_slice %dma_start3A_619[%dma_start3A_620, %dma_start3A_621] : memref<10240x32xf32, #tpu.memory_space<hbm>> -> memref<10240x32xf32, #tpu.memory_space<hbm>>
        %dma_start3A_623 = tpu.memref_slice %arg19[%dma_start3A_608] : memref<2x!tpu.dma_semaphore, #tpu.memory_space<semaphore_mem>> -> memref<1x!tpu.dma_semaphore, #tpu.memory_space<semaphore_mem>>
        %dma_start3A_624 = tpu.memref_squeeze %dma_start3A_623 : memref<1x!tpu.dma_semaphore, #tpu.memory_space<semaphore_mem>> -> memref<!tpu.dma_semaphore, #tpu.memory_space<semaphore_mem>>
        tpu.enqueue_indirect_dma source(%dma_start3A_622 : memref<10240x32xf32, #tpu.memory_space<hbm>>) target(%dma_start3A_612 : memref<128x32xf32, #tpu.memory_space<vmem>>) offsets(%dma_start3A_615 : memref<128xi32, #tpu.memory_space<vmem>>) semaphore(%dma_start3A_624 : memref<!tpu.dma_semaphore, #tpu.memory_space<semaphore_mem>>)
        %dma_start3A_625 = arith.constant 1 : i32
        %dma_start3A_626 = arith.constant 1 : i32
        %dma_start3A_627 = arith.constant 0 : i32
        %dma_start3A_628 = arith.constant 0 : i32
        %dma_start3A_629 = tpu.memref_slice %arg14[%dma_start3A_625, %dma_start3A_627, %dma_start3A_628] : memref<2x128x32xf32, #tpu.memory_space<vmem>> -> memref<1x128x32xf32, #tpu.memory_space<vmem>>
        %dma_start3A_630 = tpu.memref_squeeze %dma_start3A_629 : memref<1x128x32xf32, #tpu.memory_space<vmem>> -> memref<128x32xf32, #tpu.memory_space<vmem>>
        %dma_start3A_631 = arith.constant 0 : i32
        %dma_start3A_632 = tpu.memref_slice %arg11[%min3A_577, %dma_start3A_631] : memref<160x128xi32, #tpu.memory_space<vmem>> -> memref<1x128xi32, #tpu.memory_space<vmem>>
        %dma_start3A_633 = tpu.memref_squeeze %dma_start3A_632 : memref<1x128xi32, #tpu.memory_space<vmem>> -> memref<128xi32, #tpu.memory_space<vmem>>
        %dma_start3A_634 = arith.constant 0 : i32
        %dma_start3A_635 = arith.constant 0 : i32
        %dma_start3A_636 = tpu.memref_slice %arg3[%arg0, %scan3A_30, %dma_start3A_634, %dma_start3A_635] : memref<2x8x10240x32xf32, #tpu.memory_space<hbm>> -> memref<1x1x10240x32xf32, #tpu.memory_space<hbm>>
        %dma_start3A_637 = tpu.memref_squeeze %dma_start3A_636 : memref<1x1x10240x32xf32, #tpu.memory_space<hbm>> -> memref<10240x32xf32, #tpu.memory_space<hbm>>
        %dma_start3A_638 = arith.constant 0 : i32
        %dma_start3A_639 = arith.constant 0 : i32
        %dma_start3A_640 = tpu.memref_slice %dma_start3A_637[%dma_start3A_638, %dma_start3A_639] : memref<10240x32xf32, #tpu.memory_space<hbm>> -> memref<10240x32xf32, #tpu.memory_space<hbm>>
        %dma_start3A_641 = tpu.memref_slice %arg20[%dma_start3A_626] : memref<2x!tpu.dma_semaphore, #tpu.memory_space<semaphore_mem>> -> memref<1x!tpu.dma_semaphore, #tpu.memory_space<semaphore_mem>>
        %dma_start3A_642 = tpu.memref_squeeze %dma_start3A_641 : memref<1x!tpu.dma_semaphore, #tpu.memory_space<semaphore_mem>> -> memref<!tpu.dma_semaphore, #tpu.memory_space<semaphore_mem>>
        tpu.enqueue_indirect_dma source(%dma_start3A_640 : memref<10240x32xf32, #tpu.memory_space<hbm>>) target(%dma_start3A_630 : memref<128x32xf32, #tpu.memory_space<vmem>>) offsets(%dma_start3A_633 : memref<128xi32, #tpu.memory_space<vmem>>) semaphore(%dma_start3A_642 : memref<!tpu.dma_semaphore, #tpu.memory_space<semaphore_mem>>)
        %scan3A_643 = arith.constant 0 : i32
        scf.yield %scan3A_643 : i32
      }
      %scan3A_176 = arith.constant 80 : i32
      %dma_wait3A = arith.constant 0 : i32
      %dma_wait3A_177 = arith.constant 0 : i32
      %dma_wait3A_178 = arith.constant 0 : i32
      %dma_wait3A_179 = arith.constant 0 : i32
      %dma_wait3A_180 = arith.constant 0 : i32
      %dma_wait3A_181 = tpu.memref_slice %arg15[%dma_wait3A, %dma_wait3A_179, %dma_wait3A_180] : memref<2x128x48xf32, #tpu.memory_space<vmem>> -> memref<1x128x48xf32, #tpu.memory_space<vmem>>
      %dma_wait3A_182 = tpu.memref_squeeze %dma_wait3A_181 : memref<1x128x48xf32, #tpu.memory_space<vmem>> -> memref<128x48xf32, #tpu.memory_space<vmem>>
      %dma_wait3A_183 = arith.constant 0 : i32
      %dma_wait3A_184 = tpu.memref_slice %arg11[%dma_wait3A_177, %dma_wait3A_183] : memref<160x128xi32, #tpu.memory_space<vmem>> -> memref<1x128xi32, #tpu.memory_space<vmem>>
      %dma_wait3A_185 = tpu.memref_squeeze %dma_wait3A_184 : memref<1x128xi32, #tpu.memory_space<vmem>> -> memref<128xi32, #tpu.memory_space<vmem>>
      %dma_wait3A_186 = arith.constant 0 : i32
      %dma_wait3A_187 = arith.constant 0 : i32
      %dma_wait3A_188 = tpu.memref_slice %arg9[%dma_wait3A_186, %dma_wait3A_187] : memref<10240x48xf32, #tpu.memory_space<vmem_shared>> -> memref<10240x48xf32, #tpu.memory_space<vmem_shared>>
      %dma_wait3A_189 = tpu.memref_slice %arg21[%dma_wait3A_178] : memref<2x!tpu.dma_semaphore, #tpu.memory_space<semaphore_mem>> -> memref<1x!tpu.dma_semaphore, #tpu.memory_space<semaphore_mem>>
      %dma_wait3A_190 = tpu.memref_squeeze %dma_wait3A_189 : memref<1x!tpu.dma_semaphore, #tpu.memory_space<semaphore_mem>> -> memref<!tpu.dma_semaphore, #tpu.memory_space<semaphore_mem>>
      tpu.wait_indirect_dma semaphore(%dma_wait3A_190 : memref<!tpu.dma_semaphore, #tpu.memory_space<semaphore_mem>>) src(%dma_wait3A_182 : memref<128x48xf32, #tpu.memory_space<vmem>>) dst(%dma_wait3A_188 : memref<10240x48xf32, #tpu.memory_space<vmem_shared>>)
      %dma_wait3A_191 = arith.constant 0 : i32
      %dma_wait3A_192 = arith.constant 0 : i32
      %dma_wait3A_193 = arith.constant 0 : i32
      %dma_wait3A_194 = arith.constant 0 : i32
      %dma_wait3A_195 = tpu.memref_slice %arg12[%dma_wait3A_191, %dma_wait3A_193, %dma_wait3A_194] : memref<2x32x128xf32, #tpu.memory_space<vmem>> -> memref<1x32x128xf32, #tpu.memory_space<vmem>>
      %dma_wait3A_196 = tpu.memref_squeeze %dma_wait3A_195 : memref<1x32x128xf32, #tpu.memory_space<vmem>> -> memref<32x128xf32, #tpu.memory_space<vmem>>
      %dma_wait3A_197 = arith.constant 0 : i32
      %dma_wait3A_198 = arith.constant 0 : i32
      %dma_wait3A_199 = tpu.memref_slice %arg4[%arg0, %scan3A_30, %dma_wait3A_197, %dma_wait3A_198] : memref<2x8x80000x128xf32, #tpu.memory_space<hbm>> -> memref<1x1x32x128xf32, #tpu.memory_space<hbm>>
      %dma_wait3A_200 = tpu.memref_squeeze %dma_wait3A_199 : memref<1x1x32x128xf32, #tpu.memory_space<hbm>> -> memref<32x128xf32, #tpu.memory_space<hbm>>
      %dma_wait3A_201 = tpu.memref_slice %arg18[%dma_wait3A_192] : memref<2x!tpu.dma_semaphore, #tpu.memory_space<semaphore_mem>> -> memref<1x!tpu.dma_semaphore, #tpu.memory_space<semaphore_mem>>
      %dma_wait3A_202 = tpu.memref_squeeze %dma_wait3A_201 : memref<1x!tpu.dma_semaphore, #tpu.memory_space<semaphore_mem>> -> memref<!tpu.dma_semaphore, #tpu.memory_space<semaphore_mem>>
      %dma_wait3A_203 = arith.constant 0 : i32
      %dma_wait3A_204 = arith.constant 0 : i32
      %dma_wait3A_205 = tpu.memref_slice %arg12[%dma_wait3A_191, %dma_wait3A_203, %dma_wait3A_204] : memref<2x32x128xf32, #tpu.memory_space<vmem>> -> memref<1x32x128xf32, #tpu.memory_space<vmem>>
      %dma_wait3A_206 = tpu.memref_squeeze %dma_wait3A_205 : memref<1x32x128xf32, #tpu.memory_space<vmem>> -> memref<32x128xf32, #tpu.memory_space<vmem>>
      %dma_wait3A_207 = arith.constant 0 : i32
      %dma_wait3A_208 = arith.constant 0 : i32
      %dma_wait3A_209 = tpu.memref_slice %arg4[%arg0, %scan3A_30, %dma_wait3A_207, %dma_wait3A_208] : memref<2x8x80000x128xf32, #tpu.memory_space<hbm>> -> memref<1x1x32x128xf32, #tpu.memory_space<hbm>>
      %dma_wait3A_210 = tpu.memref_squeeze %dma_wait3A_209 : memref<1x1x32x128xf32, #tpu.memory_space<hbm>> -> memref<32x128xf32, #tpu.memory_space<hbm>>
      tpu.wait_dma2 semaphore(%dma_wait3A_202 : memref<!tpu.dma_semaphore, #tpu.memory_space<semaphore_mem>>) src(%dma_wait3A_210 : memref<32x128xf32, #tpu.memory_space<hbm>>) dst(%dma_wait3A_206 : memref<32x128xf32, #tpu.memory_space<vmem>>)
      %dma_wait3A_211 = arith.constant 0 : i32
      %dma_wait3A_212 = arith.constant 0 : i32
      %dma_wait3A_213 = arith.constant 0 : i32
      %dma_wait3A_214 = arith.constant 0 : i32
      %dma_wait3A_215 = arith.constant 0 : i32
      %dma_wait3A_216 = tpu.memref_slice %arg13[%dma_wait3A_212, %dma_wait3A_214, %dma_wait3A_215] : memref<2x128x32xf32, #tpu.memory_space<vmem>> -> memref<1x128x32xf32, #tpu.memory_space<vmem>>
      %dma_wait3A_217 = tpu.memref_squeeze %dma_wait3A_216 : memref<1x128x32xf32, #tpu.memory_space<vmem>> -> memref<128x32xf32, #tpu.memory_space<vmem>>
      %dma_wait3A_218 = arith.constant 0 : i32
      %dma_wait3A_219 = tpu.memref_slice %arg10[%dma_wait3A_211, %dma_wait3A_218] : memref<160x128xi32, #tpu.memory_space<vmem>> -> memref<1x128xi32, #tpu.memory_space<vmem>>
      %dma_wait3A_220 = tpu.memref_squeeze %dma_wait3A_219 : memref<1x128xi32, #tpu.memory_space<vmem>> -> memref<128xi32, #tpu.memory_space<vmem>>
      %dma_wait3A_221 = arith.constant 0 : i32
      %dma_wait3A_222 = arith.constant 0 : i32
      %dma_wait3A_223 = tpu.memref_slice %arg2[%arg0, %scan3A_30, %dma_wait3A_221, %dma_wait3A_222] : memref<2x8x10240x32xf32, #tpu.memory_space<hbm>> -> memref<1x1x10240x32xf32, #tpu.memory_space<hbm>>
      %dma_wait3A_224 = tpu.memref_squeeze %dma_wait3A_223 : memref<1x1x10240x32xf32, #tpu.memory_space<hbm>> -> memref<10240x32xf32, #tpu.memory_space<hbm>>
      %dma_wait3A_225 = arith.constant 0 : i32
      %dma_wait3A_226 = arith.constant 0 : i32
      %dma_wait3A_227 = tpu.memref_slice %dma_wait3A_224[%dma_wait3A_225, %dma_wait3A_226] : memref<10240x32xf32, #tpu.memory_space<hbm>> -> memref<10240x32xf32, #tpu.memory_space<hbm>>
      %dma_wait3A_228 = tpu.memref_slice %arg19[%dma_wait3A_213] : memref<2x!tpu.dma_semaphore, #tpu.memory_space<semaphore_mem>> -> memref<1x!tpu.dma_semaphore, #tpu.memory_space<semaphore_mem>>
      %dma_wait3A_229 = tpu.memref_squeeze %dma_wait3A_228 : memref<1x!tpu.dma_semaphore, #tpu.memory_space<semaphore_mem>> -> memref<!tpu.dma_semaphore, #tpu.memory_space<semaphore_mem>>
      tpu.wait_indirect_dma semaphore(%dma_wait3A_229 : memref<!tpu.dma_semaphore, #tpu.memory_space<semaphore_mem>>) src(%dma_wait3A_227 : memref<10240x32xf32, #tpu.memory_space<hbm>>) dst(%dma_wait3A_217 : memref<128x32xf32, #tpu.memory_space<vmem>>)
      %dma_wait3A_230 = arith.constant 0 : i32
      %dma_wait3A_231 = arith.constant 0 : i32
      %dma_wait3A_232 = arith.constant 0 : i32
      %dma_wait3A_233 = arith.constant 0 : i32
      %dma_wait3A_234 = arith.constant 0 : i32
      %dma_wait3A_235 = tpu.memref_slice %arg14[%dma_wait3A_231, %dma_wait3A_233, %dma_wait3A_234] : memref<2x128x32xf32, #tpu.memory_space<vmem>> -> memref<1x128x32xf32, #tpu.memory_space<vmem>>
      %dma_wait3A_236 = tpu.memref_squeeze %dma_wait3A_235 : memref<1x128x32xf32, #tpu.memory_space<vmem>> -> memref<128x32xf32, #tpu.memory_space<vmem>>
      %dma_wait3A_237 = arith.constant 0 : i32
      %dma_wait3A_238 = tpu.memref_slice %arg11[%dma_wait3A_230, %dma_wait3A_237] : memref<160x128xi32, #tpu.memory_space<vmem>> -> memref<1x128xi32, #tpu.memory_space<vmem>>
      %dma_wait3A_239 = tpu.memref_squeeze %dma_wait3A_238 : memref<1x128xi32, #tpu.memory_space<vmem>> -> memref<128xi32, #tpu.memory_space<vmem>>
      %dma_wait3A_240 = arith.constant 0 : i32
      %dma_wait3A_241 = arith.constant 0 : i32
      %dma_wait3A_242 = tpu.memref_slice %arg3[%arg0, %scan3A_30, %dma_wait3A_240, %dma_wait3A_241] : memref<2x8x10240x32xf32, #tpu.memory_space<hbm>> -> memref<1x1x10240x32xf32, #tpu.memory_space<hbm>>
      %dma_wait3A_243 = tpu.memref_squeeze %dma_wait3A_242 : memref<1x1x10240x32xf32, #tpu.memory_space<hbm>> -> memref<10240x32xf32, #tpu.memory_space<hbm>>
      %dma_wait3A_244 = arith.constant 0 : i32
      %dma_wait3A_245 = arith.constant 0 : i32
      %dma_wait3A_246 = tpu.memref_slice %dma_wait3A_243[%dma_wait3A_244, %dma_wait3A_245] : memref<10240x32xf32, #tpu.memory_space<hbm>> -> memref<10240x32xf32, #tpu.memory_space<hbm>>
      %dma_wait3A_247 = tpu.memref_slice %arg20[%dma_wait3A_232] : memref<2x!tpu.dma_semaphore, #tpu.memory_space<semaphore_mem>> -> memref<1x!tpu.dma_semaphore, #tpu.memory_space<semaphore_mem>>
      %dma_wait3A_248 = tpu.memref_squeeze %dma_wait3A_247 : memref<1x!tpu.dma_semaphore, #tpu.memory_space<semaphore_mem>> -> memref<!tpu.dma_semaphore, #tpu.memory_space<semaphore_mem>>
      tpu.wait_indirect_dma semaphore(%dma_wait3A_248 : memref<!tpu.dma_semaphore, #tpu.memory_space<semaphore_mem>>) src(%dma_wait3A_246 : memref<10240x32xf32, #tpu.memory_space<hbm>>) dst(%dma_wait3A_236 : memref<128x32xf32, #tpu.memory_space<vmem>>)
      %dma_wait3A_249 = arith.constant 1 : i32
      %dma_wait3A_250 = arith.constant 0 : i32
      %dma_wait3A_251 = arith.constant 1 : i32
      %dma_wait3A_252 = arith.constant 0 : i32
      %dma_wait3A_253 = arith.constant 0 : i32
      %dma_wait3A_254 = tpu.memref_slice %arg15[%dma_wait3A_249, %dma_wait3A_252, %dma_wait3A_253] : memref<2x128x48xf32, #tpu.memory_space<vmem>> -> memref<1x128x48xf32, #tpu.memory_space<vmem>>
      %dma_wait3A_255 = tpu.memref_squeeze %dma_wait3A_254 : memref<1x128x48xf32, #tpu.memory_space<vmem>> -> memref<128x48xf32, #tpu.memory_space<vmem>>
      %dma_wait3A_256 = arith.constant 0 : i32
      %dma_wait3A_257 = tpu.memref_slice %arg11[%dma_wait3A_250, %dma_wait3A_256] : memref<160x128xi32, #tpu.memory_space<vmem>> -> memref<1x128xi32, #tpu.memory_space<vmem>>
      %dma_wait3A_258 = tpu.memref_squeeze %dma_wait3A_257 : memref<1x128xi32, #tpu.memory_space<vmem>> -> memref<128xi32, #tpu.memory_space<vmem>>
      %dma_wait3A_259 = arith.constant 0 : i32
      %dma_wait3A_260 = arith.constant 0 : i32
      %dma_wait3A_261 = tpu.memref_slice %arg9[%dma_wait3A_259, %dma_wait3A_260] : memref<10240x48xf32, #tpu.memory_space<vmem_shared>> -> memref<10240x48xf32, #tpu.memory_space<vmem_shared>>
      %dma_wait3A_262 = tpu.memref_slice %arg21[%dma_wait3A_251] : memref<2x!tpu.dma_semaphore, #tpu.memory_space<semaphore_mem>> -> memref<1x!tpu.dma_semaphore, #tpu.memory_space<semaphore_mem>>
      %dma_wait3A_263 = tpu.memref_squeeze %dma_wait3A_262 : memref<1x!tpu.dma_semaphore, #tpu.memory_space<semaphore_mem>> -> memref<!tpu.dma_semaphore, #tpu.memory_space<semaphore_mem>>
      tpu.wait_indirect_dma semaphore(%dma_wait3A_263 : memref<!tpu.dma_semaphore, #tpu.memory_space<semaphore_mem>>) src(%dma_wait3A_255 : memref<128x48xf32, #tpu.memory_space<vmem>>) dst(%dma_wait3A_261 : memref<10240x48xf32, #tpu.memory_space<vmem_shared>>)
      %dma_wait3A_264 = arith.constant 1 : i32
      %dma_wait3A_265 = arith.constant 1 : i32
      %dma_wait3A_266 = arith.constant 0 : i32
      %dma_wait3A_267 = arith.constant 0 : i32
      %dma_wait3A_268 = tpu.memref_slice %arg12[%dma_wait3A_264, %dma_wait3A_266, %dma_wait3A_267] : memref<2x32x128xf32, #tpu.memory_space<vmem>> -> memref<1x32x128xf32, #tpu.memory_space<vmem>>
      %dma_wait3A_269 = tpu.memref_squeeze %dma_wait3A_268 : memref<1x32x128xf32, #tpu.memory_space<vmem>> -> memref<32x128xf32, #tpu.memory_space<vmem>>
      %dma_wait3A_270 = arith.constant 0 : i32
      %dma_wait3A_271 = arith.constant 0 : i32
      %dma_wait3A_272 = tpu.memref_slice %arg4[%arg0, %scan3A_30, %dma_wait3A_270, %dma_wait3A_271] : memref<2x8x80000x128xf32, #tpu.memory_space<hbm>> -> memref<1x1x32x128xf32, #tpu.memory_space<hbm>>
      %dma_wait3A_273 = tpu.memref_squeeze %dma_wait3A_272 : memref<1x1x32x128xf32, #tpu.memory_space<hbm>> -> memref<32x128xf32, #tpu.memory_space<hbm>>
      %dma_wait3A_274 = tpu.memref_slice %arg18[%dma_wait3A_265] : memref<2x!tpu.dma_semaphore, #tpu.memory_space<semaphore_mem>> -> memref<1x!tpu.dma_semaphore, #tpu.memory_space<semaphore_mem>>
      %dma_wait3A_275 = tpu.memref_squeeze %dma_wait3A_274 : memref<1x!tpu.dma_semaphore, #tpu.memory_space<semaphore_mem>> -> memref<!tpu.dma_semaphore, #tpu.memory_space<semaphore_mem>>
      %dma_wait3A_276 = arith.constant 0 : i32
      %dma_wait3A_277 = arith.constant 0 : i32
      %dma_wait3A_278 = tpu.memref_slice %arg12[%dma_wait3A_264, %dma_wait3A_276, %dma_wait3A_277] : memref<2x32x128xf32, #tpu.memory_space<vmem>> -> memref<1x32x128xf32, #tpu.memory_space<vmem>>
      %dma_wait3A_279 = tpu.memref_squeeze %dma_wait3A_278 : memref<1x32x128xf32, #tpu.memory_space<vmem>> -> memref<32x128xf32, #tpu.memory_space<vmem>>
      %dma_wait3A_280 = arith.constant 0 : i32
      %dma_wait3A_281 = arith.constant 0 : i32
      %dma_wait3A_282 = tpu.memref_slice %arg4[%arg0, %scan3A_30, %dma_wait3A_280, %dma_wait3A_281] : memref<2x8x80000x128xf32, #tpu.memory_space<hbm>> -> memref<1x1x32x128xf32, #tpu.memory_space<hbm>>
      %dma_wait3A_283 = tpu.memref_squeeze %dma_wait3A_282 : memref<1x1x32x128xf32, #tpu.memory_space<hbm>> -> memref<32x128xf32, #tpu.memory_space<hbm>>
      tpu.wait_dma2 semaphore(%dma_wait3A_275 : memref<!tpu.dma_semaphore, #tpu.memory_space<semaphore_mem>>) src(%dma_wait3A_283 : memref<32x128xf32, #tpu.memory_space<hbm>>) dst(%dma_wait3A_279 : memref<32x128xf32, #tpu.memory_space<vmem>>)
      %dma_wait3A_284 = arith.constant 0 : i32
      %dma_wait3A_285 = arith.constant 1 : i32
      %dma_wait3A_286 = arith.constant 1 : i32
      %dma_wait3A_287 = arith.constant 0 : i32
      %dma_wait3A_288 = arith.constant 0 : i32
      %dma_wait3A_289 = tpu.memref_slice %arg13[%dma_wait3A_285, %dma_wait3A_287, %dma_wait3A_288] : memref<2x128x32xf32, #tpu.memory_space<vmem>> -> memref<1x128x32xf32, #tpu.memory_space<vmem>>
      %dma_wait3A_290 = tpu.memref_squeeze %dma_wait3A_289 : memref<1x128x32xf32, #tpu.memory_space<vmem>> -> memref<128x32xf32, #tpu.memory_space<vmem>>
      %dma_wait3A_291 = arith.constant 0 : i32
      %dma_wait3A_292 = tpu.memref_slice %arg10[%dma_wait3A_284, %dma_wait3A_291] : memref<160x128xi32, #tpu.memory_space<vmem>> -> memref<1x128xi32, #tpu.memory_space<vmem>>
      %dma_wait3A_293 = tpu.memref_squeeze %dma_wait3A_292 : memref<1x128xi32, #tpu.memory_space<vmem>> -> memref<128xi32, #tpu.memory_space<vmem>>
      %dma_wait3A_294 = arith.constant 0 : i32
      %dma_wait3A_295 = arith.constant 0 : i32
      %dma_wait3A_296 = tpu.memref_slice %arg2[%arg0, %scan3A_30, %dma_wait3A_294, %dma_wait3A_295] : memref<2x8x10240x32xf32, #tpu.memory_space<hbm>> -> memref<1x1x10240x32xf32, #tpu.memory_space<hbm>>
      %dma_wait3A_297 = tpu.memref_squeeze %dma_wait3A_296 : memref<1x1x10240x32xf32, #tpu.memory_space<hbm>> -> memref<10240x32xf32, #tpu.memory_space<hbm>>
      %dma_wait3A_298 = arith.constant 0 : i32
      %dma_wait3A_299 = arith.constant 0 : i32
      %dma_wait3A_300 = tpu.memref_slice %dma_wait3A_297[%dma_wait3A_298, %dma_wait3A_299] : memref<10240x32xf32, #tpu.memory_space<hbm>> -> memref<10240x32xf32, #tpu.memory_space<hbm>>
      %dma_wait3A_301 = tpu.memref_slice %arg19[%dma_wait3A_286] : memref<2x!tpu.dma_semaphore, #tpu.memory_space<semaphore_mem>> -> memref<1x!tpu.dma_semaphore, #tpu.memory_space<semaphore_mem>>
      %dma_wait3A_302 = tpu.memref_squeeze %dma_wait3A_301 : memref<1x!tpu.dma_semaphore, #tpu.memory_space<semaphore_mem>> -> memref<!tpu.dma_semaphore, #tpu.memory_space<semaphore_mem>>
      tpu.wait_indirect_dma semaphore(%dma_wait3A_302 : memref<!tpu.dma_semaphore, #tpu.memory_space<semaphore_mem>>) src(%dma_wait3A_300 : memref<10240x32xf32, #tpu.memory_space<hbm>>) dst(%dma_wait3A_290 : memref<128x32xf32, #tpu.memory_space<vmem>>)
      %dma_wait3A_303 = arith.constant 0 : i32
      %dma_wait3A_304 = arith.constant 1 : i32
      %dma_wait3A_305 = arith.constant 1 : i32
      %dma_wait3A_306 = arith.constant 0 : i32
      %dma_wait3A_307 = arith.constant 0 : i32
      %dma_wait3A_308 = tpu.memref_slice %arg14[%dma_wait3A_304, %dma_wait3A_306, %dma_wait3A_307] : memref<2x128x32xf32, #tpu.memory_space<vmem>> -> memref<1x128x32xf32, #tpu.memory_space<vmem>>
      %dma_wait3A_309 = tpu.memref_squeeze %dma_wait3A_308 : memref<1x128x32xf32, #tpu.memory_space<vmem>> -> memref<128x32xf32, #tpu.memory_space<vmem>>
      %dma_wait3A_310 = arith.constant 0 : i32
      %dma_wait3A_311 = tpu.memref_slice %arg11[%dma_wait3A_303, %dma_wait3A_310] : memref<160x128xi32, #tpu.memory_space<vmem>> -> memref<1x128xi32, #tpu.memory_space<vmem>>
      %dma_wait3A_312 = tpu.memref_squeeze %dma_wait3A_311 : memref<1x128xi32, #tpu.memory_space<vmem>> -> memref<128xi32, #tpu.memory_space<vmem>>
      %dma_wait3A_313 = arith.constant 0 : i32
      %dma_wait3A_314 = arith.constant 0 : i32
      %dma_wait3A_315 = tpu.memref_slice %arg3[%arg0, %scan3A_30, %dma_wait3A_313, %dma_wait3A_314] : memref<2x8x10240x32xf32, #tpu.memory_space<hbm>> -> memref<1x1x10240x32xf32, #tpu.memory_space<hbm>>
      %dma_wait3A_316 = tpu.memref_squeeze %dma_wait3A_315 : memref<1x1x10240x32xf32, #tpu.memory_space<hbm>> -> memref<10240x32xf32, #tpu.memory_space<hbm>>
      %dma_wait3A_317 = arith.constant 0 : i32
      %dma_wait3A_318 = arith.constant 0 : i32
      %dma_wait3A_319 = tpu.memref_slice %dma_wait3A_316[%dma_wait3A_317, %dma_wait3A_318] : memref<10240x32xf32, #tpu.memory_space<hbm>> -> memref<10240x32xf32, #tpu.memory_space<hbm>>
      %dma_wait3A_320 = tpu.memref_slice %arg20[%dma_wait3A_305] : memref<2x!tpu.dma_semaphore, #tpu.memory_space<semaphore_mem>> -> memref<1x!tpu.dma_semaphore, #tpu.memory_space<semaphore_mem>>
      %dma_wait3A_321 = tpu.memref_squeeze %dma_wait3A_320 : memref<1x!tpu.dma_semaphore, #tpu.memory_space<semaphore_mem>> -> memref<!tpu.dma_semaphore, #tpu.memory_space<semaphore_mem>>
      tpu.wait_indirect_dma semaphore(%dma_wait3A_321 : memref<!tpu.dma_semaphore, #tpu.memory_space<semaphore_mem>>) src(%dma_wait3A_319 : memref<10240x32xf32, #tpu.memory_space<hbm>>) dst(%dma_wait3A_309 : memref<128x32xf32, #tpu.memory_space<vmem>>)
      %barrier3A_322 = arith.constant 0 : index
      tpu.barrier barrier_id(%barrier3A_322)
      "tpu.region"() ({
        %run_scoped3A = tpu.sem_alloc : memref<!tpu.dma_semaphore, #tpu.memory_space<semaphore_mem>>
        %dma_start3A_324 = arith.constant 0 : i32
        %dma_start3A_325 = tpu.memref_slice %arg8[%arg0, %scan3A_30, %multiple_of3A, %dma_start3A_324] : memref<2x8x10240x48xf32, #tpu.memory_space<hbm>> -> memref<1x1x640x48xf32, #tpu.memory_space<hbm>>
        %dma_start3A_326 = tpu.memref_squeeze %dma_start3A_325 : memref<1x1x640x48xf32, #tpu.memory_space<hbm>> -> memref<640x48xf32, #tpu.memory_space<hbm>>
        %dma_start3A_327 = arith.constant 0 : i32
        %dma_start3A_328 = tpu.memref_slice %arg9[%multiple_of3A, %dma_start3A_327] : memref<10240x48xf32, #tpu.memory_space<vmem_shared>> -> memref<640x48xf32, #tpu.memory_space<vmem_shared>>
        tpu.enqueue_dma source(%dma_start3A_328 : memref<640x48xf32, #tpu.memory_space<vmem_shared>>) target(%dma_start3A_326 : memref<640x48xf32, #tpu.memory_space<hbm>>) target_semaphore(%run_scoped3A : memref<!tpu.dma_semaphore, #tpu.memory_space<semaphore_mem>>)
        %dma_wait3A_329 = arith.constant 0 : i32
        %dma_wait3A_330 = tpu.memref_slice %arg8[%arg0, %scan3A_30, %multiple_of3A, %dma_wait3A_329] : memref<2x8x10240x48xf32, #tpu.memory_space<hbm>> -> memref<1x1x640x48xf32, #tpu.memory_space<hbm>>
        %dma_wait3A_331 = tpu.memref_squeeze %dma_wait3A_330 : memref<1x1x640x48xf32, #tpu.memory_space<hbm>> -> memref<640x48xf32, #tpu.memory_space<hbm>>
        %dma_wait3A_332 = arith.constant 0 : i32
        %dma_wait3A_333 = tpu.memref_slice %arg9[%multiple_of3A, %dma_wait3A_332] : memref<10240x48xf32, #tpu.memory_space<vmem_shared>> -> memref<640x48xf32, #tpu.memory_space<vmem_shared>>
        tpu.wait_dma2 semaphore(%run_scoped3A : memref<!tpu.dma_semaphore, #tpu.memory_space<semaphore_mem>>) src(%dma_wait3A_333 : memref<640x48xf32, #tpu.memory_space<vmem_shared>>) dst(%dma_wait3A_331 : memref<640x48xf32, #tpu.memory_space<hbm>>)
        tpu.yield
      }) : () -> ()
      %scan3A_323 = arith.constant 0 : i32
      scf.yield %scan3A_323 : i32
    }
    %scan3A_29 = arith.constant 8 : i32
    return
  }
}

module attributes {stable_mosaic.version = 14 : i64} {
  func.func @_tables_body(%arg0: i32, %arg1: i32, %arg2: memref<1x2048x128xf32, #tpu.memory_space<vmem>>, %arg3: memref<128x64xf32, #tpu.memory_space<vmem>>, %arg4: memref<128x64xf32, #tpu.memory_space<vmem>>, %arg5: memref<2x1x2048x32xf32, #tpu.memory_space<vmem>>, %arg6: memref<2x1x2048x32xf32, #tpu.memory_space<vmem>>) attributes {dimension_semantics = [#tpu.dimension_semantics<arbitrary>, #tpu.dimension_semantics<arbitrary>], iteration_bounds = array<i64: 8, 5>, scalar_prefetch = 0 : i64, scratch_operands = 0 : i64, tpu.core_type = #tpu.core_type<tc>, window_params = [{transform_indices = @transform_0, window_bounds = array<i64: 1, 2048, 128>}, {pipeline_mode = #tpu.pipeline_mode<synchronous>, transform_indices = @transform_1, window_bounds = array<i64: 128, 64>}, {pipeline_mode = #tpu.pipeline_mode<synchronous>, transform_indices = @transform_2, window_bounds = array<i64: 128, 64>}, {transform_indices = @transform_3, window_bounds = array<i64: 2, 1, 2048, 32>}, {transform_indices = @transform_4, window_bounds = array<i64: 2, 1, 2048, 32>}]} {
    %get3A = arith.constant 0 : index
    %get3A_0 = arith.constant 0 : index
    %get3A_1 = arith.constant 0 : index
    %get3A_2 = vector.load %arg2[%get3A, %get3A_0, %get3A_1] : memref<1x2048x128xf32, #tpu.memory_space<vmem>>, vector<1x2048x128xf32>
    %get3A_3 = vector.shape_cast %get3A_2 : vector<1x2048x128xf32> to vector<2048x128xf32>
    %get3A_4 = arith.constant 0 : index
    %get3A_5 = arith.constant 0 : index
    %get3A_6 = vector.load %arg3[%get3A_4, %get3A_5] : memref<128x64xf32, #tpu.memory_space<vmem>>, vector<128x64xf32>
    %dot_general3A = arith.constant dense<0.000000e+00> : vector<2048x64xf32>
    %dot_general3A_7 = tpu.matmul %get3A_3, %get3A_6, %dot_general3A {dimension_numbers = #tpu.dot_dimension_numbers<[1], [0], [0], [1], [0, 0, 1, 1], [], []>, transpose_lhs_hint = false} : vector<2048x128xf32>, vector<128x64xf32>, vector<2048x64xf32> -> vector<2048x64xf32>
    %get3A_8 = arith.constant 0 : index
    %get3A_9 = arith.constant 0 : index
    %get3A_10 = vector.load %arg4[%get3A_8, %get3A_9] : memref<128x64xf32, #tpu.memory_space<vmem>>, vector<128x64xf32>
    %dot_general3A_11 = arith.constant dense<0.000000e+00> : vector<2048x64xf32>
    %dot_general3A_12 = tpu.matmul %get3A_3, %get3A_10, %dot_general3A_11 {dimension_numbers = #tpu.dot_dimension_numbers<[1], [0], [0], [1], [0, 0, 1, 1], [], []>, transpose_lhs_hint = false} : vector<2048x128xf32>, vector<128x64xf32>, vector<2048x64xf32> -> vector<2048x64xf32>
    %slice3A = vector.extract_strided_slice %dot_general3A_7 {offsets = [0, 0], sizes = [2048, 32], strides = [1, 1]} : vector<2048x64xf32> to vector<2048x32xf32>
    %swap3A = arith.constant 0 : index
    %swap3A_13 = arith.constant 0 : index
    %swap3A_14 = arith.constant 0 : index
    %swap3A_15 = arith.constant 0 : index
    %swap3A_16 = vector.load %arg5[%swap3A, %swap3A_13, %swap3A_14, %swap3A_15] : memref<2x1x2048x32xf32, #tpu.memory_space<vmem>>, vector<1x1x2048x32xf32>
    %swap3A_17 = vector.shape_cast %swap3A_16 : vector<1x1x2048x32xf32> to vector<2048x32xf32>
    %swap3A_18 = vector.shape_cast %slice3A : vector<2048x32xf32> to vector<1x1x2048x32xf32>
    tpu.vector_store %arg5[%swap3A, %swap3A_13, %swap3A_14, %swap3A_15], %swap3A_18 {strides = array<i32>} : memref<2x1x2048x32xf32, #tpu.memory_space<vmem>>, vector<1x1x2048x32xf32>,
    %slice3A_19 = vector.extract_strided_slice %dot_general3A_7 {offsets = [0, 32], sizes = [2048, 32], strides = [1, 1]} : vector<2048x64xf32> to vector<2048x32xf32>
    %swap3A_20 = arith.constant 1 : index
    %swap3A_21 = arith.constant 0 : index
    %swap3A_22 = arith.constant 0 : index
    %swap3A_23 = arith.constant 0 : index
    %swap3A_24 = vector.load %arg5[%swap3A_20, %swap3A_21, %swap3A_22, %swap3A_23] : memref<2x1x2048x32xf32, #tpu.memory_space<vmem>>, vector<1x1x2048x32xf32>
    %swap3A_25 = vector.shape_cast %swap3A_24 : vector<1x1x2048x32xf32> to vector<2048x32xf32>
    %swap3A_26 = vector.shape_cast %slice3A_19 : vector<2048x32xf32> to vector<1x1x2048x32xf32>
    tpu.vector_store %arg5[%swap3A_20, %swap3A_21, %swap3A_22, %swap3A_23], %swap3A_26 {strides = array<i32>} : memref<2x1x2048x32xf32, #tpu.memory_space<vmem>>, vector<1x1x2048x32xf32>,
    %slice3A_27 = vector.extract_strided_slice %dot_general3A_12 {offsets = [0, 0], sizes = [2048, 32], strides = [1, 1]} : vector<2048x64xf32> to vector<2048x32xf32>
    %swap3A_28 = arith.constant 0 : index
    %swap3A_29 = arith.constant 0 : index
    %swap3A_30 = arith.constant 0 : index
    %swap3A_31 = arith.constant 0 : index
    %swap3A_32 = vector.load %arg6[%swap3A_28, %swap3A_29, %swap3A_30, %swap3A_31] : memref<2x1x2048x32xf32, #tpu.memory_space<vmem>>, vector<1x1x2048x32xf32>
    %swap3A_33 = vector.shape_cast %swap3A_32 : vector<1x1x2048x32xf32> to vector<2048x32xf32>
    %swap3A_34 = vector.shape_cast %slice3A_27 : vector<2048x32xf32> to vector<1x1x2048x32xf32>
    tpu.vector_store %arg6[%swap3A_28, %swap3A_29, %swap3A_30, %swap3A_31], %swap3A_34 {strides = array<i32>} : memref<2x1x2048x32xf32, #tpu.memory_space<vmem>>, vector<1x1x2048x32xf32>,
    %slice3A_35 = vector.extract_strided_slice %dot_general3A_12 {offsets = [0, 32], sizes = [2048, 32], strides = [1, 1]} : vector<2048x64xf32> to vector<2048x32xf32>
    %swap3A_36 = arith.constant 1 : index
    %swap3A_37 = arith.constant 0 : index
    %swap3A_38 = arith.constant 0 : index
    %swap3A_39 = arith.constant 0 : index
    %swap3A_40 = vector.load %arg6[%swap3A_36, %swap3A_37, %swap3A_38, %swap3A_39] : memref<2x1x2048x32xf32, #tpu.memory_space<vmem>>, vector<1x1x2048x32xf32>
    %swap3A_41 = vector.shape_cast %swap3A_40 : vector<1x1x2048x32xf32> to vector<2048x32xf32>
    %swap3A_42 = vector.shape_cast %slice3A_35 : vector<2048x32xf32> to vector<1x1x2048x32xf32>
    tpu.vector_store %arg6[%swap3A_36, %swap3A_37, %swap3A_38, %swap3A_39], %swap3A_42 {strides = array<i32>} : memref<2x1x2048x32xf32, #tpu.memory_space<vmem>>, vector<1x1x2048x32xf32>,
    return
  }
  func.func @transform_0(%arg0: i32, %arg1: i32) -> (i32, i32, i32) {
    %c0_i32 = arith.constant 0 : i32
    %c0_i32_0 = arith.constant 0 : i32
    return %arg0, %arg1, %c0_i32 : i32, i32, i32
  }
  func.func @transform_1(%arg0: i32, %arg1: i32) -> (i32, i32) {
    %c0_i32 = arith.constant 0 : i32
    %c0_i32_0 = arith.constant 0 : i32
    %c0_i32_1 = arith.constant 0 : i32
    return %c0_i32, %c0_i32_0 : i32, i32
  }
  func.func @transform_2(%arg0: i32, %arg1: i32) -> (i32, i32) {
    %c0_i32 = arith.constant 0 : i32
    %c0_i32_0 = arith.constant 0 : i32
    %c0_i32_1 = arith.constant 0 : i32
    return %c0_i32, %c0_i32_0 : i32, i32
  }
  func.func @transform_3(%arg0: i32, %arg1: i32) -> (i32, i32, i32, i32) {
    %c0_i32 = arith.constant 0 : i32
    %c0_i32_0 = arith.constant 0 : i32
    %c0_i32_1 = arith.constant 0 : i32
    return %c0_i32, %arg0, %arg1, %c0_i32_0 : i32, i32, i32, i32
  }
  func.func @transform_4(%arg0: i32, %arg1: i32) -> (i32, i32, i32, i32) {
    %c0_i32 = arith.constant 0 : i32
    %c0_i32_0 = arith.constant 0 : i32
    %c0_i32_1 = arith.constant 0 : i32
    return %c0_i32, %arg0, %arg1, %c0_i32_0 : i32, i32, i32, i32
  }
}

module attributes {stable_mosaic.version = 14 : i64} {
  func.func @_ep_body(%arg0: i32, %arg1: i32, %arg2: memref<1x4000x64xf32, #tpu.memory_space<vmem>>, %arg3: memref<64x256xf32, #tpu.memory_space<vmem>>, %arg4: memref<64x256xf32, #tpu.memory_space<vmem>>, %arg5: memref<2x1x4000x128xf32, #tpu.memory_space<vmem>>, %arg6: memref<2x1x4000x128xf32, #tpu.memory_space<vmem>>) attributes {dimension_semantics = [#tpu.dimension_semantics<arbitrary>, #tpu.dimension_semantics<arbitrary>], iteration_bounds = array<i64: 8, 20>, scalar_prefetch = 0 : i64, scratch_operands = 0 : i64, tpu.core_type = #tpu.core_type<tc>, window_params = [{transform_indices = @transform_0, window_bounds = array<i64: 1, 4000, 64>}, {pipeline_mode = #tpu.pipeline_mode<synchronous>, transform_indices = @transform_1, window_bounds = array<i64: 64, 256>}, {pipeline_mode = #tpu.pipeline_mode<synchronous>, transform_indices = @transform_2, window_bounds = array<i64: 64, 256>}, {transform_indices = @transform_3, window_bounds = array<i64: 2, 1, 4000, 128>}, {transform_indices = @transform_4, window_bounds = array<i64: 2, 1, 4000, 128>}]} {
    %get3A = arith.constant 0 : index
    %get3A_0 = arith.constant 0 : index
    %get3A_1 = arith.constant 0 : index
    %get3A_2 = vector.load %arg2[%get3A, %get3A_0, %get3A_1] : memref<1x4000x64xf32, #tpu.memory_space<vmem>>, vector<1x4000x64xf32>
    %get3A_3 = vector.shape_cast %get3A_2 : vector<1x4000x64xf32> to vector<4000x64xf32>
    %get3A_4 = arith.constant 0 : index
    %get3A_5 = arith.constant 0 : index
    %get3A_6 = vector.load %arg3[%get3A_4, %get3A_5] : memref<64x256xf32, #tpu.memory_space<vmem>>, vector<64x256xf32>
    %dot_general3A = arith.constant dense<0.000000e+00> : vector<4000x256xf32>
    %dot_general3A_7 = tpu.matmul %get3A_3, %get3A_6, %dot_general3A {dimension_numbers = #tpu.dot_dimension_numbers<[1], [0], [0], [1], [0, 0, 1, 1], [], []>, transpose_lhs_hint = false} : vector<4000x64xf32>, vector<64x256xf32>, vector<4000x256xf32> -> vector<4000x256xf32>
    %get3A_8 = arith.constant 0 : index
    %get3A_9 = arith.constant 0 : index
    %get3A_10 = vector.load %arg4[%get3A_8, %get3A_9] : memref<64x256xf32, #tpu.memory_space<vmem>>, vector<64x256xf32>
    %dot_general3A_11 = arith.constant dense<0.000000e+00> : vector<4000x256xf32>
    %dot_general3A_12 = tpu.matmul %get3A_3, %get3A_10, %dot_general3A_11 {dimension_numbers = #tpu.dot_dimension_numbers<[1], [0], [0], [1], [0, 0, 1, 1], [], []>, transpose_lhs_hint = false} : vector<4000x64xf32>, vector<64x256xf32>, vector<4000x256xf32> -> vector<4000x256xf32>
    %slice3A = vector.extract_strided_slice %dot_general3A_7 {offsets = [0, 0], sizes = [4000, 128], strides = [1, 1]} : vector<4000x256xf32> to vector<4000x128xf32>
    %swap3A = arith.constant 0 : index
    %swap3A_13 = arith.constant 0 : index
    %swap3A_14 = arith.constant 0 : index
    %swap3A_15 = arith.constant 0 : index
    %swap3A_16 = vector.load %arg5[%swap3A, %swap3A_13, %swap3A_14, %swap3A_15] : memref<2x1x4000x128xf32, #tpu.memory_space<vmem>>, vector<1x1x4000x128xf32>
    %swap3A_17 = vector.shape_cast %swap3A_16 : vector<1x1x4000x128xf32> to vector<4000x128xf32>
    %swap3A_18 = vector.shape_cast %slice3A : vector<4000x128xf32> to vector<1x1x4000x128xf32>
    tpu.vector_store %arg5[%swap3A, %swap3A_13, %swap3A_14, %swap3A_15], %swap3A_18 {strides = array<i32>} : memref<2x1x4000x128xf32, #tpu.memory_space<vmem>>, vector<1x1x4000x128xf32>,
    %slice3A_19 = vector.extract_strided_slice %dot_general3A_7 {offsets = [0, 128], sizes = [4000, 128], strides = [1, 1]} : vector<4000x256xf32> to vector<4000x128xf32>
    %swap3A_20 = arith.constant 1 : index
    %swap3A_21 = arith.constant 0 : index
    %swap3A_22 = arith.constant 0 : index
    %swap3A_23 = arith.constant 0 : index
    %swap3A_24 = vector.load %arg5[%swap3A_20, %swap3A_21, %swap3A_22, %swap3A_23] : memref<2x1x4000x128xf32, #tpu.memory_space<vmem>>, vector<1x1x4000x128xf32>
    %swap3A_25 = vector.shape_cast %swap3A_24 : vector<1x1x4000x128xf32> to vector<4000x128xf32>
    %swap3A_26 = vector.shape_cast %slice3A_19 : vector<4000x128xf32> to vector<1x1x4000x128xf32>
    tpu.vector_store %arg5[%swap3A_20, %swap3A_21, %swap3A_22, %swap3A_23], %swap3A_26 {strides = array<i32>} : memref<2x1x4000x128xf32, #tpu.memory_space<vmem>>, vector<1x1x4000x128xf32>,
    %slice3A_27 = vector.extract_strided_slice %dot_general3A_12 {offsets = [0, 0], sizes = [4000, 128], strides = [1, 1]} : vector<4000x256xf32> to vector<4000x128xf32>
    %swap3A_28 = arith.constant 0 : index
    %swap3A_29 = arith.constant 0 : index
    %swap3A_30 = arith.constant 0 : index
    %swap3A_31 = arith.constant 0 : index
    %swap3A_32 = vector.load %arg6[%swap3A_28, %swap3A_29, %swap3A_30, %swap3A_31] : memref<2x1x4000x128xf32, #tpu.memory_space<vmem>>, vector<1x1x4000x128xf32>
    %swap3A_33 = vector.shape_cast %swap3A_32 : vector<1x1x4000x128xf32> to vector<4000x128xf32>
    %swap3A_34 = vector.shape_cast %slice3A_27 : vector<4000x128xf32> to vector<1x1x4000x128xf32>
    tpu.vector_store %arg6[%swap3A_28, %swap3A_29, %swap3A_30, %swap3A_31], %swap3A_34 {strides = array<i32>} : memref<2x1x4000x128xf32, #tpu.memory_space<vmem>>, vector<1x1x4000x128xf32>,
    %slice3A_35 = vector.extract_strided_slice %dot_general3A_12 {offsets = [0, 128], sizes = [4000, 128], strides = [1, 1]} : vector<4000x256xf32> to vector<4000x128xf32>
    %swap3A_36 = arith.constant 1 : index
    %swap3A_37 = arith.constant 0 : index
    %swap3A_38 = arith.constant 0 : index
    %swap3A_39 = arith.constant 0 : index
    %swap3A_40 = vector.load %arg6[%swap3A_36, %swap3A_37, %swap3A_38, %swap3A_39] : memref<2x1x4000x128xf32, #tpu.memory_space<vmem>>, vector<1x1x4000x128xf32>
    %swap3A_41 = vector.shape_cast %swap3A_40 : vector<1x1x4000x128xf32> to vector<4000x128xf32>
    %swap3A_42 = vector.shape_cast %slice3A_35 : vector<4000x128xf32> to vector<1x1x4000x128xf32>
    tpu.vector_store %arg6[%swap3A_36, %swap3A_37, %swap3A_38, %swap3A_39], %swap3A_42 {strides = array<i32>} : memref<2x1x4000x128xf32, #tpu.memory_space<vmem>>, vector<1x1x4000x128xf32>,
    return
  }
  func.func @transform_0(%arg0: i32, %arg1: i32) -> (i32, i32, i32) {
    %c0_i32 = arith.constant 0 : i32
    %c0_i32_0 = arith.constant 0 : i32
    return %arg0, %arg1, %c0_i32 : i32, i32, i32
  }
  func.func @transform_1(%arg0: i32, %arg1: i32) -> (i32, i32) {
    %c0_i32 = arith.constant 0 : i32
    %c0_i32_0 = arith.constant 0 : i32
    %c0_i32_1 = arith.constant 0 : i32
    return %c0_i32, %c0_i32_0 : i32, i32
  }
  func.func @transform_2(%arg0: i32, %arg1: i32) -> (i32, i32) {
    %c0_i32 = arith.constant 0 : i32
    %c0_i32_0 = arith.constant 0 : i32
    %c0_i32_1 = arith.constant 0 : i32
    return %c0_i32, %c0_i32_0 : i32, i32
  }
  func.func @transform_3(%arg0: i32, %arg1: i32) -> (i32, i32, i32, i32) {
    %c0_i32 = arith.constant 0 : i32
    %c0_i32_0 = arith.constant 0 : i32
    %c0_i32_1 = arith.constant 0 : i32
    return %c0_i32, %arg0, %arg1, %c0_i32_0 : i32, i32, i32, i32
  }
  func.func @transform_4(%arg0: i32, %arg1: i32) -> (i32, i32, i32, i32) {
    %c0_i32 = arith.constant 0 : i32
    %c0_i32_0 = arith.constant 0 : i32
    %c0_i32_1 = arith.constant 0 : i32
    return %c0_i32, %arg0, %arg1, %c0_i32_0 : i32, i32, i32, i32
  }
}

module attributes {stable_mosaic.version = 14 : i64} {
  func.func @_mid_body(%arg0: i32, %arg1: i32, %arg2: memref<2x1x2048x48xf32, #tpu.memory_space<vmem>>, %arg3: memref<1x64xf32, #tpu.memory_space<vmem>>, %arg4: memref<64x64xf32, #tpu.memory_space<vmem>>, %arg5: memref<64x64xf32, #tpu.memory_space<vmem>>, %arg6: memref<2x1x2048x32xf32, #tpu.memory_space<vmem>>, %arg7: memref<2x1x2048x32xf32, #tpu.memory_space<vmem>>) attributes {dimension_semantics = [#tpu.dimension_semantics<arbitrary>, #tpu.dimension_semantics<arbitrary>], iteration_bounds = array<i64: 8, 5>, scalar_prefetch = 0 : i64, scratch_operands = 0 : i64, tpu.core_type = #tpu.core_type<tc>, window_params = [{transform_indices = @transform_0, window_bounds = array<i64: 2, 1, 2048, 48>}, {pipeline_mode = #tpu.pipeline_mode<synchronous>, transform_indices = @transform_1, window_bounds = array<i64: 1, 64>}, {pipeline_mode = #tpu.pipeline_mode<synchronous>, transform_indices = @transform_2, window_bounds = array<i64: 64, 64>}, {pipeline_mode = #tpu.pipeline_mode<synchronous>, transform_indices = @transform_3, window_bounds = array<i64: 64, 64>}, {transform_indices = @transform_4, window_bounds = array<i64: 2, 1, 2048, 32>}, {transform_indices = @transform_5, window_bounds = array<i64: 2, 1, 2048, 32>}]} {
    %get3A = arith.constant 0 : index
    %get3A_0 = arith.constant 0 : index
    %get3A_1 = arith.constant 0 : index
    %get3A_2 = arith.constant 0 : index
    %get3A_3 = vector.load %arg2[%get3A, %get3A_0, %get3A_1, %get3A_2] : memref<2x1x2048x48xf32, #tpu.memory_space<vmem>>, vector<1x1x2048x48xf32>
    %get3A_4 = vector.shape_cast %get3A_3 : vector<1x1x2048x48xf32> to vector<2048x48xf32>
    %get3A_5 = arith.constant 1 : index
    %get3A_6 = arith.constant 0 : index
    %get3A_7 = arith.constant 0 : index
    %get3A_8 = arith.constant 0 : index
    %get3A_9 = vector.load %arg2[%get3A_5, %get3A_6, %get3A_7, %get3A_8] : memref<2x1x2048x48xf32, #tpu.memory_space<vmem>>, vector<1x1x2048x48xf32>
    %get3A_10 = vector.shape_cast %get3A_9 : vector<1x1x2048x48xf32> to vector<2048x48xf32>
    %slice3A = vector.extract_strided_slice %get3A_4 {offsets = [0, 0], sizes = [2048, 32], strides = [1, 1]} : vector<2048x48xf32> to vector<2048x32xf32>
    %slice3A_11 = vector.extract_strided_slice %get3A_4 {offsets = [0, 32], sizes = [2048, 1], strides = [1, 1]} : vector<2048x48xf32> to vector<2048x1xf32>
    %add3A = arith.constant 1.000000e-16 : f32
    %add3A_12 = vector.broadcast %add3A : f32 to vector<2048x1xf32>
    %add3A_13 = arith.addf %slice3A_11, %add3A_12 : vector<2048x1xf32>
    %div3A = vector.broadcast %add3A_13 : vector<2048x1xf32> to vector<2048x32xf32>
    %div3A_14 = arith.divf %slice3A, %div3A : vector<2048x32xf32>
    %slice3A_15 = vector.extract_strided_slice %get3A_10 {offsets = [0, 0], sizes = [2048, 32], strides = [1, 1]} : vector<2048x48xf32> to vector<2048x32xf32>
    %slice3A_16 = vector.extract_strided_slice %get3A_10 {offsets = [0, 32], sizes = [2048, 1], strides = [1, 1]} : vector<2048x48xf32> to vector<2048x1xf32>
    %add3A_17 = arith.constant 1.000000e-16 : f32
    %add3A_18 = vector.broadcast %add3A_17 : f32 to vector<2048x1xf32>
    %add3A_19 = arith.addf %slice3A_16, %add3A_18 : vector<2048x1xf32>
    %div3A_20 = vector.broadcast %add3A_19 : vector<2048x1xf32> to vector<2048x32xf32>
    %div3A_21 = arith.divf %slice3A_15, %div3A_20 : vector<2048x32xf32>
    %concatenate3A = tpu.concatenate %div3A_14, %div3A_21 in 1 : vector<2048x32xf32>, vector<2048x32xf32> -> vector<2048x64xf32>
    %get3A_22 = arith.constant 0 : index
    %get3A_23 = arith.constant 0 : index
    %get3A_24 = vector.load %arg3[%get3A_22, %get3A_23] : memref<1x64xf32, #tpu.memory_space<vmem>>, vector<1x64xf32>
    %add3A_25 = vector.broadcast %get3A_24 : vector<1x64xf32> to vector<2048x64xf32>
    %add3A_26 = arith.addf %concatenate3A, %add3A_25 : vector<2048x64xf32>
    %gt3A = arith.constant 0.000000e+00 : f32
    %gt3A_27 = vector.broadcast %gt3A : f32 to vector<2048x64xf32>
    %gt3A_28 = arith.cmpf ogt, %add3A_26, %gt3A_27 : vector<2048x64xf32>
    %min3A = arith.constant 0.000000e+00 : f32
    %min3A_29 = vector.broadcast %min3A : f32 to vector<2048x64xf32>
    %min3A_30 = arith.minimumf %add3A_26, %min3A_29 : vector<2048x64xf32>
    %exp3A = math.exp %min3A_30 : vector<2048x64xf32>
    %sub3A = arith.constant 1.000000e+00 : f32
    %sub3A_31 = vector.broadcast %sub3A : f32 to vector<2048x64xf32>
    %sub3A_32 = arith.subf %exp3A, %sub3A_31 : vector<2048x64xf32>
    %select_n3A = arith.select %gt3A_28, %add3A_26, %sub3A_32 : vector<2048x64xi1>, vector<2048x64xf32>
    %get3A_33 = arith.constant 0 : index
    %get3A_34 = arith.constant 0 : index
    %get3A_35 = vector.load %arg4[%get3A_33, %get3A_34] : memref<64x64xf32, #tpu.memory_space<vmem>>, vector<64x64xf32>
    %dot_general3A = arith.constant dense<0.000000e+00> : vector<2048x64xf32>
    %dot_general3A_36 = tpu.matmul %select_n3A, %get3A_35, %dot_general3A {dimension_numbers = #tpu.dot_dimension_numbers<[1], [0], [0], [1], [0, 0, 1, 1], [], []>, transpose_lhs_hint = false} : vector<2048x64xf32>, vector<64x64xf32>, vector<2048x64xf32> -> vector<2048x64xf32>
    %get3A_37 = arith.constant 0 : index
    %get3A_38 = arith.constant 0 : index
    %get3A_39 = vector.load %arg5[%get3A_37, %get3A_38] : memref<64x64xf32, #tpu.memory_space<vmem>>, vector<64x64xf32>
    %dot_general3A_40 = arith.constant dense<0.000000e+00> : vector<2048x64xf32>
    %dot_general3A_41 = tpu.matmul %select_n3A, %get3A_39, %dot_general3A_40 {dimension_numbers = #tpu.dot_dimension_numbers<[1], [0], [0], [1], [0, 0, 1, 1], [], []>, transpose_lhs_hint = false} : vector<2048x64xf32>, vector<64x64xf32>, vector<2048x64xf32> -> vector<2048x64xf32>
    %slice3A_42 = vector.extract_strided_slice %dot_general3A_36 {offsets = [0, 0], sizes = [2048, 32], strides = [1, 1]} : vector<2048x64xf32> to vector<2048x32xf32>
    %swap3A = arith.constant 0 : index
    %swap3A_43 = arith.constant 0 : index
    %swap3A_44 = arith.constant 0 : index
    %swap3A_45 = arith.constant 0 : index
    %swap3A_46 = vector.load %arg6[%swap3A, %swap3A_43, %swap3A_44, %swap3A_45] : memref<2x1x2048x32xf32, #tpu.memory_space<vmem>>, vector<1x1x2048x32xf32>
    %swap3A_47 = vector.shape_cast %swap3A_46 : vector<1x1x2048x32xf32> to vector<2048x32xf32>
    %swap3A_48 = vector.shape_cast %slice3A_42 : vector<2048x32xf32> to vector<1x1x2048x32xf32>
    tpu.vector_store %arg6[%swap3A, %swap3A_43, %swap3A_44, %swap3A_45], %swap3A_48 {strides = array<i32>} : memref<2x1x2048x32xf32, #tpu.memory_space<vmem>>, vector<1x1x2048x32xf32>,
    %slice3A_49 = vector.extract_strided_slice %dot_general3A_36 {offsets = [0, 32], sizes = [2048, 32], strides = [1, 1]} : vector<2048x64xf32> to vector<2048x32xf32>
    %swap3A_50 = arith.constant 1 : index
    %swap3A_51 = arith.constant 0 : index
    %swap3A_52 = arith.constant 0 : index
    %swap3A_53 = arith.constant 0 : index
    %swap3A_54 = vector.load %arg6[%swap3A_50, %swap3A_51, %swap3A_52, %swap3A_53] : memref<2x1x2048x32xf32, #tpu.memory_space<vmem>>, vector<1x1x2048x32xf32>
    %swap3A_55 = vector.shape_cast %swap3A_54 : vector<1x1x2048x32xf32> to vector<2048x32xf32>
    %swap3A_56 = vector.shape_cast %slice3A_49 : vector<2048x32xf32> to vector<1x1x2048x32xf32>
    tpu.vector_store %arg6[%swap3A_50, %swap3A_51, %swap3A_52, %swap3A_53], %swap3A_56 {strides = array<i32>} : memref<2x1x2048x32xf32, #tpu.memory_space<vmem>>, vector<1x1x2048x32xf32>,
    %slice3A_57 = vector.extract_strided_slice %dot_general3A_41 {offsets = [0, 0], sizes = [2048, 32], strides = [1, 1]} : vector<2048x64xf32> to vector<2048x32xf32>
    %swap3A_58 = arith.constant 0 : index
    %swap3A_59 = arith.constant 0 : index
    %swap3A_60 = arith.constant 0 : index
    %swap3A_61 = arith.constant 0 : index
    %swap3A_62 = vector.load %arg7[%swap3A_58, %swap3A_59, %swap3A_60, %swap3A_61] : memref<2x1x2048x32xf32, #tpu.memory_space<vmem>>, vector<1x1x2048x32xf32>
    %swap3A_63 = vector.shape_cast %swap3A_62 : vector<1x1x2048x32xf32> to vector<2048x32xf32>
    %swap3A_64 = vector.shape_cast %slice3A_57 : vector<2048x32xf32> to vector<1x1x2048x32xf32>
    tpu.vector_store %arg7[%swap3A_58, %swap3A_59, %swap3A_60, %swap3A_61], %swap3A_64 {strides = array<i32>} : memref<2x1x2048x32xf32, #tpu.memory_space<vmem>>, vector<1x1x2048x32xf32>,
    %slice3A_65 = vector.extract_strided_slice %dot_general3A_41 {offsets = [0, 32], sizes = [2048, 32], strides = [1, 1]} : vector<2048x64xf32> to vector<2048x32xf32>
    %swap3A_66 = arith.constant 1 : index
    %swap3A_67 = arith.constant 0 : index
    %swap3A_68 = arith.constant 0 : index
    %swap3A_69 = arith.constant 0 : index
    %swap3A_70 = vector.load %arg7[%swap3A_66, %swap3A_67, %swap3A_68, %swap3A_69] : memref<2x1x2048x32xf32, #tpu.memory_space<vmem>>, vector<1x1x2048x32xf32>
    %swap3A_71 = vector.shape_cast %swap3A_70 : vector<1x1x2048x32xf32> to vector<2048x32xf32>
    %swap3A_72 = vector.shape_cast %slice3A_65 : vector<2048x32xf32> to vector<1x1x2048x32xf32>
    tpu.vector_store %arg7[%swap3A_66, %swap3A_67, %swap3A_68, %swap3A_69], %swap3A_72 {strides = array<i32>} : memref<2x1x2048x32xf32, #tpu.memory_space<vmem>>, vector<1x1x2048x32xf32>,
    return
  }
  func.func @transform_0(%arg0: i32, %arg1: i32) -> (i32, i32, i32, i32) {
    %c0_i32 = arith.constant 0 : i32
    %c0_i32_0 = arith.constant 0 : i32
    %c0_i32_1 = arith.constant 0 : i32
    return %c0_i32, %arg0, %arg1, %c0_i32_0 : i32, i32, i32, i32
  }
  func.func @transform_1(%arg0: i32, %arg1: i32) -> (i32, i32) {
    %c0_i32 = arith.constant 0 : i32
    %c0_i32_0 = arith.constant 0 : i32
    %c0_i32_1 = arith.constant 0 : i32
    return %c0_i32, %c0_i32_0 : i32, i32
  }
  func.func @transform_2(%arg0: i32, %arg1: i32) -> (i32, i32) {
    %c0_i32 = arith.constant 0 : i32
    %c0_i32_0 = arith.constant 0 : i32
    %c0_i32_1 = arith.constant 0 : i32
    return %c0_i32, %c0_i32_0 : i32, i32
  }
  func.func @transform_3(%arg0: i32, %arg1: i32) -> (i32, i32) {
    %c0_i32 = arith.constant 0 : i32
    %c0_i32_0 = arith.constant 0 : i32
    %c0_i32_1 = arith.constant 0 : i32
    return %c0_i32, %c0_i32_0 : i32, i32
  }
  func.func @transform_4(%arg0: i32, %arg1: i32) -> (i32, i32, i32, i32) {
    %c0_i32 = arith.constant 0 : i32
    %c0_i32_0 = arith.constant 0 : i32
    %c0_i32_1 = arith.constant 0 : i32
    return %c0_i32, %arg0, %arg1, %c0_i32_0 : i32, i32, i32, i32
  }
  func.func @transform_5(%arg0: i32, %arg1: i32) -> (i32, i32, i32, i32) {
    %c0_i32 = arith.constant 0 : i32
    %c0_i32_0 = arith.constant 0 : i32
    %c0_i32_1 = arith.constant 0 : i32
    return %c0_i32, %arg0, %arg1, %c0_i32_0 : i32, i32, i32, i32
  }
}

module attributes {stable_mosaic.version = 14 : i64} {
  func.func @_embed_body(%arg0: i32, %arg1: i32, %arg2: memref<2x1x2000x48xf32, #tpu.memory_space<vmem>>, %arg3: memref<1x64xf32, #tpu.memory_space<vmem>>, %arg4: memref<1x1x64xf32, #tpu.memory_space<vmem>>) attributes {dimension_semantics = [#tpu.dimension_semantics<arbitrary>, #tpu.dimension_semantics<arbitrary>], iteration_bounds = array<i64: 8, 5>, scalar_prefetch = 0 : i64, scratch_operands = 0 : i64, tpu.core_type = #tpu.core_type<tc>, window_params = [{transform_indices = @transform_0, window_bounds = array<i64: 2, 1, 2000, 48>}, {pipeline_mode = #tpu.pipeline_mode<synchronous>, transform_indices = @transform_1, window_bounds = array<i64: 1, 64>}, {transform_indices = @transform_2, window_bounds = array<i64: 1, 1, 64>}]} {
    %get3A = arith.constant 0 : index
    %get3A_0 = arith.constant 0 : index
    %get3A_1 = arith.constant 0 : index
    %get3A_2 = arith.constant 0 : index
    %get3A_3 = vector.load %arg2[%get3A, %get3A_0, %get3A_1, %get3A_2] : memref<2x1x2000x48xf32, #tpu.memory_space<vmem>>, vector<1x1x2000x48xf32>
    %get3A_4 = vector.shape_cast %get3A_3 : vector<1x1x2000x48xf32> to vector<2000x48xf32>
    %get3A_5 = arith.constant 1 : index
    %get3A_6 = arith.constant 0 : index
    %get3A_7 = arith.constant 0 : index
    %get3A_8 = arith.constant 0 : index
    %get3A_9 = vector.load %arg2[%get3A_5, %get3A_6, %get3A_7, %get3A_8] : memref<2x1x2000x48xf32, #tpu.memory_space<vmem>>, vector<1x1x2000x48xf32>
    %get3A_10 = vector.shape_cast %get3A_9 : vector<1x1x2000x48xf32> to vector<2000x48xf32>
    %slice3A = vector.extract_strided_slice %get3A_4 {offsets = [0, 0], sizes = [2000, 32], strides = [1, 1]} : vector<2000x48xf32> to vector<2000x32xf32>
    %slice3A_11 = vector.extract_strided_slice %get3A_4 {offsets = [0, 32], sizes = [2000, 1], strides = [1, 1]} : vector<2000x48xf32> to vector<2000x1xf32>
    %add3A = arith.constant 1.000000e-16 : f32
    %add3A_12 = vector.broadcast %add3A : f32 to vector<2000x1xf32>
    %add3A_13 = arith.addf %slice3A_11, %add3A_12 : vector<2000x1xf32>
    %div3A = vector.broadcast %add3A_13 : vector<2000x1xf32> to vector<2000x32xf32>
    %div3A_14 = arith.divf %slice3A, %div3A : vector<2000x32xf32>
    %slice3A_15 = vector.extract_strided_slice %get3A_10 {offsets = [0, 0], sizes = [2000, 32], strides = [1, 1]} : vector<2000x48xf32> to vector<2000x32xf32>
    %slice3A_16 = vector.extract_strided_slice %get3A_10 {offsets = [0, 32], sizes = [2000, 1], strides = [1, 1]} : vector<2000x48xf32> to vector<2000x1xf32>
    %add3A_17 = arith.constant 1.000000e-16 : f32
    %add3A_18 = vector.broadcast %add3A_17 : f32 to vector<2000x1xf32>
    %add3A_19 = arith.addf %slice3A_16, %add3A_18 : vector<2000x1xf32>
    %div3A_20 = vector.broadcast %add3A_19 : vector<2000x1xf32> to vector<2000x32xf32>
    %div3A_21 = arith.divf %slice3A_15, %div3A_20 : vector<2000x32xf32>
    %concatenate3A = tpu.concatenate %div3A_14, %div3A_21 in 1 : vector<2000x32xf32>, vector<2000x32xf32> -> vector<2000x64xf32>
    %get3A_22 = arith.constant 0 : index
    %get3A_23 = arith.constant 0 : index
    %get3A_24 = vector.load %arg3[%get3A_22, %get3A_23] : memref<1x64xf32, #tpu.memory_space<vmem>>, vector<1x64xf32>
    %add3A_25 = vector.broadcast %get3A_24 : vector<1x64xf32> to vector<2000x64xf32>
    %add3A_26 = arith.addf %concatenate3A, %add3A_25 : vector<2000x64xf32>
    %gt3A = arith.constant 0.000000e+00 : f32
    %gt3A_27 = vector.broadcast %gt3A : f32 to vector<2000x64xf32>
    %gt3A_28 = arith.cmpf ogt, %add3A_26, %gt3A_27 : vector<2000x64xf32>
    %min3A = arith.constant 0.000000e+00 : f32
    %min3A_29 = vector.broadcast %min3A : f32 to vector<2000x64xf32>
    %min3A_30 = arith.minimumf %add3A_26, %min3A_29 : vector<2000x64xf32>
    %exp3A = math.exp %min3A_30 : vector<2000x64xf32>
    %sub3A = arith.constant 1.000000e+00 : f32
    %sub3A_31 = vector.broadcast %sub3A : f32 to vector<2000x64xf32>
    %sub3A_32 = arith.subf %exp3A, %sub3A_31 : vector<2000x64xf32>
    %select_n3A = arith.select %gt3A_28, %add3A_26, %sub3A_32 : vector<2000x64xi1>, vector<2000x64xf32>
    %reduce_sum3A = arith.constant dense<0.000000e+00> : vector<64xf32>
    %reduce_sum3A_33 = vector.multi_reduction <add>, %select_n3A, %reduce_sum3A [0] : vector<2000x64xf32> to vector<64xf32>
    %broadcast_in_dim3A = vector.shape_cast %reduce_sum3A_33 : vector<64xf32> to vector<1x64xf32>
    %broadcast_in_dim3A_34 = vector.shape_cast %broadcast_in_dim3A : vector<1x64xf32> to vector<1x1x64xf32>
    %mul3A = arith.constant 9.99999974E-5 : f32
    %mul3A_35 = vector.broadcast %mul3A : f32 to vector<1x1x64xf32>
    %mul3A_36 = arith.mulf %broadcast_in_dim3A_34, %mul3A_35 : vector<1x1x64xf32>
    %eq3A = arith.constant 0 : i32
    %eq3A_37 = arith.cmpi eq, %arg1, %eq3A : i32
    %convert_element_type3A = arith.extui %eq3A_37 : i1 to i32
    %cond3A = arith.constant 0 : i32
    %cond3A_38 = arith.cmpi ne, %convert_element_type3A, %cond3A : i32
    scf.if %cond3A_38 {
      %swap3A = arith.constant 0 : index
      %swap3A_44 = arith.constant 0 : index
      %swap3A_45 = arith.constant 0 : index
      %swap3A_46 = vector.load %arg4[%swap3A, %swap3A_44, %swap3A_45] : memref<1x1x64xf32, #tpu.memory_space<vmem>>, vector<1x1x64xf32>
      tpu.vector_store %arg4[%swap3A, %swap3A_44, %swap3A_45], %mul3A_36 {strides = array<i32>} : memref<1x1x64xf32, #tpu.memory_space<vmem>>, vector<1x1x64xf32>,
    } else {
    }
    %gt3A_39 = arith.constant 0 : i32
    %gt3A_40 = arith.cmpi sgt, %arg1, %gt3A_39 : i32
    %convert_element_type3A_41 = arith.extui %gt3A_40 : i1 to i32
    %cond3A_42 = arith.constant 0 : i32
    %cond3A_43 = arith.cmpi ne, %convert_element_type3A_41, %cond3A_42 : i32
    scf.if %cond3A_43 {
      %get3A_44 = arith.constant 0 : index
      %get3A_45 = arith.constant 0 : index
      %get3A_46 = arith.constant 0 : index
      %get3A_47 = vector.load %arg4[%get3A_44, %get3A_45, %get3A_46] : memref<1x1x64xf32, #tpu.memory_space<vmem>>, vector<1x1x64xf32>
      %add3A_48 = arith.addf %get3A_47, %mul3A_36 : vector<1x1x64xf32>
      %swap3A = arith.constant 0 : index
      %swap3A_49 = arith.constant 0 : index
      %swap3A_50 = arith.constant 0 : index
      %swap3A_51 = vector.load %arg4[%swap3A, %swap3A_49, %swap3A_50] : memref<1x1x64xf32, #tpu.memory_space<vmem>>, vector<1x1x64xf32>
      tpu.vector_store %arg4[%swap3A, %swap3A_49, %swap3A_50], %add3A_48 {strides = array<i32>} : memref<1x1x64xf32, #tpu.memory_space<vmem>>, vector<1x1x64xf32>,
    } else {
    }
    return
  }
  func.func @transform_0(%arg0: i32, %arg1: i32) -> (i32, i32, i32, i32) {
    %c0_i32 = arith.constant 0 : i32
    %c0_i32_0 = arith.constant 0 : i32
    %c0_i32_1 = arith.constant 0 : i32
    return %c0_i32, %arg0, %arg1, %c0_i32_0 : i32, i32, i32, i32
  }
  func.func @transform_1(%arg0: i32, %arg1: i32) -> (i32, i32) {
    %c0_i32 = arith.constant 0 : i32
    %c0_i32_0 = arith.constant 0 : i32
    %c0_i32_1 = arith.constant 0 : i32
    return %c0_i32, %c0_i32_0 : i32, i32
  }
  func.func @transform_2(%arg0: i32, %arg1: i32) -> (i32, i32, i32) {
    %c0_i32 = arith.constant 0 : i32
    %c0_i32_0 = arith.constant 0 : i32
    %c0_i32_1 = arith.constant 0 : i32
    return %arg0, %c0_i32, %c0_i32_0 : i32, i32, i32
  }
}

module attributes {stable_mosaic.version = 14 : i64} {
  func.func @_lstm_body(%arg0: memref<8x64xf32, #tpu.memory_space<vmem>>, %arg1: memref<64x256xf32, #tpu.memory_space<vmem>>, %arg2: memref<64x256xf32, #tpu.memory_space<vmem>>, %arg3: memref<1x256xf32, #tpu.memory_space<vmem>>, %arg4: memref<64x10xf32, #tpu.memory_space<vmem>>, %arg5: memref<1x10xf32, #tpu.memory_space<vmem>>, %arg6: memref<1x10xf32, #tpu.memory_space<vmem>>) attributes {dimension_semantics = [], scalar_prefetch = 0 : i64, scratch_operands = 0 : i64, tpu.core_type = #tpu.core_type<tc>} {
    %broadcast_in_dim3A = arith.constant 0.000000e+00 : f32
    %broadcast_in_dim3A_0 = vector.broadcast %broadcast_in_dim3A : f32 to vector<1x64xf32>
    %scan3A = arith.constant 0 : i32
    %scan3A_1 = arith.constant 8 : i32
    %scan3A_2 = arith.addi %scan3A, %scan3A_1 : i32
    %scan3A_3 = arith.constant 1 : i32
    %scan3A_4:2 = scf.for %scan3A_14 = %scan3A to %scan3A_2 step %scan3A_3 iter_args(%scan3A_15 = %broadcast_in_dim3A_0, %scan3A_16 = %broadcast_in_dim3A_0) -> (vector<1x64xf32>, vector<1x64xf32>)  : i32 {
      %get3A_17 = arith.index_cast %scan3A_14 : i32 to index
      %get3A_18 = arith.constant 0 : index
      %get3A_19 = vector.load %arg0[%get3A_17, %get3A_18] : memref<8x64xf32, #tpu.memory_space<vmem>>, vector<1x64xf32>
      %get3A_20 = arith.constant 0 : index
      %get3A_21 = arith.constant 0 : index
      %get3A_22 = vector.load %arg1[%get3A_20, %get3A_21] : memref<64x256xf32, #tpu.memory_space<vmem>>, vector<64x256xf32>
      %dot_general3A_23 = arith.constant dense<0.000000e+00> : vector<1x256xf32>
      %dot_general3A_24 = tpu.matmul %get3A_19, %get3A_22, %dot_general3A_23 {dimension_numbers = #tpu.dot_dimension_numbers<[1], [0], [0], [1], [0, 0, 1, 1], [], []>, transpose_lhs_hint = false} : vector<1x64xf32>, vector<64x256xf32>, vector<1x256xf32> -> vector<1x256xf32>
      %get3A_25 = arith.constant 0 : index
      %get3A_26 = arith.constant 0 : index
      %get3A_27 = vector.load %arg2[%get3A_25, %get3A_26] : memref<64x256xf32, #tpu.memory_space<vmem>>, vector<64x256xf32>
      %dot_general3A_28 = arith.constant dense<0.000000e+00> : vector<1x256xf32>
      %dot_general3A_29 = tpu.matmul %scan3A_15, %get3A_27, %dot_general3A_28 {dimension_numbers = #tpu.dot_dimension_numbers<[1], [0], [0], [1], [0, 0, 1, 1], [], []>, transpose_lhs_hint = false} : vector<1x64xf32>, vector<64x256xf32>, vector<1x256xf32> -> vector<1x256xf32>
      %add3A_30 = arith.addf %dot_general3A_24, %dot_general3A_29 : vector<1x256xf32>
      %get3A_31 = arith.constant 0 : index
      %get3A_32 = arith.constant 0 : index
      %get3A_33 = vector.load %arg3[%get3A_31, %get3A_32] : memref<1x256xf32, #tpu.memory_space<vmem>>, vector<1x256xf32>
      %add3A_34 = arith.addf %add3A_30, %get3A_33 : vector<1x256xf32>
      %slice3A = vector.extract_strided_slice %add3A_34 {offsets = [0, 0], sizes = [1, 64], strides = [1, 1]} : vector<1x256xf32> to vector<1x64xf32>
      %logistic3A = arith.negf %slice3A : vector<1x64xf32>
      %logistic3A_35 = math.exp %logistic3A : vector<1x64xf32>
      %logistic3A_36 = arith.constant 1.000000e+00 : f32
      %logistic3A_37 = vector.broadcast %logistic3A_36 : f32 to vector<1x64xf32>
      %logistic3A_38 = arith.addf %logistic3A_37, %logistic3A_35 : vector<1x64xf32>
      %logistic3A_39 = arith.divf %logistic3A_37, %logistic3A_38 : vector<1x64xf32>
      %slice3A_40 = vector.extract_strided_slice %add3A_34 {offsets = [0, 64], sizes = [1, 64], strides = [1, 1]} : vector<1x256xf32> to vector<1x64xf32>
      %logistic3A_41 = arith.negf %slice3A_40 : vector<1x64xf32>
      %logistic3A_42 = math.exp %logistic3A_41 : vector<1x64xf32>
      %logistic3A_43 = arith.constant 1.000000e+00 : f32
      %logistic3A_44 = vector.broadcast %logistic3A_43 : f32 to vector<1x64xf32>
      %logistic3A_45 = arith.addf %logistic3A_44, %logistic3A_42 : vector<1x64xf32>
      %logistic3A_46 = arith.divf %logistic3A_44, %logistic3A_45 : vector<1x64xf32>
      %slice3A_47 = vector.extract_strided_slice %add3A_34 {offsets = [0, 128], sizes = [1, 64], strides = [1, 1]} : vector<1x256xf32> to vector<1x64xf32>
      %tanh3A = math.tanh %slice3A_47 : vector<1x64xf32>
      %slice3A_48 = vector.extract_strided_slice %add3A_34 {offsets = [0, 192], sizes = [1, 64], strides = [1, 1]} : vector<1x256xf32> to vector<1x64xf32>
      %logistic3A_49 = arith.negf %slice3A_48 : vector<1x64xf32>
      %logistic3A_50 = math.exp %logistic3A_49 : vector<1x64xf32>
      %logistic3A_51 = arith.constant 1.000000e+00 : f32
      %logistic3A_52 = vector.broadcast %logistic3A_51 : f32 to vector<1x64xf32>
      %logistic3A_53 = arith.addf %logistic3A_52, %logistic3A_50 : vector<1x64xf32>
      %logistic3A_54 = arith.divf %logistic3A_52, %logistic3A_53 : vector<1x64xf32>
      %mul3A = arith.mulf %logistic3A_46, %scan3A_16 : vector<1x64xf32>
      %mul3A_55 = arith.mulf %logistic3A_39, %tanh3A : vector<1x64xf32>
      %add3A_56 = arith.addf %mul3A, %mul3A_55 : vector<1x64xf32>
      %tanh3A_57 = math.tanh %add3A_56 : vector<1x64xf32>
      %mul3A_58 = arith.mulf %logistic3A_54, %tanh3A_57 : vector<1x64xf32>
      scf.yield %mul3A_58, %add3A_56 : vector<1x64xf32>, vector<1x64xf32>
    }
    %scan3A_5 = arith.constant 8 : i32
    %get3A = arith.constant 0 : index
    %get3A_6 = arith.constant 0 : index
    %get3A_7 = vector.load %arg4[%get3A, %get3A_6] : memref<64x10xf32, #tpu.memory_space<vmem>>, vector<64x10xf32>
    %dot_general3A = arith.constant dense<0.000000e+00> : vector<1x10xf32>
    %dot_general3A_8 = tpu.matmul %scan3A_4#0, %get3A_7, %dot_general3A {dimension_numbers = #tpu.dot_dimension_numbers<[1], [0], [0], [1], [0, 0, 1, 1], [], []>, transpose_lhs_hint = false} : vector<1x64xf32>, vector<64x10xf32>, vector<1x10xf32> -> vector<1x10xf32>
    %get3A_9 = arith.constant 0 : index
    %get3A_10 = arith.constant 0 : index
    %get3A_11 = vector.load %arg5[%get3A_9, %get3A_10] : memref<1x10xf32, #tpu.memory_space<vmem>>, vector<1x10xf32>
    %add3A = arith.addf %dot_general3A_8, %get3A_11 : vector<1x10xf32>
    %swap3A = arith.constant 0 : index
    %swap3A_12 = arith.constant 0 : index
    %swap3A_13 = vector.load %arg6[%swap3A, %swap3A_12] : memref<1x10xf32, #tpu.memory_space<vmem>>, vector<1x10xf32>
    tpu.vector_store %arg6[%swap3A, %swap3A_12], %add3A {strides = array<i32>} : memref<1x10xf32, #tpu.memory_space<vmem>>, vector<1x10xf32>,
    return
  }
}

</mosaic_0001>

<sc_bundles>
// kernel: kernel.12.cloned.1.call-start
scs
__scs_entry_jumppad:
0x0: {  	(pc) =	sbr.rel $0x88, $3  }
0x1: {  	(tag) =	ssettag $0x0;
	lr =	simm.s32 $0x1  }
0x2: {  	[smem:$0x3F8E] =	sst lr;
	_ =	strace $0xD0000000  }
0x3: {  	_ = 	snop  }
0x4: {  	_ = 	snop  }
0x5: {  	_ = 	snop  }
0x6: {  	_ = 	snop  }
0x7: {  	_ = 	snop  }
__scs_overlays_trampoline_lowered:
0x8: {  	[smem:$0x3F9D] =	sst s0  }
0x9: {  	[smem:$0x3F9E] =	sst s1  }
0xa: {  	[smem:$0x3F9F] =	sst s2  }
0xb: {  	[smem:$0x3FA0] =	sst s3  }
0xc: {  	[smem:$0x3FA1] =	sst s4  }
0xd: {  	[smem:$0x3FA2] =	sst s5  }
0xe: {  	[smem:$0x3FA3] =	sst s6  }
0xf: {  	[smem:$0x3FA4] =	sst s7  }
0x10: {  	[smem:$0x3FA5] =	sst s8  }
0x11: {  	[smem:$0x3FA6] =	sst s9;
	s0 =	simm.s32 @!p0 $0x0  }
0x12: {  	s1 =	sld [smem:$0x3F8C];
	s0 =	simm.s32 @p0 $0x1  }
0x13: {  	[smem:$0x3FA7] =	sst s0;
	s0 =	simm.s32 @!p1 $0x0  }
0x14: {  	s2 =	sld [smem:$0x3F8B];
	s0 =	simm.s32 @p1 $0x1  }
0x15: {  	[smem:$0x3FA8] =	sst s0;
	s0 =	simm.s32 @!p2 $0x0  }
0x16: {  	s3 =	sld [smem:$0x3FDB];
	s0 =	simm.s32 @p2 $0x1  }
0x17: {  	s4 =	simm.s32 $0x1BF5;
	[smem:$0x3FAA] =	sst s0  }
0x18: {  	s0 =	sld [smem:$0x3F8D];
	_ =	swait.ge [sflag:s4], $0x0  }
0x19: {  	s7 =	sld [smem:$0x3F8E]  }
0x1a: {  	s8 =	sadd.s32 $0xFFFFE003, lr  }
0x1b: {  	s9 =	sadd.s32 $0xFFFFFEF7, lr;
	s5 =	simm.s32 $0xFFFFFFFF;
	p2 =	slt.u32 s8, $0xFFFFF086  }
0x1c: {  	p1 =	slt.u32 s9, $0xF7A;
	s5 =	simm.s32 @!p2 $0x0  }
0x1d: {  	s5 =	simm.s32 @p1 $0x1;
	p0 =	seq.s32 s7, s2  }
0x1e: {  	s7 =	smul.u32 @!p0 $0xF7A, s2;
	p2 =	seq.s32 @!p0 s5, $0x0  }
0x1f: {  	s9 =	smul.u32 $0xF7A, s1;
	s8 =	simm.s32 @!p0 $0x1BF5;
	p2 =	por !p2, p0  }
0x20: {  	[sflag:s8] =	ssyncset.s32 @!p0 $0xFFFFF086;
	s6 =	sadd.s32 @!p0 s3, s7;
	s7 =	simm.s32 @!p0 $0x108  }
0x21: {  	s3 =	sadd.s32 s3, s9;
	s6 =	sadd.s32 @!p0 $0x88, s6;
	s7 =	simm.s32 @p2 $0x1082  }
0x22: {  	[simem:s7], [sflag:s8] =	dma.local @!p0 [hbm:s6], $0xF7A  }
0x23: {  	s9 =	sor.u32 $0xD0000000, s2;
	s6 =	simm.s32 $0x108;
	_ =	swait.ge @!p0 [sflag:s8], $0x0  }
0x24: {  	s3 =	sadd.s32 $0x88, s3;
	s6 =	simm.s32 @!p1 $0x1082;
	[sflag:s4] =	ssyncset.s32 $0xFFFFF086  }
0x25: {  	[simem:s6], [sflag:s4] =	dma.local [hbm:s3], $0xF7A  }
0x26: {  	[smem:$0x3F8E] =	sst s1;
	(tag) =	ssettag s2;
	_ =	strace s9  }
0x27: {  	s1 =	sld [smem:$0x3F9E]  }
0x28: {  	s2 =	sld [smem:$0x3F9F]  }
0x29: {  	s4 =	sld [smem:$0x3FA1]  }
0x2a: {  	p0 =	seq.s32 s5, $0x0;
	s5 =	sld [smem:$0x3FA2]  }
0x2b: {  	s6 =	sld [smem:$0x3FA3]  }
0x2c: {  	s7 =	sld [smem:$0x3FA4]  }
0x2d: {  	s3 =	simm.s32 $0x108;
	s8 =	sld [smem:$0x3FA5]  }
0x2e: {  	s3 =	simm.s32 @!p0 $0x1082;
	s9 =	sld [smem:$0x3FA6]  }
0x2f: {  	lr =	sadd.s32 s0, s3;
	s0 =	sld [smem:$0x3F9D]  }
0x30: {  	s3 =	sld [smem:$0x3FA0]  }
0x31: {  	[smem:$0x3FA9] =	sst s10  }
0x32: {  	s10 =	sld [smem:$0x3FA7];
	_ =	sdelay $0x3  }
0x33: {  	p0 =	seq.s32 s10, $0x1;
	s10 =	sld [smem:$0x3FA9];
	_ =	sdelay $0x3  }
0x34: {  	[smem:$0x3FA9] =	sst s10  }
0x35: {  	s10 =	sld [smem:$0x3FA8];
	_ =	sdelay $0x3  }
0x36: {  	p1 =	seq.s32 s10, $0x1;
	s10 =	sld [smem:$0x3FA9];
	_ =	sdelay $0x3  }
0x37: {  	[smem:$0x3FA9] =	sst s10  }
0x38: {  	s10 =	sld [smem:$0x3FAA]  }
0x39: {  	_ = 	snop;
	(pc) =	sbr.ind lr, $3  }
0x3a: {  	_ = 	snop  }
0x3b: {  	_ = 	snop  }
0x3c: {  	p2 =	seq.s32 s10, $0x1;
	s10 =	sld [smem:$0x3FA9]  }
0x3d: {  	_ =	shalt  }
0x3e: {  	_ =	shalt  }
0x3f: {  	_ =	shalt  }
0x40: {  	_ =	shalt  }
0x41: {  	_ =	shalt  }
0x42: {  	_ =	shalt  }
0x43: {  	_ =	shalt  }
0x44: {  	_ =	shalt  }
0x45: {  	_ =	shalt  }
0x46: {  	_ =	shalt  }
0x47: {  	_ =	shalt  }
0x48: {  	_ =	shalt  }
0x49: {  	_ =	shalt  }
0x4a: {  	_ =	shalt  }
0x4b: {  	_ =	shalt  }
0x4c: {  	_ =	shalt  }
0x4d: {  	_ =	shalt  }
0x4e: {  	_ =	shalt  }
0x4f: {  	_ =	shalt  }
0x50: {  	_ =	shalt  }
0x51: {  	_ =	shalt  }
0x52: {  	_ =	shalt  }
0x53: {  	_ =	shalt  }
0x54: {  	_ =	shalt  }
0x55: {  	_ =	shalt  }
0x56: {  	_ =	shalt  }
0x57: {  	_ =	shalt  }
0x58: {  	_ =	shalt  }
0x59: {  	_ =	shalt  }
0x5a: {  	_ =	shalt  }
0x5b: {  	_ =	shalt  }
0x5c: {  	_ =	shalt  }
0x5d: {  	_ =	shalt  }
0x5e: {  	_ =	shalt  }
0x5f: {  	_ =	shalt  }
0x60: {  	_ =	shalt  }
0x61: {  	_ =	shalt  }
0x62: {  	_ =	shalt  }
0x63: {  	_ =	shalt  }
0x64: {  	_ =	shalt  }
0x65: {  	_ =	shalt  }
0x66: {  	_ =	shalt  }
0x67: {  	_ =	shalt  }
0x68: {  	_ =	shalt  }
0x69: {  	_ =	shalt  }
0x6a: {  	_ =	shalt  }
0x6b: {  	_ =	shalt  }
0x6c: {  	_ =	shalt  }
0x6d: {  	_ =	shalt  }
0x6e: {  	_ =	shalt  }
0x6f: {  	_ =	shalt  }
0x70: {  	_ =	shalt  }
0x71: {  	_ =	shalt  }
0x72: {  	_ =	shalt  }
0x73: {  	_ =	shalt  }
0x74: {  	_ =	shalt  }
0x75: {  	_ =	shalt  }
0x76: {  	_ =	shalt  }
0x77: {  	_ =	shalt  }
0x78: {  	_ =	shalt  }
0x79: {  	_ =	shalt  }
0x7a: {  	_ =	shalt  }
0x7b: {  	_ =	shalt  }
0x7c: {  	_ =	shalt  }
0x7d: {  	_ =	shalt  }
0x7e: {  	_ =	shalt  }
0x7f: {  	_ =	shalt  }
0x80: {  	_ =	shalt  }
0x81: {  	_ =	shalt  }
0x82: {  	_ =	shalt  }
0x83: {  	_ =	shalt  }
0x84: {  	_ =	shalt  }
0x85: {  	_ =	shalt  }
0x86: {  	_ =	shalt  }
0x87: {  	_ =	shalt  }
.Lfunc_end0:
.L_simem_size_0:
called_computation.1_lowered:
.L_overlay_start_0:
0x88: {  	s2 =	sld [smem:$0x3FD9]  }
0x89: {  	s3 =	sld [smem:$0x3FFE];
	_ =	sdelay $0x1  }
0x8a: {  	s1 =	srdreg.scid  }
0x8b: {  	s0 =	sand.u32 $0x1, s1  }
0x8c: {  	s16 =	sshll.u32 s0, $0xA;
	s2 =	sadd.s32 s3, s2  }
0x8d: {  	s2 =	sadd.s32 s2, s16  }
0x8e: {  	[smem:$0x3FB5] =	sst s2  }
0x8f: {  	_ = 	snop  }
0x90: {  	(tm) =	ssettm $0x1  }
0x91: {  	s17 =	sld [smem:$0x3FFB];
	_ =	sdelay $0x3  }
0x92: {  	_ =	strace s17  }
0x93: {  	s2 =	sld [smem:$0x3FFC];
	_ =	sdelay $0x3  }
0x94: {  	_ =	strace s2  }
0x95: {  	s2 =	sld [smem:$0x3FFD];
	_ =	sdelay $0x3  }
0x96: {  	_ =	strace s2  }
0x97: {  	_ =	strace $0x8FFFFFFF  }
0x98: {  	s18 =	sld [smem:$0x3FDB];
	_ =	sdelay $0x1  }
0x99: {  	s19 =	simm.s32 $_scs_section_size  }
0x9a: {  	s4 =	simm.s32 $_size__tile_overlayer_lowered;
	s5 =	simm.s32 $_tile_overlayer_lowered  }
0x9b: {  	s22 =	simm.s32 $0x1BFF;
	s21 =	sshll.u32 s5, $0x1;
	s2 =	sadd.s32 s19, s18  }
0x9c: {  	s6 =	simm.s32 $0x0;
	s20 =	sshll.u32 s4, $0x1;
	s4 =	sadd.s32 s21, s2  }
0x9d: {  	[timem:s6], [sflag:s22] =	dma.local [hbm:s4], s20  }
0x9e: {  	_ =	swait.ge [sflag:s22], s20  }
0x9f: {  	s3 =	ssub.s32 $0x0, s20;
	[sflag:s22] =	ssyncset.done $0x0  }
0xa0: {  	[sflag:s22] =	ssyncadd.s32 s3;
	_ =	sdelay $0x1  }
0xa1: {  	s23 =	simm.s32 $0x1B8B  }
0xa2: {  	_ =	swait.ge [sflag:s23], $0x1  }
0xa3: {  	[sflag:s23] =	ssyncset.done $0x0  }
0xa4: {  	s25 =	simm.s32 $0x1B8E;
	s24 =	sld [smem:$0x3FFE];
	[sflag:s23] =	ssyncadd.s32 $0xFFFFFFFF  }
0xa5: {  	s26 =	simm.s32 $execute0_lowered;
	[smem:$0x3FD2] =	sst s25  }
0xa6: {  	s4 =	sshll.u32 s26, $0x1;
	_ =	strace $0x80000049;
	[dreg:$0x1] =	wrdreg $0xFFFFFFFF  }
0xa7: {  	s28 =	simm.s32 $_size_execute0_lowered;
	s2 =	sadd.s32 s2, s4;
	[dreg:$0x0] =	wrdreg $0x0  }
0xa8: {  	s4 =	sshll.u32 s28, $0x1;
	[dreg:$0x2] =	wrdreg s2  }
0xa9: {  	[dreg:$0x3] =	wrdreg s4  }
0xaa: {  	[dreg:$0x4] =	wrdreg $0xC0  }
0xab: {  	_ =	task [dreg:s6], $0x5FFFF  }
0xac: {  	[dreg:$0x1] =	wrdreg $0xFFFFFFFF  }
0xad: {  	[dreg:$0x0] =	wrdreg $0x60  }
0xae: {  	[dreg:$0x2] =	wrdreg s24  }
0xaf: {  	[dreg:$0x3] =	wrdreg $0x0  }
0xb0: {  	[dreg:$0x4] =	wrdreg $0x9  }
0xb1: {  	_ =	task.clear_ibuf [dreg:s6], $0x5FFFF;
	_ =	strace $0x90000049  }
0xb2: {  	s29 =	simm.s32 $0x9;
	_ =	strace $0x8000004B  }
0xb3: {  	_ =	swait.ge [sflag:s29], $0x1  }
0xb4: {  	[sflag:s29] =	ssyncadd.s32 $0xFFFFFFFF  }
0xb5: {  	_ =	strace $0x9000004B  }
0xb6: {  	_ =	sfence  }
0xb7: {  	s30 =	sld [smem:$0x0];
	_ =	sdelay $0x2  }
0xb8: {  	s31 =	sshll.u32 s1, $0xD;
	s1 =	sshrl.u32 s1, $0x2  }
0xb9: {  	s3 =	sand.u32 $0x4000, s31;
	s1 =	sadd.s32 s1, s30  }
0xba: {  	s0 =	sor.u32 s3, s0;
	s1 =	sshll.u32 s1, $0x11  }
0xbb: {  	s0 =	sor.u32 s1, s0  }
0xbc: {  	s0 =	sadd.s32 $0x8F2B, s0  }
0xbd: {  	[sflag:s0] =	ssyncadd.remote.s32 $0x1  }
0xbe: {  	_ =	sfence.sel $0xFFFF  }
0xbf: {  	[dreg:$0x0] =	wrdreg $0xFFFFFFFF;
	(pc) =	sbr.abs _section_cstart, $3  }
0xc0: {  	[dreg:$0x1] =	wrdreg $0xFFFFFFFF  }
0xc1: {  	_ =	task.clear_ibuf [dreg:s6], $0x2FFFF;
	_ =	strace $0x9FFFFFFF  }
0xc2: {  	(tm) =	ssettm $0x7FFFFFFF  }
0xc3: {  	_ =	shalt  }
tec
execute0_lowered:
.L_overlay_start_1:
0x0: {  	(tag) =	ssettag $0x1  }
0x1: {  	s0 =	rddreg [dreg:$0x0]  }
0x2: {  	s1 =	rddreg [dreg:$0x1]  }
0x3: {  	s2 =	simm.s32 $0x0;
	s9 =	stileid.u32;
	s11 =	srdreg.scid  }
0x4: {  	s29 =	simm.s32 $0x11800;
	s30 =	simm.s32 $0x80;
	s4 =	smul.u32 $0xA00, s9  }
0x5: {  	s31 =	simm.s32 $0x13800;
	[smem:$0x7FF] =	sst s2;
	s8 =	smul.u32 $0x1E000, s9  }
0x6: {  	s3 =	sadd.s32 $0xAE400, s0;
	s2 =	sand.u32 $0x1, s11;
	s15 =	smul.u32 $0x7800, s9  }
0x7: {  	s12 =	sadd.s32 $0xE400, s0;
	s6 =	sadd.s32 $0x30D8400, s0;
	s10 =	smul.u32 $0x5000, s9  }
0x8: {  	s22 =	smul.u32 $0xA0000, s9;
	_ =	strace $0x8000004A;
	[dreg:$0x3] =	wrdreg s3  }
0x9: {  	s11 =	simm.s32 $0x14800;
	[dreg:$0x4] =	wrdreg s12;
	s20 =	smul.u32 $0x4E20000, s2  }
0xa: {  	s5 =	sshll.u32 s2, $0x5;
	s25 =	smul.u32 $0x3C0000, s2;
	s4 =	sadd.s32 s4, s0  }
0xb: {  	s5 =	sadd.s32 s5, s0;
	s0 =	sadd.s32 $0x158600, s0;
	[dreg:$0xc] =	wrdreg s22  }
0xc: {  	s7 =	ssub.s32 $0x2, s2;
	s2 =	smul.u32 $0x280000, s2;
	[dreg:$0x5] =	wrdreg s0  }
0xd: {  	s9 =	simm.s32 $0x1;
	s12 =	simm.s32 $0x19000;
	[dreg:$0x9] =	wrdreg s20  }
0xe: {  	s3 =	simm.s32 $0x0;
	s14 =	sadd.s32 $0x3400, s5;
	[dreg:$0x10] =	wrdreg s2  }
0xf: {  	s17 =	sshrl.u32 s8, $0x2;
	s16 =	sadd.s32 $0x4400, s4;
	[dreg:$0x6] =	wrdreg s14  }
0x10: {  	s18 =	sadd.s32 $0x14E600, s4;
	s19 =	sadd.s32 s17, s1;
	[dreg:$0x7] =	wrdreg s16  }
0x11: {  	s17 =	sadd.s32 s15, s1;
	s1 =	sor.u32 $0x1000, s22;
	[dreg:$0x8] =	wrdreg s18  }
0x12: {  	s13 =	sshrl.u32 s7, $0x1;
	s28 =	sadd.s32 s25, s15;
	[dreg:$0x11] =	wrdreg s1  }
0x13: {  	s8 =	simm.s32 $0x12800;
	s0 =	ssub.s32 s7, s13;
	[dreg:$0x12] =	wrdreg s28  }
0x14: {  	s2 =	simm.s32 $0x16800;
	s21 =	sadd.s32 $0x1800, s19;
	[dreg:$0xa] =	wrdreg s17  }
0x15: {  	s22 =	simm.s32 $0x3;
	s23 =	sadd.s32 $0x3000, s19;
	[dreg:$0xb] =	wrdreg s21  }
0x16: {  	s25 =	simm.s32 $0x5;
	s24 =	sadd.s32 $0x4800, s19;
	[dreg:$0xd] =	wrdreg s23  }
0x17: {  	s4 =	simm.s32 $0x2;
	s26 =	sadd.s32 $0x6000, s19;
	[dreg:$0xe] =	wrdreg s24  }
0x18: {  	s5 =	simm.s32 $0x4;
	s0 =	smax.u32 s0, $0x1;
	[dreg:$0xf] =	wrdreg s26  }
0x19: {  	s7 =	simm.s32 $0x6;
	s18 =	simm.s32 $0x9;
	[dreg:$0x13] =	wrdreg s0  }
0x1a: {  	v0 =	vimm.f32 $0.0e+00;
	v1 =	vlaneseq.u32;
	s23 =	simm.s32 $0x1A800;
	s0 =	simm.s32 $0x15800;
	s26 =	simm.s32 $0x17800  }
.LBB2_1:
0x1b: {  	[dreg:$0x14] =	wrdreg s3  }
0x1c: {  	s1 =	simm.s32 $0x0;
	s21 =	rddreg [dreg:$0x6]  }
0x1d: {  	[tilespmem:s23], [sflag:$0x9] =	stream.linear.gather [hbm4b:s21+s1], $0x20, $0x38;
	[tilespmem:$0x1C020] =	vst v63  }
0x1e: {  	_ =	swait.ge [sflag:s18], $0x20  }
0x1f: {  	[sflag:s18] =	ssyncset.done $0x0  }
0x20: {  	s13 =	simm.s32 $0x7800;
	s24 =	rddreg [dreg:$0x7];
	[sflag:s18] =	ssyncadd.s32 $0xFFFFFFE0  }
0x21: {  	[tilespmem:s13], [sflag:$0x9] =	stream.linear.gather [hbm4b:s24+s1], $0x5000, $0x38;
	[tilespmem:$0x1C020] =	vst v63  }
0x22: {  	_ =	swait.ge [sflag:s18], $0x5000  }
0x23: {  	[sflag:s18] =	ssyncset.done $0x0  }
0x24: {  	s14 =	simm.s32 $0xC800;
	s28 =	rddreg [dreg:$0x8];
	[sflag:s18] =	ssyncadd.s32 $0xFFFFB000  }
0x25: {  	[tilespmem:s14], [sflag:$0x9] =	stream.linear.gather [hbm4b:s28+s1], $0x5000, $0x38;
	[tilespmem:$0x1C020] =	vst v63  }
0x26: {  	_ =	swait.ge [sflag:s18], $0x5000  }
0x27: {  	s3 =	simm.s32 $0x0;
	[sflag:s18] =	ssyncset.done $0x0  }
0x28: {  	s13 =	simm.s32 $0xC0;
	s14 =	simm.s32 $0x0;
	[sflag:s18] =	ssyncadd.s32 $0xFFFFB000  }
.LBB2_2:
0x29: {  	p0 =	sne.s32 s13, $0x5F40;
	[tilespmem:s14+$0x1A840] =	vst v0;
	s15 =	smov.u32 s13;
	s13 =	sadd.s32 $0xC0, s13  }
.Ltmp0:
0x2a: {  	[tilespmem:s14+$0x1A820] =	vst v0;
	(pc) =	sbr.rel @p0 .LBB2_2-.Ltmp0, $2  }
0x2b: {  	[tilespmem:s14+$0x1A830] =	vst v0;
	_ =	sdelay $0x2  }
0x2c: {  	s14 =	sshra.s32 s15, $0x2  }
0x2d: {  	[tilespmem:s14+$0x1A840] =	vst v0  }
0x2e: {  	[tilespmem:s14+$0x1A820] =	vst v0  }
0x2f: {  	s15 =	simm.s32 $0x0;
	[tilespmem:s14+$0x1A830] =	vst v0;
	s13 =	simm.s32 $0xC0;
	s14 =	simm.s32 $0x0  }
.LBB2_4:
0x30: {  	p0 =	sne.s32 s13, $0x5F40;
	[tilespmem:s14+$0x17820] =	vst v0;
	s16 =	smov.u32 s13;
	s13 =	sadd.s32 $0xC0, s13  }
.Ltmp1:
0x31: {  	[tilespmem:s14+$0x19020] =	vst v0;
	(pc) =	sbr.rel @p0 .LBB2_4-.Ltmp1, $2  }
0x32: {  	_ =	sdelay $0x2  }
0x33: {  	s14 =	sshra.s32 s16, $0x2  }
0x34: {  	[tilespmem:s14+$0x17820] =	vst v0  }
0x35: {  	[tilespmem:s14+$0x19020] =	vst v0  }
.LBB2_6:
0x36: {  	s13 =	simm.s32 $0x1A820  }
0x37: {  	[spmem:s17] =	stream.linear.scatter [tilespmem:s13], [sflag:$0x9], $0x1800, $0x38;
	[tilespmem:$0x1C020] =	vst v63  }
0x38: {  	_ =	swait.ge [sflag:s18], $0x1800  }
0x39: {  	[sflag:s18] =	ssyncset.done $0x0  }
0x3a: {  	s1 =	rddreg [dreg:$0xb];
	[sflag:s18] =	ssyncadd.s32 $0xFFFFE800  }
0x3b: {  	[spmem:s1] =	stream.linear.scatter [tilespmem:s13], [sflag:$0x9], $0x1800, $0x38;
	[tilespmem:$0x1C020] =	vst v63  }
0x3c: {  	_ =	swait.ge [sflag:s18], $0x1800  }
0x3d: {  	[sflag:s18] =	ssyncset.done $0x0  }
0x3e: {  	s24 =	rddreg [dreg:$0xd];
	[sflag:s18] =	ssyncadd.s32 $0xFFFFE800  }
0x3f: {  	[spmem:s24] =	stream.linear.scatter [tilespmem:s13], [sflag:$0x9], $0x1800, $0x38;
	[tilespmem:$0x1C020] =	vst v63  }
0x40: {  	_ =	swait.ge [sflag:s18], $0x1800  }
0x41: {  	[sflag:s18] =	ssyncset.done $0x0  }
0x42: {  	s28 =	rddreg [dreg:$0xe];
	[sflag:s18] =	ssyncadd.s32 $0xFFFFE800  }
0x43: {  	[spmem:s28] =	stream.linear.scatter [tilespmem:s13], [sflag:$0x9], $0x1800, $0x38;
	[tilespmem:$0x1C020] =	vst v63  }
0x44: {  	_ =	swait.ge [sflag:s18], $0x1800  }
0x45: {  	[sflag:s18] =	ssyncset.done $0x0  }
0x46: {  	s14 =	rddreg [dreg:$0xf];
	[sflag:s18] =	ssyncadd.s32 $0xFFFFE800  }
0x47: {  	[spmem:s14] =	stream.linear.scatter [tilespmem:s13], [sflag:$0x9], $0x1800, $0x38;
	[tilespmem:$0x1C020] =	vst v63  }
0x48: {  	_ =	swait.ge [sflag:s18], $0x1800  }
0x49: {  	s16 =	smul.u32 $0x9C4000, s15;
	[sflag:s18] =	ssyncset.done $0x0  }
0x4a: {  	s17 =	rddreg [dreg:$0x9];
	[sflag:s18] =	ssyncadd.s32 $0xFFFFE800  }
0x4b: {  	s19 =	rddreg [dreg:$0xc];
	s17 =	sadd.s32 s17, s16;
	[bflag:$0x0] =	sbarrier.arrive $0xFFFF  }
0x4c: {  	s14 =	smul.u32 $0x50000, s15;
	s13 =	sadd.s32 s19, s17;
	[dreg:$0x15] =	wrdreg s15  }
0x4d: {  	s18 =	simm.s32 $0x0;
	s13 =	sshrl.u32 s13, $0x3;
	s20 =	rddreg [dreg:$0x10]  }
0x4e: {  	s24 =	rddreg [dreg:$0x3];
	s13 =	sadd.s32 s6, s13;
	s21 =	sadd.s32 s20, s14  }
0x4f: {  	[tilespmem:s29], [sflag:$0x1] =	stream.linear.gather [hbm4b:s13+s18], $0x1000, $0x38;
	[tilespmem:$0x1C020] =	vst v63  }
0x50: {  	s28 =	simm.s32 $0x7800;
	s16 =	rddreg [dreg:$0x11];
	s13 =	sshrl.u32 s21, $0x3  }
0x51: {  	s14 =	rddreg [dreg:$0x4];
	s21 =	sadd.s32 s16, s17;
	s19 =	sadd.s32 s24, s13  }
0x52: {  	[tilespmem:s31], [sflag:$0x3] =	stream.indirect.gather [hbm4b:s19+s30], $0x20, s28, s30, $0xb8;
	[tilespmem:$0x1C020] =	vst v63  }
0x53: {  	s15 =	simm.s32 $0xC800;
	s20 =	sadd.s32 s14, s13;
	s13 =	sshrl.u32 s21, $0x3  }
0x54: {  	[tilespmem:s0], [sflag:$0x5] =	stream.indirect.gather [hbm4b:s20+s30], $0x20, s15, s30, $0xb8;
	[tilespmem:$0x1C020] =	vst v63  }
0x55: {  	s13 =	sadd.s32 s6, s13  }
0x56: {  	[tilespmem:s8], [sflag:$0x2] =	stream.linear.gather [hbm4b:s13+s18], $0x1000, $0x38;
	[tilespmem:$0x1C020] =	vst v63  }
0x57: {  	s24 =	simm.s32 $0x7880  }
0x58: {  	[tilespmem:s11], [sflag:$0x4] =	stream.indirect.gather [hbm4b:s19+s30], $0x20, s24, s30, $0xb8;
	[tilespmem:$0x1C020] =	vst v63  }
0x59: {  	s28 =	simm.s32 $0xC880  }
0x5a: {  	[tilespmem:s2], [sflag:$0x6] =	stream.indirect.gather [hbm4b:s20+s30], $0x20, s28, s30, $0xb8;
	[tilespmem:$0x1C020] =	vst v63  }
.LBB2_7:
0x5b: {  	_ =	swait.ge [sflag:s9], $0x1000  }
0x5c: {  	[sflag:s9] =	ssyncset.done $0x0  }
0x5d: {  	[sflag:s9] =	ssyncadd.s32 $0xFFFFF000  }
0x5e: {  	_ =	swait.ge [sflag:s22], $0x1000  }
0x5f: {  	[sflag:s22] =	ssyncset.done $0x0  }
0x60: {  	[sflag:s22] =	ssyncadd.s32 $0xFFFFF000  }
0x61: {  	_ =	swait.ge [sflag:s25], $0x1000  }
0x62: {  	p0 =	seq.s32 s18, $0x0;
	[sflag:s25] =	ssyncset.done $0x0  }
0x63: {  	s13 =	simm.s32 @!p0 $0x7;
	[sflag:s25] =	ssyncadd.s32 $0xFFFFF000  }
0x64: {  	_ =	swait.ge @!p0 [sflag:s13], $0x1800  }
0x65: {  	[sflag:s13] =	ssyncset.done @!p0 $0x0  }
0x66: {  	s21 =	sshll.u32 s18, $0x1;
	s14 =	simm.s32 $0x0;
	[sflag:s13] =	ssyncadd.s32 @!p0 $0xFFFFE800  }
.LBB2_8:
0x67: {  	s13 =	sshll.u32 s14, $0x4;
	s16 =	simm.s32 $0x0;
	s28 =	simm.s32 $0x1  }
0x68: {  	v3 =	vor.u32 s13, v1;
	v4 =	vadd.s32 s16, v1;
	v7 =	vadd.s32 s28, v1  }
0x69: {  	v2 =	vshll.u32 v3, $0x5;
	v5 =	vand.u32 $0x1F, v4;
	v19 =	vand.u32 $0x1F, v7  }
0x6a: {  	s24 =	simm.s32 $0x3;
	v4 =	vor.u32 v2, v5  }
0x6b: {  	v6 =	vadd.s32 s24, v1  }
0x6c: {  	v6 =	vand.u32 $0x1F, v6  }
0x6d: {  	v7 =	vor.u32 v2, v6  }
0x6e: {  	s1 =	simm.s32 $0x2;
	v10 =	vor.u32 v2, v19;
	v19 =	vld.idx.msk [tilespmem:v19+s23+$0x0], $0xffff  }
0x6f: {  	v8 =	vadd.s32 s1, v1;
	v20 =	vld.idx.msk [tilespmem:v4+s29+$0x0], $0xffff  }
0x70: {  	v8 =	vand.u32 $0x1F, v8;
	v12 =	vld.idx.msk [tilespmem:v4+s31+$0x0], $0xffff  }
0x71: {  	v16 =	vor.u32 v2, v8;
	v17 =	vld.idx.msk [tilespmem:v4+s0+$0x0], $0xffff  }
0x72: {  	v9 =	vld.idx.msk [tilespmem:v7+s31+$0x0], $0xffff  }
0x73: {  	v11 =	vld.idx.msk [tilespmem:v10+s29+$0x0], $0xffff  }
0x74: {  	v22 =	vld.idx.msk [tilespmem:v10+s31+$0x0], $0xffff  }
0x75: {  	v23 =	vld.idx.msk [tilespmem:v10+s0+$0x0], $0xffff  }
0x76: {  	s15 =	simm.s32 $0x4;
	v13 =	vld.idx.msk [tilespmem:v16+s31+$0x0], $0xffff  }
0x77: {  	s16 =	simm.s32 $0x5;
	v15 =	vld.idx.msk [tilespmem:v16+s0+$0x0], $0xffff;
	v4 =	vadd.s32 s15, v1  }
0x78: {  	s24 =	simm.s32 $0x7;
	v24 =	vadd.s32 s16, v1;
	v14 =	vld.idx.msk [tilespmem:v7+s0+$0x0], $0xffff;
	v4 =	vand.u32 $0x1F, v4;
	v21 =	vadd.f32 v17, v12  }
0x79: {  	v10 =	vimm.f32 $0.0e+00;
	v16 =	vld.idx.msk [tilespmem:v16+s29+$0x0], $0xffff;
	v18 =	vor.u32 v2, v4;
	v12 =	vadd.s32 s24, v1  }
0x7a: {  	s28 =	simm.s32 $0x6;
	v17 =	vld.idx.msk [tilespmem:v5+s23+$0x0], $0xffff;
	v22 =	vadd.f32 v23, v22;
	v12 =	vand.u32 $0x1F, v12;
	v21 =	vadd.f32 v20, v21  }
0x7b: {  	s13 =	simm.s32 $0x8;
	v5 =	vand.u32 $0x1F, v24;
	v23 =	vadd.s32 s28, v1;
	v20 =	vld.idx.msk [tilespmem:v7+s29+$0x0], $0xffff;
	v7 =	vor.u32 v2, v12  }
.LBB2_9:
0x7c: {  	p1 =	sne.s32 s13, $0x1C;
	v24 =	vmul.f32 $2.000000030e-01, v21;
	v11 =	vadd.f32 v11, v22;
	v13 =	vadd.f32 v15, v13;
	v15 =	vld.idx.msk [tilespmem:v6+s23+$0x0], $0xffff;
	v6 =	vmovc v12  }
0x7d: {  	v12 =	vor.u32 v2, v5;
	v9 =	vadd.f32 v14, v9;
	v22 =	vld.idx.msk [tilespmem:v8+s23+$0x0], $0xffff;
	v8 =	vand.u32 $0x1F, v23  }
0x7e: {  	v23 =	vld.idx.msk [tilespmem:v18+s29+$0x0], $0xffff;
	v14 =	vmax.f32 v21, v24;
	v21 =	vmul.f32 $2.000000030e-01, v11;
	v13 =	vadd.f32 v16, v13  }
0x7f: {  	v24 =	vor.u32 v2, v8;
	v16 =	vld.idx.msk [tilespmem:v18+s31+$0x0], $0xffff;
	v14 =	vmul.f32 v14, v17  }
0x80: {  	v20 =	vadd.f32 v20, v9;
	v17 =	vld.idx.msk [tilespmem:v18+s0+$0x0], $0xffff;
	v11 =	vmax.f32 v11, v21;
	v18 =	vmul.f32 $2.000000030e-01, v13  }
0x81: {  	v9 =	vld.idx.msk [tilespmem:v7+s31+$0x0], $0xffff;
	v10 =	vadd.f32 v14, v10;
	v14 =	vmul.f32 v11, v19  }
0x82: {  	v11 =	vld.idx.msk [tilespmem:v12+s29+$0x0], $0xffff;
	v13 =	vmax.f32 v13, v18;
	v18 =	vmul.f32 $2.000000030e-01, v20  }
0x83: {  	v19 =	vld.idx.msk [tilespmem:v12+s31+$0x0], $0xffff;
	v10 =	vadd.f32 v14, v10;
	v14 =	vmul.f32 v13, v22  }
0x84: {  	v22 =	vld.idx.msk [tilespmem:v12+s0+$0x0], $0xffff;
	v12 =	vmax.f32 v20, v18  }
0x85: {  	v13 =	vld.idx.msk [tilespmem:v24+s31+$0x0], $0xffff;
	v10 =	vadd.f32 v14, v10;
	v12 =	vmul.f32 v12, v15  }
0x86: {  	v15 =	vld.idx.msk [tilespmem:v24+s0+$0x0], $0xffff  }
.Ltmp2:
0x87: {  	v18 =	vadd.s32 s13, v1;
	v14 =	vld.idx.msk [tilespmem:v7+s0+$0x0], $0xffff;
	v10 =	vadd.f32 v12, v10;
	(pc) =	sbr.rel @p1 .LBB2_9-.Ltmp2, $4  }
0x88: {  	s16 =	sadd.s32 $0x1, s13;
	s24 =	sadd.s32 $0x3, s13;
	v20 =	vadd.f32 v17, v16;
	v12 =	vand.u32 $0x1F, v18;
	v16 =	vld.idx.msk [tilespmem:v24+s29+$0x0], $0xffff  }
0x89: {  	v21 =	vadd.s32 s24, v1;
	v18 =	vor.u32 v2, v12;
	v24 =	vadd.s32 s16, v1;
	v17 =	vld.idx.msk [tilespmem:v4+s23+$0x0], $0xffff;
	v4 =	vmovc v12  }
0x8a: {  	s16 =	sadd.s32 $0x2, s13;
	v12 =	vand.u32 $0x1F, v21;
	v21 =	vadd.f32 v23, v20;
	v22 =	vadd.f32 v22, v19;
	v20 =	vld.idx.msk [tilespmem:v7+s29+$0x0], $0xffff  }
0x8b: {  	s13 =	sadd.s32 $0x4, s13;
	v23 =	vadd.s32 s16, v1;
	v7 =	vor.u32 v2, v12;
	v19 =	vld.idx.msk [tilespmem:v5+s23+$0x0], $0xffff;
	v5 =	vand.u32 $0x1F, v24  }
0x8c: {  	_ =	sdelay $0x3  }
0x8d: {  	v6 =	vld.idx.msk [tilespmem:v6+s23+$0x0], $0xffff  }
0x8e: {  	v24 =	vor.u32 v2, v5;
	v8 =	vld.idx.msk [tilespmem:v8+s23+$0x0], $0xffff  }
0x8f: {  	v25 =	vld.idx.msk [tilespmem:v18+s29+$0x0], $0xffff  }
0x90: {  	v23 =	vand.u32 $0x1F, v23;
	v26 =	vld.idx.msk [tilespmem:v18+s31+$0x0], $0xffff  }
0x91: {  	v49 =	vld.idx.msk [tilespmem:v18+s0+$0x0], $0xffff;
	v27 =	vor.u32 v2, v23  }
0x92: {  	v28 =	vld.idx.msk [tilespmem:v7+s31+$0x0], $0xffff  }
0x93: {  	v29 =	vld.idx.msk [tilespmem:v24+s29+$0x0], $0xffff  }
0x94: {  	v11 =	vadd.f32 v11, v22;
	v50 =	vmul.f32 $2.000000030e-01, v21;
	v13 =	vadd.f32 v15, v13;
	v51 =	vld.idx.msk [tilespmem:v24+s31+$0x0], $0xffff  }
0x95: {  	v9 =	vadd.f32 v14, v9;
	v52 =	vld.idx.msk [tilespmem:v24+s0+$0x0], $0xffff  }
0x96: {  	v21 =	vmax.f32 v21, v50;
	v53 =	vmul.f32 $2.000000030e-01, v11;
	v13 =	vadd.f32 v16, v13;
	v54 =	vld.idx.msk [tilespmem:v27+s31+$0x0], $0xffff  }
0x97: {  	v17 =	vmul.f32 v21, v17;
	v9 =	vadd.f32 v20, v9;
	v55 =	vld.idx.msk [tilespmem:v27+s0+$0x0], $0xffff  }
0x98: {  	v57 =	vld.idx.msk [tilespmem:v7+s0+$0x0], $0xffff;
	v11 =	vmax.f32 v11, v53;
	v56 =	vmul.f32 $2.000000030e-01, v13;
	v18 =	vadd.f32 v49, v26  }
0x99: {  	v10 =	vadd.f32 v17, v10;
	v11 =	vmul.f32 v11, v19;
	v58 =	vmul.f32 $2.000000030e-01, v9;
	v59 =	vld.idx.msk [tilespmem:v27+s29+$0x0], $0xffff  }
0x9a: {  	v4 =	vld.idx.msk [tilespmem:v4+s23+$0x0], $0xffff;
	v13 =	vmax.f32 v13, v56;
	v18 =	vadd.f32 v25, v18;
	v14 =	vadd.f32 v52, v51  }
0x9b: {  	v7 =	vld.idx.msk [tilespmem:v7+s29+$0x0], $0xffff;
	v10 =	vadd.f32 v11, v10;
	v8 =	vmul.f32 v13, v8;
	v9 =	vmax.f32 v9, v58  }
0x9c: {  	v5 =	vld.idx.msk [tilespmem:v5+s23+$0x0], $0xffff;
	v11 =	vmul.f32 $2.000000030e-01, v18;
	v61 =	vadd.f32 v55, v54;
	v60 =	vadd.f32 v29, v14  }
0x9d: {  	v6 =	vmul.f32 v9, v6;
	v9 =	vadd.f32 v57, v28;
	v8 =	vadd.f32 v8, v10  }
0x9e: {  	v10 =	vld.idx.msk [tilespmem:v23+s23+$0x0], $0xffff;
	v11 =	vmax.f32 v18, v11;
	v14 =	vadd.f32 v59, v61;
	v62 =	vmul.f32 $2.000000030e-01, v60  }
0x9f: {  	v6 =	vadd.f32 v6, v8;
	v4 =	vmul.f32 v11, v4  }
0xa0: {  	v7 =	vadd.f32 v7, v9;
	v8 =	vld.idx.msk [tilespmem:v12+s23+$0x0], $0xffff;
	v63 =	vmul.f32 $2.000000030e-01, v14;
	v11 =	vmax.f32 v60, v62  }
0xa1: {  	v4 =	vadd.f32 v4, v6;
	v5 =	vmul.f32 v11, v5  }
0xa2: {  	v9 =	vmul.f32 $2.000000030e-01, v7;
	v6 =	vmax.f32 v14, v63  }
0xa3: {  	v4 =	vadd.f32 v5, v4;
	v5 =	vmul.f32 v6, v10  }
0xa4: {  	v6 =	vmax.f32 v7, v9  }
0xa5: {  	v4 =	vadd.f32 v5, v4;
	v5 =	vmul.f32 v6, v8;
	_ =	sdelay $0x1  }
0xa6: {  	s13 =	simm.s32 $0x0;
	v4 =	vadd.f32 v5, v4  }
0xa7: {  	v5 =	vadd.s32 s13, v1  }
0xa8: {  	v6 =	vand.u32 $0x18, v5;
	v4 =	vmul.f32 $1.442695020e+00, v4  }
0xa9: {  	v5 =	vand.u32 $0x7, v5;
	v7 =	vor.u32 v2, v6  }
0xaa: {  	(erf) = vpow2.f32 v4;
	v4 =	vor.u32 v5, v7;
	_ =	sdelay $0x3  }
0xab: {  	v3 =	vmul.u32 $0x30, v3;
	s16 =	simm.s32 $0x1  }
0xac: {  	v7 =	vld.idx.msk [tilespmem:v4+s31+$0x0], $0xffff;
	v4 =	vadd.s32 s16, v1  }
0xad: {  	v6 =	vadd.s32 v3, v6;
	v8 =	vand.u32 $0x18, v4  }
0xae: {  	v5 =	vor.u32 v5, v6;
	v6 =	vand.u32 $0x7, v4;
	v4 =	vor.u32 v2, v8;
	_ =	sdelay $0x1  }
0xaf: {  	v9 =	vor.u32 v6, v4  }
0xb0: {  	v4 =	vpop (erf)  }
0xb1: {  	v7 =	vmul.f32 v7, v4;
	_ =	sdelay $0x1  }
0xb2: {  	s24 =	simm.s32 $0x2;
	[tilespmem:v5+s26+$0x0] =	vst.idx.msk $0xffff, v7  }
0xb3: {  	v7 =	vadd.s32 s24, v1;
	v5 =	vld.idx.msk [tilespmem:v9+s31+$0x0], $0xffff  }
0xb4: {  	v8 =	vadd.s32 v3, v8;
	v9 =	vand.u32 $0x18, v7  }
0xb5: {  	v6 =	vor.u32 v6, v8;
	v7 =	vand.u32 $0x7, v7;
	v8 =	vor.u32 v2, v9  }
0xb6: {  	v8 =	vor.u32 v7, v8;
	_ =	sdelay $0x1  }
0xb7: {  	v5 =	vmul.f32 v5, v4;
	_ =	sdelay $0x1  }
0xb8: {  	s28 =	simm.s32 $0x3;
	[tilespmem:v6+s26+$0x0] =	vst.idx.msk $0xffff, v5  }
0xb9: {  	v6 =	vadd.s32 s28, v1;
	v5 =	vld.idx.msk [tilespmem:v8+s31+$0x0], $0xffff  }
0xba: {  	v8 =	vadd.s32 v3, v9;
	v9 =	vand.u32 $0x18, v6  }
0xbb: {  	v6 =	vand.u32 $0x7, v6;
	v7 =	vor.u32 v7, v8;
	v8 =	vor.u32 v2, v9  }
0xbc: {  	v8 =	vor.u32 v6, v8;
	_ =	sdelay $0x1  }
0xbd: {  	v5 =	vmul.f32 v5, v4;
	_ =	sdelay $0x1  }
0xbe: {  	s13 =	simm.s32 $0x4;
	[tilespmem:v7+s26+$0x0] =	vst.idx.msk $0xffff, v5  }
0xbf: {  	v5 =	vadd.s32 v3, v9;
	v7 =	vadd.s32 s13, v1;
	v8 =	vld.idx.msk [tilespmem:v8+s31+$0x0], $0xffff  }
0xc0: {  	v6 =	vor.u32 v6, v5;
	v5 =	vand.u32 $0x18, v7  }
0xc1: {  	v9 =	vand.u32 $0x7, v7;
	v7 =	vor.u32 v2, v5  }
0xc2: {  	v7 =	vor.u32 v9, v7  }
0xc3: {  	v5 =	vadd.s32 v3, v5  }
0xc4: {  	s16 =	simm.s32 $0x8;
	v5 =	vor.u32 v9, v5;
	v8 =	vmul.f32 v8, v4  }
.LBB2_11:
0xc5: {  	_ = 	snop  }
0xc6: {  	p1 =	sne.s32 s16, $0x1C;
	s24 =	smov.u32 s16;
	s16 =	sadd.s32 $0x4, s16;
	[tilespmem:v6+s26+$0x0] =	vst.idx.msk $0xffff, v8  }
0xc7: {  	s28 =	sadd.s32 $0x1, s13;
	v6 =	vld.idx.msk [tilespmem:v7+s31+$0x0], $0xffff  }
0xc8: {  	v7 =	vadd.s32 s28, v1  }
0xc9: {  	v8 =	vand.u32 $0x18, v7  }
0xca: {  	v7 =	vand.u32 $0x7, v7;
	v9 =	vor.u32 v2, v8;
	v8 =	vadd.s32 v3, v8  }
0xcb: {  	v9 =	vor.u32 v7, v9;
	v7 =	vor.u32 v7, v8;
	_ =	sdelay $0x1  }
0xcc: {  	v6 =	vmul.f32 v6, v4;
	_ =	sdelay $0x1  }
0xcd: {  	[tilespmem:v5+s26+$0x0] =	vst.idx.msk $0xffff, v6  }
0xce: {  	s28 =	sadd.s32 $0x2, s13;
	v5 =	vld.idx.msk [tilespmem:v9+s31+$0x0], $0xffff  }
0xcf: {  	v6 =	vadd.s32 s28, v1  }
0xd0: {  	v8 =	vand.u32 $0x18, v6  }
0xd1: {  	v6 =	vand.u32 $0x7, v6;
	v9 =	vor.u32 v2, v8;
	v8 =	vadd.s32 v3, v8  }
0xd2: {  	v9 =	vor.u32 v6, v9;
	v8 =	vor.u32 v6, v8;
	_ =	sdelay $0x1  }
0xd3: {  	v5 =	vmul.f32 v5, v4;
	_ =	sdelay $0x1  }
0xd4: {  	[tilespmem:v7+s26+$0x0] =	vst.idx.msk $0xffff, v5  }
0xd5: {  	s28 =	sadd.s32 $0x3, s13;
	s13 =	smov.u32 s24;
	v5 =	vld.idx.msk [tilespmem:v9+s31+$0x0], $0xffff  }
0xd6: {  	v6 =	vadd.s32 s28, v1  }
0xd7: {  	v7 =	vand.u32 $0x18, v6  }
0xd8: {  	v6 =	vand.u32 $0x7, v6;
	v9 =	vor.u32 v2, v7;
	v7 =	vadd.s32 v3, v7  }
0xd9: {  	v9 =	vor.u32 v6, v9;
	v6 =	vor.u32 v6, v7;
	_ =	sdelay $0x1  }
0xda: {  	v5 =	vmul.f32 v5, v4;
	_ =	sdelay $0x1  }
0xdb: {  	[tilespmem:v8+s26+$0x0] =	vst.idx.msk $0xffff, v5  }
0xdc: {  	v8 =	vld.idx.msk [tilespmem:v9+s31+$0x0], $0xffff  }
0xdd: {  	v5 =	vadd.s32 s13, v1  }
.Ltmp3:
0xde: {  	v7 =	vand.u32 $0x18, v5;
	(pc) =	sbr.rel @p1 .LBB2_11-.Ltmp3, $3  }
0xdf: {  	v5 =	vand.u32 $0x7, v5;
	v9 =	vor.u32 v2, v7;
	v10 =	vadd.s32 v3, v7  }
0xe0: {  	v7 =	vor.u32 v5, v9;
	v5 =	vor.u32 v5, v10;
	_ =	sdelay $0x1  }
0xe1: {  	v8 =	vmul.f32 v8, v4  }
0xe2: {  	_ =	sdelay $0x3  }
0xe3: {  	s16 =	sadd.s32 $0x1, s13;
	[tilespmem:v6+s26+$0x0] =	vst.idx.msk $0xffff, v8  }
0xe4: {  	v55 =	vadd.s32 s16, v1;
	v6 =	vld.idx.msk [tilespmem:v7+s31+$0x0], $0xffff  }
0xe5: {  	v56 =	vand.u32 $0x18, v55  }
0xe6: {  	v7 =	vand.u32 $0x7, v55;
	v9 =	vor.u32 v2, v56  }
0xe7: {  	v9 =	vor.u32 v7, v9;
	_ =	sdelay $0x1  }
0xe8: {  	v6 =	vmul.f32 v6, v4;
	_ =	sdelay $0x1  }
0xe9: {  	s24 =	sadd.s32 $0x2, s13;
	[tilespmem:v5+s26+$0x0] =	vst.idx.msk $0xffff, v6  }
0xea: {  	v57 =	vadd.s32 s24, v1;
	v5 =	vld.idx.msk [tilespmem:v9+s31+$0x0], $0xffff  }
0xeb: {  	v58 =	vand.u32 $0x18, v57;
	v8 =	vadd.s32 v3, v56  }
0xec: {  	v59 =	vor.u32 v2, v58;
	v7 =	vor.u32 v7, v8;
	v6 =	vand.u32 $0x7, v57  }
0xed: {  	v8 =	vor.u32 v6, v59;
	_ =	sdelay $0x1  }
0xee: {  	v5 =	vmul.f32 v5, v4;
	_ =	sdelay $0x1  }
0xef: {  	s28 =	sadd.s32 $0x3, s13;
	[tilespmem:v7+s26+$0x0] =	vst.idx.msk $0xffff, v5  }
0xf0: {  	v60 =	vadd.s32 s28, v1;
	v5 =	vld.idx.msk [tilespmem:v8+s31+$0x0], $0xffff  }
0xf1: {  	v62 =	vand.u32 $0x18, v60;
	v61 =	vadd.s32 v3, v58  }
0xf2: {  	v2 =	vor.u32 v2, v62;
	v6 =	vor.u32 v6, v61;
	v7 =	vand.u32 $0x7, v60  }
0xf3: {  	v2 =	vor.u32 v7, v2;
	_ =	sdelay $0x1  }
0xf4: {  	v5 =	vmul.f32 v5, v4;
	_ =	sdelay $0x1  }
0xf5: {  	[tilespmem:v6+s26+$0x0] =	vst.idx.msk $0xffff, v5  }
0xf6: {  	v2 =	vld.idx.msk [tilespmem:v2+s31+$0x0], $0xffff  }
0xf7: {  	v63 =	vadd.s32 v3, v62  }
0xf8: {  	s14 =	sadd.s32 $0x1, s14;
	v5 =	vor.u32 v7, v63  }
0xf9: {  	p1 =	sne.s32 s14, $0x8;
	v3 =	vadd.s32 $0x20, v3  }
.Ltmp4:
0xfa: {  	_ = 	snop;
	(pc) =	sbr.rel @p1 .LBB2_8-.Ltmp4, $3  }
0xfb: {  	v2 =	vmul.f32 v2, v4;
	_ =	sdelay $0x1  }
0xfc: {  	[tilespmem:v5+s26+$0x0] =	vst.idx.msk $0xffff, v2  }
0xfd: {  	[tilespmem:v3+s26+$0x0] =	vst.idx.msk $0xffff, v4  }
0xfe: {  	s13 =	sshll.u32 s18, $0x8  }
0xff: {  	s14 =	sand.u32 $0x3FFFFF00, s13  }
0x100: {  	s1 =	rddreg [dreg:$0x1];
	s24 =	smin.u32 s21, $0x9D;
	s13 =	sadd.s32 $0xC800, s14  }
0x101: {  	[spmem:s1] =	stream.indirect.scatter.add.f32 [tilespmem:s26], [sflag:$0x7], $0x30, s13, s30, $0xb8;
	[tilespmem:$0x1C020] =	vst v63  }
0x102: {  	s13 =	sshll.u32 s24, $0x7  }
0x103: {  	s16 =	sadd.s32 s10, s13  }
0x104: {  	s16 =	sadd.s32 $0x100, s16  }
0x105: {  	s16 =	smin.u32 s16, $0x4E180  }
0x106: {  	s16 =	sshll.u32 s16, $0x5  }
0x107: {  	s16 =	sadd.s32 s17, s16  }
0x108: {  	s16 =	sshrl.u32 s16, $0x3  }
0x109: {  	s16 =	sadd.s32 s6, s16  }
0x10a: {  	[tilespmem:s29], [sflag:$0x1] =	stream.linear.gather [hbm4b:s16+s3], $0x1000, $0x38;
	[tilespmem:$0x1C020] =	vst v63  }
0x10b: {  	s28 =	sadd.s32 $0x7900, s13  }
0x10c: {  	[tilespmem:s31], [sflag:$0x3] =	stream.indirect.gather [hbm4b:s19+s30], $0x20, s28, s30, $0xb8;
	[tilespmem:$0x1C020] =	vst v63  }
0x10d: {  	s13 =	sadd.s32 $0xC900, s13  }
0x10e: {  	[tilespmem:s0], [sflag:$0x5] =	stream.indirect.gather [hbm4b:s20+s30], $0x20, s13, s30, $0xb8;
	[tilespmem:$0x1C020] =	vst v63  }
0x10f: {  	_ =	swait.ge [sflag:s4], $0x1000  }
0x110: {  	[sflag:s4] =	ssyncset.done $0x0  }
0x111: {  	[sflag:s4] =	ssyncadd.s32 $0xFFFFF000  }
0x112: {  	_ =	swait.ge [sflag:s5], $0x1000  }
0x113: {  	[sflag:s5] =	ssyncset.done $0x0  }
0x114: {  	[sflag:s5] =	ssyncadd.s32 $0xFFFFF000  }
0x115: {  	_ =	swait.ge [sflag:s7], $0x1000  }
0x116: {  	[sflag:s7] =	ssyncset.done $0x0  }
0x117: {  	s13 =	simm.s32 @!p0 $0x8;
	[sflag:s7] =	ssyncadd.s32 $0xFFFFF000  }
0x118: {  	_ =	swait.ge @!p0 [sflag:s13], $0x1800  }
0x119: {  	[sflag:s13] =	ssyncset.done @!p0 $0x0  }
0x11a: {  	s16 =	simm.s32 $0x0;
	[sflag:s13] =	ssyncadd.s32 @!p0 $0xFFFFE800;
	s13 =	simm.s32 $0x0  }
.LBB2_14:
0x11b: {  	s24 =	sshll.u32 s13, $0x4;
	s28 =	simm.s32 $0x1  }
0x11c: {  	v4 =	vadd.s32 s16, v1;
	v3 =	vor.u32 s24, v1;
	v7 =	vadd.s32 s28, v1  }
0x11d: {  	v5 =	vand.u32 $0x1F, v4;
	v2 =	vshll.u32 v3, $0x5;
	v19 =	vand.u32 $0x1F, v7  }
0x11e: {  	s1 =	simm.s32 $0x3;
	v4 =	vor.u32 v2, v5  }
0x11f: {  	v6 =	vadd.s32 s1, v1  }
0x120: {  	v6 =	vand.u32 $0x1F, v6  }
0x121: {  	v7 =	vor.u32 v2, v6  }
0x122: {  	s15 =	simm.s32 $0x2;
	v10 =	vor.u32 v2, v19;
	v19 =	vld.idx.msk [tilespmem:v19+s23+$0x0], $0xffff  }
0x123: {  	v8 =	vadd.s32 s15, v1;
	v20 =	vld.idx.msk [tilespmem:v4+s8+$0x0], $0xffff  }
0x124: {  	v8 =	vand.u32 $0x1F, v8;
	v12 =	vld.idx.msk [tilespmem:v4+s11+$0x0], $0xffff  }
0x125: {  	v16 =	vor.u32 v2, v8;
	v17 =	vld.idx.msk [tilespmem:v4+s2+$0x0], $0xffff  }
0x126: {  	v9 =	vld.idx.msk [tilespmem:v7+s11+$0x0], $0xffff  }
0x127: {  	v11 =	vld.idx.msk [tilespmem:v10+s8+$0x0], $0xffff  }
0x128: {  	v22 =	vld.idx.msk [tilespmem:v10+s11+$0x0], $0xffff  }
0x129: {  	v23 =	vld.idx.msk [tilespmem:v10+s2+$0x0], $0xffff  }
0x12a: {  	s28 =	simm.s32 $0x4;
	v13 =	vld.idx.msk [tilespmem:v16+s11+$0x0], $0xffff  }
0x12b: {  	s1 =	simm.s32 $0x5;
	v15 =	vld.idx.msk [tilespmem:v16+s2+$0x0], $0xffff;
	v4 =	vadd.s32 s28, v1  }
0x12c: {  	s15 =	simm.s32 $0x7;
	v24 =	vadd.s32 s1, v1;
	v14 =	vld.idx.msk [tilespmem:v7+s2+$0x0], $0xffff;
	v4 =	vand.u32 $0x1F, v4;
	v21 =	vadd.f32 v17, v12  }
0x12d: {  	v10 =	vimm.f32 $0.0e+00;
	v16 =	vld.idx.msk [tilespmem:v16+s8+$0x0], $0xffff;
	v18 =	vor.u32 v2, v4;
	v12 =	vadd.s32 s15, v1  }
0x12e: {  	s28 =	simm.s32 $0x6;
	v17 =	vld.idx.msk [tilespmem:v5+s23+$0x0], $0xffff;
	v22 =	vadd.f32 v23, v22;
	v12 =	vand.u32 $0x1F, v12;
	v21 =	vadd.f32 v20, v21  }
0x12f: {  	s24 =	simm.s32 $0x8;
	v5 =	vand.u32 $0x1F, v24;
	v23 =	vadd.s32 s28, v1;
	v20 =	vld.idx.msk [tilespmem:v7+s8+$0x0], $0xffff;
	v7 =	vor.u32 v2, v12  }
.LBB2_15:
0x130: {  	p0 =	sne.s32 s24, $0x1C;
	v24 =	vmul.f32 $2.000000030e-01, v21;
	v11 =	vadd.f32 v11, v22;
	v13 =	vadd.f32 v15, v13;
	v15 =	vld.idx.msk [tilespmem:v6+s23+$0x0], $0xffff;
	v6 =	vmovc v12  }
0x131: {  	v12 =	vor.u32 v2, v5;
	v9 =	vadd.f32 v14, v9;
	v22 =	vld.idx.msk [tilespmem:v8+s23+$0x0], $0xffff;
	v8 =	vand.u32 $0x1F, v23  }
0x132: {  	v23 =	vld.idx.msk [tilespmem:v18+s8+$0x0], $0xffff;
	v14 =	vmax.f32 v21, v24;
	v21 =	vmul.f32 $2.000000030e-01, v11;
	v13 =	vadd.f32 v16, v13  }
0x133: {  	v24 =	vor.u32 v2, v8;
	v16 =	vld.idx.msk [tilespmem:v18+s11+$0x0], $0xffff;
	v14 =	vmul.f32 v14, v17  }
0x134: {  	v20 =	vadd.f32 v20, v9;
	v17 =	vld.idx.msk [tilespmem:v18+s2+$0x0], $0xffff;
	v11 =	vmax.f32 v11, v21;
	v18 =	vmul.f32 $2.000000030e-01, v13  }
0x135: {  	v9 =	vld.idx.msk [tilespmem:v7+s11+$0x0], $0xffff;
	v10 =	vadd.f32 v14, v10;
	v14 =	vmul.f32 v11, v19  }
0x136: {  	v11 =	vld.idx.msk [tilespmem:v12+s8+$0x0], $0xffff;
	v13 =	vmax.f32 v13, v18;
	v18 =	vmul.f32 $2.000000030e-01, v20  }
0x137: {  	v19 =	vld.idx.msk [tilespmem:v12+s11+$0x0], $0xffff;
	v10 =	vadd.f32 v14, v10;
	v14 =	vmul.f32 v13, v22  }
0x138: {  	v22 =	vld.idx.msk [tilespmem:v12+s2+$0x0], $0xffff;
	v12 =	vmax.f32 v20, v18  }
0x139: {  	v13 =	vld.idx.msk [tilespmem:v24+s11+$0x0], $0xffff;
	v10 =	vadd.f32 v14, v10;
	v12 =	vmul.f32 v12, v15  }
0x13a: {  	v15 =	vld.idx.msk [tilespmem:v24+s2+$0x0], $0xffff  }
.Ltmp5:
0x13b: {  	v18 =	vadd.s32 s24, v1;
	v14 =	vld.idx.msk [tilespmem:v7+s2+$0x0], $0xffff;
	v10 =	vadd.f32 v12, v10;
	(pc) =	sbr.rel @p0 .LBB2_15-.Ltmp5, $4  }
0x13c: {  	s28 =	sadd.s32 $0x1, s24;
	s15 =	sadd.s32 $0x3, s24;
	v20 =	vadd.f32 v17, v16;
	v12 =	vand.u32 $0x1F, v18;
	v16 =	vld.idx.msk [tilespmem:v24+s8+$0x0], $0xffff  }
0x13d: {  	v21 =	vadd.s32 s15, v1;
	v18 =	vor.u32 v2, v12;
	v24 =	vadd.s32 s28, v1;
	v17 =	vld.idx.msk [tilespmem:v4+s23+$0x0], $0xffff;
	v4 =	vmovc v12  }
0x13e: {  	s15 =	sadd.s32 $0x2, s24;
	v12 =	vand.u32 $0x1F, v21;
	v21 =	vadd.f32 v23, v20;
	v22 =	vadd.f32 v22, v19;
	v20 =	vld.idx.msk [tilespmem:v7+s8+$0x0], $0xffff  }
0x13f: {  	s24 =	sadd.s32 $0x4, s24;
	v23 =	vadd.s32 s15, v1;
	v7 =	vor.u32 v2, v12;
	v19 =	vld.idx.msk [tilespmem:v5+s23+$0x0], $0xffff;
	v5 =	vand.u32 $0x1F, v24  }
0x140: {  	_ =	sdelay $0x3  }
0x141: {  	v6 =	vld.idx.msk [tilespmem:v6+s23+$0x0], $0xffff  }
0x142: {  	v24 =	vor.u32 v2, v5;
	v8 =	vld.idx.msk [tilespmem:v8+s23+$0x0], $0xffff  }
0x143: {  	v25 =	vld.idx.msk [tilespmem:v18+s8+$0x0], $0xffff  }
0x144: {  	v23 =	vand.u32 $0x1F, v23;
	v26 =	vld.idx.msk [tilespmem:v18+s11+$0x0], $0xffff  }
0x145: {  	v49 =	vld.idx.msk [tilespmem:v18+s2+$0x0], $0xffff;
	v27 =	vor.u32 v2, v23  }
0x146: {  	v28 =	vld.idx.msk [tilespmem:v7+s11+$0x0], $0xffff  }
0x147: {  	v29 =	vld.idx.msk [tilespmem:v24+s8+$0x0], $0xffff  }
0x148: {  	v11 =	vadd.f32 v11, v22;
	v50 =	vmul.f32 $2.000000030e-01, v21;
	v13 =	vadd.f32 v15, v13;
	v51 =	vld.idx.msk [tilespmem:v24+s11+$0x0], $0xffff  }
0x149: {  	v9 =	vadd.f32 v14, v9;
	v52 =	vld.idx.msk [tilespmem:v24+s2+$0x0], $0xffff  }
0x14a: {  	v21 =	vmax.f32 v21, v50;
	v53 =	vmul.f32 $2.000000030e-01, v11;
	v13 =	vadd.f32 v16, v13;
	v54 =	vld.idx.msk [tilespmem:v27+s11+$0x0], $0xffff  }
0x14b: {  	v17 =	vmul.f32 v21, v17;
	v9 =	vadd.f32 v20, v9;
	v55 =	vld.idx.msk [tilespmem:v27+s2+$0x0], $0xffff  }
0x14c: {  	v57 =	vld.idx.msk [tilespmem:v7+s2+$0x0], $0xffff;
	v11 =	vmax.f32 v11, v53;
	v56 =	vmul.f32 $2.000000030e-01, v13;
	v18 =	vadd.f32 v49, v26  }
0x14d: {  	v10 =	vadd.f32 v17, v10;
	v11 =	vmul.f32 v11, v19;
	v58 =	vmul.f32 $2.000000030e-01, v9;
	v59 =	vld.idx.msk [tilespmem:v27+s8+$0x0], $0xffff  }
0x14e: {  	v4 =	vld.idx.msk [tilespmem:v4+s23+$0x0], $0xffff;
	v13 =	vmax.f32 v13, v56;
	v18 =	vadd.f32 v25, v18;
	v14 =	vadd.f32 v52, v51  }
0x14f: {  	v7 =	vld.idx.msk [tilespmem:v7+s8+$0x0], $0xffff;
	v10 =	vadd.f32 v11, v10;
	v8 =	vmul.f32 v13, v8;
	v9 =	vmax.f32 v9, v58  }
0x150: {  	v5 =	vld.idx.msk [tilespmem:v5+s23+$0x0], $0xffff;
	v11 =	vmul.f32 $2.000000030e-01, v18;
	v61 =	vadd.f32 v55, v54;
	v60 =	vadd.f32 v29, v14  }
0x151: {  	v6 =	vmul.f32 v9, v6;
	v9 =	vadd.f32 v57, v28;
	v8 =	vadd.f32 v8, v10  }
0x152: {  	v10 =	vld.idx.msk [tilespmem:v23+s23+$0x0], $0xffff;
	v11 =	vmax.f32 v18, v11;
	v14 =	vadd.f32 v59, v61;
	v62 =	vmul.f32 $2.000000030e-01, v60  }
0x153: {  	v6 =	vadd.f32 v6, v8;
	v4 =	vmul.f32 v11, v4  }
0x154: {  	v7 =	vadd.f32 v7, v9;
	v8 =	vld.idx.msk [tilespmem:v12+s23+$0x0], $0xffff;
	v63 =	vmul.f32 $2.000000030e-01, v14;
	v11 =	vmax.f32 v60, v62  }
0x155: {  	v4 =	vadd.f32 v4, v6;
	v5 =	vmul.f32 v11, v5  }
0x156: {  	v9 =	vmul.f32 $2.000000030e-01, v7;
	v6 =	vmax.f32 v14, v63  }
0x157: {  	v4 =	vadd.f32 v5, v4;
	v5 =	vmul.f32 v6, v10  }
0x158: {  	v6 =	vmax.f32 v7, v9  }
0x159: {  	v4 =	vadd.f32 v5, v4;
	v5 =	vmul.f32 v6, v8;
	_ =	sdelay $0x1  }
0x15a: {  	s15 =	simm.s32 $0x0;
	v4 =	vadd.f32 v5, v4  }
0x15b: {  	v5 =	vadd.s32 s15, v1  }
0x15c: {  	v6 =	vand.u32 $0x18, v5;
	v4 =	vmul.f32 $1.442695020e+00, v4  }
0x15d: {  	v5 =	vand.u32 $0x7, v5;
	v7 =	vor.u32 v2, v6  }
0x15e: {  	(erf) = vpow2.f32 v4;
	v4 =	vor.u32 v5, v7;
	_ =	sdelay $0x3  }
0x15f: {  	v3 =	vmul.u32 $0x30, v3;
	s24 =	simm.s32 $0x1  }
0x160: {  	v7 =	vld.idx.msk [tilespmem:v4+s11+$0x0], $0xffff;
	v4 =	vadd.s32 s24, v1  }
0x161: {  	v6 =	vadd.s32 v3, v6;
	v8 =	vand.u32 $0x18, v4  }
0x162: {  	v5 =	vor.u32 v5, v6;
	v6 =	vand.u32 $0x7, v4;
	v4 =	vor.u32 v2, v8;
	_ =	sdelay $0x1  }
0x163: {  	v9 =	vor.u32 v6, v4  }
0x164: {  	v4 =	vpop (erf)  }
0x165: {  	v7 =	vmul.f32 v7, v4;
	_ =	sdelay $0x1  }
0x166: {  	s1 =	simm.s32 $0x2;
	[tilespmem:v5+s12+$0x0] =	vst.idx.msk $0xffff, v7  }
0x167: {  	v7 =	vadd.s32 s1, v1;
	v5 =	vld.idx.msk [tilespmem:v9+s11+$0x0], $0xffff  }
0x168: {  	v8 =	vadd.s32 v3, v8;
	v9 =	vand.u32 $0x18, v7  }
0x169: {  	v6 =	vor.u32 v6, v8;
	v7 =	vand.u32 $0x7, v7;
	v8 =	vor.u32 v2, v9  }
0x16a: {  	v8 =	vor.u32 v7, v8;
	_ =	sdelay $0x1  }
0x16b: {  	v5 =	vmul.f32 v5, v4;
	_ =	sdelay $0x1  }
0x16c: {  	s24 =	simm.s32 $0x3;
	[tilespmem:v6+s12+$0x0] =	vst.idx.msk $0xffff, v5  }
0x16d: {  	v6 =	vadd.s32 s24, v1;
	v5 =	vld.idx.msk [tilespmem:v8+s11+$0x0], $0xffff  }
0x16e: {  	v8 =	vadd.s32 v3, v9;
	v9 =	vand.u32 $0x18, v6  }
0x16f: {  	v6 =	vand.u32 $0x7, v6;
	v7 =	vor.u32 v7, v8;
	v8 =	vor.u32 v2, v9  }
0x170: {  	v8 =	vor.u32 v6, v8;
	_ =	sdelay $0x1  }
0x171: {  	v5 =	vmul.f32 v5, v4;
	_ =	sdelay $0x1  }
0x172: {  	s28 =	simm.s32 $0x4;
	[tilespmem:v7+s12+$0x0] =	vst.idx.msk $0xffff, v5  }
0x173: {  	v5 =	vadd.s32 v3, v9;
	v7 =	vadd.s32 s28, v1;
	v8 =	vld.idx.msk [tilespmem:v8+s11+$0x0], $0xffff  }
0x174: {  	v6 =	vor.u32 v6, v5;
	v5 =	vand.u32 $0x18, v7  }
0x175: {  	v9 =	vand.u32 $0x7, v7;
	v7 =	vor.u32 v2, v5  }
0x176: {  	v7 =	vor.u32 v9, v7  }
0x177: {  	v5 =	vadd.s32 v3, v5  }
0x178: {  	s24 =	simm.s32 $0x8;
	v5 =	vor.u32 v9, v5;
	v8 =	vmul.f32 v8, v4  }
.LBB2_17:
0x179: {  	_ = 	snop  }
0x17a: {  	p0 =	sne.s32 s24, $0x1C;
	s15 =	smov.u32 s24;
	s24 =	sadd.s32 $0x4, s24;
	[tilespmem:v6+s12+$0x0] =	vst.idx.msk $0xffff, v8  }
0x17b: {  	s1 =	sadd.s32 $0x1, s28;
	v6 =	vld.idx.msk [tilespmem:v7+s11+$0x0], $0xffff  }
0x17c: {  	v7 =	vadd.s32 s1, v1  }
0x17d: {  	v8 =	vand.u32 $0x18, v7  }
0x17e: {  	v7 =	vand.u32 $0x7, v7;
	v9 =	vor.u32 v2, v8;
	v8 =	vadd.s32 v3, v8  }
0x17f: {  	v9 =	vor.u32 v7, v9;
	v7 =	vor.u32 v7, v8;
	_ =	sdelay $0x1  }
0x180: {  	v6 =	vmul.f32 v6, v4;
	_ =	sdelay $0x1  }
0x181: {  	[tilespmem:v5+s12+$0x0] =	vst.idx.msk $0xffff, v6  }
0x182: {  	s1 =	sadd.s32 $0x2, s28;
	v5 =	vld.idx.msk [tilespmem:v9+s11+$0x0], $0xffff  }
0x183: {  	v6 =	vadd.s32 s1, v1  }
0x184: {  	v8 =	vand.u32 $0x18, v6  }
0x185: {  	v6 =	vand.u32 $0x7, v6;
	v9 =	vor.u32 v2, v8;
	v8 =	vadd.s32 v3, v8  }
0x186: {  	v9 =	vor.u32 v6, v9;
	v8 =	vor.u32 v6, v8;
	_ =	sdelay $0x1  }
0x187: {  	v5 =	vmul.f32 v5, v4;
	_ =	sdelay $0x1  }
0x188: {  	[tilespmem:v7+s12+$0x0] =	vst.idx.msk $0xffff, v5  }
0x189: {  	s1 =	sadd.s32 $0x3, s28;
	s28 =	smov.u32 s15;
	v5 =	vld.idx.msk [tilespmem:v9+s11+$0x0], $0xffff  }
0x18a: {  	v6 =	vadd.s32 s1, v1  }
0x18b: {  	v7 =	vand.u32 $0x18, v6  }
0x18c: {  	v6 =	vand.u32 $0x7, v6;
	v9 =	vor.u32 v2, v7;
	v7 =	vadd.s32 v3, v7  }
0x18d: {  	v9 =	vor.u32 v6, v9;
	v6 =	vor.u32 v6, v7;
	_ =	sdelay $0x1  }
0x18e: {  	v5 =	vmul.f32 v5, v4;
	_ =	sdelay $0x1  }
0x18f: {  	[tilespmem:v8+s12+$0x0] =	vst.idx.msk $0xffff, v5  }
0x190: {  	v8 =	vld.idx.msk [tilespmem:v9+s11+$0x0], $0xffff  }
0x191: {  	v5 =	vadd.s32 s28, v1  }
.Ltmp6:
0x192: {  	v7 =	vand.u32 $0x18, v5;
	(pc) =	sbr.rel @p0 .LBB2_17-.Ltmp6, $3  }
0x193: {  	v5 =	vand.u32 $0x7, v5;
	v9 =	vor.u32 v2, v7;
	v10 =	vadd.s32 v3, v7  }
0x194: {  	v7 =	vor.u32 v5, v9;
	v5 =	vor.u32 v5, v10;
	_ =	sdelay $0x1  }
0x195: {  	v8 =	vmul.f32 v8, v4  }
0x196: {  	_ =	sdelay $0x3  }
0x197: {  	s1 =	sadd.s32 $0x1, s28;
	[tilespmem:v6+s12+$0x0] =	vst.idx.msk $0xffff, v8  }
0x198: {  	v55 =	vadd.s32 s1, v1;
	v6 =	vld.idx.msk [tilespmem:v7+s11+$0x0], $0xffff  }
0x199: {  	v56 =	vand.u32 $0x18, v55  }
0x19a: {  	v7 =	vand.u32 $0x7, v55;
	v9 =	vor.u32 v2, v56  }
0x19b: {  	v9 =	vor.u32 v7, v9;
	_ =	sdelay $0x1  }
0x19c: {  	v6 =	vmul.f32 v6, v4;
	_ =	sdelay $0x1  }
0x19d: {  	s24 =	sadd.s32 $0x2, s28;
	[tilespmem:v5+s12+$0x0] =	vst.idx.msk $0xffff, v6  }
0x19e: {  	v57 =	vadd.s32 s24, v1;
	v5 =	vld.idx.msk [tilespmem:v9+s11+$0x0], $0xffff  }
0x19f: {  	v58 =	vand.u32 $0x18, v57;
	v8 =	vadd.s32 v3, v56  }
0x1a0: {  	v59 =	vor.u32 v2, v58;
	v7 =	vor.u32 v7, v8;
	v6 =	vand.u32 $0x7, v57  }
0x1a1: {  	v8 =	vor.u32 v6, v59;
	_ =	sdelay $0x1  }
0x1a2: {  	v5 =	vmul.f32 v5, v4;
	_ =	sdelay $0x1  }
0x1a3: {  	s28 =	sadd.s32 $0x3, s28;
	[tilespmem:v7+s12+$0x0] =	vst.idx.msk $0xffff, v5  }
0x1a4: {  	v60 =	vadd.s32 s28, v1;
	v5 =	vld.idx.msk [tilespmem:v8+s11+$0x0], $0xffff  }
0x1a5: {  	v62 =	vand.u32 $0x18, v60;
	v61 =	vadd.s32 v3, v58  }
0x1a6: {  	v2 =	vor.u32 v2, v62;
	v6 =	vor.u32 v6, v61;
	v7 =	vand.u32 $0x7, v60  }
0x1a7: {  	v2 =	vor.u32 v7, v2;
	_ =	sdelay $0x1  }
0x1a8: {  	v5 =	vmul.f32 v5, v4;
	_ =	sdelay $0x1  }
0x1a9: {  	[tilespmem:v6+s12+$0x0] =	vst.idx.msk $0xffff, v5  }
0x1aa: {  	v2 =	vld.idx.msk [tilespmem:v2+s11+$0x0], $0xffff  }
0x1ab: {  	v63 =	vadd.s32 v3, v62  }
0x1ac: {  	s13 =	sadd.s32 $0x1, s13;
	v5 =	vor.u32 v7, v63  }
0x1ad: {  	p0 =	sne.s32 s13, $0x8;
	v3 =	vadd.s32 $0x20, v3  }
.Ltmp7:
0x1ae: {  	_ = 	snop;
	(pc) =	sbr.rel @p0 .LBB2_14-.Ltmp7, $3  }
0x1af: {  	v2 =	vmul.f32 v2, v4;
	_ =	sdelay $0x1  }
0x1b0: {  	[tilespmem:v5+s12+$0x0] =	vst.idx.msk $0xffff, v2  }
0x1b1: {  	[tilespmem:v3+s12+$0x0] =	vst.idx.msk $0xffff, v4  }
0x1b2: {  	s1 =	sadd.s32 $0xC880, s14;
	s13 =	rddreg [dreg:$0x1];
	s21 =	smin.u32 s21, $0x9C  }
0x1b3: {  	[spmem:s13] =	stream.indirect.scatter.add.f32 [tilespmem:s12], [sflag:$0x8], $0x30, s1, s30, $0xb8;
	[tilespmem:$0x1C020] =	vst v63  }
0x1b4: {  	s1 =	sshll.u32 s21, $0x7  }
0x1b5: {  	s24 =	sadd.s32 s10, s1  }
0x1b6: {  	s13 =	sadd.s32 $0x180, s24  }
0x1b7: {  	s13 =	smin.u32 s13, $0x4E180  }
0x1b8: {  	s13 =	sshll.u32 s13, $0x5  }
0x1b9: {  	s13 =	sadd.s32 s17, s13  }
0x1ba: {  	s18 =	sadd.s32 $0x1, s18;
	s13 =	sshrl.u32 s13, $0x3  }
0x1bb: {  	p0 =	sne.s32 s18, $0x50;
	s13 =	sadd.s32 s6, s13  }
0x1bc: {  	[tilespmem:s8], [sflag:$0x2] =	stream.linear.gather [hbm4b:s13+s3], $0x1000, $0x38;
	[tilespmem:$0x1C020] =	vst v63  }
.Ltmp8:
0x1bd: {  	_ = 	snop;
	(pc) =	sbr.rel @p0 .LBB2_7-.Ltmp8, $4  }
0x1be: {  	s28 =	sadd.s32 $0x7980, s1  }
0x1bf: {  	[tilespmem:s11], [sflag:$0x4] =	stream.indirect.gather [hbm4b:s19+s30], $0x20, s28, s30, $0xb8;
	[tilespmem:$0x1C020] =	vst v63  }
0x1c0: {  	s1 =	sadd.s32 $0xC980, s1  }
0x1c1: {  	[tilespmem:s2], [sflag:$0x6] =	stream.indirect.gather [hbm4b:s20+s30], $0x20, s1, s30, $0xb8;
	[tilespmem:$0x1C020] =	vst v63  }
0x1c2: {  	s1 =	simm.s32 $0x7  }
0x1c3: {  	_ =	swait.ge [sflag:s1], $0x1800  }
0x1c4: {  	[sflag:s1] =	ssyncset.done $0x0  }
0x1c5: {  	[sflag:s1] =	ssyncadd.s32 $0xFFFFE800  }
0x1c6: {  	_ =	swait.ge [sflag:s9], $0x1000  }
0x1c7: {  	[sflag:s9] =	ssyncset.done $0x0  }
0x1c8: {  	[sflag:s9] =	ssyncadd.s32 $0xFFFFF000  }
0x1c9: {  	_ =	swait.ge [sflag:s22], $0x1000  }
0x1ca: {  	[sflag:s22] =	ssyncset.done $0x0  }
0x1cb: {  	[sflag:s22] =	ssyncadd.s32 $0xFFFFF000  }
0x1cc: {  	_ =	swait.ge [sflag:s25], $0x1000  }
0x1cd: {  	[sflag:s25] =	ssyncset.done $0x0  }
0x1ce: {  	s20 =	simm.s32 $0x8;
	[sflag:s25] =	ssyncadd.s32 $0xFFFFF000  }
0x1cf: {  	_ =	swait.ge [sflag:s20], $0x1800  }
0x1d0: {  	[sflag:s20] =	ssyncset.done $0x0  }
0x1d1: {  	[sflag:s20] =	ssyncadd.s32 $0xFFFFE800  }
0x1d2: {  	_ =	swait.ge [sflag:s4], $0x1000  }
0x1d3: {  	[sflag:s4] =	ssyncset.done $0x0  }
0x1d4: {  	[sflag:s4] =	ssyncadd.s32 $0xFFFFF000  }
0x1d5: {  	_ =	swait.ge [sflag:s5], $0x1000  }
0x1d6: {  	[sflag:s5] =	ssyncset.done $0x0  }
0x1d7: {  	[sflag:s5] =	ssyncadd.s32 $0xFFFFF000  }
0x1d8: {  	s24 =	stileid.u32;
	_ =	swait.ge [sflag:s7], $0x1000  }
0x1d9: {  	s18 =	simm.s32 $0x9;
	s15 =	rddreg [dreg:$0x15];
	[sflag:s7] =	ssyncset.done $0x0  }
0x1da: {  	s21 =	smul.u32 $0x78000, s15;
	[sflag:s7] =	ssyncadd.s32 $0xFFFFF000;
	s15 =	sadd.s32 $0x1, s15  }
0x1db: {  	s13 =	rddreg [dreg:$0x12];
	[bflag:$0x0] =	sbarrier.arrive $0xFFFF;
	p0 =	sne.s32 s15, $0x8  }
0x1dc: {  	s1 =	sadd.s32 s21, s13;
	s13 =	sshll.u32 s24, $0x6;
	s14 =	rddreg [dreg:$0x5]  }
0x1dd: {  	s17 =	rddreg [dreg:$0xa];
	s1 =	sshrl.u32 s1, $0x3;
	s13 =	sor.u32 $0x1C09, s13  }
.Ltmp9:
0x1de: {  	s28 =	sshrl.u32 s17, $0x3;
	s1 =	sadd.s32 s14, s1;
	(pc) =	sbr.rel @p0 .LBB2_6-.Ltmp9, $4  }
0x1df: {  	[hbm:s1], [sflag:s13] =	dma.local [spmem:s28], $0xF00  }
0x1e0: {  	_ =	swait.ge [sflag:s18], $0xF00  }
0x1e1: {  	[sflag:s18] =	ssyncset.done $0x0  }
0x1e2: {  	[sflag:s18] =	ssyncadd.s32 $0xFFFFF100  }
0x1e3: {  	s3 =	rddreg [dreg:$0x14]  }
0x1e4: {  	s1 =	rddreg [dreg:$0x13];
	s3 =	sadd.s32 $0x1, s3  }
0x1e5: {  	p0 =	sne.s32 s3, s1  }
.Ltmp10:
0x1e6: {  	_ = 	snop;
	(pc) =	sbr.rel @p0 .LBB2_1-.Ltmp10, $1  }
0x1e7: {  	_ =	sdelay $0x3  }
0x1e8: {  	_ =	sfence.sel $0x180000  }
0x1e9: {  	[bflag:$0x0] =	sbarrier.arrive $0xFFFF  }
0x1ea: {  	_ =	strace $0x9000004A  }
0x1eb: {  	s0 =	stileid.u32;
	[bflag:$0x2] =	sbarrier.arrive $0xFFFF  }
0x1ec: {  	p0 =	sne.s32 s0, $0x0;
	s0 =	rddreg [dreg:$0x2]  }
0x1ed: {  	s0 =	sadd.s32 @!p0 $0x100000, s0  }
0x1ee: {  	[sflag:s0] =	ssyncadd.tile.s32 @!p0 $0x1;
	_ =	shalt  }
.Lfunc_end2:
_tile_overlayer_lowered:
.L_overlay_start_2:
0x1ef: {  	(tag) =	ssettag $0x2  }
0x1f0: {  	s0 =	rddreg [dreg:$0x0];
	s2 =	stileid.u32  }
0x1f1: {  	s1 =	rddreg [dreg:$0x1];
	p0 =	sne.s32 s2, $0x0  }
0x1f2: {  	s3 =	rddreg [dreg:$0x2];
	[bflag:$0x3] =	sbarrier.arrive $0xFFFF;
	s2 =	simm.s32 @!p0 $0x1C09  }
0x1f3: {  	[timem:s3], [sflag:s2] =	dma.local @!p0 [hbm:s0], s1  }
0x1f4: {  	s0 =	simm.s32 @!p0 $0x9  }
0x1f5: {  	_ =	swait.ge @!p0 [sflag:s0], s1  }
0x1f6: {  	s1 =	ssub.s32 @!p0 $0x0, s1;
	[sflag:s0] =	ssyncset.done @!p0 $0x0  }
0x1f7: {  	[sflag:s0] =	ssyncadd.s32 @!p0 s1  }
0x1f8: {  	[bflag:$0x3] =	sbarrier.arrive $0xFFFF  }
0x1f9: {  	_ =	shalt  }

// kernel: kernel.9.cloned.1.call-start
scs
__scs_entry_jumppad:
0x0: {  	(pc) =	sbr.rel $0x88, $3  }
0x1: {  	(tag) =	ssettag $0x0;
	lr =	simm.s32 $0x1  }
0x2: {  	[smem:$0x3F8E] =	sst lr;
	_ =	strace $0xD0000000  }
0x3: {  	_ = 	snop  }
0x4: {  	_ = 	snop  }
0x5: {  	_ = 	snop  }
0x6: {  	_ = 	snop  }
0x7: {  	_ = 	snop  }
__scs_overlays_trampoline_lowered:
0x8: {  	[smem:$0x3F9D] =	sst s0  }
0x9: {  	[smem:$0x3F9E] =	sst s1  }
0xa: {  	[smem:$0x3F9F] =	sst s2  }
0xb: {  	[smem:$0x3FA0] =	sst s3  }
0xc: {  	[smem:$0x3FA1] =	sst s4  }
0xd: {  	[smem:$0x3FA2] =	sst s5  }
0xe: {  	[smem:$0x3FA3] =	sst s6  }
0xf: {  	[smem:$0x3FA4] =	sst s7  }
0x10: {  	[smem:$0x3FA5] =	sst s8  }
0x11: {  	[smem:$0x3FA6] =	sst s9;
	s0 =	simm.s32 @!p0 $0x0  }
0x12: {  	s1 =	sld [smem:$0x3F8C];
	s0 =	simm.s32 @p0 $0x1  }
0x13: {  	[smem:$0x3FA7] =	sst s0;
	s0 =	simm.s32 @!p1 $0x0  }
0x14: {  	s2 =	sld [smem:$0x3F8B];
	s0 =	simm.s32 @p1 $0x1  }
0x15: {  	[smem:$0x3FA8] =	sst s0;
	s0 =	simm.s32 @!p2 $0x0  }
0x16: {  	s3 =	sld [smem:$0x3FDB];
	s0 =	simm.s32 @p2 $0x1  }
0x17: {  	s4 =	simm.s32 $0x1BF5;
	[smem:$0x3FAA] =	sst s0  }
0x18: {  	s0 =	sld [smem:$0x3F8D];
	_ =	swait.ge [sflag:s4], $0x0  }
0x19: {  	s7 =	sld [smem:$0x3F8E]  }
0x1a: {  	s8 =	sadd.s32 $0xFFFFE003, lr  }
0x1b: {  	s9 =	sadd.s32 $0xFFFFFEF7, lr;
	s5 =	simm.s32 $0xFFFFFFFF;
	p2 =	slt.u32 s8, $0xFFFFF086  }
0x1c: {  	p1 =	slt.u32 s9, $0xF7A;
	s5 =	simm.s32 @!p2 $0x0  }
0x1d: {  	s5 =	simm.s32 @p1 $0x1;
	p0 =	seq.s32 s7, s2  }
0x1e: {  	s7 =	smul.u32 @!p0 $0xF7A, s2;
	p2 =	seq.s32 @!p0 s5, $0x0  }
0x1f: {  	s9 =	smul.u32 $0xF7A, s1;
	s8 =	simm.s32 @!p0 $0x1BF5;
	p2 =	por !p2, p0  }
0x20: {  	[sflag:s8] =	ssyncset.s32 @!p0 $0xFFFFF086;
	s6 =	sadd.s32 @!p0 s3, s7;
	s7 =	simm.s32 @!p0 $0x108  }
0x21: {  	s3 =	sadd.s32 s3, s9;
	s6 =	sadd.s32 @!p0 $0x88, s6;
	s7 =	simm.s32 @p2 $0x1082  }
0x22: {  	[simem:s7], [sflag:s8] =	dma.local @!p0 [hbm:s6], $0xF7A  }
0x23: {  	s9 =	sor.u32 $0xD0000000, s2;
	s6 =	simm.s32 $0x108;
	_ =	swait.ge @!p0 [sflag:s8], $0x0  }
0x24: {  	s3 =	sadd.s32 $0x88, s3;
	s6 =	simm.s32 @!p1 $0x1082;
	[sflag:s4] =	ssyncset.s32 $0xFFFFF086  }
0x25: {  	[simem:s6], [sflag:s4] =	dma.local [hbm:s3], $0xF7A  }
0x26: {  	[smem:$0x3F8E] =	sst s1;
	(tag) =	ssettag s2;
	_ =	strace s9  }
0x27: {  	s1 =	sld [smem:$0x3F9E]  }
0x28: {  	s2 =	sld [smem:$0x3F9F]  }
0x29: {  	s4 =	sld [smem:$0x3FA1]  }
0x2a: {  	p0 =	seq.s32 s5, $0x0;
	s5 =	sld [smem:$0x3FA2]  }
0x2b: {  	s6 =	sld [smem:$0x3FA3]  }
0x2c: {  	s7 =	sld [smem:$0x3FA4]  }
0x2d: {  	s3 =	simm.s32 $0x108;
	s8 =	sld [smem:$0x3FA5]  }
0x2e: {  	s3 =	simm.s32 @!p0 $0x1082;
	s9 =	sld [smem:$0x3FA6]  }
0x2f: {  	lr =	sadd.s32 s0, s3;
	s0 =	sld [smem:$0x3F9D]  }
0x30: {  	s3 =	sld [smem:$0x3FA0]  }
0x31: {  	[smem:$0x3FA9] =	sst s10  }
0x32: {  	s10 =	sld [smem:$0x3FA7];
	_ =	sdelay $0x3  }
0x33: {  	p0 =	seq.s32 s10, $0x1;
	s10 =	sld [smem:$0x3FA9];
	_ =	sdelay $0x3  }
0x34: {  	[smem:$0x3FA9] =	sst s10  }
0x35: {  	s10 =	sld [smem:$0x3FA8];
	_ =	sdelay $0x3  }
0x36: {  	p1 =	seq.s32 s10, $0x1;
	s10 =	sld [smem:$0x3FA9];
	_ =	sdelay $0x3  }
0x37: {  	[smem:$0x3FA9] =	sst s10  }
0x38: {  	s10 =	sld [smem:$0x3FAA]  }
0x39: {  	_ = 	snop;
	(pc) =	sbr.ind lr, $3  }
0x3a: {  	_ = 	snop  }
0x3b: {  	_ = 	snop  }
0x3c: {  	p2 =	seq.s32 s10, $0x1;
	s10 =	sld [smem:$0x3FA9]  }
0x3d: {  	_ =	shalt  }
0x3e: {  	_ =	shalt  }
0x3f: {  	_ =	shalt  }
0x40: {  	_ =	shalt  }
0x41: {  	_ =	shalt  }
0x42: {  	_ =	shalt  }
0x43: {  	_ =	shalt  }
0x44: {  	_ =	shalt  }
0x45: {  	_ =	shalt  }
0x46: {  	_ =	shalt  }
0x47: {  	_ =	shalt  }
0x48: {  	_ =	shalt  }
0x49: {  	_ =	shalt  }
0x4a: {  	_ =	shalt  }
0x4b: {  	_ =	shalt  }
0x4c: {  	_ =	shalt  }
0x4d: {  	_ =	shalt  }
0x4e: {  	_ =	shalt  }
0x4f: {  	_ =	shalt  }
0x50: {  	_ =	shalt  }
0x51: {  	_ =	shalt  }
0x52: {  	_ =	shalt  }
0x53: {  	_ =	shalt  }
0x54: {  	_ =	shalt  }
0x55: {  	_ =	shalt  }
0x56: {  	_ =	shalt  }
0x57: {  	_ =	shalt  }
0x58: {  	_ =	shalt  }
0x59: {  	_ =	shalt  }
0x5a: {  	_ =	shalt  }
0x5b: {  	_ =	shalt  }
0x5c: {  	_ =	shalt  }
0x5d: {  	_ =	shalt  }
0x5e: {  	_ =	shalt  }
0x5f: {  	_ =	shalt  }
0x60: {  	_ =	shalt  }
0x61: {  	_ =	shalt  }
0x62: {  	_ =	shalt  }
0x63: {  	_ =	shalt  }
0x64: {  	_ =	shalt  }
0x65: {  	_ =	shalt  }
0x66: {  	_ =	shalt  }
0x67: {  	_ =	shalt  }
0x68: {  	_ =	shalt  }
0x69: {  	_ =	shalt  }
0x6a: {  	_ =	shalt  }
0x6b: {  	_ =	shalt  }
0x6c: {  	_ =	shalt  }
0x6d: {  	_ =	shalt  }
0x6e: {  	_ =	shalt  }
0x6f: {  	_ =	shalt  }
0x70: {  	_ =	shalt  }
0x71: {  	_ =	shalt  }
0x72: {  	_ =	shalt  }
0x73: {  	_ =	shalt  }
0x74: {  	_ =	shalt  }
0x75: {  	_ =	shalt  }
0x76: {  	_ =	shalt  }
0x77: {  	_ =	shalt  }
0x78: {  	_ =	shalt  }
0x79: {  	_ =	shalt  }
0x7a: {  	_ =	shalt  }
0x7b: {  	_ =	shalt  }
0x7c: {  	_ =	shalt  }
0x7d: {  	_ =	shalt  }
0x7e: {  	_ =	shalt  }
0x7f: {  	_ =	shalt  }
0x80: {  	_ =	shalt  }
0x81: {  	_ =	shalt  }
0x82: {  	_ =	shalt  }
0x83: {  	_ =	shalt  }
0x84: {  	_ =	shalt  }
0x85: {  	_ =	shalt  }
0x86: {  	_ =	shalt  }
0x87: {  	_ =	shalt  }
.Lfunc_end0:
.L_simem_size_0:
called_computation_lowered:
.L_overlay_start_0:
0x88: {  	s2 =	sld [smem:$0x3FD9]  }
0x89: {  	s3 =	sld [smem:$0x3FFE];
	_ =	sdelay $0x1  }
0x8a: {  	s1 =	srdreg.scid  }
0x8b: {  	s0 =	sand.u32 $0x1, s1  }
0x8c: {  	s16 =	sshll.u32 s0, $0xA;
	s2 =	sadd.s32 s3, s2  }
0x8d: {  	s2 =	sadd.s32 s2, s16  }
0x8e: {  	[smem:$0x3FB5] =	sst s2  }
0x8f: {  	_ = 	snop  }
0x90: {  	(tm) =	ssettm $0x1  }
0x91: {  	s17 =	sld [smem:$0x3FFB];
	_ =	sdelay $0x3  }
0x92: {  	_ =	strace s17  }
0x93: {  	s2 =	sld [smem:$0x3FFC];
	_ =	sdelay $0x3  }
0x94: {  	_ =	strace s2  }
0x95: {  	s2 =	sld [smem:$0x3FFD];
	_ =	sdelay $0x3  }
0x96: {  	_ =	strace s2  }
0x97: {  	_ =	strace $0x8FFFFFFF  }
0x98: {  	s18 =	sld [smem:$0x3FDB];
	_ =	sdelay $0x1  }
0x99: {  	s19 =	simm.s32 $_scs_section_size  }
0x9a: {  	s4 =	simm.s32 $_size__tile_overlayer_lowered;
	s5 =	simm.s32 $_tile_overlayer_lowered  }
0x9b: {  	s22 =	simm.s32 $0x1BFF;
	s21 =	sshll.u32 s5, $0x1;
	s2 =	sadd.s32 s19, s18  }
0x9c: {  	s6 =	simm.s32 $0x0;
	s20 =	sshll.u32 s4, $0x1;
	s4 =	sadd.s32 s21, s2  }
0x9d: {  	[timem:s6], [sflag:s22] =	dma.local [hbm:s4], s20  }
0x9e: {  	_ =	swait.ge [sflag:s22], s20  }
0x9f: {  	s3 =	ssub.s32 $0x0, s20;
	[sflag:s22] =	ssyncset.done $0x0  }
0xa0: {  	[sflag:s22] =	ssyncadd.s32 s3;
	_ =	sdelay $0x1  }
0xa1: {  	s23 =	simm.s32 $0x1B8B  }
0xa2: {  	_ =	swait.ge [sflag:s23], $0x1  }
0xa3: {  	[sflag:s23] =	ssyncset.done $0x0  }
0xa4: {  	s25 =	simm.s32 $0x1B8E;
	s24 =	sld [smem:$0x3FFE];
	[sflag:s23] =	ssyncadd.s32 $0xFFFFFFFF  }
0xa5: {  	s26 =	simm.s32 $execute0_lowered;
	[smem:$0x3FD2] =	sst s25  }
0xa6: {  	s4 =	sshll.u32 s26, $0x1;
	_ =	strace $0x80000046;
	[dreg:$0x1] =	wrdreg $0xFFFFFFFF  }
0xa7: {  	s28 =	simm.s32 $_size_execute0_lowered;
	s2 =	sadd.s32 s2, s4;
	[dreg:$0x0] =	wrdreg $0x0  }
0xa8: {  	s4 =	sshll.u32 s28, $0x1;
	[dreg:$0x2] =	wrdreg s2  }
0xa9: {  	[dreg:$0x3] =	wrdreg s4  }
0xaa: {  	[dreg:$0x4] =	wrdreg $0xC0  }
0xab: {  	_ =	task [dreg:s6], $0x5FFFF  }
0xac: {  	[dreg:$0x1] =	wrdreg $0xFFFFFFFF  }
0xad: {  	[dreg:$0x0] =	wrdreg $0x60  }
0xae: {  	[dreg:$0x2] =	wrdreg s24  }
0xaf: {  	[dreg:$0x3] =	wrdreg $0x0  }
0xb0: {  	[dreg:$0x4] =	wrdreg $0x9  }
0xb1: {  	_ =	task.clear_ibuf [dreg:s6], $0x5FFFF;
	_ =	strace $0x90000046  }
0xb2: {  	s29 =	simm.s32 $0x9;
	_ =	strace $0x80000048  }
0xb3: {  	_ =	swait.ge [sflag:s29], $0x1  }
0xb4: {  	[sflag:s29] =	ssyncadd.s32 $0xFFFFFFFF  }
0xb5: {  	_ =	strace $0x90000048  }
0xb6: {  	_ =	sfence  }
0xb7: {  	s30 =	sld [smem:$0x0];
	_ =	sdelay $0x2  }
0xb8: {  	s31 =	sshll.u32 s1, $0xD;
	s1 =	sshrl.u32 s1, $0x2  }
0xb9: {  	s3 =	sand.u32 $0x4000, s31;
	s1 =	sadd.s32 s1, s30  }
0xba: {  	s0 =	sor.u32 s3, s0;
	s1 =	sshll.u32 s1, $0x11  }
0xbb: {  	s0 =	sor.u32 s1, s0  }
0xbc: {  	s0 =	sadd.s32 $0x8F2B, s0  }
0xbd: {  	[sflag:s0] =	ssyncadd.remote.s32 $0x1  }
0xbe: {  	_ =	sfence.sel $0xFFFF  }
0xbf: {  	[dreg:$0x0] =	wrdreg $0xFFFFFFFF;
	(pc) =	sbr.abs _section_cstart, $3  }
0xc0: {  	[dreg:$0x1] =	wrdreg $0xFFFFFFFF  }
0xc1: {  	_ =	task.clear_ibuf [dreg:s6], $0x2FFFF;
	_ =	strace $0x9FFFFFFF  }
0xc2: {  	(tm) =	ssettm $0x7FFFFFFF  }
0xc3: {  	_ =	shalt  }
tec
execute0_lowered:
.L_overlay_start_1:
0x0: {  	(tag) =	ssettag $0x1  }
0x1: {  	s0 =	rddreg [dreg:$0x0]  }
0x2: {  	s1 =	rddreg [dreg:$0x1]  }
0x3: {  	s2 =	simm.s32 $0x0;
	s9 =	stileid.u32;
	s11 =	srdreg.scid  }
0x4: {  	s29 =	simm.s32 $0x11800;
	s30 =	simm.s32 $0x80;
	s4 =	smul.u32 $0xA00, s9  }
0x5: {  	s31 =	simm.s32 $0x13800;
	[smem:$0x7FF] =	sst s2;
	s8 =	smul.u32 $0x1E000, s9  }
0x6: {  	s3 =	sadd.s32 $0xAE600, s0;
	s2 =	sand.u32 $0x1, s11;
	s15 =	smul.u32 $0x7800, s9  }
0x7: {  	s12 =	sadd.s32 $0xE600, s0;
	s6 =	sadd.s32 $0x158600, s0;
	s10 =	smul.u32 $0x5000, s9  }
0x8: {  	s22 =	smul.u32 $0xA0000, s9;
	_ =	strace $0x80000047;
	[dreg:$0x3] =	wrdreg s3  }
0x9: {  	s11 =	simm.s32 $0x14800;
	[dreg:$0x4] =	wrdreg s12;
	s20 =	smul.u32 $0x4E20000, s2  }
0xa: {  	s5 =	sshll.u32 s2, $0x5;
	s25 =	smul.u32 $0x3C0000, s2;
	s4 =	sadd.s32 s4, s0  }
0xb: {  	s5 =	sadd.s32 s5, s0;
	s0 =	sadd.s32 $0x14E0600, s0;
	[dreg:$0xc] =	wrdreg s22  }
0xc: {  	s7 =	ssub.s32 $0x2, s2;
	s2 =	smul.u32 $0x280000, s2;
	[dreg:$0x5] =	wrdreg s0  }
0xd: {  	s9 =	simm.s32 $0x1;
	s12 =	simm.s32 $0x19000;
	[dreg:$0x9] =	wrdreg s20  }
0xe: {  	s3 =	simm.s32 $0x0;
	s14 =	sadd.s32 $0xE400, s5;
	[dreg:$0x10] =	wrdreg s2  }
0xf: {  	s17 =	sshrl.u32 s8, $0x2;
	s16 =	sadd.s32 $0x4400, s4;
	[dreg:$0x6] =	wrdreg s14  }
0x10: {  	s18 =	sadd.s32 $0x14E600, s4;
	s19 =	sadd.s32 s17, s1;
	[dreg:$0x7] =	wrdreg s16  }
0x11: {  	s17 =	sadd.s32 s15, s1;
	s1 =	sor.u32 $0x1000, s22;
	[dreg:$0x8] =	wrdreg s18  }
0x12: {  	s13 =	sshrl.u32 s7, $0x1;
	s28 =	sadd.s32 s25, s15;
	[dreg:$0x11] =	wrdreg s1  }
0x13: {  	s8 =	simm.s32 $0x12800;
	s0 =	ssub.s32 s7, s13;
	[dreg:$0x12] =	wrdreg s28  }
0x14: {  	s2 =	simm.s32 $0x16800;
	s21 =	sadd.s32 $0x1800, s19;
	[dreg:$0xa] =	wrdreg s17  }
0x15: {  	s22 =	simm.s32 $0x3;
	s23 =	sadd.s32 $0x3000, s19;
	[dreg:$0xb] =	wrdreg s21  }
0x16: {  	s25 =	simm.s32 $0x5;
	s24 =	sadd.s32 $0x4800, s19;
	[dreg:$0xd] =	wrdreg s23  }
0x17: {  	s4 =	simm.s32 $0x2;
	s26 =	sadd.s32 $0x6000, s19;
	[dreg:$0xe] =	wrdreg s24  }
0x18: {  	s5 =	simm.s32 $0x4;
	s0 =	smax.u32 s0, $0x1;
	[dreg:$0xf] =	wrdreg s26  }
0x19: {  	s7 =	simm.s32 $0x6;
	s18 =	simm.s32 $0x9;
	[dreg:$0x13] =	wrdreg s0  }
0x1a: {  	v0 =	vimm.f32 $0.0e+00;
	v1 =	vlaneseq.u32;
	s23 =	simm.s32 $0x1A800;
	s0 =	simm.s32 $0x15800;
	s26 =	simm.s32 $0x17800  }
.LBB2_1:
0x1b: {  	[dreg:$0x14] =	wrdreg s3  }
0x1c: {  	s1 =	simm.s32 $0x0;
	s21 =	rddreg [dreg:$0x6]  }
0x1d: {  	[tilespmem:s23], [sflag:$0x9] =	stream.linear.gather [hbm4b:s21+s1], $0x20, $0x38;
	[tilespmem:$0x1C020] =	vst v63  }
0x1e: {  	_ =	swait.ge [sflag:s18], $0x20  }
0x1f: {  	[sflag:s18] =	ssyncset.done $0x0  }
0x20: {  	s13 =	simm.s32 $0x7800;
	s24 =	rddreg [dreg:$0x7];
	[sflag:s18] =	ssyncadd.s32 $0xFFFFFFE0  }
0x21: {  	[tilespmem:s13], [sflag:$0x9] =	stream.linear.gather [hbm4b:s24+s1], $0x5000, $0x38;
	[tilespmem:$0x1C020] =	vst v63  }
0x22: {  	_ =	swait.ge [sflag:s18], $0x5000  }
0x23: {  	[sflag:s18] =	ssyncset.done $0x0  }
0x24: {  	s14 =	simm.s32 $0xC800;
	s28 =	rddreg [dreg:$0x8];
	[sflag:s18] =	ssyncadd.s32 $0xFFFFB000  }
0x25: {  	[tilespmem:s14], [sflag:$0x9] =	stream.linear.gather [hbm4b:s28+s1], $0x5000, $0x38;
	[tilespmem:$0x1C020] =	vst v63  }
0x26: {  	_ =	swait.ge [sflag:s18], $0x5000  }
0x27: {  	s3 =	simm.s32 $0x0;
	[sflag:s18] =	ssyncset.done $0x0  }
0x28: {  	s13 =	simm.s32 $0xC0;
	s14 =	simm.s32 $0x0;
	[sflag:s18] =	ssyncadd.s32 $0xFFFFB000  }
.LBB2_2:
0x29: {  	p0 =	sne.s32 s13, $0x5F40;
	[tilespmem:s14+$0x1A840] =	vst v0;
	s15 =	smov.u32 s13;
	s13 =	sadd.s32 $0xC0, s13  }
.Ltmp0:
0x2a: {  	[tilespmem:s14+$0x1A820] =	vst v0;
	(pc) =	sbr.rel @p0 .LBB2_2-.Ltmp0, $2  }
0x2b: {  	[tilespmem:s14+$0x1A830] =	vst v0;
	_ =	sdelay $0x2  }
0x2c: {  	s14 =	sshra.s32 s15, $0x2  }
0x2d: {  	[tilespmem:s14+$0x1A840] =	vst v0  }
0x2e: {  	[tilespmem:s14+$0x1A820] =	vst v0  }
0x2f: {  	s15 =	simm.s32 $0x0;
	[tilespmem:s14+$0x1A830] =	vst v0;
	s13 =	simm.s32 $0xC0;
	s14 =	simm.s32 $0x0  }
.LBB2_4:
0x30: {  	p0 =	sne.s32 s13, $0x5F40;
	[tilespmem:s14+$0x17820] =	vst v0;
	s16 =	smov.u32 s13;
	s13 =	sadd.s32 $0xC0, s13  }
.Ltmp1:
0x31: {  	[tilespmem:s14+$0x19020] =	vst v0;
	(pc) =	sbr.rel @p0 .LBB2_4-.Ltmp1, $2  }
0x32: {  	_ =	sdelay $0x2  }
0x33: {  	s14 =	sshra.s32 s16, $0x2  }
0x34: {  	[tilespmem:s14+$0x17820] =	vst v0  }
0x35: {  	[tilespmem:s14+$0x19020] =	vst v0  }
.LBB2_6:
0x36: {  	s13 =	simm.s32 $0x1A820  }
0x37: {  	[spmem:s17] =	stream.linear.scatter [tilespmem:s13], [sflag:$0x9], $0x1800, $0x38;
	[tilespmem:$0x1C020] =	vst v63  }
0x38: {  	_ =	swait.ge [sflag:s18], $0x1800  }
0x39: {  	[sflag:s18] =	ssyncset.done $0x0  }
0x3a: {  	s1 =	rddreg [dreg:$0xb];
	[sflag:s18] =	ssyncadd.s32 $0xFFFFE800  }
0x3b: {  	[spmem:s1] =	stream.linear.scatter [tilespmem:s13], [sflag:$0x9], $0x1800, $0x38;
	[tilespmem:$0x1C020] =	vst v63  }
0x3c: {  	_ =	swait.ge [sflag:s18], $0x1800  }
0x3d: {  	[sflag:s18] =	ssyncset.done $0x0  }
0x3e: {  	s24 =	rddreg [dreg:$0xd];
	[sflag:s18] =	ssyncadd.s32 $0xFFFFE800  }
0x3f: {  	[spmem:s24] =	stream.linear.scatter [tilespmem:s13], [sflag:$0x9], $0x1800, $0x38;
	[tilespmem:$0x1C020] =	vst v63  }
0x40: {  	_ =	swait.ge [sflag:s18], $0x1800  }
0x41: {  	[sflag:s18] =	ssyncset.done $0x0  }
0x42: {  	s28 =	rddreg [dreg:$0xe];
	[sflag:s18] =	ssyncadd.s32 $0xFFFFE800  }
0x43: {  	[spmem:s28] =	stream.linear.scatter [tilespmem:s13], [sflag:$0x9], $0x1800, $0x38;
	[tilespmem:$0x1C020] =	vst v63  }
0x44: {  	_ =	swait.ge [sflag:s18], $0x1800  }
0x45: {  	[sflag:s18] =	ssyncset.done $0x0  }
0x46: {  	s14 =	rddreg [dreg:$0xf];
	[sflag:s18] =	ssyncadd.s32 $0xFFFFE800  }
0x47: {  	[spmem:s14] =	stream.linear.scatter [tilespmem:s13], [sflag:$0x9], $0x1800, $0x38;
	[tilespmem:$0x1C020] =	vst v63  }
0x48: {  	_ =	swait.ge [sflag:s18], $0x1800  }
0x49: {  	s16 =	smul.u32 $0x9C4000, s15;
	[sflag:s18] =	ssyncset.done $0x0  }
0x4a: {  	s17 =	rddreg [dreg:$0x9];
	[sflag:s18] =	ssyncadd.s32 $0xFFFFE800  }
0x4b: {  	s19 =	rddreg [dreg:$0xc];
	s17 =	sadd.s32 s17, s16;
	[bflag:$0x0] =	sbarrier.arrive $0xFFFF  }
0x4c: {  	s14 =	smul.u32 $0x50000, s15;
	s13 =	sadd.s32 s19, s17;
	[dreg:$0x15] =	wrdreg s15  }
0x4d: {  	s18 =	simm.s32 $0x0;
	s13 =	sshrl.u32 s13, $0x3;
	s20 =	rddreg [dreg:$0x10]  }
0x4e: {  	s24 =	rddreg [dreg:$0x3];
	s13 =	sadd.s32 s6, s13;
	s21 =	sadd.s32 s20, s14  }
0x4f: {  	[tilespmem:s29], [sflag:$0x1] =	stream.linear.gather [hbm4b:s13+s18], $0x1000, $0x38;
	[tilespmem:$0x1C020] =	vst v63  }
0x50: {  	s28 =	simm.s32 $0x7800;
	s16 =	rddreg [dreg:$0x11];
	s13 =	sshrl.u32 s21, $0x3  }
0x51: {  	s14 =	rddreg [dreg:$0x4];
	s21 =	sadd.s32 s16, s17;
	s19 =	sadd.s32 s24, s13  }
0x52: {  	[tilespmem:s31], [sflag:$0x3] =	stream.indirect.gather [hbm4b:s19+s30], $0x20, s28, s30, $0xb8;
	[tilespmem:$0x1C020] =	vst v63  }
0x53: {  	s15 =	simm.s32 $0xC800;
	s20 =	sadd.s32 s14, s13;
	s13 =	sshrl.u32 s21, $0x3  }
0x54: {  	[tilespmem:s0], [sflag:$0x5] =	stream.indirect.gather [hbm4b:s20+s30], $0x20, s15, s30, $0xb8;
	[tilespmem:$0x1C020] =	vst v63  }
0x55: {  	s13 =	sadd.s32 s6, s13  }
0x56: {  	[tilespmem:s8], [sflag:$0x2] =	stream.linear.gather [hbm4b:s13+s18], $0x1000, $0x38;
	[tilespmem:$0x1C020] =	vst v63  }
0x57: {  	s24 =	simm.s32 $0x7880  }
0x58: {  	[tilespmem:s11], [sflag:$0x4] =	stream.indirect.gather [hbm4b:s19+s30], $0x20, s24, s30, $0xb8;
	[tilespmem:$0x1C020] =	vst v63  }
0x59: {  	s28 =	simm.s32 $0xC880  }
0x5a: {  	[tilespmem:s2], [sflag:$0x6] =	stream.indirect.gather [hbm4b:s20+s30], $0x20, s28, s30, $0xb8;
	[tilespmem:$0x1C020] =	vst v63  }
.LBB2_7:
0x5b: {  	_ =	swait.ge [sflag:s9], $0x1000  }
0x5c: {  	[sflag:s9] =	ssyncset.done $0x0  }
0x5d: {  	[sflag:s9] =	ssyncadd.s32 $0xFFFFF000  }
0x5e: {  	_ =	swait.ge [sflag:s22], $0x1000  }
0x5f: {  	[sflag:s22] =	ssyncset.done $0x0  }
0x60: {  	[sflag:s22] =	ssyncadd.s32 $0xFFFFF000  }
0x61: {  	_ =	swait.ge [sflag:s25], $0x1000  }
0x62: {  	p0 =	seq.s32 s18, $0x0;
	[sflag:s25] =	ssyncset.done $0x0  }
0x63: {  	s13 =	simm.s32 @!p0 $0x7;
	[sflag:s25] =	ssyncadd.s32 $0xFFFFF000  }
0x64: {  	_ =	swait.ge @!p0 [sflag:s13], $0x1800  }
0x65: {  	[sflag:s13] =	ssyncset.done @!p0 $0x0  }
0x66: {  	s21 =	sshll.u32 s18, $0x1;
	s14 =	simm.s32 $0x0;
	[sflag:s13] =	ssyncadd.s32 @!p0 $0xFFFFE800  }
.LBB2_8:
0x67: {  	s13 =	sshll.u32 s14, $0x4;
	s16 =	simm.s32 $0x0;
	s28 =	simm.s32 $0x1  }
0x68: {  	v3 =	vor.u32 s13, v1;
	v4 =	vadd.s32 s16, v1;
	v7 =	vadd.s32 s28, v1  }
0x69: {  	v2 =	vshll.u32 v3, $0x5;
	v5 =	vand.u32 $0x1F, v4;
	v19 =	vand.u32 $0x1F, v7  }
0x6a: {  	s24 =	simm.s32 $0x3;
	v4 =	vor.u32 v2, v5  }
0x6b: {  	v6 =	vadd.s32 s24, v1  }
0x6c: {  	v6 =	vand.u32 $0x1F, v6  }
0x6d: {  	v7 =	vor.u32 v2, v6  }
0x6e: {  	s1 =	simm.s32 $0x2;
	v10 =	vor.u32 v2, v19;
	v19 =	vld.idx.msk [tilespmem:v19+s23+$0x0], $0xffff  }
0x6f: {  	v8 =	vadd.s32 s1, v1;
	v20 =	vld.idx.msk [tilespmem:v4+s29+$0x0], $0xffff  }
0x70: {  	v8 =	vand.u32 $0x1F, v8;
	v12 =	vld.idx.msk [tilespmem:v4+s31+$0x0], $0xffff  }
0x71: {  	v16 =	vor.u32 v2, v8;
	v17 =	vld.idx.msk [tilespmem:v4+s0+$0x0], $0xffff  }
0x72: {  	v9 =	vld.idx.msk [tilespmem:v7+s31+$0x0], $0xffff  }
0x73: {  	v11 =	vld.idx.msk [tilespmem:v10+s29+$0x0], $0xffff  }
0x74: {  	v22 =	vld.idx.msk [tilespmem:v10+s31+$0x0], $0xffff  }
0x75: {  	v23 =	vld.idx.msk [tilespmem:v10+s0+$0x0], $0xffff  }
0x76: {  	s15 =	simm.s32 $0x4;
	v13 =	vld.idx.msk [tilespmem:v16+s31+$0x0], $0xffff  }
0x77: {  	s16 =	simm.s32 $0x5;
	v15 =	vld.idx.msk [tilespmem:v16+s0+$0x0], $0xffff;
	v4 =	vadd.s32 s15, v1  }
0x78: {  	s24 =	simm.s32 $0x7;
	v24 =	vadd.s32 s16, v1;
	v14 =	vld.idx.msk [tilespmem:v7+s0+$0x0], $0xffff;
	v4 =	vand.u32 $0x1F, v4;
	v21 =	vadd.f32 v17, v12  }
0x79: {  	v10 =	vimm.f32 $0.0e+00;
	v16 =	vld.idx.msk [tilespmem:v16+s29+$0x0], $0xffff;
	v18 =	vor.u32 v2, v4;
	v12 =	vadd.s32 s24, v1  }
0x7a: {  	s28 =	simm.s32 $0x6;
	v17 =	vld.idx.msk [tilespmem:v5+s23+$0x0], $0xffff;
	v22 =	vadd.f32 v23, v22;
	v12 =	vand.u32 $0x1F, v12;
	v21 =	vadd.f32 v20, v21  }
0x7b: {  	s13 =	simm.s32 $0x8;
	v5 =	vand.u32 $0x1F, v24;
	v23 =	vadd.s32 s28, v1;
	v20 =	vld.idx.msk [tilespmem:v7+s29+$0x0], $0xffff;
	v7 =	vor.u32 v2, v12  }
.LBB2_9:
0x7c: {  	p1 =	sne.s32 s13, $0x1C;
	v24 =	vmul.f32 $2.000000030e-01, v21;
	v11 =	vadd.f32 v11, v22;
	v13 =	vadd.f32 v15, v13;
	v15 =	vld.idx.msk [tilespmem:v6+s23+$0x0], $0xffff;
	v6 =	vmovc v12  }
0x7d: {  	v12 =	vor.u32 v2, v5;
	v9 =	vadd.f32 v14, v9;
	v22 =	vld.idx.msk [tilespmem:v8+s23+$0x0], $0xffff;
	v8 =	vand.u32 $0x1F, v23  }
0x7e: {  	v23 =	vld.idx.msk [tilespmem:v18+s29+$0x0], $0xffff;
	v14 =	vmax.f32 v21, v24;
	v21 =	vmul.f32 $2.000000030e-01, v11;
	v13 =	vadd.f32 v16, v13  }
0x7f: {  	v24 =	vor.u32 v2, v8;
	v16 =	vld.idx.msk [tilespmem:v18+s31+$0x0], $0xffff;
	v14 =	vmul.f32 v14, v17  }
0x80: {  	v20 =	vadd.f32 v20, v9;
	v17 =	vld.idx.msk [tilespmem:v18+s0+$0x0], $0xffff;
	v11 =	vmax.f32 v11, v21;
	v18 =	vmul.f32 $2.000000030e-01, v13  }
0x81: {  	v9 =	vld.idx.msk [tilespmem:v7+s31+$0x0], $0xffff;
	v10 =	vadd.f32 v14, v10;
	v14 =	vmul.f32 v11, v19  }
0x82: {  	v11 =	vld.idx.msk [tilespmem:v12+s29+$0x0], $0xffff;
	v13 =	vmax.f32 v13, v18;
	v18 =	vmul.f32 $2.000000030e-01, v20  }
0x83: {  	v19 =	vld.idx.msk [tilespmem:v12+s31+$0x0], $0xffff;
	v10 =	vadd.f32 v14, v10;
	v14 =	vmul.f32 v13, v22  }
0x84: {  	v22 =	vld.idx.msk [tilespmem:v12+s0+$0x0], $0xffff;
	v12 =	vmax.f32 v20, v18  }
0x85: {  	v13 =	vld.idx.msk [tilespmem:v24+s31+$0x0], $0xffff;
	v10 =	vadd.f32 v14, v10;
	v12 =	vmul.f32 v12, v15  }
0x86: {  	v15 =	vld.idx.msk [tilespmem:v24+s0+$0x0], $0xffff  }
.Ltmp2:
0x87: {  	v18 =	vadd.s32 s13, v1;
	v14 =	vld.idx.msk [tilespmem:v7+s0+$0x0], $0xffff;
	v10 =	vadd.f32 v12, v10;
	(pc) =	sbr.rel @p1 .LBB2_9-.Ltmp2, $4  }
0x88: {  	s16 =	sadd.s32 $0x1, s13;
	s24 =	sadd.s32 $0x3, s13;
	v20 =	vadd.f32 v17, v16;
	v12 =	vand.u32 $0x1F, v18;
	v16 =	vld.idx.msk [tilespmem:v24+s29+$0x0], $0xffff  }
0x89: {  	v21 =	vadd.s32 s24, v1;
	v18 =	vor.u32 v2, v12;
	v24 =	vadd.s32 s16, v1;
	v17 =	vld.idx.msk [tilespmem:v4+s23+$0x0], $0xffff;
	v4 =	vmovc v12  }
0x8a: {  	s16 =	sadd.s32 $0x2, s13;
	v12 =	vand.u32 $0x1F, v21;
	v21 =	vadd.f32 v23, v20;
	v22 =	vadd.f32 v22, v19;
	v20 =	vld.idx.msk [tilespmem:v7+s29+$0x0], $0xffff  }
0x8b: {  	s13 =	sadd.s32 $0x4, s13;
	v23 =	vadd.s32 s16, v1;
	v7 =	vor.u32 v2, v12;
	v19 =	vld.idx.msk [tilespmem:v5+s23+$0x0], $0xffff;
	v5 =	vand.u32 $0x1F, v24  }
0x8c: {  	_ =	sdelay $0x3  }
0x8d: {  	v6 =	vld.idx.msk [tilespmem:v6+s23+$0x0], $0xffff  }
0x8e: {  	v24 =	vor.u32 v2, v5;
	v8 =	vld.idx.msk [tilespmem:v8+s23+$0x0], $0xffff  }
0x8f: {  	v25 =	vld.idx.msk [tilespmem:v18+s29+$0x0], $0xffff  }
0x90: {  	v23 =	vand.u32 $0x1F, v23;
	v26 =	vld.idx.msk [tilespmem:v18+s31+$0x0], $0xffff  }
0x91: {  	v49 =	vld.idx.msk [tilespmem:v18+s0+$0x0], $0xffff;
	v27 =	vor.u32 v2, v23  }
0x92: {  	v28 =	vld.idx.msk [tilespmem:v7+s31+$0x0], $0xffff  }
0x93: {  	v29 =	vld.idx.msk [tilespmem:v24+s29+$0x0], $0xffff  }
0x94: {  	v11 =	vadd.f32 v11, v22;
	v50 =	vmul.f32 $2.000000030e-01, v21;
	v13 =	vadd.f32 v15, v13;
	v51 =	vld.idx.msk [tilespmem:v24+s31+$0x0], $0xffff  }
0x95: {  	v9 =	vadd.f32 v14, v9;
	v52 =	vld.idx.msk [tilespmem:v24+s0+$0x0], $0xffff  }
0x96: {  	v21 =	vmax.f32 v21, v50;
	v53 =	vmul.f32 $2.000000030e-01, v11;
	v13 =	vadd.f32 v16, v13;
	v54 =	vld.idx.msk [tilespmem:v27+s31+$0x0], $0xffff  }
0x97: {  	v17 =	vmul.f32 v21, v17;
	v9 =	vadd.f32 v20, v9;
	v55 =	vld.idx.msk [tilespmem:v27+s0+$0x0], $0xffff  }
0x98: {  	v57 =	vld.idx.msk [tilespmem:v7+s0+$0x0], $0xffff;
	v11 =	vmax.f32 v11, v53;
	v56 =	vmul.f32 $2.000000030e-01, v13;
	v18 =	vadd.f32 v49, v26  }
0x99: {  	v10 =	vadd.f32 v17, v10;
	v11 =	vmul.f32 v11, v19;
	v58 =	vmul.f32 $2.000000030e-01, v9;
	v59 =	vld.idx.msk [tilespmem:v27+s29+$0x0], $0xffff  }
0x9a: {  	v4 =	vld.idx.msk [tilespmem:v4+s23+$0x0], $0xffff;
	v13 =	vmax.f32 v13, v56;
	v18 =	vadd.f32 v25, v18;
	v14 =	vadd.f32 v52, v51  }
0x9b: {  	v7 =	vld.idx.msk [tilespmem:v7+s29+$0x0], $0xffff;
	v10 =	vadd.f32 v11, v10;
	v8 =	vmul.f32 v13, v8;
	v9 =	vmax.f32 v9, v58  }
0x9c: {  	v5 =	vld.idx.msk [tilespmem:v5+s23+$0x0], $0xffff;
	v11 =	vmul.f32 $2.000000030e-01, v18;
	v61 =	vadd.f32 v55, v54;
	v60 =	vadd.f32 v29, v14  }
0x9d: {  	v6 =	vmul.f32 v9, v6;
	v9 =	vadd.f32 v57, v28;
	v8 =	vadd.f32 v8, v10  }
0x9e: {  	v10 =	vld.idx.msk [tilespmem:v23+s23+$0x0], $0xffff;
	v11 =	vmax.f32 v18, v11;
	v14 =	vadd.f32 v59, v61;
	v62 =	vmul.f32 $2.000000030e-01, v60  }
0x9f: {  	v6 =	vadd.f32 v6, v8;
	v4 =	vmul.f32 v11, v4  }
0xa0: {  	v7 =	vadd.f32 v7, v9;
	v8 =	vld.idx.msk [tilespmem:v12+s23+$0x0], $0xffff;
	v63 =	vmul.f32 $2.000000030e-01, v14;
	v11 =	vmax.f32 v60, v62  }
0xa1: {  	v4 =	vadd.f32 v4, v6;
	v5 =	vmul.f32 v11, v5  }
0xa2: {  	v9 =	vmul.f32 $2.000000030e-01, v7;
	v6 =	vmax.f32 v14, v63  }
0xa3: {  	v4 =	vadd.f32 v5, v4;
	v5 =	vmul.f32 v6, v10  }
0xa4: {  	v6 =	vmax.f32 v7, v9  }
0xa5: {  	v4 =	vadd.f32 v5, v4;
	v5 =	vmul.f32 v6, v8;
	_ =	sdelay $0x1  }
0xa6: {  	s13 =	simm.s32 $0x0;
	v4 =	vadd.f32 v5, v4  }
0xa7: {  	v5 =	vadd.s32 s13, v1  }
0xa8: {  	v6 =	vand.u32 $0x18, v5;
	v4 =	vmul.f32 $1.442695020e+00, v4  }
0xa9: {  	v5 =	vand.u32 $0x7, v5;
	v7 =	vor.u32 v2, v6  }
0xaa: {  	(erf) = vpow2.f32 v4;
	v4 =	vor.u32 v5, v7;
	_ =	sdelay $0x3  }
0xab: {  	v3 =	vmul.u32 $0x30, v3;
	s16 =	simm.s32 $0x1  }
0xac: {  	v7 =	vld.idx.msk [tilespmem:v4+s31+$0x0], $0xffff;
	v4 =	vadd.s32 s16, v1  }
0xad: {  	v6 =	vadd.s32 v3, v6;
	v8 =	vand.u32 $0x18, v4  }
0xae: {  	v5 =	vor.u32 v5, v6;
	v6 =	vand.u32 $0x7, v4;
	v4 =	vor.u32 v2, v8;
	_ =	sdelay $0x1  }
0xaf: {  	v9 =	vor.u32 v6, v4  }
0xb0: {  	v4 =	vpop (erf)  }
0xb1: {  	v7 =	vmul.f32 v7, v4;
	_ =	sdelay $0x1  }
0xb2: {  	s24 =	simm.s32 $0x2;
	[tilespmem:v5+s26+$0x0] =	vst.idx.msk $0xffff, v7  }
0xb3: {  	v7 =	vadd.s32 s24, v1;
	v5 =	vld.idx.msk [tilespmem:v9+s31+$0x0], $0xffff  }
0xb4: {  	v8 =	vadd.s32 v3, v8;
	v9 =	vand.u32 $0x18, v7  }
0xb5: {  	v6 =	vor.u32 v6, v8;
	v7 =	vand.u32 $0x7, v7;
	v8 =	vor.u32 v2, v9  }
0xb6: {  	v8 =	vor.u32 v7, v8;
	_ =	sdelay $0x1  }
0xb7: {  	v5 =	vmul.f32 v5, v4;
	_ =	sdelay $0x1  }
0xb8: {  	s28 =	simm.s32 $0x3;
	[tilespmem:v6+s26+$0x0] =	vst.idx.msk $0xffff, v5  }
0xb9: {  	v6 =	vadd.s32 s28, v1;
	v5 =	vld.idx.msk [tilespmem:v8+s31+$0x0], $0xffff  }
0xba: {  	v8 =	vadd.s32 v3, v9;
	v9 =	vand.u32 $0x18, v6  }
0xbb: {  	v6 =	vand.u32 $0x7, v6;
	v7 =	vor.u32 v7, v8;
	v8 =	vor.u32 v2, v9  }
0xbc: {  	v8 =	vor.u32 v6, v8;
	_ =	sdelay $0x1  }
0xbd: {  	v5 =	vmul.f32 v5, v4;
	_ =	sdelay $0x1  }
0xbe: {  	s13 =	simm.s32 $0x4;
	[tilespmem:v7+s26+$0x0] =	vst.idx.msk $0xffff, v5  }
0xbf: {  	v5 =	vadd.s32 v3, v9;
	v7 =	vadd.s32 s13, v1;
	v8 =	vld.idx.msk [tilespmem:v8+s31+$0x0], $0xffff  }
0xc0: {  	v6 =	vor.u32 v6, v5;
	v5 =	vand.u32 $0x18, v7  }
0xc1: {  	v9 =	vand.u32 $0x7, v7;
	v7 =	vor.u32 v2, v5  }
0xc2: {  	v7 =	vor.u32 v9, v7  }
0xc3: {  	v5 =	vadd.s32 v3, v5  }
0xc4: {  	s16 =	simm.s32 $0x8;
	v5 =	vor.u32 v9, v5;
	v8 =	vmul.f32 v8, v4  }
.LBB2_11:
0xc5: {  	_ = 	snop  }
0xc6: {  	p1 =	sne.s32 s16, $0x1C;
	s24 =	smov.u32 s16;
	s16 =	sadd.s32 $0x4, s16;
	[tilespmem:v6+s26+$0x0] =	vst.idx.msk $0xffff, v8  }
0xc7: {  	s28 =	sadd.s32 $0x1, s13;
	v6 =	vld.idx.msk [tilespmem:v7+s31+$0x0], $0xffff  }
0xc8: {  	v7 =	vadd.s32 s28, v1  }
0xc9: {  	v8 =	vand.u32 $0x18, v7  }
0xca: {  	v7 =	vand.u32 $0x7, v7;
	v9 =	vor.u32 v2, v8;
	v8 =	vadd.s32 v3, v8  }
0xcb: {  	v9 =	vor.u32 v7, v9;
	v7 =	vor.u32 v7, v8;
	_ =	sdelay $0x1  }
0xcc: {  	v6 =	vmul.f32 v6, v4;
	_ =	sdelay $0x1  }
0xcd: {  	[tilespmem:v5+s26+$0x0] =	vst.idx.msk $0xffff, v6  }
0xce: {  	s28 =	sadd.s32 $0x2, s13;
	v5 =	vld.idx.msk [tilespmem:v9+s31+$0x0], $0xffff  }
0xcf: {  	v6 =	vadd.s32 s28, v1  }
0xd0: {  	v8 =	vand.u32 $0x18, v6  }
0xd1: {  	v6 =	vand.u32 $0x7, v6;
	v9 =	vor.u32 v2, v8;
	v8 =	vadd.s32 v3, v8  }
0xd2: {  	v9 =	vor.u32 v6, v9;
	v8 =	vor.u32 v6, v8;
	_ =	sdelay $0x1  }
0xd3: {  	v5 =	vmul.f32 v5, v4;
	_ =	sdelay $0x1  }
0xd4: {  	[tilespmem:v7+s26+$0x0] =	vst.idx.msk $0xffff, v5  }
0xd5: {  	s28 =	sadd.s32 $0x3, s13;
	s13 =	smov.u32 s24;
	v5 =	vld.idx.msk [tilespmem:v9+s31+$0x0], $0xffff  }
0xd6: {  	v6 =	vadd.s32 s28, v1  }
0xd7: {  	v7 =	vand.u32 $0x18, v6  }
0xd8: {  	v6 =	vand.u32 $0x7, v6;
	v9 =	vor.u32 v2, v7;
	v7 =	vadd.s32 v3, v7  }
0xd9: {  	v9 =	vor.u32 v6, v9;
	v6 =	vor.u32 v6, v7;
	_ =	sdelay $0x1  }
0xda: {  	v5 =	vmul.f32 v5, v4;
	_ =	sdelay $0x1  }
0xdb: {  	[tilespmem:v8+s26+$0x0] =	vst.idx.msk $0xffff, v5  }
0xdc: {  	v8 =	vld.idx.msk [tilespmem:v9+s31+$0x0], $0xffff  }
0xdd: {  	v5 =	vadd.s32 s13, v1  }
.Ltmp3:
0xde: {  	v7 =	vand.u32 $0x18, v5;
	(pc) =	sbr.rel @p1 .LBB2_11-.Ltmp3, $3  }
0xdf: {  	v5 =	vand.u32 $0x7, v5;
	v9 =	vor.u32 v2, v7;
	v10 =	vadd.s32 v3, v7  }
0xe0: {  	v7 =	vor.u32 v5, v9;
	v5 =	vor.u32 v5, v10;
	_ =	sdelay $0x1  }
0xe1: {  	v8 =	vmul.f32 v8, v4  }
0xe2: {  	_ =	sdelay $0x3  }
0xe3: {  	s16 =	sadd.s32 $0x1, s13;
	[tilespmem:v6+s26+$0x0] =	vst.idx.msk $0xffff, v8  }
0xe4: {  	v55 =	vadd.s32 s16, v1;
	v6 =	vld.idx.msk [tilespmem:v7+s31+$0x0], $0xffff  }
0xe5: {  	v56 =	vand.u32 $0x18, v55  }
0xe6: {  	v7 =	vand.u32 $0x7, v55;
	v9 =	vor.u32 v2, v56  }
0xe7: {  	v9 =	vor.u32 v7, v9;
	_ =	sdelay $0x1  }
0xe8: {  	v6 =	vmul.f32 v6, v4;
	_ =	sdelay $0x1  }
0xe9: {  	s24 =	sadd.s32 $0x2, s13;
	[tilespmem:v5+s26+$0x0] =	vst.idx.msk $0xffff, v6  }
0xea: {  	v57 =	vadd.s32 s24, v1;
	v5 =	vld.idx.msk [tilespmem:v9+s31+$0x0], $0xffff  }
0xeb: {  	v58 =	vand.u32 $0x18, v57;
	v8 =	vadd.s32 v3, v56  }
0xec: {  	v59 =	vor.u32 v2, v58;
	v7 =	vor.u32 v7, v8;
	v6 =	vand.u32 $0x7, v57  }
0xed: {  	v8 =	vor.u32 v6, v59;
	_ =	sdelay $0x1  }
0xee: {  	v5 =	vmul.f32 v5, v4;
	_ =	sdelay $0x1  }
0xef: {  	s28 =	sadd.s32 $0x3, s13;
	[tilespmem:v7+s26+$0x0] =	vst.idx.msk $0xffff, v5  }
0xf0: {  	v60 =	vadd.s32 s28, v1;
	v5 =	vld.idx.msk [tilespmem:v8+s31+$0x0], $0xffff  }
0xf1: {  	v62 =	vand.u32 $0x18, v60;
	v61 =	vadd.s32 v3, v58  }
0xf2: {  	v2 =	vor.u32 v2, v62;
	v6 =	vor.u32 v6, v61;
	v7 =	vand.u32 $0x7, v60  }
0xf3: {  	v2 =	vor.u32 v7, v2;
	_ =	sdelay $0x1  }
0xf4: {  	v5 =	vmul.f32 v5, v4;
	_ =	sdelay $0x1  }
0xf5: {  	[tilespmem:v6+s26+$0x0] =	vst.idx.msk $0xffff, v5  }
0xf6: {  	v2 =	vld.idx.msk [tilespmem:v2+s31+$0x0], $0xffff  }
0xf7: {  	v63 =	vadd.s32 v3, v62  }
0xf8: {  	s14 =	sadd.s32 $0x1, s14;
	v5 =	vor.u32 v7, v63  }
0xf9: {  	p1 =	sne.s32 s14, $0x8;
	v3 =	vadd.s32 $0x20, v3  }
.Ltmp4:
0xfa: {  	_ = 	snop;
	(pc) =	sbr.rel @p1 .LBB2_8-.Ltmp4, $3  }
0xfb: {  	v2 =	vmul.f32 v2, v4;
	_ =	sdelay $0x1  }
0xfc: {  	[tilespmem:v5+s26+$0x0] =	vst.idx.msk $0xffff, v2  }
0xfd: {  	[tilespmem:v3+s26+$0x0] =	vst.idx.msk $0xffff, v4  }
0xfe: {  	s13 =	sshll.u32 s18, $0x8  }
0xff: {  	s14 =	sand.u32 $0x3FFFFF00, s13  }
0x100: {  	s1 =	rddreg [dreg:$0x1];
	s24 =	smin.u32 s21, $0x9D;
	s13 =	sadd.s32 $0xC800, s14  }
0x101: {  	[spmem:s1] =	stream.indirect.scatter.add.f32 [tilespmem:s26], [sflag:$0x7], $0x30, s13, s30, $0xb8;
	[tilespmem:$0x1C020] =	vst v63  }
0x102: {  	s13 =	sshll.u32 s24, $0x7  }
0x103: {  	s16 =	sadd.s32 s10, s13  }
0x104: {  	s16 =	sadd.s32 $0x100, s16  }
0x105: {  	s16 =	smin.u32 s16, $0x4E180  }
0x106: {  	s16 =	sshll.u32 s16, $0x5  }
0x107: {  	s16 =	sadd.s32 s17, s16  }
0x108: {  	s16 =	sshrl.u32 s16, $0x3  }
0x109: {  	s16 =	sadd.s32 s6, s16  }
0x10a: {  	[tilespmem:s29], [sflag:$0x1] =	stream.linear.gather [hbm4b:s16+s3], $0x1000, $0x38;
	[tilespmem:$0x1C020] =	vst v63  }
0x10b: {  	s28 =	sadd.s32 $0x7900, s13  }
0x10c: {  	[tilespmem:s31], [sflag:$0x3] =	stream.indirect.gather [hbm4b:s19+s30], $0x20, s28, s30, $0xb8;
	[tilespmem:$0x1C020] =	vst v63  }
0x10d: {  	s13 =	sadd.s32 $0xC900, s13  }
0x10e: {  	[tilespmem:s0], [sflag:$0x5] =	stream.indirect.gather [hbm4b:s20+s30], $0x20, s13, s30, $0xb8;
	[tilespmem:$0x1C020] =	vst v63  }
0x10f: {  	_ =	swait.ge [sflag:s4], $0x1000  }
0x110: {  	[sflag:s4] =	ssyncset.done $0x0  }
0x111: {  	[sflag:s4] =	ssyncadd.s32 $0xFFFFF000  }
0x112: {  	_ =	swait.ge [sflag:s5], $0x1000  }
0x113: {  	[sflag:s5] =	ssyncset.done $0x0  }
0x114: {  	[sflag:s5] =	ssyncadd.s32 $0xFFFFF000  }
0x115: {  	_ =	swait.ge [sflag:s7], $0x1000  }
0x116: {  	[sflag:s7] =	ssyncset.done $0x0  }
0x117: {  	s13 =	simm.s32 @!p0 $0x8;
	[sflag:s7] =	ssyncadd.s32 $0xFFFFF000  }
0x118: {  	_ =	swait.ge @!p0 [sflag:s13], $0x1800  }
0x119: {  	[sflag:s13] =	ssyncset.done @!p0 $0x0  }
0x11a: {  	s16 =	simm.s32 $0x0;
	[sflag:s13] =	ssyncadd.s32 @!p0 $0xFFFFE800;
	s13 =	simm.s32 $0x0  }
.LBB2_14:
0x11b: {  	s24 =	sshll.u32 s13, $0x4;
	s28 =	simm.s32 $0x1  }
0x11c: {  	v4 =	vadd.s32 s16, v1;
	v3 =	vor.u32 s24, v1;
	v7 =	vadd.s32 s28, v1  }
0x11d: {  	v5 =	vand.u32 $0x1F, v4;
	v2 =	vshll.u32 v3, $0x5;
	v19 =	vand.u32 $0x1F, v7  }
0x11e: {  	s1 =	simm.s32 $0x3;
	v4 =	vor.u32 v2, v5  }
0x11f: {  	v6 =	vadd.s32 s1, v1  }
0x120: {  	v6 =	vand.u32 $0x1F, v6  }
0x121: {  	v7 =	vor.u32 v2, v6  }
0x122: {  	s15 =	simm.s32 $0x2;
	v10 =	vor.u32 v2, v19;
	v19 =	vld.idx.msk [tilespmem:v19+s23+$0x0], $0xffff  }
0x123: {  	v8 =	vadd.s32 s15, v1;
	v20 =	vld.idx.msk [tilespmem:v4+s8+$0x0], $0xffff  }
0x124: {  	v8 =	vand.u32 $0x1F, v8;
	v12 =	vld.idx.msk [tilespmem:v4+s11+$0x0], $0xffff  }
0x125: {  	v16 =	vor.u32 v2, v8;
	v17 =	vld.idx.msk [tilespmem:v4+s2+$0x0], $0xffff  }
0x126: {  	v9 =	vld.idx.msk [tilespmem:v7+s11+$0x0], $0xffff  }
0x127: {  	v11 =	vld.idx.msk [tilespmem:v10+s8+$0x0], $0xffff  }
0x128: {  	v22 =	vld.idx.msk [tilespmem:v10+s11+$0x0], $0xffff  }
0x129: {  	v23 =	vld.idx.msk [tilespmem:v10+s2+$0x0], $0xffff  }
0x12a: {  	s28 =	simm.s32 $0x4;
	v13 =	vld.idx.msk [tilespmem:v16+s11+$0x0], $0xffff  }
0x12b: {  	s1 =	simm.s32 $0x5;
	v15 =	vld.idx.msk [tilespmem:v16+s2+$0x0], $0xffff;
	v4 =	vadd.s32 s28, v1  }
0x12c: {  	s15 =	simm.s32 $0x7;
	v24 =	vadd.s32 s1, v1;
	v14 =	vld.idx.msk [tilespmem:v7+s2+$0x0], $0xffff;
	v4 =	vand.u32 $0x1F, v4;
	v21 =	vadd.f32 v17, v12  }
0x12d: {  	v10 =	vimm.f32 $0.0e+00;
	v16 =	vld.idx.msk [tilespmem:v16+s8+$0x0], $0xffff;
	v18 =	vor.u32 v2, v4;
	v12 =	vadd.s32 s15, v1  }
0x12e: {  	s28 =	simm.s32 $0x6;
	v17 =	vld.idx.msk [tilespmem:v5+s23+$0x0], $0xffff;
	v22 =	vadd.f32 v23, v22;
	v12 =	vand.u32 $0x1F, v12;
	v21 =	vadd.f32 v20, v21  }
0x12f: {  	s24 =	simm.s32 $0x8;
	v5 =	vand.u32 $0x1F, v24;
	v23 =	vadd.s32 s28, v1;
	v20 =	vld.idx.msk [tilespmem:v7+s8+$0x0], $0xffff;
	v7 =	vor.u32 v2, v12  }
.LBB2_15:
0x130: {  	p0 =	sne.s32 s24, $0x1C;
	v24 =	vmul.f32 $2.000000030e-01, v21;
	v11 =	vadd.f32 v11, v22;
	v13 =	vadd.f32 v15, v13;
	v15 =	vld.idx.msk [tilespmem:v6+s23+$0x0], $0xffff;
	v6 =	vmovc v12  }
0x131: {  	v12 =	vor.u32 v2, v5;
	v9 =	vadd.f32 v14, v9;
	v22 =	vld.idx.msk [tilespmem:v8+s23+$0x0], $0xffff;
	v8 =	vand.u32 $0x1F, v23  }
0x132: {  	v23 =	vld.idx.msk [tilespmem:v18+s8+$0x0], $0xffff;
	v14 =	vmax.f32 v21, v24;
	v21 =	vmul.f32 $2.000000030e-01, v11;
	v13 =	vadd.f32 v16, v13  }
0x133: {  	v24 =	vor.u32 v2, v8;
	v16 =	vld.idx.msk [tilespmem:v18+s11+$0x0], $0xffff;
	v14 =	vmul.f32 v14, v17  }
0x134: {  	v20 =	vadd.f32 v20, v9;
	v17 =	vld.idx.msk [tilespmem:v18+s2+$0x0], $0xffff;
	v11 =	vmax.f32 v11, v21;
	v18 =	vmul.f32 $2.000000030e-01, v13  }
0x135: {  	v9 =	vld.idx.msk [tilespmem:v7+s11+$0x0], $0xffff;
	v10 =	vadd.f32 v14, v10;
	v14 =	vmul.f32 v11, v19  }
0x136: {  	v11 =	vld.idx.msk [tilespmem:v12+s8+$0x0], $0xffff;
	v13 =	vmax.f32 v13, v18;
	v18 =	vmul.f32 $2.000000030e-01, v20  }
0x137: {  	v19 =	vld.idx.msk [tilespmem:v12+s11+$0x0], $0xffff;
	v10 =	vadd.f32 v14, v10;
	v14 =	vmul.f32 v13, v22  }
0x138: {  	v22 =	vld.idx.msk [tilespmem:v12+s2+$0x0], $0xffff;
	v12 =	vmax.f32 v20, v18  }
0x139: {  	v13 =	vld.idx.msk [tilespmem:v24+s11+$0x0], $0xffff;
	v10 =	vadd.f32 v14, v10;
	v12 =	vmul.f32 v12, v15  }
0x13a: {  	v15 =	vld.idx.msk [tilespmem:v24+s2+$0x0], $0xffff  }
.Ltmp5:
0x13b: {  	v18 =	vadd.s32 s24, v1;
	v14 =	vld.idx.msk [tilespmem:v7+s2+$0x0], $0xffff;
	v10 =	vadd.f32 v12, v10;
	(pc) =	sbr.rel @p0 .LBB2_15-.Ltmp5, $4  }
0x13c: {  	s28 =	sadd.s32 $0x1, s24;
	s15 =	sadd.s32 $0x3, s24;
	v20 =	vadd.f32 v17, v16;
	v12 =	vand.u32 $0x1F, v18;
	v16 =	vld.idx.msk [tilespmem:v24+s8+$0x0], $0xffff  }
0x13d: {  	v21 =	vadd.s32 s15, v1;
	v18 =	vor.u32 v2, v12;
	v24 =	vadd.s32 s28, v1;
	v17 =	vld.idx.msk [tilespmem:v4+s23+$0x0], $0xffff;
	v4 =	vmovc v12  }
0x13e: {  	s15 =	sadd.s32 $0x2, s24;
	v12 =	vand.u32 $0x1F, v21;
	v21 =	vadd.f32 v23, v20;
	v22 =	vadd.f32 v22, v19;
	v20 =	vld.idx.msk [tilespmem:v7+s8+$0x0], $0xffff  }
0x13f: {  	s24 =	sadd.s32 $0x4, s24;
	v23 =	vadd.s32 s15, v1;
	v7 =	vor.u32 v2, v12;
	v19 =	vld.idx.msk [tilespmem:v5+s23+$0x0], $0xffff;
	v5 =	vand.u32 $0x1F, v24  }
0x140: {  	_ =	sdelay $0x3  }
0x141: {  	v6 =	vld.idx.msk [tilespmem:v6+s23+$0x0], $0xffff  }
0x142: {  	v24 =	vor.u32 v2, v5;
	v8 =	vld.idx.msk [tilespmem:v8+s23+$0x0], $0xffff  }
0x143: {  	v25 =	vld.idx.msk [tilespmem:v18+s8+$0x0], $0xffff  }
0x144: {  	v23 =	vand.u32 $0x1F, v23;
	v26 =	vld.idx.msk [tilespmem:v18+s11+$0x0], $0xffff  }
0x145: {  	v49 =	vld.idx.msk [tilespmem:v18+s2+$0x0], $0xffff;
	v27 =	vor.u32 v2, v23  }
0x146: {  	v28 =	vld.idx.msk [tilespmem:v7+s11+$0x0], $0xffff  }
0x147: {  	v29 =	vld.idx.msk [tilespmem:v24+s8+$0x0], $0xffff  }
0x148: {  	v11 =	vadd.f32 v11, v22;
	v50 =	vmul.f32 $2.000000030e-01, v21;
	v13 =	vadd.f32 v15, v13;
	v51 =	vld.idx.msk [tilespmem:v24+s11+$0x0], $0xffff  }
0x149: {  	v9 =	vadd.f32 v14, v9;
	v52 =	vld.idx.msk [tilespmem:v24+s2+$0x0], $0xffff  }
0x14a: {  	v21 =	vmax.f32 v21, v50;
	v53 =	vmul.f32 $2.000000030e-01, v11;
	v13 =	vadd.f32 v16, v13;
	v54 =	vld.idx.msk [tilespmem:v27+s11+$0x0], $0xffff  }
0x14b: {  	v17 =	vmul.f32 v21, v17;
	v9 =	vadd.f32 v20, v9;
	v55 =	vld.idx.msk [tilespmem:v27+s2+$0x0], $0xffff  }
0x14c: {  	v57 =	vld.idx.msk [tilespmem:v7+s2+$0x0], $0xffff;
	v11 =	vmax.f32 v11, v53;
	v56 =	vmul.f32 $2.000000030e-01, v13;
	v18 =	vadd.f32 v49, v26  }
0x14d: {  	v10 =	vadd.f32 v17, v10;
	v11 =	vmul.f32 v11, v19;
	v58 =	vmul.f32 $2.000000030e-01, v9;
	v59 =	vld.idx.msk [tilespmem:v27+s8+$0x0], $0xffff  }
0x14e: {  	v4 =	vld.idx.msk [tilespmem:v4+s23+$0x0], $0xffff;
	v13 =	vmax.f32 v13, v56;
	v18 =	vadd.f32 v25, v18;
	v14 =	vadd.f32 v52, v51  }
0x14f: {  	v7 =	vld.idx.msk [tilespmem:v7+s8+$0x0], $0xffff;
	v10 =	vadd.f32 v11, v10;
	v8 =	vmul.f32 v13, v8;
	v9 =	vmax.f32 v9, v58  }
0x150: {  	v5 =	vld.idx.msk [tilespmem:v5+s23+$0x0], $0xffff;
	v11 =	vmul.f32 $2.000000030e-01, v18;
	v61 =	vadd.f32 v55, v54;
	v60 =	vadd.f32 v29, v14  }
0x151: {  	v6 =	vmul.f32 v9, v6;
	v9 =	vadd.f32 v57, v28;
	v8 =	vadd.f32 v8, v10  }
0x152: {  	v10 =	vld.idx.msk [tilespmem:v23+s23+$0x0], $0xffff;
	v11 =	vmax.f32 v18, v11;
	v14 =	vadd.f32 v59, v61;
	v62 =	vmul.f32 $2.000000030e-01, v60  }
0x153: {  	v6 =	vadd.f32 v6, v8;
	v4 =	vmul.f32 v11, v4  }
0x154: {  	v7 =	vadd.f32 v7, v9;
	v8 =	vld.idx.msk [tilespmem:v12+s23+$0x0], $0xffff;
	v63 =	vmul.f32 $2.000000030e-01, v14;
	v11 =	vmax.f32 v60, v62  }
0x155: {  	v4 =	vadd.f32 v4, v6;
	v5 =	vmul.f32 v11, v5  }
0x156: {  	v9 =	vmul.f32 $2.000000030e-01, v7;
	v6 =	vmax.f32 v14, v63  }
0x157: {  	v4 =	vadd.f32 v5, v4;
	v5 =	vmul.f32 v6, v10  }
0x158: {  	v6 =	vmax.f32 v7, v9  }
0x159: {  	v4 =	vadd.f32 v5, v4;
	v5 =	vmul.f32 v6, v8;
	_ =	sdelay $0x1  }
0x15a: {  	s15 =	simm.s32 $0x0;
	v4 =	vadd.f32 v5, v4  }
0x15b: {  	v5 =	vadd.s32 s15, v1  }
0x15c: {  	v6 =	vand.u32 $0x18, v5;
	v4 =	vmul.f32 $1.442695020e+00, v4  }
0x15d: {  	v5 =	vand.u32 $0x7, v5;
	v7 =	vor.u32 v2, v6  }
0x15e: {  	(erf) = vpow2.f32 v4;
	v4 =	vor.u32 v5, v7;
	_ =	sdelay $0x3  }
0x15f: {  	v3 =	vmul.u32 $0x30, v3;
	s24 =	simm.s32 $0x1  }
0x160: {  	v7 =	vld.idx.msk [tilespmem:v4+s11+$0x0], $0xffff;
	v4 =	vadd.s32 s24, v1  }
0x161: {  	v6 =	vadd.s32 v3, v6;
	v8 =	vand.u32 $0x18, v4  }
0x162: {  	v5 =	vor.u32 v5, v6;
	v6 =	vand.u32 $0x7, v4;
	v4 =	vor.u32 v2, v8;
	_ =	sdelay $0x1  }
0x163: {  	v9 =	vor.u32 v6, v4  }
0x164: {  	v4 =	vpop (erf)  }
0x165: {  	v7 =	vmul.f32 v7, v4;
	_ =	sdelay $0x1  }
0x166: {  	s1 =	simm.s32 $0x2;
	[tilespmem:v5+s12+$0x0] =	vst.idx.msk $0xffff, v7  }
0x167: {  	v7 =	vadd.s32 s1, v1;
	v5 =	vld.idx.msk [tilespmem:v9+s11+$0x0], $0xffff  }
0x168: {  	v8 =	vadd.s32 v3, v8;
	v9 =	vand.u32 $0x18, v7  }
0x169: {  	v6 =	vor.u32 v6, v8;
	v7 =	vand.u32 $0x7, v7;
	v8 =	vor.u32 v2, v9  }
0x16a: {  	v8 =	vor.u32 v7, v8;
	_ =	sdelay $0x1  }
0x16b: {  	v5 =	vmul.f32 v5, v4;
	_ =	sdelay $0x1  }
0x16c: {  	s24 =	simm.s32 $0x3;
	[tilespmem:v6+s12+$0x0] =	vst.idx.msk $0xffff, v5  }
0x16d: {  	v6 =	vadd.s32 s24, v1;
	v5 =	vld.idx.msk [tilespmem:v8+s11+$0x0], $0xffff  }
0x16e: {  	v8 =	vadd.s32 v3, v9;
	v9 =	vand.u32 $0x18, v6  }
0x16f: {  	v6 =	vand.u32 $0x7, v6;
	v7 =	vor.u32 v7, v8;
	v8 =	vor.u32 v2, v9  }
0x170: {  	v8 =	vor.u32 v6, v8;
	_ =	sdelay $0x1  }
0x171: {  	v5 =	vmul.f32 v5, v4;
	_ =	sdelay $0x1  }
0x172: {  	s28 =	simm.s32 $0x4;
	[tilespmem:v7+s12+$0x0] =	vst.idx.msk $0xffff, v5  }
0x173: {  	v5 =	vadd.s32 v3, v9;
	v7 =	vadd.s32 s28, v1;
	v8 =	vld.idx.msk [tilespmem:v8+s11+$0x0], $0xffff  }
0x174: {  	v6 =	vor.u32 v6, v5;
	v5 =	vand.u32 $0x18, v7  }
0x175: {  	v9 =	vand.u32 $0x7, v7;
	v7 =	vor.u32 v2, v5  }
0x176: {  	v7 =	vor.u32 v9, v7  }
0x177: {  	v5 =	vadd.s32 v3, v5  }
0x178: {  	s24 =	simm.s32 $0x8;
	v5 =	vor.u32 v9, v5;
	v8 =	vmul.f32 v8, v4  }
.LBB2_17:
0x179: {  	_ = 	snop  }
0x17a: {  	p0 =	sne.s32 s24, $0x1C;
	s15 =	smov.u32 s24;
	s24 =	sadd.s32 $0x4, s24;
	[tilespmem:v6+s12+$0x0] =	vst.idx.msk $0xffff, v8  }
0x17b: {  	s1 =	sadd.s32 $0x1, s28;
	v6 =	vld.idx.msk [tilespmem:v7+s11+$0x0], $0xffff  }
0x17c: {  	v7 =	vadd.s32 s1, v1  }
0x17d: {  	v8 =	vand.u32 $0x18, v7  }
0x17e: {  	v7 =	vand.u32 $0x7, v7;
	v9 =	vor.u32 v2, v8;
	v8 =	vadd.s32 v3, v8  }
0x17f: {  	v9 =	vor.u32 v7, v9;
	v7 =	vor.u32 v7, v8;
	_ =	sdelay $0x1  }
0x180: {  	v6 =	vmul.f32 v6, v4;
	_ =	sdelay $0x1  }
0x181: {  	[tilespmem:v5+s12+$0x0] =	vst.idx.msk $0xffff, v6  }
0x182: {  	s1 =	sadd.s32 $0x2, s28;
	v5 =	vld.idx.msk [tilespmem:v9+s11+$0x0], $0xffff  }
0x183: {  	v6 =	vadd.s32 s1, v1  }
0x184: {  	v8 =	vand.u32 $0x18, v6  }
0x185: {  	v6 =	vand.u32 $0x7, v6;
	v9 =	vor.u32 v2, v8;
	v8 =	vadd.s32 v3, v8  }
0x186: {  	v9 =	vor.u32 v6, v9;
	v8 =	vor.u32 v6, v8;
	_ =	sdelay $0x1  }
0x187: {  	v5 =	vmul.f32 v5, v4;
	_ =	sdelay $0x1  }
0x188: {  	[tilespmem:v7+s12+$0x0] =	vst.idx.msk $0xffff, v5  }
0x189: {  	s1 =	sadd.s32 $0x3, s28;
	s28 =	smov.u32 s15;
	v5 =	vld.idx.msk [tilespmem:v9+s11+$0x0], $0xffff  }
0x18a: {  	v6 =	vadd.s32 s1, v1  }
0x18b: {  	v7 =	vand.u32 $0x18, v6  }
0x18c: {  	v6 =	vand.u32 $0x7, v6;
	v9 =	vor.u32 v2, v7;
	v7 =	vadd.s32 v3, v7  }
0x18d: {  	v9 =	vor.u32 v6, v9;
	v6 =	vor.u32 v6, v7;
	_ =	sdelay $0x1  }
0x18e: {  	v5 =	vmul.f32 v5, v4;
	_ =	sdelay $0x1  }
0x18f: {  	[tilespmem:v8+s12+$0x0] =	vst.idx.msk $0xffff, v5  }
0x190: {  	v8 =	vld.idx.msk [tilespmem:v9+s11+$0x0], $0xffff  }
0x191: {  	v5 =	vadd.s32 s28, v1  }
.Ltmp6:
0x192: {  	v7 =	vand.u32 $0x18, v5;
	(pc) =	sbr.rel @p0 .LBB2_17-.Ltmp6, $3  }
0x193: {  	v5 =	vand.u32 $0x7, v5;
	v9 =	vor.u32 v2, v7;
	v10 =	vadd.s32 v3, v7  }
0x194: {  	v7 =	vor.u32 v5, v9;
	v5 =	vor.u32 v5, v10;
	_ =	sdelay $0x1  }
0x195: {  	v8 =	vmul.f32 v8, v4  }
0x196: {  	_ =	sdelay $0x3  }
0x197: {  	s1 =	sadd.s32 $0x1, s28;
	[tilespmem:v6+s12+$0x0] =	vst.idx.msk $0xffff, v8  }
0x198: {  	v55 =	vadd.s32 s1, v1;
	v6 =	vld.idx.msk [tilespmem:v7+s11+$0x0], $0xffff  }
0x199: {  	v56 =	vand.u32 $0x18, v55  }
0x19a: {  	v7 =	vand.u32 $0x7, v55;
	v9 =	vor.u32 v2, v56  }
0x19b: {  	v9 =	vor.u32 v7, v9;
	_ =	sdelay $0x1  }
0x19c: {  	v6 =	vmul.f32 v6, v4;
	_ =	sdelay $0x1  }
0x19d: {  	s24 =	sadd.s32 $0x2, s28;
	[tilespmem:v5+s12+$0x0] =	vst.idx.msk $0xffff, v6  }
0x19e: {  	v57 =	vadd.s32 s24, v1;
	v5 =	vld.idx.msk [tilespmem:v9+s11+$0x0], $0xffff  }
0x19f: {  	v58 =	vand.u32 $0x18, v57;
	v8 =	vadd.s32 v3, v56  }
0x1a0: {  	v59 =	vor.u32 v2, v58;
	v7 =	vor.u32 v7, v8;
	v6 =	vand.u32 $0x7, v57  }
0x1a1: {  	v8 =	vor.u32 v6, v59;
	_ =	sdelay $0x1  }
0x1a2: {  	v5 =	vmul.f32 v5, v4;
	_ =	sdelay $0x1  }
0x1a3: {  	s28 =	sadd.s32 $0x3, s28;
	[tilespmem:v7+s12+$0x0] =	vst.idx.msk $0xffff, v5  }
0x1a4: {  	v60 =	vadd.s32 s28, v1;
	v5 =	vld.idx.msk [tilespmem:v8+s11+$0x0], $0xffff  }
0x1a5: {  	v62 =	vand.u32 $0x18, v60;
	v61 =	vadd.s32 v3, v58  }
0x1a6: {  	v2 =	vor.u32 v2, v62;
	v6 =	vor.u32 v6, v61;
	v7 =	vand.u32 $0x7, v60  }
0x1a7: {  	v2 =	vor.u32 v7, v2;
	_ =	sdelay $0x1  }
0x1a8: {  	v5 =	vmul.f32 v5, v4;
	_ =	sdelay $0x1  }
0x1a9: {  	[tilespmem:v6+s12+$0x0] =	vst.idx.msk $0xffff, v5  }
0x1aa: {  	v2 =	vld.idx.msk [tilespmem:v2+s11+$0x0], $0xffff  }
0x1ab: {  	v63 =	vadd.s32 v3, v62  }
0x1ac: {  	s13 =	sadd.s32 $0x1, s13;
	v5 =	vor.u32 v7, v63  }
0x1ad: {  	p0 =	sne.s32 s13, $0x8;
	v3 =	vadd.s32 $0x20, v3  }
.Ltmp7:
0x1ae: {  	_ = 	snop;
	(pc) =	sbr.rel @p0 .LBB2_14-.Ltmp7, $3  }
0x1af: {  	v2 =	vmul.f32 v2, v4;
	_ =	sdelay $0x1  }
0x1b0: {  	[tilespmem:v5+s12+$0x0] =	vst.idx.msk $0xffff, v2  }
0x1b1: {  	[tilespmem:v3+s12+$0x0] =	vst.idx.msk $0xffff, v4  }
0x1b2: {  	s1 =	sadd.s32 $0xC880, s14;
	s13 =	rddreg [dreg:$0x1];
	s21 =	smin.u32 s21, $0x9C  }
0x1b3: {  	[spmem:s13] =	stream.indirect.scatter.add.f32 [tilespmem:s12], [sflag:$0x8], $0x30, s1, s30, $0xb8;
	[tilespmem:$0x1C020] =	vst v63  }
0x1b4: {  	s1 =	sshll.u32 s21, $0x7  }
0x1b5: {  	s24 =	sadd.s32 s10, s1  }
0x1b6: {  	s13 =	sadd.s32 $0x180, s24  }
0x1b7: {  	s13 =	smin.u32 s13, $0x4E180  }
0x1b8: {  	s13 =	sshll.u32 s13, $0x5  }
0x1b9: {  	s13 =	sadd.s32 s17, s13  }
0x1ba: {  	s18 =	sadd.s32 $0x1, s18;
	s13 =	sshrl.u32 s13, $0x3  }
0x1bb: {  	p0 =	sne.s32 s18, $0x50;
	s13 =	sadd.s32 s6, s13  }
0x1bc: {  	[tilespmem:s8], [sflag:$0x2] =	stream.linear.gather [hbm4b:s13+s3], $0x1000, $0x38;
	[tilespmem:$0x1C020] =	vst v63  }
.Ltmp8:
0x1bd: {  	_ = 	snop;
	(pc) =	sbr.rel @p0 .LBB2_7-.Ltmp8, $4  }
0x1be: {  	s28 =	sadd.s32 $0x7980, s1  }
0x1bf: {  	[tilespmem:s11], [sflag:$0x4] =	stream.indirect.gather [hbm4b:s19+s30], $0x20, s28, s30, $0xb8;
	[tilespmem:$0x1C020] =	vst v63  }
0x1c0: {  	s1 =	sadd.s32 $0xC980, s1  }
0x1c1: {  	[tilespmem:s2], [sflag:$0x6] =	stream.indirect.gather [hbm4b:s20+s30], $0x20, s1, s30, $0xb8;
	[tilespmem:$0x1C020] =	vst v63  }
0x1c2: {  	s1 =	simm.s32 $0x7  }
0x1c3: {  	_ =	swait.ge [sflag:s1], $0x1800  }
0x1c4: {  	[sflag:s1] =	ssyncset.done $0x0  }
0x1c5: {  	[sflag:s1] =	ssyncadd.s32 $0xFFFFE800  }
0x1c6: {  	_ =	swait.ge [sflag:s9], $0x1000  }
0x1c7: {  	[sflag:s9] =	ssyncset.done $0x0  }
0x1c8: {  	[sflag:s9] =	ssyncadd.s32 $0xFFFFF000  }
0x1c9: {  	_ =	swait.ge [sflag:s22], $0x1000  }
0x1ca: {  	[sflag:s22] =	ssyncset.done $0x0  }
0x1cb: {  	[sflag:s22] =	ssyncadd.s32 $0xFFFFF000  }
0x1cc: {  	_ =	swait.ge [sflag:s25], $0x1000  }
0x1cd: {  	[sflag:s25] =	ssyncset.done $0x0  }
0x1ce: {  	s20 =	simm.s32 $0x8;
	[sflag:s25] =	ssyncadd.s32 $0xFFFFF000  }
0x1cf: {  	_ =	swait.ge [sflag:s20], $0x1800  }
0x1d0: {  	[sflag:s20] =	ssyncset.done $0x0  }
0x1d1: {  	[sflag:s20] =	ssyncadd.s32 $0xFFFFE800  }
0x1d2: {  	_ =	swait.ge [sflag:s4], $0x1000  }
0x1d3: {  	[sflag:s4] =	ssyncset.done $0x0  }
0x1d4: {  	[sflag:s4] =	ssyncadd.s32 $0xFFFFF000  }
0x1d5: {  	_ =	swait.ge [sflag:s5], $0x1000  }
0x1d6: {  	[sflag:s5] =	ssyncset.done $0x0  }
0x1d7: {  	[sflag:s5] =	ssyncadd.s32 $0xFFFFF000  }
0x1d8: {  	s24 =	stileid.u32;
	_ =	swait.ge [sflag:s7], $0x1000  }
0x1d9: {  	s18 =	simm.s32 $0x9;
	s15 =	rddreg [dreg:$0x15];
	[sflag:s7] =	ssyncset.done $0x0  }
0x1da: {  	s21 =	smul.u32 $0x78000, s15;
	[sflag:s7] =	ssyncadd.s32 $0xFFFFF000;
	s15 =	sadd.s32 $0x1, s15  }
0x1db: {  	s13 =	rddreg [dreg:$0x12];
	[bflag:$0x0] =	sbarrier.arrive $0xFFFF;
	p0 =	sne.s32 s15, $0x8  }
0x1dc: {  	s1 =	sadd.s32 s21, s13;
	s13 =	sshll.u32 s24, $0x6;
	s14 =	rddreg [dreg:$0x5]  }
0x1dd: {  	s17 =	rddreg [dreg:$0xa];
	s1 =	sshrl.u32 s1, $0x3;
	s13 =	sor.u32 $0x1C09, s13  }
.Ltmp9:
0x1de: {  	s28 =	sshrl.u32 s17, $0x3;
	s1 =	sadd.s32 s14, s1;
	(pc) =	sbr.rel @p0 .LBB2_6-.Ltmp9, $4  }
0x1df: {  	[hbm:s1], [sflag:s13] =	dma.local [spmem:s28], $0xF00  }
0x1e0: {  	_ =	swait.ge [sflag:s18], $0xF00  }
0x1e1: {  	[sflag:s18] =	ssyncset.done $0x0  }
0x1e2: {  	[sflag:s18] =	ssyncadd.s32 $0xFFFFF100  }
0x1e3: {  	s3 =	rddreg [dreg:$0x14]  }
0x1e4: {  	s1 =	rddreg [dreg:$0x13];
	s3 =	sadd.s32 $0x1, s3  }
0x1e5: {  	p0 =	sne.s32 s3, s1  }
.Ltmp10:
0x1e6: {  	_ = 	snop;
	(pc) =	sbr.rel @p0 .LBB2_1-.Ltmp10, $1  }
0x1e7: {  	_ =	sdelay $0x3  }
0x1e8: {  	_ =	sfence.sel $0x180000  }
0x1e9: {  	[bflag:$0x0] =	sbarrier.arrive $0xFFFF  }
0x1ea: {  	_ =	strace $0x90000047  }
0x1eb: {  	s0 =	stileid.u32;
	[bflag:$0x2] =	sbarrier.arrive $0xFFFF  }
0x1ec: {  	p0 =	sne.s32 s0, $0x0;
	s0 =	rddreg [dreg:$0x2]  }
0x1ed: {  	s0 =	sadd.s32 @!p0 $0x100000, s0  }
0x1ee: {  	[sflag:s0] =	ssyncadd.tile.s32 @!p0 $0x1;
	_ =	shalt  }
.Lfunc_end2:
_tile_overlayer_lowered:
.L_overlay_start_2:
0x1ef: {  	(tag) =	ssettag $0x2  }
0x1f0: {  	s0 =	rddreg [dreg:$0x0];
	s2 =	stileid.u32  }
0x1f1: {  	s1 =	rddreg [dreg:$0x1];
	p0 =	sne.s32 s2, $0x0  }
0x1f2: {  	s3 =	rddreg [dreg:$0x2];
	[bflag:$0x3] =	sbarrier.arrive $0xFFFF;
	s2 =	simm.s32 @!p0 $0x1C09  }
0x1f3: {  	[timem:s3], [sflag:s2] =	dma.local @!p0 [hbm:s0], s1  }
0x1f4: {  	s0 =	simm.s32 @!p0 $0x9  }
0x1f5: {  	_ =	swait.ge @!p0 [sflag:s0], s1  }
0x1f6: {  	s1 =	ssub.s32 @!p0 $0x0, s1;
	[sflag:s0] =	ssyncset.done @!p0 $0x0  }
0x1f7: {  	[sflag:s0] =	ssyncadd.s32 @!p0 s1  }
0x1f8: {  	[bflag:$0x3] =	sbarrier.arrive $0xFFFF  }
0x1f9: {  	_ =	shalt  }

</sc_bundles>
